<compile_context>
chip_gen: v7x
topology: tpu7x:2x2x1
jax: 0.10.2.dev20260603
libtpu: 0.0.44.dev20260713+nightly
codegen_flags: <defaults>
</compile_context>

<pallas_src>
import functools

import jax
import jax.numpy as jnp
from jax import lax
from jax.experimental import pallas as pl
from jax.experimental.pallas import tpu as pltpu
from jax.experimental.pallas import tpu_sc as plsc

_LANES = 2500
_N_SC = 320000
_SC_WORKERS = 32
_SC_CHUNK = 400
_C = 100
_N_BINS = 15


def _tc_body(logits_ref, labels_ref, lb_ref, ub_ref, out_ref, acc_ref, *,
             n_bins):
    i = pl.program_id(0)
    nsteps = pl.num_programs(0)

    @pl.when(i == 0)
    def _init():
        acc_ref[...] = jnp.zeros_like(acc_ref)

    x = logits_ref[...]
    labels = labels_ref[0]
    g_rows = _LANES

    c = x.shape[1]
    ones_row = jnp.ones((1, c), dtype=jnp.float32)
    iota_row = lax.broadcasted_iota(jnp.int32, (1, c), 1).astype(jnp.float32)

    confs, sidxs = [], []
    for g in range(8):
        xt = x[g * g_rows:(g + 1) * g_rows, :].T
        m = jnp.max(xt, axis=0, keepdims=True)
        e = jnp.exp(xt)
        s = jnp.dot(ones_row, e, preferred_element_type=jnp.float32)
        eqf = (xt == m).astype(jnp.float32)
        sidxs.append(jnp.dot(iota_row, eqf,
                             preferred_element_type=jnp.float32))
        confs.append(jnp.exp(m) / s)

    conf = jnp.concatenate(confs, axis=0)
    sidx = jnp.concatenate(sidxs, axis=0)
    hit = (sidx == labels.astype(jnp.float32)).astype(jnp.float32)

    for b in range(n_bins):
        lo = lb_ref[b]
        up = ub_ref[b]
        mf = ((conf > lo) & (conf <= up)).astype(jnp.float32)
        acc_ref[3 * b + 0] += mf
        acc_ref[3 * b + 1] += mf * hit
        acc_ref[3 * b + 2] += mf * conf

    @pl.when(i == nsteps - 1)
    def _finish():
        for b in range(n_bins):
            out_ref[0, b] = jnp.sum(acc_ref[3 * b + 0])
            out_ref[1, b] = jnp.sum(acc_ref[3 * b + 1])
            out_ref[2, b] = jnp.sum(acc_ref[3 * b + 2])


def _tc_partials(logits, labels3d, lb, ub, n_tc):
    nblocks = n_tc // (8 * _LANES)
    body = functools.partial(_tc_body, n_bins=_N_BINS)
    return pl.pallas_call(
        body,
        grid=(nblocks,),
        in_specs=[
            pl.BlockSpec((8 * _LANES, _C), lambda i: (i, 0)),
            pl.BlockSpec((1, 8, _LANES), lambda i: (i, 0, 0)),
            pl.BlockSpec(memory_space=pltpu.SMEM),
            pl.BlockSpec(memory_space=pltpu.SMEM),
        ],
        out_specs=pl.BlockSpec(memory_space=pltpu.SMEM),
        out_shape=jax.ShapeDtypeStruct((3, 16), jnp.float32),
        scratch_shapes=[pltpu.VMEM((3 * _N_BINS, 8, _LANES), jnp.float32)],
    )(logits, labels3d, lb, ub)


def _sc_body(logits_hbm, labels_hbm, out_hbm, buf, labv, histn, histc, *,
             row0):
    wid = lax.axis_index("s") * 2 + lax.axis_index("c")
    rows_w = _N_SC // _SC_WORKERS
    n_chunks = rows_w // _SC_CHUNK
    n_groups = _SC_CHUNK // 16
    base_row = row0 + wid * rows_w

    iota16 = lax.broadcasted_iota(jnp.int32, (16,), 0)
    zeros16 = jnp.zeros((16,), jnp.float32)
    ones16 = jnp.ones((16,), jnp.float32)

    for b in range(2 * _N_BINS + 2):
        histn[pl.ds(16 * b, 16)] = zeros16
        histc[pl.ds(16 * b, 16)] = zeros16

    def group_body(g, carry):
        base = (g * 16 + iota16) * _C
        m = jnp.full((16,), -3.0e38, jnp.float32)
        idx = base
        for c in range(_C):
            v = plsc.load_gather(buf, [idx])
            m = jnp.maximum(m, v)
            idx = idx + 1
        s = zeros16
        sid = zeros16
        idx = base
        for c in range(_C):
            v = plsc.load_gather(buf, [idx])
            s = s + jnp.exp(v)
            sid = sid + jnp.where(v == m, jnp.float32(c), 0.0)
            idx = idx + 1
        conf = jnp.exp(m) / s
        lab = labv[pl.ds(g * 16, 16)].astype(jnp.float32)
        hit = sid == lab
        t = conf * jnp.float32(_N_BINS)
        tr = t.astype(jnp.int32)
        up = jnp.where(tr.astype(jnp.float32) < t, 1, 0)
        binv = jnp.minimum(jnp.maximum(tr + up - 1, 0), _N_BINS - 1)
        bin30 = binv + jnp.where(hit, _N_BINS, 0)
        hidx = bin30 * 16 + iota16
        plsc.addupdate_scatter(histn, [hidx], ones16)
        plsc.addupdate_scatter(histc, [hidx], conf)
        return carry

    def chunk_body(ch, carry):
        r0 = base_row + ch * _SC_CHUNK
        pltpu.sync_copy(logits_hbm.at[pl.ds(r0 * _C, _SC_CHUNK * _C)], buf)
        pltpu.sync_copy(labels_hbm.at[pl.ds(r0, _SC_CHUNK)], labv)
        return lax.fori_loop(0, n_groups, group_body, carry)

    lax.fori_loop(0, n_chunks, chunk_body, 0)

    pltpu.sync_copy(histn, out_hbm.at[pl.ds(wid * 1024, 512)])
    pltpu.sync_copy(histc, out_hbm.at[pl.ds(wid * 1024 + 512, 512)])


def _sc_partials(logits_flat, labels, row0):
    mesh = plsc.VectorSubcoreMesh(core_axis_name="c", subcore_axis_name="s")
    body = functools.partial(_sc_body, row0=row0)
    fn = pl.kernel(
        body,
        mesh=mesh,
        compiler_params=pltpu.CompilerParams(needs_layout_passes=False, skip_device_barrier=True),
        out_type=jax.ShapeDtypeStruct((_SC_WORKERS * 1024,), jnp.float32),
        scratch_types=[
            pltpu.VMEM((_SC_CHUNK * _C,), jnp.float32),
            pltpu.VMEM((_SC_CHUNK,), jnp.int32),
            pltpu.VMEM((512,), jnp.float32),
            pltpu.VMEM((512,), jnp.float32),
        ],
    )
    return fn(logits_flat, labels)


def kernel(logits, labels, bin_lower_bounds, bin_upper_bounds):
    n, c = logits.shape
    n_tc = n - _N_SC
    nblocks = n_tc // (8 * _LANES)
    labels3d = labels[:n_tc].reshape(nblocks, 8, _LANES)

    sc = _sc_partials(logits.reshape(-1), labels, n_tc)
    tc = _tc_partials(logits, labels3d, bin_lower_bounds,
                      bin_upper_bounds, n_tc)

    sc = sc.reshape(_SC_WORKERS, 2, 32, 16).sum(axis=(0, 3))
    cnt30, conf30 = sc[0], sc[1]
    b = _N_BINS
    sc_cnt = cnt30[:b] + cnt30[b:2 * b]
    sc_hit = cnt30[b:2 * b]
    sc_conf = conf30[:b] + conf30[b:2 * b]

    cnt = tc[0, :b] + sc_cnt
    hits = tc[1, :b] + sc_hit
    confs = tc[2, :b] + sc_conf

    safe = jnp.maximum(cnt, 1.0)
    contrib = jnp.where(cnt > 0,
                        jnp.abs(confs / safe - hits / safe) * (cnt / n),
                        0.0)
    return jnp.sum(contrib).reshape(1)

# --- scband reference (transcript-rebuilt; emitter-appended) ---
"""Pipeline reference for scband-expected-calibration-error-52991306498503 (READ-ONLY COPY).

The authoritative reference and input builder live on the scoring server;
editing this copy changes nothing except your own understanding.
"""

import jax, jax.numpy as jnp
import numpy as np

N = 1000000
C = 100
N_BINS = 15


def setup_inputs(seed: int = 0) -> dict:
    key = jax.random.key(seed)
    k1, k2 = jax.random.split(key)
    logits = jax.random.normal(k1, (N, C), dtype=jnp.float32)
    labels = jax.random.randint(k2, (N,), 0, C, dtype=jnp.int32)
    bin_boundaries = jnp.linspace(0.0, 1.0, N_BINS + 1, dtype=jnp.float32)
    return {
        "logits": logits,
        "labels": labels,
        "bin_lower_bounds": bin_boundaries[:-1],
        "bin_upper_bounds": bin_boundaries[1:],
    }


def reference(logits, labels, bin_lower_bounds, bin_upper_bounds):
    # softmax over classes
    softmax_probs = jax.nn.softmax(logits, axis=1)
    # max prob and argmax (confidences, predictions)
    confidences = jnp.max(softmax_probs, axis=1)
    predictions = jnp.argmax(softmax_probs, axis=1)
    accuracies = (predictions == labels).astype(jnp.float32)
    n = confidences.shape[0]
    ece = jnp.zeros((1,), dtype=jnp.float32)
    n_bins = bin_lower_bounds.shape[0]
    for i in range(n_bins):
        lower = bin_lower_bounds[i]
        upper = bin_upper_bounds[i]
        in_bin = ((confidences > lower) & (confidences <= upper)).astype(jnp.float32)
        count = jnp.sum(in_bin)
        prop_in_bin = count / n
        safe_count = jnp.maximum(count, 1.0)
        accuracy_in_bin = jnp.sum(accuracies * in_bin) / safe_count
        avg_confidence_in_bin = jnp.sum(confidences * in_bin) / safe_count
        contrib = jnp.where(count > 0,
                            jnp.abs(avg_confidence_in_bin - accuracy_in_bin) * prop_in_bin,
                            0.0)
        ece = ece + contrib
    return ece

if __name__ == "__main__":
    import jax
    _d = setup_inputs()
    print(jax.jit(kernel)(*tuple(_d.values())))

</pallas_src>

<mosaic_0001>
#map = affine_map<(d0, d1) -> (0)>
module attributes {stable_mosaic.version = 14 : i64} {
  func.func @_sc_body(%arg0: i32, %arg1: i32, %arg2: memref<100000000xf32, #tpu.memory_space<hbm>>, %arg3: memref<1000000xi32, #tpu.memory_space<hbm>>, %arg4: memref<32768xf32, #tpu.memory_space<hbm>>, %arg5: memref<40000xf32, #tpu.memory_space<vmem>>, %arg6: memref<400xi32, #tpu.memory_space<vmem>>, %arg7: memref<512xf32, #tpu.memory_space<vmem>>, %arg8: memref<512xf32, #tpu.memory_space<vmem>>) attributes {dimension_semantics = [#tpu.dimension_semantics<core_parallel>, #tpu.dimension_semantics<subcore_parallel>], iteration_bounds = array<i64: 2, 16>, scalar_prefetch = 0 : i64, scratch_operands = 4 : i64, tpu.core_type = #tpu.core_type<sc_vector_subcore>, window_params = [{transform_indices = #map}, {transform_indices = #map}, {transform_indices = #map}]} {
    %mul3A = arith.constant 2 : i32
    %mul3A_0 = arith.muli %arg1, %mul3A : i32
    %add3A = arith.addi %mul3A_0, %arg0 : i32
    %mul3A_1 = arith.constant 10000 : i32
    %mul3A_2 = arith.muli %add3A, %mul3A_1 : i32
    %add3A_3 = arith.constant 680000 : i32
    %add3A_4 = arith.addi %add3A_3, %mul3A_2 : i32
    %iota3A = tpu.iota {dimensions = array<i32: 0>} : vector<16xi32>
    %broadcast_in_dim3A = arith.constant 0.000000e+00 : f32
    %broadcast_in_dim3A_5 = vector.broadcast %broadcast_in_dim3A : f32 to vector<16xf32>
    %broadcast_in_dim3A_6 = arith.constant 1.000000e+00 : f32
    %broadcast_in_dim3A_7 = vector.broadcast %broadcast_in_dim3A_6 : f32 to vector<16xf32>
    %swap3A = arith.constant 0 : index
    %swap3A_8 = tpu.vector_load %arg7[%swap3A] {strides = array<i32>} : memref<512xf32, #tpu.memory_space<vmem>>, vector<16xf32>,
    tpu.vector_store %arg7[%swap3A], %broadcast_in_dim3A_5 {strides = array<i32>} : memref<512xf32, #tpu.memory_space<vmem>>, vector<16xf32>,
    %swap3A_9 = arith.constant 0 : index
    %swap3A_10 = tpu.vector_load %arg8[%swap3A_9] {strides = array<i32>} : memref<512xf32, #tpu.memory_space<vmem>>, vector<16xf32>,
    tpu.vector_store %arg8[%swap3A_9], %broadcast_in_dim3A_5 {strides = array<i32>} : memref<512xf32, #tpu.memory_space<vmem>>, vector<16xf32>,
    %swap3A_11 = arith.constant 16 : index
    %swap3A_12 = tpu.vector_load %arg7[%swap3A_11] {strides = array<i32>} : memref<512xf32, #tpu.memory_space<vmem>>, vector<16xf32>,
    tpu.vector_store %arg7[%swap3A_11], %broadcast_in_dim3A_5 {strides = array<i32>} : memref<512xf32, #tpu.memory_space<vmem>>, vector<16xf32>,
    %swap3A_13 = arith.constant 16 : index
    %swap3A_14 = tpu.vector_load %arg8[%swap3A_13] {strides = array<i32>} : memref<512xf32, #tpu.memory_space<vmem>>, vector<16xf32>,
    tpu.vector_store %arg8[%swap3A_13], %broadcast_in_dim3A_5 {strides = array<i32>} : memref<512xf32, #tpu.memory_space<vmem>>, vector<16xf32>,
    %swap3A_15 = arith.constant 32 : index
    %swap3A_16 = tpu.vector_load %arg7[%swap3A_15] {strides = array<i32>} : memref<512xf32, #tpu.memory_space<vmem>>, vector<16xf32>,
    tpu.vector_store %arg7[%swap3A_15], %broadcast_in_dim3A_5 {strides = array<i32>} : memref<512xf32, #tpu.memory_space<vmem>>, vector<16xf32>,
    %swap3A_17 = arith.constant 32 : index
    %swap3A_18 = tpu.vector_load %arg8[%swap3A_17] {strides = array<i32>} : memref<512xf32, #tpu.memory_space<vmem>>, vector<16xf32>,
    tpu.vector_store %arg8[%swap3A_17], %broadcast_in_dim3A_5 {strides = array<i32>} : memref<512xf32, #tpu.memory_space<vmem>>, vector<16xf32>,
    %swap3A_19 = arith.constant 48 : index
    %swap3A_20 = tpu.vector_load %arg7[%swap3A_19] {strides = array<i32>} : memref<512xf32, #tpu.memory_space<vmem>>, vector<16xf32>,
    tpu.vector_store %arg7[%swap3A_19], %broadcast_in_dim3A_5 {strides = array<i32>} : memref<512xf32, #tpu.memory_space<vmem>>, vector<16xf32>,
    %swap3A_21 = arith.constant 48 : index
    %swap3A_22 = tpu.vector_load %arg8[%swap3A_21] {strides = array<i32>} : memref<512xf32, #tpu.memory_space<vmem>>, vector<16xf32>,
    tpu.vector_store %arg8[%swap3A_21], %broadcast_in_dim3A_5 {strides = array<i32>} : memref<512xf32, #tpu.memory_space<vmem>>, vector<16xf32>,
    %swap3A_23 = arith.constant 64 : index
    %swap3A_24 = tpu.vector_load %arg7[%swap3A_23] {strides = array<i32>} : memref<512xf32, #tpu.memory_space<vmem>>, vector<16xf32>,
    tpu.vector_store %arg7[%swap3A_23], %broadcast_in_dim3A_5 {strides = array<i32>} : memref<512xf32, #tpu.memory_space<vmem>>, vector<16xf32>,
    %swap3A_25 = arith.constant 64 : index
    %swap3A_26 = tpu.vector_load %arg8[%swap3A_25] {strides = array<i32>} : memref<512xf32, #tpu.memory_space<vmem>>, vector<16xf32>,
    tpu.vector_store %arg8[%swap3A_25], %broadcast_in_dim3A_5 {strides = array<i32>} : memref<512xf32, #tpu.memory_space<vmem>>, vector<16xf32>,
    %swap3A_27 = arith.constant 80 : index
    %swap3A_28 = tpu.vector_load %arg7[%swap3A_27] {strides = array<i32>} : memref<512xf32, #tpu.memory_space<vmem>>, vector<16xf32>,
    tpu.vector_store %arg7[%swap3A_27], %broadcast_in_dim3A_5 {strides = array<i32>} : memref<512xf32, #tpu.memory_space<vmem>>, vector<16xf32>,
    %swap3A_29 = arith.constant 80 : index
    %swap3A_30 = tpu.vector_load %arg8[%swap3A_29] {strides = array<i32>} : memref<512xf32, #tpu.memory_space<vmem>>, vector<16xf32>,
    tpu.vector_store %arg8[%swap3A_29], %broadcast_in_dim3A_5 {strides = array<i32>} : memref<512xf32, #tpu.memory_space<vmem>>, vector<16xf32>,
    %swap3A_31 = arith.constant 96 : index
    %swap3A_32 = tpu.vector_load %arg7[%swap3A_31] {strides = array<i32>} : memref<512xf32, #tpu.memory_space<vmem>>, vector<16xf32>,
    tpu.vector_store %arg7[%swap3A_31], %broadcast_in_dim3A_5 {strides = array<i32>} : memref<512xf32, #tpu.memory_space<vmem>>, vector<16xf32>,
    %swap3A_33 = arith.constant 96 : index
    %swap3A_34 = tpu.vector_load %arg8[%swap3A_33] {strides = array<i32>} : memref<512xf32, #tpu.memory_space<vmem>>, vector<16xf32>,
    tpu.vector_store %arg8[%swap3A_33], %broadcast_in_dim3A_5 {strides = array<i32>} : memref<512xf32, #tpu.memory_space<vmem>>, vector<16xf32>,
    %swap3A_35 = arith.constant 112 : index
    %swap3A_36 = tpu.vector_load %arg7[%swap3A_35] {strides = array<i32>} : memref<512xf32, #tpu.memory_space<vmem>>, vector<16xf32>,
    tpu.vector_store %arg7[%swap3A_35], %broadcast_in_dim3A_5 {strides = array<i32>} : memref<512xf32, #tpu.memory_space<vmem>>, vector<16xf32>,
    %swap3A_37 = arith.constant 112 : index
    %swap3A_38 = tpu.vector_load %arg8[%swap3A_37] {strides = array<i32>} : memref<512xf32, #tpu.memory_space<vmem>>, vector<16xf32>,
    tpu.vector_store %arg8[%swap3A_37], %broadcast_in_dim3A_5 {strides = array<i32>} : memref<512xf32, #tpu.memory_space<vmem>>, vector<16xf32>,
    %swap3A_39 = arith.constant 128 : index
    %swap3A_40 = tpu.vector_load %arg7[%swap3A_39] {strides = array<i32>} : memref<512xf32, #tpu.memory_space<vmem>>, vector<16xf32>,
    tpu.vector_store %arg7[%swap3A_39], %broadcast_in_dim3A_5 {strides = array<i32>} : memref<512xf32, #tpu.memory_space<vmem>>, vector<16xf32>,
    %swap3A_41 = arith.constant 128 : index
    %swap3A_42 = tpu.vector_load %arg8[%swap3A_41] {strides = array<i32>} : memref<512xf32, #tpu.memory_space<vmem>>, vector<16xf32>,
    tpu.vector_store %arg8[%swap3A_41], %broadcast_in_dim3A_5 {strides = array<i32>} : memref<512xf32, #tpu.memory_space<vmem>>, vector<16xf32>,
    %swap3A_43 = arith.constant 144 : index
    %swap3A_44 = tpu.vector_load %arg7[%swap3A_43] {strides = array<i32>} : memref<512xf32, #tpu.memory_space<vmem>>, vector<16xf32>,
    tpu.vector_store %arg7[%swap3A_43], %broadcast_in_dim3A_5 {strides = array<i32>} : memref<512xf32, #tpu.memory_space<vmem>>, vector<16xf32>,
    %swap3A_45 = arith.constant 144 : index
    %swap3A_46 = tpu.vector_load %arg8[%swap3A_45] {strides = array<i32>} : memref<512xf32, #tpu.memory_space<vmem>>, vector<16xf32>,
    tpu.vector_store %arg8[%swap3A_45], %broadcast_in_dim3A_5 {strides = array<i32>} : memref<512xf32, #tpu.memory_space<vmem>>, vector<16xf32>,
    %swap3A_47 = arith.constant 160 : index
    %swap3A_48 = tpu.vector_load %arg7[%swap3A_47] {strides = array<i32>} : memref<512xf32, #tpu.memory_space<vmem>>, vector<16xf32>,
    tpu.vector_store %arg7[%swap3A_47], %broadcast_in_dim3A_5 {strides = array<i32>} : memref<512xf32, #tpu.memory_space<vmem>>, vector<16xf32>,
    %swap3A_49 = arith.constant 160 : index
    %swap3A_50 = tpu.vector_load %arg8[%swap3A_49] {strides = array<i32>} : memref<512xf32, #tpu.memory_space<vmem>>, vector<16xf32>,
    tpu.vector_store %arg8[%swap3A_49], %broadcast_in_dim3A_5 {strides = array<i32>} : memref<512xf32, #tpu.memory_space<vmem>>, vector<16xf32>,
    %swap3A_51 = arith.constant 176 : index
    %swap3A_52 = tpu.vector_load %arg7[%swap3A_51] {strides = array<i32>} : memref<512xf32, #tpu.memory_space<vmem>>, vector<16xf32>,
    tpu.vector_store %arg7[%swap3A_51], %broadcast_in_dim3A_5 {strides = array<i32>} : memref<512xf32, #tpu.memory_space<vmem>>, vector<16xf32>,
    %swap3A_53 = arith.constant 176 : index
    %swap3A_54 = tpu.vector_load %arg8[%swap3A_53] {strides = array<i32>} : memref<512xf32, #tpu.memory_space<vmem>>, vector<16xf32>,
    tpu.vector_store %arg8[%swap3A_53], %broadcast_in_dim3A_5 {strides = array<i32>} : memref<512xf32, #tpu.memory_space<vmem>>, vector<16xf32>,
    %swap3A_55 = arith.constant 192 : index
    %swap3A_56 = tpu.vector_load %arg7[%swap3A_55] {strides = array<i32>} : memref<512xf32, #tpu.memory_space<vmem>>, vector<16xf32>,
    tpu.vector_store %arg7[%swap3A_55], %broadcast_in_dim3A_5 {strides = array<i32>} : memref<512xf32, #tpu.memory_space<vmem>>, vector<16xf32>,
    %swap3A_57 = arith.constant 192 : index
    %swap3A_58 = tpu.vector_load %arg8[%swap3A_57] {strides = array<i32>} : memref<512xf32, #tpu.memory_space<vmem>>, vector<16xf32>,
    tpu.vector_store %arg8[%swap3A_57], %broadcast_in_dim3A_5 {strides = array<i32>} : memref<512xf32, #tpu.memory_space<vmem>>, vector<16xf32>,
    %swap3A_59 = arith.constant 208 : index
    %swap3A_60 = tpu.vector_load %arg7[%swap3A_59] {strides = array<i32>} : memref<512xf32, #tpu.memory_space<vmem>>, vector<16xf32>,
    tpu.vector_store %arg7[%swap3A_59], %broadcast_in_dim3A_5 {strides = array<i32>} : memref<512xf32, #tpu.memory_space<vmem>>, vector<16xf32>,
    %swap3A_61 = arith.constant 208 : index
    %swap3A_62 = tpu.vector_load %arg8[%swap3A_61] {strides = array<i32>} : memref<512xf32, #tpu.memory_space<vmem>>, vector<16xf32>,
    tpu.vector_store %arg8[%swap3A_61], %broadcast_in_dim3A_5 {strides = array<i32>} : memref<512xf32, #tpu.memory_space<vmem>>, vector<16xf32>,
    %swap3A_63 = arith.constant 224 : index
    %swap3A_64 = tpu.vector_load %arg7[%swap3A_63] {strides = array<i32>} : memref<512xf32, #tpu.memory_space<vmem>>, vector<16xf32>,
    tpu.vector_store %arg7[%swap3A_63], %broadcast_in_dim3A_5 {strides = array<i32>} : memref<512xf32, #tpu.memory_space<vmem>>, vector<16xf32>,
    %swap3A_65 = arith.constant 224 : index
    %swap3A_66 = tpu.vector_load %arg8[%swap3A_65] {strides = array<i32>} : memref<512xf32, #tpu.memory_space<vmem>>, vector<16xf32>,
    tpu.vector_store %arg8[%swap3A_65], %broadcast_in_dim3A_5 {strides = array<i32>} : memref<512xf32, #tpu.memory_space<vmem>>, vector<16xf32>,
    %swap3A_67 = arith.constant 240 : index
    %swap3A_68 = tpu.vector_load %arg7[%swap3A_67] {strides = array<i32>} : memref<512xf32, #tpu.memory_space<vmem>>, vector<16xf32>,
    tpu.vector_store %arg7[%swap3A_67], %broadcast_in_dim3A_5 {strides = array<i32>} : memref<512xf32, #tpu.memory_space<vmem>>, vector<16xf32>,
    %swap3A_69 = arith.constant 240 : index
    %swap3A_70 = tpu.vector_load %arg8[%swap3A_69] {strides = array<i32>} : memref<512xf32, #tpu.memory_space<vmem>>, vector<16xf32>,
    tpu.vector_store %arg8[%swap3A_69], %broadcast_in_dim3A_5 {strides = array<i32>} : memref<512xf32, #tpu.memory_space<vmem>>, vector<16xf32>,
    %swap3A_71 = arith.constant 256 : index
    %swap3A_72 = tpu.vector_load %arg7[%swap3A_71] {strides = array<i32>} : memref<512xf32, #tpu.memory_space<vmem>>, vector<16xf32>,
    tpu.vector_store %arg7[%swap3A_71], %broadcast_in_dim3A_5 {strides = array<i32>} : memref<512xf32, #tpu.memory_space<vmem>>, vector<16xf32>,
    %swap3A_73 = arith.constant 256 : index
    %swap3A_74 = tpu.vector_load %arg8[%swap3A_73] {strides = array<i32>} : memref<512xf32, #tpu.memory_space<vmem>>, vector<16xf32>,
    tpu.vector_store %arg8[%swap3A_73], %broadcast_in_dim3A_5 {strides = array<i32>} : memref<512xf32, #tpu.memory_space<vmem>>, vector<16xf32>,
    %swap3A_75 = arith.constant 272 : index
    %swap3A_76 = tpu.vector_load %arg7[%swap3A_75] {strides = array<i32>} : memref<512xf32, #tpu.memory_space<vmem>>, vector<16xf32>,
    tpu.vector_store %arg7[%swap3A_75], %broadcast_in_dim3A_5 {strides = array<i32>} : memref<512xf32, #tpu.memory_space<vmem>>, vector<16xf32>,
    %swap3A_77 = arith.constant 272 : index
    %swap3A_78 = tpu.vector_load %arg8[%swap3A_77] {strides = array<i32>} : memref<512xf32, #tpu.memory_space<vmem>>, vector<16xf32>,
    tpu.vector_store %arg8[%swap3A_77], %broadcast_in_dim3A_5 {strides = array<i32>} : memref<512xf32, #tpu.memory_space<vmem>>, vector<16xf32>,
    %swap3A_79 = arith.constant 288 : index
    %swap3A_80 = tpu.vector_load %arg7[%swap3A_79] {strides = array<i32>} : memref<512xf32, #tpu.memory_space<vmem>>, vector<16xf32>,
    tpu.vector_store %arg7[%swap3A_79], %broadcast_in_dim3A_5 {strides = array<i32>} : memref<512xf32, #tpu.memory_space<vmem>>, vector<16xf32>,
    %swap3A_81 = arith.constant 288 : index
    %swap3A_82 = tpu.vector_load %arg8[%swap3A_81] {strides = array<i32>} : memref<512xf32, #tpu.memory_space<vmem>>, vector<16xf32>,
    tpu.vector_store %arg8[%swap3A_81], %broadcast_in_dim3A_5 {strides = array<i32>} : memref<512xf32, #tpu.memory_space<vmem>>, vector<16xf32>,
    %swap3A_83 = arith.constant 304 : index
    %swap3A_84 = tpu.vector_load %arg7[%swap3A_83] {strides = array<i32>} : memref<512xf32, #tpu.memory_space<vmem>>, vector<16xf32>,
    tpu.vector_store %arg7[%swap3A_83], %broadcast_in_dim3A_5 {strides = array<i32>} : memref<512xf32, #tpu.memory_space<vmem>>, vector<16xf32>,
    %swap3A_85 = arith.constant 304 : index
    %swap3A_86 = tpu.vector_load %arg8[%swap3A_85] {strides = array<i32>} : memref<512xf32, #tpu.memory_space<vmem>>, vector<16xf32>,
    tpu.vector_store %arg8[%swap3A_85], %broadcast_in_dim3A_5 {strides = array<i32>} : memref<512xf32, #tpu.memory_space<vmem>>, vector<16xf32>,
    %swap3A_87 = arith.constant 320 : index
    %swap3A_88 = tpu.vector_load %arg7[%swap3A_87] {strides = array<i32>} : memref<512xf32, #tpu.memory_space<vmem>>, vector<16xf32>,
    tpu.vector_store %arg7[%swap3A_87], %broadcast_in_dim3A_5 {strides = array<i32>} : memref<512xf32, #tpu.memory_space<vmem>>, vector<16xf32>,
    %swap3A_89 = arith.constant 320 : index
    %swap3A_90 = tpu.vector_load %arg8[%swap3A_89] {strides = array<i32>} : memref<512xf32, #tpu.memory_space<vmem>>, vector<16xf32>,
    tpu.vector_store %arg8[%swap3A_89], %broadcast_in_dim3A_5 {strides = array<i32>} : memref<512xf32, #tpu.memory_space<vmem>>, vector<16xf32>,
    %swap3A_91 = arith.constant 336 : index
    %swap3A_92 = tpu.vector_load %arg7[%swap3A_91] {strides = array<i32>} : memref<512xf32, #tpu.memory_space<vmem>>, vector<16xf32>,
    tpu.vector_store %arg7[%swap3A_91], %broadcast_in_dim3A_5 {strides = array<i32>} : memref<512xf32, #tpu.memory_space<vmem>>, vector<16xf32>,
    %swap3A_93 = arith.constant 336 : index
    %swap3A_94 = tpu.vector_load %arg8[%swap3A_93] {strides = array<i32>} : memref<512xf32, #tpu.memory_space<vmem>>, vector<16xf32>,
    tpu.vector_store %arg8[%swap3A_93], %broadcast_in_dim3A_5 {strides = array<i32>} : memref<512xf32, #tpu.memory_space<vmem>>, vector<16xf32>,
    %swap3A_95 = arith.constant 352 : index
    %swap3A_96 = tpu.vector_load %arg7[%swap3A_95] {strides = array<i32>} : memref<512xf32, #tpu.memory_space<vmem>>, vector<16xf32>,
    tpu.vector_store %arg7[%swap3A_95], %broadcast_in_dim3A_5 {strides = array<i32>} : memref<512xf32, #tpu.memory_space<vmem>>, vector<16xf32>,
    %swap3A_97 = arith.constant 352 : index
    %swap3A_98 = tpu.vector_load %arg8[%swap3A_97] {strides = array<i32>} : memref<512xf32, #tpu.memory_space<vmem>>, vector<16xf32>,
    tpu.vector_store %arg8[%swap3A_97], %broadcast_in_dim3A_5 {strides = array<i32>} : memref<512xf32, #tpu.memory_space<vmem>>, vector<16xf32>,
    %swap3A_99 = arith.constant 368 : index
    %swap3A_100 = tpu.vector_load %arg7[%swap3A_99] {strides = array<i32>} : memref<512xf32, #tpu.memory_space<vmem>>, vector<16xf32>,
    tpu.vector_store %arg7[%swap3A_99], %broadcast_in_dim3A_5 {strides = array<i32>} : memref<512xf32, #tpu.memory_space<vmem>>, vector<16xf32>,
    %swap3A_101 = arith.constant 368 : index
    %swap3A_102 = tpu.vector_load %arg8[%swap3A_101] {strides = array<i32>} : memref<512xf32, #tpu.memory_space<vmem>>, vector<16xf32>,
    tpu.vector_store %arg8[%swap3A_101], %broadcast_in_dim3A_5 {strides = array<i32>} : memref<512xf32, #tpu.memory_space<vmem>>, vector<16xf32>,
    %swap3A_103 = arith.constant 384 : index
    %swap3A_104 = tpu.vector_load %arg7[%swap3A_103] {strides = array<i32>} : memref<512xf32, #tpu.memory_space<vmem>>, vector<16xf32>,
    tpu.vector_store %arg7[%swap3A_103], %broadcast_in_dim3A_5 {strides = array<i32>} : memref<512xf32, #tpu.memory_space<vmem>>, vector<16xf32>,
    %swap3A_105 = arith.constant 384 : index
    %swap3A_106 = tpu.vector_load %arg8[%swap3A_105] {strides = array<i32>} : memref<512xf32, #tpu.memory_space<vmem>>, vector<16xf32>,
    tpu.vector_store %arg8[%swap3A_105], %broadcast_in_dim3A_5 {strides = array<i32>} : memref<512xf32, #tpu.memory_space<vmem>>, vector<16xf32>,
    %swap3A_107 = arith.constant 400 : index
    %swap3A_108 = tpu.vector_load %arg7[%swap3A_107] {strides = array<i32>} : memref<512xf32, #tpu.memory_space<vmem>>, vector<16xf32>,
    tpu.vector_store %arg7[%swap3A_107], %broadcast_in_dim3A_5 {strides = array<i32>} : memref<512xf32, #tpu.memory_space<vmem>>, vector<16xf32>,
    %swap3A_109 = arith.constant 400 : index
    %swap3A_110 = tpu.vector_load %arg8[%swap3A_109] {strides = array<i32>} : memref<512xf32, #tpu.memory_space<vmem>>, vector<16xf32>,
    tpu.vector_store %arg8[%swap3A_109], %broadcast_in_dim3A_5 {strides = array<i32>} : memref<512xf32, #tpu.memory_space<vmem>>, vector<16xf32>,
    %swap3A_111 = arith.constant 416 : index
    %swap3A_112 = tpu.vector_load %arg7[%swap3A_111] {strides = array<i32>} : memref<512xf32, #tpu.memory_space<vmem>>, vector<16xf32>,
    tpu.vector_store %arg7[%swap3A_111], %broadcast_in_dim3A_5 {strides = array<i32>} : memref<512xf32, #tpu.memory_space<vmem>>, vector<16xf32>,
    %swap3A_113 = arith.constant 416 : index
    %swap3A_114 = tpu.vector_load %arg8[%swap3A_113] {strides = array<i32>} : memref<512xf32, #tpu.memory_space<vmem>>, vector<16xf32>,
    tpu.vector_store %arg8[%swap3A_113], %broadcast_in_dim3A_5 {strides = array<i32>} : memref<512xf32, #tpu.memory_space<vmem>>, vector<16xf32>,
    %swap3A_115 = arith.constant 432 : index
    %swap3A_116 = tpu.vector_load %arg7[%swap3A_115] {strides = array<i32>} : memref<512xf32, #tpu.memory_space<vmem>>, vector<16xf32>,
    tpu.vector_store %arg7[%swap3A_115], %broadcast_in_dim3A_5 {strides = array<i32>} : memref<512xf32, #tpu.memory_space<vmem>>, vector<16xf32>,
    %swap3A_117 = arith.constant 432 : index
    %swap3A_118 = tpu.vector_load %arg8[%swap3A_117] {strides = array<i32>} : memref<512xf32, #tpu.memory_space<vmem>>, vector<16xf32>,
    tpu.vector_store %arg8[%swap3A_117], %broadcast_in_dim3A_5 {strides = array<i32>} : memref<512xf32, #tpu.memory_space<vmem>>, vector<16xf32>,
    %swap3A_119 = arith.constant 448 : index
    %swap3A_120 = tpu.vector_load %arg7[%swap3A_119] {strides = array<i32>} : memref<512xf32, #tpu.memory_space<vmem>>, vector<16xf32>,
    tpu.vector_store %arg7[%swap3A_119], %broadcast_in_dim3A_5 {strides = array<i32>} : memref<512xf32, #tpu.memory_space<vmem>>, vector<16xf32>,
    %swap3A_121 = arith.constant 448 : index
    %swap3A_122 = tpu.vector_load %arg8[%swap3A_121] {strides = array<i32>} : memref<512xf32, #tpu.memory_space<vmem>>, vector<16xf32>,
    tpu.vector_store %arg8[%swap3A_121], %broadcast_in_dim3A_5 {strides = array<i32>} : memref<512xf32, #tpu.memory_space<vmem>>, vector<16xf32>,
    %swap3A_123 = arith.constant 464 : index
    %swap3A_124 = tpu.vector_load %arg7[%swap3A_123] {strides = array<i32>} : memref<512xf32, #tpu.memory_space<vmem>>, vector<16xf32>,
    tpu.vector_store %arg7[%swap3A_123], %broadcast_in_dim3A_5 {strides = array<i32>} : memref<512xf32, #tpu.memory_space<vmem>>, vector<16xf32>,
    %swap3A_125 = arith.constant 464 : index
    %swap3A_126 = tpu.vector_load %arg8[%swap3A_125] {strides = array<i32>} : memref<512xf32, #tpu.memory_space<vmem>>, vector<16xf32>,
    tpu.vector_store %arg8[%swap3A_125], %broadcast_in_dim3A_5 {strides = array<i32>} : memref<512xf32, #tpu.memory_space<vmem>>, vector<16xf32>,
    %swap3A_127 = arith.constant 480 : index
    %swap3A_128 = tpu.vector_load %arg7[%swap3A_127] {strides = array<i32>} : memref<512xf32, #tpu.memory_space<vmem>>, vector<16xf32>,
    tpu.vector_store %arg7[%swap3A_127], %broadcast_in_dim3A_5 {strides = array<i32>} : memref<512xf32, #tpu.memory_space<vmem>>, vector<16xf32>,
    %swap3A_129 = arith.constant 480 : index
    %swap3A_130 = tpu.vector_load %arg8[%swap3A_129] {strides = array<i32>} : memref<512xf32, #tpu.memory_space<vmem>>, vector<16xf32>,
    tpu.vector_store %arg8[%swap3A_129], %broadcast_in_dim3A_5 {strides = array<i32>} : memref<512xf32, #tpu.memory_space<vmem>>, vector<16xf32>,
    %swap3A_131 = arith.constant 496 : index
    %swap3A_132 = tpu.vector_load %arg7[%swap3A_131] {strides = array<i32>} : memref<512xf32, #tpu.memory_space<vmem>>, vector<16xf32>,
    tpu.vector_store %arg7[%swap3A_131], %broadcast_in_dim3A_5 {strides = array<i32>} : memref<512xf32, #tpu.memory_space<vmem>>, vector<16xf32>,
    %swap3A_133 = arith.constant 496 : index
    %swap3A_134 = tpu.vector_load %arg8[%swap3A_133] {strides = array<i32>} : memref<512xf32, #tpu.memory_space<vmem>>, vector<16xf32>,
    tpu.vector_store %arg8[%swap3A_133], %broadcast_in_dim3A_5 {strides = array<i32>} : memref<512xf32, #tpu.memory_space<vmem>>, vector<16xf32>,
    %scan3A = arith.constant 0 : i32
    %scan3A_135 = arith.constant 0 : i32
    %scan3A_136 = arith.constant 25 : i32
    %scan3A_137 = arith.addi %scan3A_135, %scan3A_136 : i32
    %scan3A_138 = arith.constant 1 : i32
    scf.for %scan3A_146 = %scan3A_135 to %scan3A_137 step %scan3A_138  : i32 {
      %mul3A_147 = arith.constant 400 : i32
      %mul3A_148 = arith.muli %scan3A_146, %mul3A_147 : i32
      %add3A_149 = arith.addi %add3A_4, %mul3A_148 : i32
      %mul3A_150 = arith.constant 100 : i32
      %mul3A_151 = arith.muli %add3A_149, %mul3A_150 : i32
      "tpu.region"() ({
        %run_scoped3A = tpu.sem_alloc : memref<!tpu.dma_semaphore, #tpu.memory_space<semaphore_mem>>
        %dma_start3A = tpu.memref_slice %arg2[%mul3A_151] : memref<100000000xf32, #tpu.memory_space<hbm>> -> memref<40000xf32, #tpu.memory_space<hbm>>
        %dma_start3A_157 = tpu.memref_slice %arg2[%mul3A_151] : memref<100000000xf32, #tpu.memory_space<hbm>> -> memref<40000xf32, #tpu.memory_space<hbm>>
        tpu.enqueue_dma source(%dma_start3A_157 : memref<40000xf32, #tpu.memory_space<hbm>>) target(%arg5 : memref<40000xf32, #tpu.memory_space<vmem>>) target_semaphore(%run_scoped3A : memref<!tpu.dma_semaphore, #tpu.memory_space<semaphore_mem>>)
        %dma_wait3A = tpu.memref_slice %arg2[%mul3A_151] : memref<100000000xf32, #tpu.memory_space<hbm>> -> memref<40000xf32, #tpu.memory_space<hbm>>
        %dma_wait3A_158 = tpu.memref_slice %arg2[%mul3A_151] : memref<100000000xf32, #tpu.memory_space<hbm>> -> memref<40000xf32, #tpu.memory_space<hbm>>
        tpu.wait_dma2 semaphore(%run_scoped3A : memref<!tpu.dma_semaphore, #tpu.memory_space<semaphore_mem>>) src(%dma_wait3A_158 : memref<40000xf32, #tpu.memory_space<hbm>>) dst(%arg5 : memref<40000xf32, #tpu.memory_space<vmem>>)
        tpu.yield
      }) : () -> ()
      "tpu.region"() ({
        %run_scoped3A = tpu.sem_alloc : memref<!tpu.dma_semaphore, #tpu.memory_space<semaphore_mem>>
        %dma_start3A = tpu.memref_slice %arg3[%add3A_149] : memref<1000000xi32, #tpu.memory_space<hbm>> -> memref<400xi32, #tpu.memory_space<hbm>>
        %dma_start3A_157 = tpu.memref_slice %arg3[%add3A_149] : memref<1000000xi32, #tpu.memory_space<hbm>> -> memref<400xi32, #tpu.memory_space<hbm>>
        tpu.enqueue_dma source(%dma_start3A_157 : memref<400xi32, #tpu.memory_space<hbm>>) target(%arg6 : memref<400xi32, #tpu.memory_space<vmem>>) target_semaphore(%run_scoped3A : memref<!tpu.dma_semaphore, #tpu.memory_space<semaphore_mem>>)
        %dma_wait3A = tpu.memref_slice %arg3[%add3A_149] : memref<1000000xi32, #tpu.memory_space<hbm>> -> memref<400xi32, #tpu.memory_space<hbm>>
        %dma_wait3A_158 = tpu.memref_slice %arg3[%add3A_149] : memref<1000000xi32, #tpu.memory_space<hbm>> -> memref<400xi32, #tpu.memory_space<hbm>>
        tpu.wait_dma2 semaphore(%run_scoped3A : memref<!tpu.dma_semaphore, #tpu.memory_space<semaphore_mem>>) src(%dma_wait3A_158 : memref<400xi32, #tpu.memory_space<hbm>>) dst(%arg6 : memref<400xi32, #tpu.memory_space<vmem>>)
        tpu.yield
      }) : () -> ()
      %scan3A_152 = arith.constant 0 : i32
      %scan3A_153 = arith.constant 25 : i32
      %scan3A_154 = arith.addi %scan3A_152, %scan3A_153 : i32
      %scan3A_155 = arith.constant 1 : i32
      scf.for %scan3A_157 = %scan3A_152 to %scan3A_154 step %scan3A_155  : i32 {
        %mul3A_158 = arith.constant 16 : i32
        %mul3A_159 = arith.muli %scan3A_157, %mul3A_158 : i32
        %add3A_160 = vector.broadcast %mul3A_159 : i32 to vector<16xi32>
        %add3A_161 = arith.addi %add3A_160, %iota3A : vector<16xi32>
        %mul3A_162 = arith.constant 100 : i32
        %mul3A_163 = vector.broadcast %mul3A_162 : i32 to vector<16xi32>
        %mul3A_164 = arith.muli %add3A_161, %mul3A_163 : vector<16xi32>
        %broadcast_in_dim3A_165 = arith.constant -3.000000e+38 : f32
        %broadcast_in_dim3A_166 = vector.broadcast %broadcast_in_dim3A_165 : f32 to vector<16xf32>
        %gather3A = tpu.vector_load_idx %arg5[%mul3A_164] : memref<40000xf32, #tpu.memory_space<vmem>>[vector<16xi32>], vector<16xf32>,
        %max3A = arith.maximumf %broadcast_in_dim3A_166, %gather3A : vector<16xf32>
        %add3A_167 = arith.constant 1 : i32
        %add3A_168 = vector.broadcast %add3A_167 : i32 to vector<16xi32>
        %add3A_169 = arith.addi %mul3A_164, %add3A_168 : vector<16xi32>
        %gather3A_170 = tpu.vector_load_idx %arg5[%add3A_169] : memref<40000xf32, #tpu.memory_space<vmem>>[vector<16xi32>], vector<16xf32>,
        %max3A_171 = arith.maximumf %max3A, %gather3A_170 : vector<16xf32>
        %add3A_172 = arith.constant 1 : i32
        %add3A_173 = vector.broadcast %add3A_172 : i32 to vector<16xi32>
        %add3A_174 = arith.addi %add3A_169, %add3A_173 : vector<16xi32>
        %gather3A_175 = tpu.vector_load_idx %arg5[%add3A_174] : memref<40000xf32, #tpu.memory_space<vmem>>[vector<16xi32>], vector<16xf32>,
        %max3A_176 = arith.maximumf %max3A_171, %gather3A_175 : vector<16xf32>
        %add3A_177 = arith.constant 1 : i32
        %add3A_178 = vector.broadcast %add3A_177 : i32 to vector<16xi32>
        %add3A_179 = arith.addi %add3A_174, %add3A_178 : vector<16xi32>
        %gather3A_180 = tpu.vector_load_idx %arg5[%add3A_179] : memref<40000xf32, #tpu.memory_space<vmem>>[vector<16xi32>], vector<16xf32>,
        %max3A_181 = arith.maximumf %max3A_176, %gather3A_180 : vector<16xf32>
        %add3A_182 = arith.constant 1 : i32
        %add3A_183 = vector.broadcast %add3A_182 : i32 to vector<16xi32>
        %add3A_184 = arith.addi %add3A_179, %add3A_183 : vector<16xi32>
        %gather3A_185 = tpu.vector_load_idx %arg5[%add3A_184] : memref<40000xf32, #tpu.memory_space<vmem>>[vector<16xi32>], vector<16xf32>,
        %max3A_186 = arith.maximumf %max3A_181, %gather3A_185 : vector<16xf32>
        %add3A_187 = arith.constant 1 : i32
        %add3A_188 = vector.broadcast %add3A_187 : i32 to vector<16xi32>
        %add3A_189 = arith.addi %add3A_184, %add3A_188 : vector<16xi32>
        %gather3A_190 = tpu.vector_load_idx %arg5[%add3A_189] : memref<40000xf32, #tpu.memory_space<vmem>>[vector<16xi32>], vector<16xf32>,
        %max3A_191 = arith.maximumf %max3A_186, %gather3A_190 : vector<16xf32>
        %add3A_192 = arith.constant 1 : i32
        %add3A_193 = vector.broadcast %add3A_192 : i32 to vector<16xi32>
        %add3A_194 = arith.addi %add3A_189, %add3A_193 : vector<16xi32>
        %gather3A_195 = tpu.vector_load_idx %arg5[%add3A_194] : memref<40000xf32, #tpu.memory_space<vmem>>[vector<16xi32>], vector<16xf32>,
        %max3A_196 = arith.maximumf %max3A_191, %gather3A_195 : vector<16xf32>
        %add3A_197 = arith.constant 1 : i32
        %add3A_198 = vector.broadcast %add3A_197 : i32 to vector<16xi32>
        %add3A_199 = arith.addi %add3A_194, %add3A_198 : vector<16xi32>
        %gather3A_200 = tpu.vector_load_idx %arg5[%add3A_199] : memref<40000xf32, #tpu.memory_space<vmem>>[vector<16xi32>], vector<16xf32>,
        %max3A_201 = arith.maximumf %max3A_196, %gather3A_200 : vector<16xf32>
        %add3A_202 = arith.constant 1 : i32
        %add3A_203 = vector.broadcast %add3A_202 : i32 to vector<16xi32>
        %add3A_204 = arith.addi %add3A_199, %add3A_203 : vector<16xi32>
        %gather3A_205 = tpu.vector_load_idx %arg5[%add3A_204] : memref<40000xf32, #tpu.memory_space<vmem>>[vector<16xi32>], vector<16xf32>,
        %max3A_206 = arith.maximumf %max3A_201, %gather3A_205 : vector<16xf32>
        %add3A_207 = arith.constant 1 : i32
        %add3A_208 = vector.broadcast %add3A_207 : i32 to vector<16xi32>
        %add3A_209 = arith.addi %add3A_204, %add3A_208 : vector<16xi32>
        %gather3A_210 = tpu.vector_load_idx %arg5[%add3A_209] : memref<40000xf32, #tpu.memory_space<vmem>>[vector<16xi32>], vector<16xf32>,
        %max3A_211 = arith.maximumf %max3A_206, %gather3A_210 : vector<16xf32>
        %add3A_212 = arith.constant 1 : i32
        %add3A_213 = vector.broadcast %add3A_212 : i32 to vector<16xi32>
        %add3A_214 = arith.addi %add3A_209, %add3A_213 : vector<16xi32>
        %gather3A_215 = tpu.vector_load_idx %arg5[%add3A_214] : memref<40000xf32, #tpu.memory_space<vmem>>[vector<16xi32>], vector<16xf32>,
        %max3A_216 = arith.maximumf %max3A_211, %gather3A_215 : vector<16xf32>
        %add3A_217 = arith.constant 1 : i32
        %add3A_218 = vector.broadcast %add3A_217 : i32 to vector<16xi32>
        %add3A_219 = arith.addi %add3A_214, %add3A_218 : vector<16xi32>
        %gather3A_220 = tpu.vector_load_idx %arg5[%add3A_219] : memref<40000xf32, #tpu.memory_space<vmem>>[vector<16xi32>], vector<16xf32>,
        %max3A_221 = arith.maximumf %max3A_216, %gather3A_220 : vector<16xf32>
        %add3A_222 = arith.constant 1 : i32
        %add3A_223 = vector.broadcast %add3A_222 : i32 to vector<16xi32>
        %add3A_224 = arith.addi %add3A_219, %add3A_223 : vector<16xi32>
        %gather3A_225 = tpu.vector_load_idx %arg5[%add3A_224] : memref<40000xf32, #tpu.memory_space<vmem>>[vector<16xi32>], vector<16xf32>,
        %max3A_226 = arith.maximumf %max3A_221, %gather3A_225 : vector<16xf32>
        %add3A_227 = arith.constant 1 : i32
        %add3A_228 = vector.broadcast %add3A_227 : i32 to vector<16xi32>
        %add3A_229 = arith.addi %add3A_224, %add3A_228 : vector<16xi32>
        %gather3A_230 = tpu.vector_load_idx %arg5[%add3A_229] : memref<40000xf32, #tpu.memory_space<vmem>>[vector<16xi32>], vector<16xf32>,
        %max3A_231 = arith.maximumf %max3A_226, %gather3A_230 : vector<16xf32>
        %add3A_232 = arith.constant 1 : i32
        %add3A_233 = vector.broadcast %add3A_232 : i32 to vector<16xi32>
        %add3A_234 = arith.addi %add3A_229, %add3A_233 : vector<16xi32>
        %gather3A_235 = tpu.vector_load_idx %arg5[%add3A_234] : memref<40000xf32, #tpu.memory_space<vmem>>[vector<16xi32>], vector<16xf32>,
        %max3A_236 = arith.maximumf %max3A_231, %gather3A_235 : vector<16xf32>
        %add3A_237 = arith.constant 1 : i32
        %add3A_238 = vector.broadcast %add3A_237 : i32 to vector<16xi32>
        %add3A_239 = arith.addi %add3A_234, %add3A_238 : vector<16xi32>
        %gather3A_240 = tpu.vector_load_idx %arg5[%add3A_239] : memref<40000xf32, #tpu.memory_space<vmem>>[vector<16xi32>], vector<16xf32>,
        %max3A_241 = arith.maximumf %max3A_236, %gather3A_240 : vector<16xf32>
        %add3A_242 = arith.constant 1 : i32
        %add3A_243 = vector.broadcast %add3A_242 : i32 to vector<16xi32>
        %add3A_244 = arith.addi %add3A_239, %add3A_243 : vector<16xi32>
        %gather3A_245 = tpu.vector_load_idx %arg5[%add3A_244] : memref<40000xf32, #tpu.memory_space<vmem>>[vector<16xi32>], vector<16xf32>,
        %max3A_246 = arith.maximumf %max3A_241, %gather3A_245 : vector<16xf32>
        %add3A_247 = arith.constant 1 : i32
        %add3A_248 = vector.broadcast %add3A_247 : i32 to vector<16xi32>
        %add3A_249 = arith.addi %add3A_244, %add3A_248 : vector<16xi32>
        %gather3A_250 = tpu.vector_load_idx %arg5[%add3A_249] : memref<40000xf32, #tpu.memory_space<vmem>>[vector<16xi32>], vector<16xf32>,
        %max3A_251 = arith.maximumf %max3A_246, %gather3A_250 : vector<16xf32>
        %add3A_252 = arith.constant 1 : i32
        %add3A_253 = vector.broadcast %add3A_252 : i32 to vector<16xi32>
        %add3A_254 = arith.addi %add3A_249, %add3A_253 : vector<16xi32>
        %gather3A_255 = tpu.vector_load_idx %arg5[%add3A_254] : memref<40000xf32, #tpu.memory_space<vmem>>[vector<16xi32>], vector<16xf32>,
        %max3A_256 = arith.maximumf %max3A_251, %gather3A_255 : vector<16xf32>
        %add3A_257 = arith.constant 1 : i32
        %add3A_258 = vector.broadcast %add3A_257 : i32 to vector<16xi32>
        %add3A_259 = arith.addi %add3A_254, %add3A_258 : vector<16xi32>
        %gather3A_260 = tpu.vector_load_idx %arg5[%add3A_259] : memref<40000xf32, #tpu.memory_space<vmem>>[vector<16xi32>], vector<16xf32>,
        %max3A_261 = arith.maximumf %max3A_256, %gather3A_260 : vector<16xf32>
        %add3A_262 = arith.constant 1 : i32
        %add3A_263 = vector.broadcast %add3A_262 : i32 to vector<16xi32>
        %add3A_264 = arith.addi %add3A_259, %add3A_263 : vector<16xi32>
        %gather3A_265 = tpu.vector_load_idx %arg5[%add3A_264] : memref<40000xf32, #tpu.memory_space<vmem>>[vector<16xi32>], vector<16xf32>,
        %max3A_266 = arith.maximumf %max3A_261, %gather3A_265 : vector<16xf32>
        %add3A_267 = arith.constant 1 : i32
        %add3A_268 = vector.broadcast %add3A_267 : i32 to vector<16xi32>
        %add3A_269 = arith.addi %add3A_264, %add3A_268 : vector<16xi32>
        %gather3A_270 = tpu.vector_load_idx %arg5[%add3A_269] : memref<40000xf32, #tpu.memory_space<vmem>>[vector<16xi32>], vector<16xf32>,
        %max3A_271 = arith.maximumf %max3A_266, %gather3A_270 : vector<16xf32>
        %add3A_272 = arith.constant 1 : i32
        %add3A_273 = vector.broadcast %add3A_272 : i32 to vector<16xi32>
        %add3A_274 = arith.addi %add3A_269, %add3A_273 : vector<16xi32>
        %gather3A_275 = tpu.vector_load_idx %arg5[%add3A_274] : memref<40000xf32, #tpu.memory_space<vmem>>[vector<16xi32>], vector<16xf32>,
        %max3A_276 = arith.maximumf %max3A_271, %gather3A_275 : vector<16xf32>
        %add3A_277 = arith.constant 1 : i32
        %add3A_278 = vector.broadcast %add3A_277 : i32 to vector<16xi32>
        %add3A_279 = arith.addi %add3A_274, %add3A_278 : vector<16xi32>
        %gather3A_280 = tpu.vector_load_idx %arg5[%add3A_279] : memref<40000xf32, #tpu.memory_space<vmem>>[vector<16xi32>], vector<16xf32>,
        %max3A_281 = arith.maximumf %max3A_276, %gather3A_280 : vector<16xf32>
        %add3A_282 = arith.constant 1 : i32
        %add3A_283 = vector.broadcast %add3A_282 : i32 to vector<16xi32>
        %add3A_284 = arith.addi %add3A_279, %add3A_283 : vector<16xi32>
        %gather3A_285 = tpu.vector_load_idx %arg5[%add3A_284] : memref<40000xf32, #tpu.memory_space<vmem>>[vector<16xi32>], vector<16xf32>,
        %max3A_286 = arith.maximumf %max3A_281, %gather3A_285 : vector<16xf32>
        %add3A_287 = arith.constant 1 : i32
        %add3A_288 = vector.broadcast %add3A_287 : i32 to vector<16xi32>
        %add3A_289 = arith.addi %add3A_284, %add3A_288 : vector<16xi32>
        %gather3A_290 = tpu.vector_load_idx %arg5[%add3A_289] : memref<40000xf32, #tpu.memory_space<vmem>>[vector<16xi32>], vector<16xf32>,
        %max3A_291 = arith.maximumf %max3A_286, %gather3A_290 : vector<16xf32>
        %add3A_292 = arith.constant 1 : i32
        %add3A_293 = vector.broadcast %add3A_292 : i32 to vector<16xi32>
        %add3A_294 = arith.addi %add3A_289, %add3A_293 : vector<16xi32>
        %gather3A_295 = tpu.vector_load_idx %arg5[%add3A_294] : memref<40000xf32, #tpu.memory_space<vmem>>[vector<16xi32>], vector<16xf32>,
        %max3A_296 = arith.maximumf %max3A_291, %gather3A_295 : vector<16xf32>
        %add3A_297 = arith.constant 1 : i32
        %add3A_298 = vector.broadcast %add3A_297 : i32 to vector<16xi32>
        %add3A_299 = arith.addi %add3A_294, %add3A_298 : vector<16xi32>
        %gather3A_300 = tpu.vector_load_idx %arg5[%add3A_299] : memref<40000xf32, #tpu.memory_space<vmem>>[vector<16xi32>], vector<16xf32>,
        %max3A_301 = arith.maximumf %max3A_296, %gather3A_300 : vector<16xf32>
        %add3A_302 = arith.constant 1 : i32
        %add3A_303 = vector.broadcast %add3A_302 : i32 to vector<16xi32>
        %add3A_304 = arith.addi %add3A_299, %add3A_303 : vector<16xi32>
        %gather3A_305 = tpu.vector_load_idx %arg5[%add3A_304] : memref<40000xf32, #tpu.memory_space<vmem>>[vector<16xi32>], vector<16xf32>,
        %max3A_306 = arith.maximumf %max3A_301, %gather3A_305 : vector<16xf32>
        %add3A_307 = arith.constant 1 : i32
        %add3A_308 = vector.broadcast %add3A_307 : i32 to vector<16xi32>
        %add3A_309 = arith.addi %add3A_304, %add3A_308 : vector<16xi32>
        %gather3A_310 = tpu.vector_load_idx %arg5[%add3A_309] : memref<40000xf32, #tpu.memory_space<vmem>>[vector<16xi32>], vector<16xf32>,
        %max3A_311 = arith.maximumf %max3A_306, %gather3A_310 : vector<16xf32>
        %add3A_312 = arith.constant 1 : i32
        %add3A_313 = vector.broadcast %add3A_312 : i32 to vector<16xi32>
        %add3A_314 = arith.addi %add3A_309, %add3A_313 : vector<16xi32>
        %gather3A_315 = tpu.vector_load_idx %arg5[%add3A_314] : memref<40000xf32, #tpu.memory_space<vmem>>[vector<16xi32>], vector<16xf32>,
        %max3A_316 = arith.maximumf %max3A_311, %gather3A_315 : vector<16xf32>
        %add3A_317 = arith.constant 1 : i32
        %add3A_318 = vector.broadcast %add3A_317 : i32 to vector<16xi32>
        %add3A_319 = arith.addi %add3A_314, %add3A_318 : vector<16xi32>
        %gather3A_320 = tpu.vector_load_idx %arg5[%add3A_319] : memref<40000xf32, #tpu.memory_space<vmem>>[vector<16xi32>], vector<16xf32>,
        %max3A_321 = arith.maximumf %max3A_316, %gather3A_320 : vector<16xf32>
        %add3A_322 = arith.constant 1 : i32
        %add3A_323 = vector.broadcast %add3A_322 : i32 to vector<16xi32>
        %add3A_324 = arith.addi %add3A_319, %add3A_323 : vector<16xi32>
        %gather3A_325 = tpu.vector_load_idx %arg5[%add3A_324] : memref<40000xf32, #tpu.memory_space<vmem>>[vector<16xi32>], vector<16xf32>,
        %max3A_326 = arith.maximumf %max3A_321, %gather3A_325 : vector<16xf32>
        %add3A_327 = arith.constant 1 : i32
        %add3A_328 = vector.broadcast %add3A_327 : i32 to vector<16xi32>
        %add3A_329 = arith.addi %add3A_324, %add3A_328 : vector<16xi32>
        %gather3A_330 = tpu.vector_load_idx %arg5[%add3A_329] : memref<40000xf32, #tpu.memory_space<vmem>>[vector<16xi32>], vector<16xf32>,
        %max3A_331 = arith.maximumf %max3A_326, %gather3A_330 : vector<16xf32>
        %add3A_332 = arith.constant 1 : i32
        %add3A_333 = vector.broadcast %add3A_332 : i32 to vector<16xi32>
        %add3A_334 = arith.addi %add3A_329, %add3A_333 : vector<16xi32>
        %gather3A_335 = tpu.vector_load_idx %arg5[%add3A_334] : memref<40000xf32, #tpu.memory_space<vmem>>[vector<16xi32>], vector<16xf32>,
        %max3A_336 = arith.maximumf %max3A_331, %gather3A_335 : vector<16xf32>
        %add3A_337 = arith.constant 1 : i32
        %add3A_338 = vector.broadcast %add3A_337 : i32 to vector<16xi32>
        %add3A_339 = arith.addi %add3A_334, %add3A_338 : vector<16xi32>
        %gather3A_340 = tpu.vector_load_idx %arg5[%add3A_339] : memref<40000xf32, #tpu.memory_space<vmem>>[vector<16xi32>], vector<16xf32>,
        %max3A_341 = arith.maximumf %max3A_336, %gather3A_340 : vector<16xf32>
        %add3A_342 = arith.constant 1 : i32
        %add3A_343 = vector.broadcast %add3A_342 : i32 to vector<16xi32>
        %add3A_344 = arith.addi %add3A_339, %add3A_343 : vector<16xi32>
        %gather3A_345 = tpu.vector_load_idx %arg5[%add3A_344] : memref<40000xf32, #tpu.memory_space<vmem>>[vector<16xi32>], vector<16xf32>,
        %max3A_346 = arith.maximumf %max3A_341, %gather3A_345 : vector<16xf32>
        %add3A_347 = arith.constant 1 : i32
        %add3A_348 = vector.broadcast %add3A_347 : i32 to vector<16xi32>
        %add3A_349 = arith.addi %add3A_344, %add3A_348 : vector<16xi32>
        %gather3A_350 = tpu.vector_load_idx %arg5[%add3A_349] : memref<40000xf32, #tpu.memory_space<vmem>>[vector<16xi32>], vector<16xf32>,
        %max3A_351 = arith.maximumf %max3A_346, %gather3A_350 : vector<16xf32>
        %add3A_352 = arith.constant 1 : i32
        %add3A_353 = vector.broadcast %add3A_352 : i32 to vector<16xi32>
        %add3A_354 = arith.addi %add3A_349, %add3A_353 : vector<16xi32>
        %gather3A_355 = tpu.vector_load_idx %arg5[%add3A_354] : memref<40000xf32, #tpu.memory_space<vmem>>[vector<16xi32>], vector<16xf32>,
        %max3A_356 = arith.maximumf %max3A_351, %gather3A_355 : vector<16xf32>
        %add3A_357 = arith.constant 1 : i32
        %add3A_358 = vector.broadcast %add3A_357 : i32 to vector<16xi32>
        %add3A_359 = arith.addi %add3A_354, %add3A_358 : vector<16xi32>
        %gather3A_360 = tpu.vector_load_idx %arg5[%add3A_359] : memref<40000xf32, #tpu.memory_space<vmem>>[vector<16xi32>], vector<16xf32>,
        %max3A_361 = arith.maximumf %max3A_356, %gather3A_360 : vector<16xf32>
        %add3A_362 = arith.constant 1 : i32
        %add3A_363 = vector.broadcast %add3A_362 : i32 to vector<16xi32>
        %add3A_364 = arith.addi %add3A_359, %add3A_363 : vector<16xi32>
        %gather3A_365 = tpu.vector_load_idx %arg5[%add3A_364] : memref<40000xf32, #tpu.memory_space<vmem>>[vector<16xi32>], vector<16xf32>,
        %max3A_366 = arith.maximumf %max3A_361, %gather3A_365 : vector<16xf32>
        %add3A_367 = arith.constant 1 : i32
        %add3A_368 = vector.broadcast %add3A_367 : i32 to vector<16xi32>
        %add3A_369 = arith.addi %add3A_364, %add3A_368 : vector<16xi32>
        %gather3A_370 = tpu.vector_load_idx %arg5[%add3A_369] : memref<40000xf32, #tpu.memory_space<vmem>>[vector<16xi32>], vector<16xf32>,
        %max3A_371 = arith.maximumf %max3A_366, %gather3A_370 : vector<16xf32>
        %add3A_372 = arith.constant 1 : i32
        %add3A_373 = vector.broadcast %add3A_372 : i32 to vector<16xi32>
        %add3A_374 = arith.addi %add3A_369, %add3A_373 : vector<16xi32>
        %gather3A_375 = tpu.vector_load_idx %arg5[%add3A_374] : memref<40000xf32, #tpu.memory_space<vmem>>[vector<16xi32>], vector<16xf32>,
        %max3A_376 = arith.maximumf %max3A_371, %gather3A_375 : vector<16xf32>
        %add3A_377 = arith.constant 1 : i32
        %add3A_378 = vector.broadcast %add3A_377 : i32 to vector<16xi32>
        %add3A_379 = arith.addi %add3A_374, %add3A_378 : vector<16xi32>
        %gather3A_380 = tpu.vector_load_idx %arg5[%add3A_379] : memref<40000xf32, #tpu.memory_space<vmem>>[vector<16xi32>], vector<16xf32>,
        %max3A_381 = arith.maximumf %max3A_376, %gather3A_380 : vector<16xf32>
        %add3A_382 = arith.constant 1 : i32
        %add3A_383 = vector.broadcast %add3A_382 : i32 to vector<16xi32>
        %add3A_384 = arith.addi %add3A_379, %add3A_383 : vector<16xi32>
        %gather3A_385 = tpu.vector_load_idx %arg5[%add3A_384] : memref<40000xf32, #tpu.memory_space<vmem>>[vector<16xi32>], vector<16xf32>,
        %max3A_386 = arith.maximumf %max3A_381, %gather3A_385 : vector<16xf32>
        %add3A_387 = arith.constant 1 : i32
        %add3A_388 = vector.broadcast %add3A_387 : i32 to vector<16xi32>
        %add3A_389 = arith.addi %add3A_384, %add3A_388 : vector<16xi32>
        %gather3A_390 = tpu.vector_load_idx %arg5[%add3A_389] : memref<40000xf32, #tpu.memory_space<vmem>>[vector<16xi32>], vector<16xf32>,
        %max3A_391 = arith.maximumf %max3A_386, %gather3A_390 : vector<16xf32>
        %add3A_392 = arith.constant 1 : i32
        %add3A_393 = vector.broadcast %add3A_392 : i32 to vector<16xi32>
        %add3A_394 = arith.addi %add3A_389, %add3A_393 : vector<16xi32>
        %gather3A_395 = tpu.vector_load_idx %arg5[%add3A_394] : memref<40000xf32, #tpu.memory_space<vmem>>[vector<16xi32>], vector<16xf32>,
        %max3A_396 = arith.maximumf %max3A_391, %gather3A_395 : vector<16xf32>
        %add3A_397 = arith.constant 1 : i32
        %add3A_398 = vector.broadcast %add3A_397 : i32 to vector<16xi32>
        %add3A_399 = arith.addi %add3A_394, %add3A_398 : vector<16xi32>
        %gather3A_400 = tpu.vector_load_idx %arg5[%add3A_399] : memref<40000xf32, #tpu.memory_space<vmem>>[vector<16xi32>], vector<16xf32>,
        %max3A_401 = arith.maximumf %max3A_396, %gather3A_400 : vector<16xf32>
        %add3A_402 = arith.constant 1 : i32
        %add3A_403 = vector.broadcast %add3A_402 : i32 to vector<16xi32>
        %add3A_404 = arith.addi %add3A_399, %add3A_403 : vector<16xi32>
        %gather3A_405 = tpu.vector_load_idx %arg5[%add3A_404] : memref<40000xf32, #tpu.memory_space<vmem>>[vector<16xi32>], vector<16xf32>,
        %max3A_406 = arith.maximumf %max3A_401, %gather3A_405 : vector<16xf32>
        %add3A_407 = arith.constant 1 : i32
        %add3A_408 = vector.broadcast %add3A_407 : i32 to vector<16xi32>
        %add3A_409 = arith.addi %add3A_404, %add3A_408 : vector<16xi32>
        %gather3A_410 = tpu.vector_load_idx %arg5[%add3A_409] : memref<40000xf32, #tpu.memory_space<vmem>>[vector<16xi32>], vector<16xf32>,
        %max3A_411 = arith.maximumf %max3A_406, %gather3A_410 : vector<16xf32>
        %add3A_412 = arith.constant 1 : i32
        %add3A_413 = vector.broadcast %add3A_412 : i32 to vector<16xi32>
        %add3A_414 = arith.addi %add3A_409, %add3A_413 : vector<16xi32>
        %gather3A_415 = tpu.vector_load_idx %arg5[%add3A_414] : memref<40000xf32, #tpu.memory_space<vmem>>[vector<16xi32>], vector<16xf32>,
        %max3A_416 = arith.maximumf %max3A_411, %gather3A_415 : vector<16xf32>
        %add3A_417 = arith.constant 1 : i32
        %add3A_418 = vector.broadcast %add3A_417 : i32 to vector<16xi32>
        %add3A_419 = arith.addi %add3A_414, %add3A_418 : vector<16xi32>
        %gather3A_420 = tpu.vector_load_idx %arg5[%add3A_419] : memref<40000xf32, #tpu.memory_space<vmem>>[vector<16xi32>], vector<16xf32>,
        %max3A_421 = arith.maximumf %max3A_416, %gather3A_420 : vector<16xf32>
        %add3A_422 = arith.constant 1 : i32
        %add3A_423 = vector.broadcast %add3A_422 : i32 to vector<16xi32>
        %add3A_424 = arith.addi %add3A_419, %add3A_423 : vector<16xi32>
        %gather3A_425 = tpu.vector_load_idx %arg5[%add3A_424] : memref<40000xf32, #tpu.memory_space<vmem>>[vector<16xi32>], vector<16xf32>,
        %max3A_426 = arith.maximumf %max3A_421, %gather3A_425 : vector<16xf32>
        %add3A_427 = arith.constant 1 : i32
        %add3A_428 = vector.broadcast %add3A_427 : i32 to vector<16xi32>
        %add3A_429 = arith.addi %add3A_424, %add3A_428 : vector<16xi32>
        %gather3A_430 = tpu.vector_load_idx %arg5[%add3A_429] : memref<40000xf32, #tpu.memory_space<vmem>>[vector<16xi32>], vector<16xf32>,
        %max3A_431 = arith.maximumf %max3A_426, %gather3A_430 : vector<16xf32>
        %add3A_432 = arith.constant 1 : i32
        %add3A_433 = vector.broadcast %add3A_432 : i32 to vector<16xi32>
        %add3A_434 = arith.addi %add3A_429, %add3A_433 : vector<16xi32>
        %gather3A_435 = tpu.vector_load_idx %arg5[%add3A_434] : memref<40000xf32, #tpu.memory_space<vmem>>[vector<16xi32>], vector<16xf32>,
        %max3A_436 = arith.maximumf %max3A_431, %gather3A_435 : vector<16xf32>
        %add3A_437 = arith.constant 1 : i32
        %add3A_438 = vector.broadcast %add3A_437 : i32 to vector<16xi32>
        %add3A_439 = arith.addi %add3A_434, %add3A_438 : vector<16xi32>
        %gather3A_440 = tpu.vector_load_idx %arg5[%add3A_439] : memref<40000xf32, #tpu.memory_space<vmem>>[vector<16xi32>], vector<16xf32>,
        %max3A_441 = arith.maximumf %max3A_436, %gather3A_440 : vector<16xf32>
        %add3A_442 = arith.constant 1 : i32
        %add3A_443 = vector.broadcast %add3A_442 : i32 to vector<16xi32>
        %add3A_444 = arith.addi %add3A_439, %add3A_443 : vector<16xi32>
        %gather3A_445 = tpu.vector_load_idx %arg5[%add3A_444] : memref<40000xf32, #tpu.memory_space<vmem>>[vector<16xi32>], vector<16xf32>,
        %max3A_446 = arith.maximumf %max3A_441, %gather3A_445 : vector<16xf32>
        %add3A_447 = arith.constant 1 : i32
        %add3A_448 = vector.broadcast %add3A_447 : i32 to vector<16xi32>
        %add3A_449 = arith.addi %add3A_444, %add3A_448 : vector<16xi32>
        %gather3A_450 = tpu.vector_load_idx %arg5[%add3A_449] : memref<40000xf32, #tpu.memory_space<vmem>>[vector<16xi32>], vector<16xf32>,
        %max3A_451 = arith.maximumf %max3A_446, %gather3A_450 : vector<16xf32>
        %add3A_452 = arith.constant 1 : i32
        %add3A_453 = vector.broadcast %add3A_452 : i32 to vector<16xi32>
        %add3A_454 = arith.addi %add3A_449, %add3A_453 : vector<16xi32>
        %gather3A_455 = tpu.vector_load_idx %arg5[%add3A_454] : memref<40000xf32, #tpu.memory_space<vmem>>[vector<16xi32>], vector<16xf32>,
        %max3A_456 = arith.maximumf %max3A_451, %gather3A_455 : vector<16xf32>
        %add3A_457 = arith.constant 1 : i32
        %add3A_458 = vector.broadcast %add3A_457 : i32 to vector<16xi32>
        %add3A_459 = arith.addi %add3A_454, %add3A_458 : vector<16xi32>
        %gather3A_460 = tpu.vector_load_idx %arg5[%add3A_459] : memref<40000xf32, #tpu.memory_space<vmem>>[vector<16xi32>], vector<16xf32>,
        %max3A_461 = arith.maximumf %max3A_456, %gather3A_460 : vector<16xf32>
        %add3A_462 = arith.constant 1 : i32
        %add3A_463 = vector.broadcast %add3A_462 : i32 to vector<16xi32>
        %add3A_464 = arith.addi %add3A_459, %add3A_463 : vector<16xi32>
        %gather3A_465 = tpu.vector_load_idx %arg5[%add3A_464] : memref<40000xf32, #tpu.memory_space<vmem>>[vector<16xi32>], vector<16xf32>,
        %max3A_466 = arith.maximumf %max3A_461, %gather3A_465 : vector<16xf32>
        %add3A_467 = arith.constant 1 : i32
        %add3A_468 = vector.broadcast %add3A_467 : i32 to vector<16xi32>
        %add3A_469 = arith.addi %add3A_464, %add3A_468 : vector<16xi32>
        %gather3A_470 = tpu.vector_load_idx %arg5[%add3A_469] : memref<40000xf32, #tpu.memory_space<vmem>>[vector<16xi32>], vector<16xf32>,
        %max3A_471 = arith.maximumf %max3A_466, %gather3A_470 : vector<16xf32>
        %add3A_472 = arith.constant 1 : i32
        %add3A_473 = vector.broadcast %add3A_472 : i32 to vector<16xi32>
        %add3A_474 = arith.addi %add3A_469, %add3A_473 : vector<16xi32>
        %gather3A_475 = tpu.vector_load_idx %arg5[%add3A_474] : memref<40000xf32, #tpu.memory_space<vmem>>[vector<16xi32>], vector<16xf32>,
        %max3A_476 = arith.maximumf %max3A_471, %gather3A_475 : vector<16xf32>
        %add3A_477 = arith.constant 1 : i32
        %add3A_478 = vector.broadcast %add3A_477 : i32 to vector<16xi32>
        %add3A_479 = arith.addi %add3A_474, %add3A_478 : vector<16xi32>
        %gather3A_480 = tpu.vector_load_idx %arg5[%add3A_479] : memref<40000xf32, #tpu.memory_space<vmem>>[vector<16xi32>], vector<16xf32>,
        %max3A_481 = arith.maximumf %max3A_476, %gather3A_480 : vector<16xf32>
        %add3A_482 = arith.constant 1 : i32
        %add3A_483 = vector.broadcast %add3A_482 : i32 to vector<16xi32>
        %add3A_484 = arith.addi %add3A_479, %add3A_483 : vector<16xi32>
        %gather3A_485 = tpu.vector_load_idx %arg5[%add3A_484] : memref<40000xf32, #tpu.memory_space<vmem>>[vector<16xi32>], vector<16xf32>,
        %max3A_486 = arith.maximumf %max3A_481, %gather3A_485 : vector<16xf32>
        %add3A_487 = arith.constant 1 : i32
        %add3A_488 = vector.broadcast %add3A_487 : i32 to vector<16xi32>
        %add3A_489 = arith.addi %add3A_484, %add3A_488 : vector<16xi32>
        %gather3A_490 = tpu.vector_load_idx %arg5[%add3A_489] : memref<40000xf32, #tpu.memory_space<vmem>>[vector<16xi32>], vector<16xf32>,
        %max3A_491 = arith.maximumf %max3A_486, %gather3A_490 : vector<16xf32>
        %add3A_492 = arith.constant 1 : i32
        %add3A_493 = vector.broadcast %add3A_492 : i32 to vector<16xi32>
        %add3A_494 = arith.addi %add3A_489, %add3A_493 : vector<16xi32>
        %gather3A_495 = tpu.vector_load_idx %arg5[%add3A_494] : memref<40000xf32, #tpu.memory_space<vmem>>[vector<16xi32>], vector<16xf32>,
        %max3A_496 = arith.maximumf %max3A_491, %gather3A_495 : vector<16xf32>
        %add3A_497 = arith.constant 1 : i32
        %add3A_498 = vector.broadcast %add3A_497 : i32 to vector<16xi32>
        %add3A_499 = arith.addi %add3A_494, %add3A_498 : vector<16xi32>
        %gather3A_500 = tpu.vector_load_idx %arg5[%add3A_499] : memref<40000xf32, #tpu.memory_space<vmem>>[vector<16xi32>], vector<16xf32>,
        %max3A_501 = arith.maximumf %max3A_496, %gather3A_500 : vector<16xf32>
        %add3A_502 = arith.constant 1 : i32
        %add3A_503 = vector.broadcast %add3A_502 : i32 to vector<16xi32>
        %add3A_504 = arith.addi %add3A_499, %add3A_503 : vector<16xi32>
        %gather3A_505 = tpu.vector_load_idx %arg5[%add3A_504] : memref<40000xf32, #tpu.memory_space<vmem>>[vector<16xi32>], vector<16xf32>,
        %max3A_506 = arith.maximumf %max3A_501, %gather3A_505 : vector<16xf32>
        %add3A_507 = arith.constant 1 : i32
        %add3A_508 = vector.broadcast %add3A_507 : i32 to vector<16xi32>
        %add3A_509 = arith.addi %add3A_504, %add3A_508 : vector<16xi32>
        %gather3A_510 = tpu.vector_load_idx %arg5[%add3A_509] : memref<40000xf32, #tpu.memory_space<vmem>>[vector<16xi32>], vector<16xf32>,
        %max3A_511 = arith.maximumf %max3A_506, %gather3A_510 : vector<16xf32>
        %add3A_512 = arith.constant 1 : i32
        %add3A_513 = vector.broadcast %add3A_512 : i32 to vector<16xi32>
        %add3A_514 = arith.addi %add3A_509, %add3A_513 : vector<16xi32>
        %gather3A_515 = tpu.vector_load_idx %arg5[%add3A_514] : memref<40000xf32, #tpu.memory_space<vmem>>[vector<16xi32>], vector<16xf32>,
        %max3A_516 = arith.maximumf %max3A_511, %gather3A_515 : vector<16xf32>
        %add3A_517 = arith.constant 1 : i32
        %add3A_518 = vector.broadcast %add3A_517 : i32 to vector<16xi32>
        %add3A_519 = arith.addi %add3A_514, %add3A_518 : vector<16xi32>
        %gather3A_520 = tpu.vector_load_idx %arg5[%add3A_519] : memref<40000xf32, #tpu.memory_space<vmem>>[vector<16xi32>], vector<16xf32>,
        %max3A_521 = arith.maximumf %max3A_516, %gather3A_520 : vector<16xf32>
        %add3A_522 = arith.constant 1 : i32
        %add3A_523 = vector.broadcast %add3A_522 : i32 to vector<16xi32>
        %add3A_524 = arith.addi %add3A_519, %add3A_523 : vector<16xi32>
        %gather3A_525 = tpu.vector_load_idx %arg5[%add3A_524] : memref<40000xf32, #tpu.memory_space<vmem>>[vector<16xi32>], vector<16xf32>,
        %max3A_526 = arith.maximumf %max3A_521, %gather3A_525 : vector<16xf32>
        %add3A_527 = arith.constant 1 : i32
        %add3A_528 = vector.broadcast %add3A_527 : i32 to vector<16xi32>
        %add3A_529 = arith.addi %add3A_524, %add3A_528 : vector<16xi32>
        %gather3A_530 = tpu.vector_load_idx %arg5[%add3A_529] : memref<40000xf32, #tpu.memory_space<vmem>>[vector<16xi32>], vector<16xf32>,
        %max3A_531 = arith.maximumf %max3A_526, %gather3A_530 : vector<16xf32>
        %add3A_532 = arith.constant 1 : i32
        %add3A_533 = vector.broadcast %add3A_532 : i32 to vector<16xi32>
        %add3A_534 = arith.addi %add3A_529, %add3A_533 : vector<16xi32>
        %gather3A_535 = tpu.vector_load_idx %arg5[%add3A_534] : memref<40000xf32, #tpu.memory_space<vmem>>[vector<16xi32>], vector<16xf32>,
        %max3A_536 = arith.maximumf %max3A_531, %gather3A_535 : vector<16xf32>
        %add3A_537 = arith.constant 1 : i32
        %add3A_538 = vector.broadcast %add3A_537 : i32 to vector<16xi32>
        %add3A_539 = arith.addi %add3A_534, %add3A_538 : vector<16xi32>
        %gather3A_540 = tpu.vector_load_idx %arg5[%add3A_539] : memref<40000xf32, #tpu.memory_space<vmem>>[vector<16xi32>], vector<16xf32>,
        %max3A_541 = arith.maximumf %max3A_536, %gather3A_540 : vector<16xf32>
        %add3A_542 = arith.constant 1 : i32
        %add3A_543 = vector.broadcast %add3A_542 : i32 to vector<16xi32>
        %add3A_544 = arith.addi %add3A_539, %add3A_543 : vector<16xi32>
        %gather3A_545 = tpu.vector_load_idx %arg5[%add3A_544] : memref<40000xf32, #tpu.memory_space<vmem>>[vector<16xi32>], vector<16xf32>,
        %max3A_546 = arith.maximumf %max3A_541, %gather3A_545 : vector<16xf32>
        %add3A_547 = arith.constant 1 : i32
        %add3A_548 = vector.broadcast %add3A_547 : i32 to vector<16xi32>
        %add3A_549 = arith.addi %add3A_544, %add3A_548 : vector<16xi32>
        %gather3A_550 = tpu.vector_load_idx %arg5[%add3A_549] : memref<40000xf32, #tpu.memory_space<vmem>>[vector<16xi32>], vector<16xf32>,
        %max3A_551 = arith.maximumf %max3A_546, %gather3A_550 : vector<16xf32>
        %add3A_552 = arith.constant 1 : i32
        %add3A_553 = vector.broadcast %add3A_552 : i32 to vector<16xi32>
        %add3A_554 = arith.addi %add3A_549, %add3A_553 : vector<16xi32>
        %gather3A_555 = tpu.vector_load_idx %arg5[%add3A_554] : memref<40000xf32, #tpu.memory_space<vmem>>[vector<16xi32>], vector<16xf32>,
        %max3A_556 = arith.maximumf %max3A_551, %gather3A_555 : vector<16xf32>
        %add3A_557 = arith.constant 1 : i32
        %add3A_558 = vector.broadcast %add3A_557 : i32 to vector<16xi32>
        %add3A_559 = arith.addi %add3A_554, %add3A_558 : vector<16xi32>
        %gather3A_560 = tpu.vector_load_idx %arg5[%add3A_559] : memref<40000xf32, #tpu.memory_space<vmem>>[vector<16xi32>], vector<16xf32>,
        %max3A_561 = arith.maximumf %max3A_556, %gather3A_560 : vector<16xf32>
        %add3A_562 = arith.constant 1 : i32
        %add3A_563 = vector.broadcast %add3A_562 : i32 to vector<16xi32>
        %add3A_564 = arith.addi %add3A_559, %add3A_563 : vector<16xi32>
        %gather3A_565 = tpu.vector_load_idx %arg5[%add3A_564] : memref<40000xf32, #tpu.memory_space<vmem>>[vector<16xi32>], vector<16xf32>,
        %max3A_566 = arith.maximumf %max3A_561, %gather3A_565 : vector<16xf32>
        %add3A_567 = arith.constant 1 : i32
        %add3A_568 = vector.broadcast %add3A_567 : i32 to vector<16xi32>
        %add3A_569 = arith.addi %add3A_564, %add3A_568 : vector<16xi32>
        %gather3A_570 = tpu.vector_load_idx %arg5[%add3A_569] : memref<40000xf32, #tpu.memory_space<vmem>>[vector<16xi32>], vector<16xf32>,
        %max3A_571 = arith.maximumf %max3A_566, %gather3A_570 : vector<16xf32>
        %add3A_572 = arith.constant 1 : i32
        %add3A_573 = vector.broadcast %add3A_572 : i32 to vector<16xi32>
        %add3A_574 = arith.addi %add3A_569, %add3A_573 : vector<16xi32>
        %gather3A_575 = tpu.vector_load_idx %arg5[%add3A_574] : memref<40000xf32, #tpu.memory_space<vmem>>[vector<16xi32>], vector<16xf32>,
        %max3A_576 = arith.maximumf %max3A_571, %gather3A_575 : vector<16xf32>
        %add3A_577 = arith.constant 1 : i32
        %add3A_578 = vector.broadcast %add3A_577 : i32 to vector<16xi32>
        %add3A_579 = arith.addi %add3A_574, %add3A_578 : vector<16xi32>
        %gather3A_580 = tpu.vector_load_idx %arg5[%add3A_579] : memref<40000xf32, #tpu.memory_space<vmem>>[vector<16xi32>], vector<16xf32>,
        %max3A_581 = arith.maximumf %max3A_576, %gather3A_580 : vector<16xf32>
        %add3A_582 = arith.constant 1 : i32
        %add3A_583 = vector.broadcast %add3A_582 : i32 to vector<16xi32>
        %add3A_584 = arith.addi %add3A_579, %add3A_583 : vector<16xi32>
        %gather3A_585 = tpu.vector_load_idx %arg5[%add3A_584] : memref<40000xf32, #tpu.memory_space<vmem>>[vector<16xi32>], vector<16xf32>,
        %max3A_586 = arith.maximumf %max3A_581, %gather3A_585 : vector<16xf32>
        %add3A_587 = arith.constant 1 : i32
        %add3A_588 = vector.broadcast %add3A_587 : i32 to vector<16xi32>
        %add3A_589 = arith.addi %add3A_584, %add3A_588 : vector<16xi32>
        %gather3A_590 = tpu.vector_load_idx %arg5[%add3A_589] : memref<40000xf32, #tpu.memory_space<vmem>>[vector<16xi32>], vector<16xf32>,
        %max3A_591 = arith.maximumf %max3A_586, %gather3A_590 : vector<16xf32>
        %add3A_592 = arith.constant 1 : i32
        %add3A_593 = vector.broadcast %add3A_592 : i32 to vector<16xi32>
        %add3A_594 = arith.addi %add3A_589, %add3A_593 : vector<16xi32>
        %gather3A_595 = tpu.vector_load_idx %arg5[%add3A_594] : memref<40000xf32, #tpu.memory_space<vmem>>[vector<16xi32>], vector<16xf32>,
        %max3A_596 = arith.maximumf %max3A_591, %gather3A_595 : vector<16xf32>
        %add3A_597 = arith.constant 1 : i32
        %add3A_598 = vector.broadcast %add3A_597 : i32 to vector<16xi32>
        %add3A_599 = arith.addi %add3A_594, %add3A_598 : vector<16xi32>
        %gather3A_600 = tpu.vector_load_idx %arg5[%add3A_599] : memref<40000xf32, #tpu.memory_space<vmem>>[vector<16xi32>], vector<16xf32>,
        %max3A_601 = arith.maximumf %max3A_596, %gather3A_600 : vector<16xf32>
        %add3A_602 = arith.constant 1 : i32
        %add3A_603 = vector.broadcast %add3A_602 : i32 to vector<16xi32>
        %add3A_604 = arith.addi %add3A_599, %add3A_603 : vector<16xi32>
        %gather3A_605 = tpu.vector_load_idx %arg5[%add3A_604] : memref<40000xf32, #tpu.memory_space<vmem>>[vector<16xi32>], vector<16xf32>,
        %max3A_606 = arith.maximumf %max3A_601, %gather3A_605 : vector<16xf32>
        %add3A_607 = arith.constant 1 : i32
        %add3A_608 = vector.broadcast %add3A_607 : i32 to vector<16xi32>
        %add3A_609 = arith.addi %add3A_604, %add3A_608 : vector<16xi32>
        %gather3A_610 = tpu.vector_load_idx %arg5[%add3A_609] : memref<40000xf32, #tpu.memory_space<vmem>>[vector<16xi32>], vector<16xf32>,
        %max3A_611 = arith.maximumf %max3A_606, %gather3A_610 : vector<16xf32>
        %add3A_612 = arith.constant 1 : i32
        %add3A_613 = vector.broadcast %add3A_612 : i32 to vector<16xi32>
        %add3A_614 = arith.addi %add3A_609, %add3A_613 : vector<16xi32>
        %gather3A_615 = tpu.vector_load_idx %arg5[%add3A_614] : memref<40000xf32, #tpu.memory_space<vmem>>[vector<16xi32>], vector<16xf32>,
        %max3A_616 = arith.maximumf %max3A_611, %gather3A_615 : vector<16xf32>
        %add3A_617 = arith.constant 1 : i32
        %add3A_618 = vector.broadcast %add3A_617 : i32 to vector<16xi32>
        %add3A_619 = arith.addi %add3A_614, %add3A_618 : vector<16xi32>
        %gather3A_620 = tpu.vector_load_idx %arg5[%add3A_619] : memref<40000xf32, #tpu.memory_space<vmem>>[vector<16xi32>], vector<16xf32>,
        %max3A_621 = arith.maximumf %max3A_616, %gather3A_620 : vector<16xf32>
        %add3A_622 = arith.constant 1 : i32
        %add3A_623 = vector.broadcast %add3A_622 : i32 to vector<16xi32>
        %add3A_624 = arith.addi %add3A_619, %add3A_623 : vector<16xi32>
        %gather3A_625 = tpu.vector_load_idx %arg5[%add3A_624] : memref<40000xf32, #tpu.memory_space<vmem>>[vector<16xi32>], vector<16xf32>,
        %max3A_626 = arith.maximumf %max3A_621, %gather3A_625 : vector<16xf32>
        %add3A_627 = arith.constant 1 : i32
        %add3A_628 = vector.broadcast %add3A_627 : i32 to vector<16xi32>
        %add3A_629 = arith.addi %add3A_624, %add3A_628 : vector<16xi32>
        %gather3A_630 = tpu.vector_load_idx %arg5[%add3A_629] : memref<40000xf32, #tpu.memory_space<vmem>>[vector<16xi32>], vector<16xf32>,
        %max3A_631 = arith.maximumf %max3A_626, %gather3A_630 : vector<16xf32>
        %add3A_632 = arith.constant 1 : i32
        %add3A_633 = vector.broadcast %add3A_632 : i32 to vector<16xi32>
        %add3A_634 = arith.addi %add3A_629, %add3A_633 : vector<16xi32>
        %gather3A_635 = tpu.vector_load_idx %arg5[%add3A_634] : memref<40000xf32, #tpu.memory_space<vmem>>[vector<16xi32>], vector<16xf32>,
        %max3A_636 = arith.maximumf %max3A_631, %gather3A_635 : vector<16xf32>
        %add3A_637 = arith.constant 1 : i32
        %add3A_638 = vector.broadcast %add3A_637 : i32 to vector<16xi32>
        %add3A_639 = arith.addi %add3A_634, %add3A_638 : vector<16xi32>
        %gather3A_640 = tpu.vector_load_idx %arg5[%add3A_639] : memref<40000xf32, #tpu.memory_space<vmem>>[vector<16xi32>], vector<16xf32>,
        %max3A_641 = arith.maximumf %max3A_636, %gather3A_640 : vector<16xf32>
        %add3A_642 = arith.constant 1 : i32
        %add3A_643 = vector.broadcast %add3A_642 : i32 to vector<16xi32>
        %add3A_644 = arith.addi %add3A_639, %add3A_643 : vector<16xi32>
        %gather3A_645 = tpu.vector_load_idx %arg5[%add3A_644] : memref<40000xf32, #tpu.memory_space<vmem>>[vector<16xi32>], vector<16xf32>,
        %max3A_646 = arith.maximumf %max3A_641, %gather3A_645 : vector<16xf32>
        %add3A_647 = arith.constant 1 : i32
        %add3A_648 = vector.broadcast %add3A_647 : i32 to vector<16xi32>
        %add3A_649 = arith.addi %add3A_644, %add3A_648 : vector<16xi32>
        %gather3A_650 = tpu.vector_load_idx %arg5[%add3A_649] : memref<40000xf32, #tpu.memory_space<vmem>>[vector<16xi32>], vector<16xf32>,
        %max3A_651 = arith.maximumf %max3A_646, %gather3A_650 : vector<16xf32>
        %add3A_652 = arith.constant 1 : i32
        %add3A_653 = vector.broadcast %add3A_652 : i32 to vector<16xi32>
        %add3A_654 = arith.addi %add3A_649, %add3A_653 : vector<16xi32>
        %gather3A_655 = tpu.vector_load_idx %arg5[%add3A_654] : memref<40000xf32, #tpu.memory_space<vmem>>[vector<16xi32>], vector<16xf32>,
        %max3A_656 = arith.maximumf %max3A_651, %gather3A_655 : vector<16xf32>
        %add3A_657 = arith.constant 1 : i32
        %add3A_658 = vector.broadcast %add3A_657 : i32 to vector<16xi32>
        %add3A_659 = arith.addi %add3A_654, %add3A_658 : vector<16xi32>
        %gather3A_660 = tpu.vector_load_idx %arg5[%add3A_659] : memref<40000xf32, #tpu.memory_space<vmem>>[vector<16xi32>], vector<16xf32>,
        %max3A_661 = arith.maximumf %max3A_656, %gather3A_660 : vector<16xf32>
        %add3A_662 = arith.constant 1 : i32
        %add3A_663 = vector.broadcast %add3A_662 : i32 to vector<16xi32>
        %add3A_664 = arith.addi %add3A_659, %add3A_663 : vector<16xi32>
        %gather3A_665 = tpu.vector_load_idx %arg5[%mul3A_164] : memref<40000xf32, #tpu.memory_space<vmem>>[vector<16xi32>], vector<16xf32>,
        %exp3A = math.exp %gather3A_665 : vector<16xf32>
        %add3A_666 = arith.addf %broadcast_in_dim3A_5, %exp3A : vector<16xf32>
        %eq3A = arith.cmpf oeq, %gather3A_665, %max3A_661 : vector<16xf32>
        %jit3A = arith.constant 0.000000e+00 : f32
        %jit3A_667 = arith.constant 0.000000e+00 : f32
        %broadcast_in_dim3A_668 = vector.broadcast %jit3A : f32 to vector<16xf32>
        %broadcast_in_dim3A_669 = vector.broadcast %jit3A_667 : f32 to vector<16xf32>
        %select_n3A = arith.select %eq3A, %broadcast_in_dim3A_668, %broadcast_in_dim3A_669 : vector<16xi1>, vector<16xf32>
        %add3A_670 = arith.addf %broadcast_in_dim3A_5, %select_n3A : vector<16xf32>
        %add3A_671 = arith.constant 1 : i32
        %add3A_672 = vector.broadcast %add3A_671 : i32 to vector<16xi32>
        %add3A_673 = arith.addi %mul3A_164, %add3A_672 : vector<16xi32>
        %gather3A_674 = tpu.vector_load_idx %arg5[%add3A_673] : memref<40000xf32, #tpu.memory_space<vmem>>[vector<16xi32>], vector<16xf32>,
        %exp3A_675 = math.exp %gather3A_674 : vector<16xf32>
        %add3A_676 = arith.addf %add3A_666, %exp3A_675 : vector<16xf32>
        %eq3A_677 = arith.cmpf oeq, %gather3A_674, %max3A_661 : vector<16xf32>
        %jit3A_678 = arith.constant 1.000000e+00 : f32
        %jit3A_679 = arith.constant 0.000000e+00 : f32
        %broadcast_in_dim3A_680 = vector.broadcast %jit3A_678 : f32 to vector<16xf32>
        %broadcast_in_dim3A_681 = vector.broadcast %jit3A_679 : f32 to vector<16xf32>
        %select_n3A_682 = arith.select %eq3A_677, %broadcast_in_dim3A_680, %broadcast_in_dim3A_681 : vector<16xi1>, vector<16xf32>
        %add3A_683 = arith.addf %add3A_670, %select_n3A_682 : vector<16xf32>
        %add3A_684 = arith.constant 1 : i32
        %add3A_685 = vector.broadcast %add3A_684 : i32 to vector<16xi32>
        %add3A_686 = arith.addi %add3A_673, %add3A_685 : vector<16xi32>
        %gather3A_687 = tpu.vector_load_idx %arg5[%add3A_686] : memref<40000xf32, #tpu.memory_space<vmem>>[vector<16xi32>], vector<16xf32>,
        %exp3A_688 = math.exp %gather3A_687 : vector<16xf32>
        %add3A_689 = arith.addf %add3A_676, %exp3A_688 : vector<16xf32>
        %eq3A_690 = arith.cmpf oeq, %gather3A_687, %max3A_661 : vector<16xf32>
        %jit3A_691 = arith.constant 2.000000e+00 : f32
        %jit3A_692 = arith.constant 0.000000e+00 : f32
        %broadcast_in_dim3A_693 = vector.broadcast %jit3A_691 : f32 to vector<16xf32>
        %broadcast_in_dim3A_694 = vector.broadcast %jit3A_692 : f32 to vector<16xf32>
        %select_n3A_695 = arith.select %eq3A_690, %broadcast_in_dim3A_693, %broadcast_in_dim3A_694 : vector<16xi1>, vector<16xf32>
        %add3A_696 = arith.addf %add3A_683, %select_n3A_695 : vector<16xf32>
        %add3A_697 = arith.constant 1 : i32
        %add3A_698 = vector.broadcast %add3A_697 : i32 to vector<16xi32>
        %add3A_699 = arith.addi %add3A_686, %add3A_698 : vector<16xi32>
        %gather3A_700 = tpu.vector_load_idx %arg5[%add3A_699] : memref<40000xf32, #tpu.memory_space<vmem>>[vector<16xi32>], vector<16xf32>,
        %exp3A_701 = math.exp %gather3A_700 : vector<16xf32>
        %add3A_702 = arith.addf %add3A_689, %exp3A_701 : vector<16xf32>
        %eq3A_703 = arith.cmpf oeq, %gather3A_700, %max3A_661 : vector<16xf32>
        %jit3A_704 = arith.constant 3.000000e+00 : f32
        %jit3A_705 = arith.constant 0.000000e+00 : f32
        %broadcast_in_dim3A_706 = vector.broadcast %jit3A_704 : f32 to vector<16xf32>
        %broadcast_in_dim3A_707 = vector.broadcast %jit3A_705 : f32 to vector<16xf32>
        %select_n3A_708 = arith.select %eq3A_703, %broadcast_in_dim3A_706, %broadcast_in_dim3A_707 : vector<16xi1>, vector<16xf32>
        %add3A_709 = arith.addf %add3A_696, %select_n3A_708 : vector<16xf32>
        %add3A_710 = arith.constant 1 : i32
        %add3A_711 = vector.broadcast %add3A_710 : i32 to vector<16xi32>
        %add3A_712 = arith.addi %add3A_699, %add3A_711 : vector<16xi32>
        %gather3A_713 = tpu.vector_load_idx %arg5[%add3A_712] : memref<40000xf32, #tpu.memory_space<vmem>>[vector<16xi32>], vector<16xf32>,
        %exp3A_714 = math.exp %gather3A_713 : vector<16xf32>
        %add3A_715 = arith.addf %add3A_702, %exp3A_714 : vector<16xf32>
        %eq3A_716 = arith.cmpf oeq, %gather3A_713, %max3A_661 : vector<16xf32>
        %jit3A_717 = arith.constant 4.000000e+00 : f32
        %jit3A_718 = arith.constant 0.000000e+00 : f32
        %broadcast_in_dim3A_719 = vector.broadcast %jit3A_717 : f32 to vector<16xf32>
        %broadcast_in_dim3A_720 = vector.broadcast %jit3A_718 : f32 to vector<16xf32>
        %select_n3A_721 = arith.select %eq3A_716, %broadcast_in_dim3A_719, %broadcast_in_dim3A_720 : vector<16xi1>, vector<16xf32>
        %add3A_722 = arith.addf %add3A_709, %select_n3A_721 : vector<16xf32>
        %add3A_723 = arith.constant 1 : i32
        %add3A_724 = vector.broadcast %add3A_723 : i32 to vector<16xi32>
        %add3A_725 = arith.addi %add3A_712, %add3A_724 : vector<16xi32>
        %gather3A_726 = tpu.vector_load_idx %arg5[%add3A_725] : memref<40000xf32, #tpu.memory_space<vmem>>[vector<16xi32>], vector<16xf32>,
        %exp3A_727 = math.exp %gather3A_726 : vector<16xf32>
        %add3A_728 = arith.addf %add3A_715, %exp3A_727 : vector<16xf32>
        %eq3A_729 = arith.cmpf oeq, %gather3A_726, %max3A_661 : vector<16xf32>
        %jit3A_730 = arith.constant 5.000000e+00 : f32
        %jit3A_731 = arith.constant 0.000000e+00 : f32
        %broadcast_in_dim3A_732 = vector.broadcast %jit3A_730 : f32 to vector<16xf32>
        %broadcast_in_dim3A_733 = vector.broadcast %jit3A_731 : f32 to vector<16xf32>
        %select_n3A_734 = arith.select %eq3A_729, %broadcast_in_dim3A_732, %broadcast_in_dim3A_733 : vector<16xi1>, vector<16xf32>
        %add3A_735 = arith.addf %add3A_722, %select_n3A_734 : vector<16xf32>
        %add3A_736 = arith.constant 1 : i32
        %add3A_737 = vector.broadcast %add3A_736 : i32 to vector<16xi32>
        %add3A_738 = arith.addi %add3A_725, %add3A_737 : vector<16xi32>
        %gather3A_739 = tpu.vector_load_idx %arg5[%add3A_738] : memref<40000xf32, #tpu.memory_space<vmem>>[vector<16xi32>], vector<16xf32>,
        %exp3A_740 = math.exp %gather3A_739 : vector<16xf32>
        %add3A_741 = arith.addf %add3A_728, %exp3A_740 : vector<16xf32>
        %eq3A_742 = arith.cmpf oeq, %gather3A_739, %max3A_661 : vector<16xf32>
        %jit3A_743 = arith.constant 6.000000e+00 : f32
        %jit3A_744 = arith.constant 0.000000e+00 : f32
        %broadcast_in_dim3A_745 = vector.broadcast %jit3A_743 : f32 to vector<16xf32>
        %broadcast_in_dim3A_746 = vector.broadcast %jit3A_744 : f32 to vector<16xf32>
        %select_n3A_747 = arith.select %eq3A_742, %broadcast_in_dim3A_745, %broadcast_in_dim3A_746 : vector<16xi1>, vector<16xf32>
        %add3A_748 = arith.addf %add3A_735, %select_n3A_747 : vector<16xf32>
        %add3A_749 = arith.constant 1 : i32
        %add3A_750 = vector.broadcast %add3A_749 : i32 to vector<16xi32>
        %add3A_751 = arith.addi %add3A_738, %add3A_750 : vector<16xi32>
        %gather3A_752 = tpu.vector_load_idx %arg5[%add3A_751] : memref<40000xf32, #tpu.memory_space<vmem>>[vector<16xi32>], vector<16xf32>,
        %exp3A_753 = math.exp %gather3A_752 : vector<16xf32>
        %add3A_754 = arith.addf %add3A_741, %exp3A_753 : vector<16xf32>
        %eq3A_755 = arith.cmpf oeq, %gather3A_752, %max3A_661 : vector<16xf32>
        %jit3A_756 = arith.constant 7.000000e+00 : f32
        %jit3A_757 = arith.constant 0.000000e+00 : f32
        %broadcast_in_dim3A_758 = vector.broadcast %jit3A_756 : f32 to vector<16xf32>
        %broadcast_in_dim3A_759 = vector.broadcast %jit3A_757 : f32 to vector<16xf32>
        %select_n3A_760 = arith.select %eq3A_755, %broadcast_in_dim3A_758, %broadcast_in_dim3A_759 : vector<16xi1>, vector<16xf32>
        %add3A_761 = arith.addf %add3A_748, %select_n3A_760 : vector<16xf32>
        %add3A_762 = arith.constant 1 : i32
        %add3A_763 = vector.broadcast %add3A_762 : i32 to vector<16xi32>
        %add3A_764 = arith.addi %add3A_751, %add3A_763 : vector<16xi32>
        %gather3A_765 = tpu.vector_load_idx %arg5[%add3A_764] : memref<40000xf32, #tpu.memory_space<vmem>>[vector<16xi32>], vector<16xf32>,
        %exp3A_766 = math.exp %gather3A_765 : vector<16xf32>
        %add3A_767 = arith.addf %add3A_754, %exp3A_766 : vector<16xf32>
        %eq3A_768 = arith.cmpf oeq, %gather3A_765, %max3A_661 : vector<16xf32>
        %jit3A_769 = arith.constant 8.000000e+00 : f32
        %jit3A_770 = arith.constant 0.000000e+00 : f32
        %broadcast_in_dim3A_771 = vector.broadcast %jit3A_769 : f32 to vector<16xf32>
        %broadcast_in_dim3A_772 = vector.broadcast %jit3A_770 : f32 to vector<16xf32>
        %select_n3A_773 = arith.select %eq3A_768, %broadcast_in_dim3A_771, %broadcast_in_dim3A_772 : vector<16xi1>, vector<16xf32>
        %add3A_774 = arith.addf %add3A_761, %select_n3A_773 : vector<16xf32>
        %add3A_775 = arith.constant 1 : i32
        %add3A_776 = vector.broadcast %add3A_775 : i32 to vector<16xi32>
        %add3A_777 = arith.addi %add3A_764, %add3A_776 : vector<16xi32>
        %gather3A_778 = tpu.vector_load_idx %arg5[%add3A_777] : memref<40000xf32, #tpu.memory_space<vmem>>[vector<16xi32>], vector<16xf32>,
        %exp3A_779 = math.exp %gather3A_778 : vector<16xf32>
        %add3A_780 = arith.addf %add3A_767, %exp3A_779 : vector<16xf32>
        %eq3A_781 = arith.cmpf oeq, %gather3A_778, %max3A_661 : vector<16xf32>
        %jit3A_782 = arith.constant 9.000000e+00 : f32
        %jit3A_783 = arith.constant 0.000000e+00 : f32
        %broadcast_in_dim3A_784 = vector.broadcast %jit3A_782 : f32 to vector<16xf32>
        %broadcast_in_dim3A_785 = vector.broadcast %jit3A_783 : f32 to vector<16xf32>
        %select_n3A_786 = arith.select %eq3A_781, %broadcast_in_dim3A_784, %broadcast_in_dim3A_785 : vector<16xi1>, vector<16xf32>
        %add3A_787 = arith.addf %add3A_774, %select_n3A_786 : vector<16xf32>
        %add3A_788 = arith.constant 1 : i32
        %add3A_789 = vector.broadcast %add3A_788 : i32 to vector<16xi32>
        %add3A_790 = arith.addi %add3A_777, %add3A_789 : vector<16xi32>
        %gather3A_791 = tpu.vector_load_idx %arg5[%add3A_790] : memref<40000xf32, #tpu.memory_space<vmem>>[vector<16xi32>], vector<16xf32>,
        %exp3A_792 = math.exp %gather3A_791 : vector<16xf32>
        %add3A_793 = arith.addf %add3A_780, %exp3A_792 : vector<16xf32>
        %eq3A_794 = arith.cmpf oeq, %gather3A_791, %max3A_661 : vector<16xf32>
        %jit3A_795 = arith.constant 1.000000e+01 : f32
        %jit3A_796 = arith.constant 0.000000e+00 : f32
        %broadcast_in_dim3A_797 = vector.broadcast %jit3A_795 : f32 to vector<16xf32>
        %broadcast_in_dim3A_798 = vector.broadcast %jit3A_796 : f32 to vector<16xf32>
        %select_n3A_799 = arith.select %eq3A_794, %broadcast_in_dim3A_797, %broadcast_in_dim3A_798 : vector<16xi1>, vector<16xf32>
        %add3A_800 = arith.addf %add3A_787, %select_n3A_799 : vector<16xf32>
        %add3A_801 = arith.constant 1 : i32
        %add3A_802 = vector.broadcast %add3A_801 : i32 to vector<16xi32>
        %add3A_803 = arith.addi %add3A_790, %add3A_802 : vector<16xi32>
        %gather3A_804 = tpu.vector_load_idx %arg5[%add3A_803] : memref<40000xf32, #tpu.memory_space<vmem>>[vector<16xi32>], vector<16xf32>,
        %exp3A_805 = math.exp %gather3A_804 : vector<16xf32>
        %add3A_806 = arith.addf %add3A_793, %exp3A_805 : vector<16xf32>
        %eq3A_807 = arith.cmpf oeq, %gather3A_804, %max3A_661 : vector<16xf32>
        %jit3A_808 = arith.constant 1.100000e+01 : f32
        %jit3A_809 = arith.constant 0.000000e+00 : f32
        %broadcast_in_dim3A_810 = vector.broadcast %jit3A_808 : f32 to vector<16xf32>
        %broadcast_in_dim3A_811 = vector.broadcast %jit3A_809 : f32 to vector<16xf32>
        %select_n3A_812 = arith.select %eq3A_807, %broadcast_in_dim3A_810, %broadcast_in_dim3A_811 : vector<16xi1>, vector<16xf32>
        %add3A_813 = arith.addf %add3A_800, %select_n3A_812 : vector<16xf32>
        %add3A_814 = arith.constant 1 : i32
        %add3A_815 = vector.broadcast %add3A_814 : i32 to vector<16xi32>
        %add3A_816 = arith.addi %add3A_803, %add3A_815 : vector<16xi32>
        %gather3A_817 = tpu.vector_load_idx %arg5[%add3A_816] : memref<40000xf32, #tpu.memory_space<vmem>>[vector<16xi32>], vector<16xf32>,
        %exp3A_818 = math.exp %gather3A_817 : vector<16xf32>
        %add3A_819 = arith.addf %add3A_806, %exp3A_818 : vector<16xf32>
        %eq3A_820 = arith.cmpf oeq, %gather3A_817, %max3A_661 : vector<16xf32>
        %jit3A_821 = arith.constant 1.200000e+01 : f32
        %jit3A_822 = arith.constant 0.000000e+00 : f32
        %broadcast_in_dim3A_823 = vector.broadcast %jit3A_821 : f32 to vector<16xf32>
        %broadcast_in_dim3A_824 = vector.broadcast %jit3A_822 : f32 to vector<16xf32>
        %select_n3A_825 = arith.select %eq3A_820, %broadcast_in_dim3A_823, %broadcast_in_dim3A_824 : vector<16xi1>, vector<16xf32>
        %add3A_826 = arith.addf %add3A_813, %select_n3A_825 : vector<16xf32>
        %add3A_827 = arith.constant 1 : i32
        %add3A_828 = vector.broadcast %add3A_827 : i32 to vector<16xi32>
        %add3A_829 = arith.addi %add3A_816, %add3A_828 : vector<16xi32>
        %gather3A_830 = tpu.vector_load_idx %arg5[%add3A_829] : memref<40000xf32, #tpu.memory_space<vmem>>[vector<16xi32>], vector<16xf32>,
        %exp3A_831 = math.exp %gather3A_830 : vector<16xf32>
        %add3A_832 = arith.addf %add3A_819, %exp3A_831 : vector<16xf32>
        %eq3A_833 = arith.cmpf oeq, %gather3A_830, %max3A_661 : vector<16xf32>
        %jit3A_834 = arith.constant 1.300000e+01 : f32
        %jit3A_835 = arith.constant 0.000000e+00 : f32
        %broadcast_in_dim3A_836 = vector.broadcast %jit3A_834 : f32 to vector<16xf32>
        %broadcast_in_dim3A_837 = vector.broadcast %jit3A_835 : f32 to vector<16xf32>
        %select_n3A_838 = arith.select %eq3A_833, %broadcast_in_dim3A_836, %broadcast_in_dim3A_837 : vector<16xi1>, vector<16xf32>
        %add3A_839 = arith.addf %add3A_826, %select_n3A_838 : vector<16xf32>
        %add3A_840 = arith.constant 1 : i32
        %add3A_841 = vector.broadcast %add3A_840 : i32 to vector<16xi32>
        %add3A_842 = arith.addi %add3A_829, %add3A_841 : vector<16xi32>
        %gather3A_843 = tpu.vector_load_idx %arg5[%add3A_842] : memref<40000xf32, #tpu.memory_space<vmem>>[vector<16xi32>], vector<16xf32>,
        %exp3A_844 = math.exp %gather3A_843 : vector<16xf32>
        %add3A_845 = arith.addf %add3A_832, %exp3A_844 : vector<16xf32>
        %eq3A_846 = arith.cmpf oeq, %gather3A_843, %max3A_661 : vector<16xf32>
        %jit3A_847 = arith.constant 1.400000e+01 : f32
        %jit3A_848 = arith.constant 0.000000e+00 : f32
        %broadcast_in_dim3A_849 = vector.broadcast %jit3A_847 : f32 to vector<16xf32>
        %broadcast_in_dim3A_850 = vector.broadcast %jit3A_848 : f32 to vector<16xf32>
        %select_n3A_851 = arith.select %eq3A_846, %broadcast_in_dim3A_849, %broadcast_in_dim3A_850 : vector<16xi1>, vector<16xf32>
        %add3A_852 = arith.addf %add3A_839, %select_n3A_851 : vector<16xf32>
        %add3A_853 = arith.constant 1 : i32
        %add3A_854 = vector.broadcast %add3A_853 : i32 to vector<16xi32>
        %add3A_855 = arith.addi %add3A_842, %add3A_854 : vector<16xi32>
        %gather3A_856 = tpu.vector_load_idx %arg5[%add3A_855] : memref<40000xf32, #tpu.memory_space<vmem>>[vector<16xi32>], vector<16xf32>,
        %exp3A_857 = math.exp %gather3A_856 : vector<16xf32>
        %add3A_858 = arith.addf %add3A_845, %exp3A_857 : vector<16xf32>
        %eq3A_859 = arith.cmpf oeq, %gather3A_856, %max3A_661 : vector<16xf32>
        %jit3A_860 = arith.constant 1.500000e+01 : f32
        %jit3A_861 = arith.constant 0.000000e+00 : f32
        %broadcast_in_dim3A_862 = vector.broadcast %jit3A_860 : f32 to vector<16xf32>
        %broadcast_in_dim3A_863 = vector.broadcast %jit3A_861 : f32 to vector<16xf32>
        %select_n3A_864 = arith.select %eq3A_859, %broadcast_in_dim3A_862, %broadcast_in_dim3A_863 : vector<16xi1>, vector<16xf32>
        %add3A_865 = arith.addf %add3A_852, %select_n3A_864 : vector<16xf32>
        %add3A_866 = arith.constant 1 : i32
        %add3A_867 = vector.broadcast %add3A_866 : i32 to vector<16xi32>
        %add3A_868 = arith.addi %add3A_855, %add3A_867 : vector<16xi32>
        %gather3A_869 = tpu.vector_load_idx %arg5[%add3A_868] : memref<40000xf32, #tpu.memory_space<vmem>>[vector<16xi32>], vector<16xf32>,
        %exp3A_870 = math.exp %gather3A_869 : vector<16xf32>
        %add3A_871 = arith.addf %add3A_858, %exp3A_870 : vector<16xf32>
        %eq3A_872 = arith.cmpf oeq, %gather3A_869, %max3A_661 : vector<16xf32>
        %jit3A_873 = arith.constant 1.600000e+01 : f32
        %jit3A_874 = arith.constant 0.000000e+00 : f32
        %broadcast_in_dim3A_875 = vector.broadcast %jit3A_873 : f32 to vector<16xf32>
        %broadcast_in_dim3A_876 = vector.broadcast %jit3A_874 : f32 to vector<16xf32>
        %select_n3A_877 = arith.select %eq3A_872, %broadcast_in_dim3A_875, %broadcast_in_dim3A_876 : vector<16xi1>, vector<16xf32>
        %add3A_878 = arith.addf %add3A_865, %select_n3A_877 : vector<16xf32>
        %add3A_879 = arith.constant 1 : i32
        %add3A_880 = vector.broadcast %add3A_879 : i32 to vector<16xi32>
        %add3A_881 = arith.addi %add3A_868, %add3A_880 : vector<16xi32>
        %gather3A_882 = tpu.vector_load_idx %arg5[%add3A_881] : memref<40000xf32, #tpu.memory_space<vmem>>[vector<16xi32>], vector<16xf32>,
        %exp3A_883 = math.exp %gather3A_882 : vector<16xf32>
        %add3A_884 = arith.addf %add3A_871, %exp3A_883 : vector<16xf32>
        %eq3A_885 = arith.cmpf oeq, %gather3A_882, %max3A_661 : vector<16xf32>
        %jit3A_886 = arith.constant 1.700000e+01 : f32
        %jit3A_887 = arith.constant 0.000000e+00 : f32
        %broadcast_in_dim3A_888 = vector.broadcast %jit3A_886 : f32 to vector<16xf32>
        %broadcast_in_dim3A_889 = vector.broadcast %jit3A_887 : f32 to vector<16xf32>
        %select_n3A_890 = arith.select %eq3A_885, %broadcast_in_dim3A_888, %broadcast_in_dim3A_889 : vector<16xi1>, vector<16xf32>
        %add3A_891 = arith.addf %add3A_878, %select_n3A_890 : vector<16xf32>
        %add3A_892 = arith.constant 1 : i32
        %add3A_893 = vector.broadcast %add3A_892 : i32 to vector<16xi32>
        %add3A_894 = arith.addi %add3A_881, %add3A_893 : vector<16xi32>
        %gather3A_895 = tpu.vector_load_idx %arg5[%add3A_894] : memref<40000xf32, #tpu.memory_space<vmem>>[vector<16xi32>], vector<16xf32>,
        %exp3A_896 = math.exp %gather3A_895 : vector<16xf32>
        %add3A_897 = arith.addf %add3A_884, %exp3A_896 : vector<16xf32>
        %eq3A_898 = arith.cmpf oeq, %gather3A_895, %max3A_661 : vector<16xf32>
        %jit3A_899 = arith.constant 1.800000e+01 : f32
        %jit3A_900 = arith.constant 0.000000e+00 : f32
        %broadcast_in_dim3A_901 = vector.broadcast %jit3A_899 : f32 to vector<16xf32>
        %broadcast_in_dim3A_902 = vector.broadcast %jit3A_900 : f32 to vector<16xf32>
        %select_n3A_903 = arith.select %eq3A_898, %broadcast_in_dim3A_901, %broadcast_in_dim3A_902 : vector<16xi1>, vector<16xf32>
        %add3A_904 = arith.addf %add3A_891, %select_n3A_903 : vector<16xf32>
        %add3A_905 = arith.constant 1 : i32
        %add3A_906 = vector.broadcast %add3A_905 : i32 to vector<16xi32>
        %add3A_907 = arith.addi %add3A_894, %add3A_906 : vector<16xi32>
        %gather3A_908 = tpu.vector_load_idx %arg5[%add3A_907] : memref<40000xf32, #tpu.memory_space<vmem>>[vector<16xi32>], vector<16xf32>,
        %exp3A_909 = math.exp %gather3A_908 : vector<16xf32>
        %add3A_910 = arith.addf %add3A_897, %exp3A_909 : vector<16xf32>
        %eq3A_911 = arith.cmpf oeq, %gather3A_908, %max3A_661 : vector<16xf32>
        %jit3A_912 = arith.constant 1.900000e+01 : f32
        %jit3A_913 = arith.constant 0.000000e+00 : f32
        %broadcast_in_dim3A_914 = vector.broadcast %jit3A_912 : f32 to vector<16xf32>
        %broadcast_in_dim3A_915 = vector.broadcast %jit3A_913 : f32 to vector<16xf32>
        %select_n3A_916 = arith.select %eq3A_911, %broadcast_in_dim3A_914, %broadcast_in_dim3A_915 : vector<16xi1>, vector<16xf32>
        %add3A_917 = arith.addf %add3A_904, %select_n3A_916 : vector<16xf32>
        %add3A_918 = arith.constant 1 : i32
        %add3A_919 = vector.broadcast %add3A_918 : i32 to vector<16xi32>
        %add3A_920 = arith.addi %add3A_907, %add3A_919 : vector<16xi32>
        %gather3A_921 = tpu.vector_load_idx %arg5[%add3A_920] : memref<40000xf32, #tpu.memory_space<vmem>>[vector<16xi32>], vector<16xf32>,
        %exp3A_922 = math.exp %gather3A_921 : vector<16xf32>
        %add3A_923 = arith.addf %add3A_910, %exp3A_922 : vector<16xf32>
        %eq3A_924 = arith.cmpf oeq, %gather3A_921, %max3A_661 : vector<16xf32>
        %jit3A_925 = arith.constant 2.000000e+01 : f32
        %jit3A_926 = arith.constant 0.000000e+00 : f32
        %broadcast_in_dim3A_927 = vector.broadcast %jit3A_925 : f32 to vector<16xf32>
        %broadcast_in_dim3A_928 = vector.broadcast %jit3A_926 : f32 to vector<16xf32>
        %select_n3A_929 = arith.select %eq3A_924, %broadcast_in_dim3A_927, %broadcast_in_dim3A_928 : vector<16xi1>, vector<16xf32>
        %add3A_930 = arith.addf %add3A_917, %select_n3A_929 : vector<16xf32>
        %add3A_931 = arith.constant 1 : i32
        %add3A_932 = vector.broadcast %add3A_931 : i32 to vector<16xi32>
        %add3A_933 = arith.addi %add3A_920, %add3A_932 : vector<16xi32>
        %gather3A_934 = tpu.vector_load_idx %arg5[%add3A_933] : memref<40000xf32, #tpu.memory_space<vmem>>[vector<16xi32>], vector<16xf32>,
        %exp3A_935 = math.exp %gather3A_934 : vector<16xf32>
        %add3A_936 = arith.addf %add3A_923, %exp3A_935 : vector<16xf32>
        %eq3A_937 = arith.cmpf oeq, %gather3A_934, %max3A_661 : vector<16xf32>
        %jit3A_938 = arith.constant 2.100000e+01 : f32
        %jit3A_939 = arith.constant 0.000000e+00 : f32
        %broadcast_in_dim3A_940 = vector.broadcast %jit3A_938 : f32 to vector<16xf32>
        %broadcast_in_dim3A_941 = vector.broadcast %jit3A_939 : f32 to vector<16xf32>
        %select_n3A_942 = arith.select %eq3A_937, %broadcast_in_dim3A_940, %broadcast_in_dim3A_941 : vector<16xi1>, vector<16xf32>
        %add3A_943 = arith.addf %add3A_930, %select_n3A_942 : vector<16xf32>
        %add3A_944 = arith.constant 1 : i32
        %add3A_945 = vector.broadcast %add3A_944 : i32 to vector<16xi32>
        %add3A_946 = arith.addi %add3A_933, %add3A_945 : vector<16xi32>
        %gather3A_947 = tpu.vector_load_idx %arg5[%add3A_946] : memref<40000xf32, #tpu.memory_space<vmem>>[vector<16xi32>], vector<16xf32>,
        %exp3A_948 = math.exp %gather3A_947 : vector<16xf32>
        %add3A_949 = arith.addf %add3A_936, %exp3A_948 : vector<16xf32>
        %eq3A_950 = arith.cmpf oeq, %gather3A_947, %max3A_661 : vector<16xf32>
        %jit3A_951 = arith.constant 2.200000e+01 : f32
        %jit3A_952 = arith.constant 0.000000e+00 : f32
        %broadcast_in_dim3A_953 = vector.broadcast %jit3A_951 : f32 to vector<16xf32>
        %broadcast_in_dim3A_954 = vector.broadcast %jit3A_952 : f32 to vector<16xf32>
        %select_n3A_955 = arith.select %eq3A_950, %broadcast_in_dim3A_953, %broadcast_in_dim3A_954 : vector<16xi1>, vector<16xf32>
        %add3A_956 = arith.addf %add3A_943, %select_n3A_955 : vector<16xf32>
        %add3A_957 = arith.constant 1 : i32
        %add3A_958 = vector.broadcast %add3A_957 : i32 to vector<16xi32>
        %add3A_959 = arith.addi %add3A_946, %add3A_958 : vector<16xi32>
        %gather3A_960 = tpu.vector_load_idx %arg5[%add3A_959] : memref<40000xf32, #tpu.memory_space<vmem>>[vector<16xi32>], vector<16xf32>,
        %exp3A_961 = math.exp %gather3A_960 : vector<16xf32>
        %add3A_962 = arith.addf %add3A_949, %exp3A_961 : vector<16xf32>
        %eq3A_963 = arith.cmpf oeq, %gather3A_960, %max3A_661 : vector<16xf32>
        %jit3A_964 = arith.constant 2.300000e+01 : f32
        %jit3A_965 = arith.constant 0.000000e+00 : f32
        %broadcast_in_dim3A_966 = vector.broadcast %jit3A_964 : f32 to vector<16xf32>
        %broadcast_in_dim3A_967 = vector.broadcast %jit3A_965 : f32 to vector<16xf32>
        %select_n3A_968 = arith.select %eq3A_963, %broadcast_in_dim3A_966, %broadcast_in_dim3A_967 : vector<16xi1>, vector<16xf32>
        %add3A_969 = arith.addf %add3A_956, %select_n3A_968 : vector<16xf32>
        %add3A_970 = arith.constant 1 : i32
        %add3A_971 = vector.broadcast %add3A_970 : i32 to vector<16xi32>
        %add3A_972 = arith.addi %add3A_959, %add3A_971 : vector<16xi32>
        %gather3A_973 = tpu.vector_load_idx %arg5[%add3A_972] : memref<40000xf32, #tpu.memory_space<vmem>>[vector<16xi32>], vector<16xf32>,
        %exp3A_974 = math.exp %gather3A_973 : vector<16xf32>
        %add3A_975 = arith.addf %add3A_962, %exp3A_974 : vector<16xf32>
        %eq3A_976 = arith.cmpf oeq, %gather3A_973, %max3A_661 : vector<16xf32>
        %jit3A_977 = arith.constant 2.400000e+01 : f32
        %jit3A_978 = arith.constant 0.000000e+00 : f32
        %broadcast_in_dim3A_979 = vector.broadcast %jit3A_977 : f32 to vector<16xf32>
        %broadcast_in_dim3A_980 = vector.broadcast %jit3A_978 : f32 to vector<16xf32>
        %select_n3A_981 = arith.select %eq3A_976, %broadcast_in_dim3A_979, %broadcast_in_dim3A_980 : vector<16xi1>, vector<16xf32>
        %add3A_982 = arith.addf %add3A_969, %select_n3A_981 : vector<16xf32>
        %add3A_983 = arith.constant 1 : i32
        %add3A_984 = vector.broadcast %add3A_983 : i32 to vector<16xi32>
        %add3A_985 = arith.addi %add3A_972, %add3A_984 : vector<16xi32>
        %gather3A_986 = tpu.vector_load_idx %arg5[%add3A_985] : memref<40000xf32, #tpu.memory_space<vmem>>[vector<16xi32>], vector<16xf32>,
        %exp3A_987 = math.exp %gather3A_986 : vector<16xf32>
        %add3A_988 = arith.addf %add3A_975, %exp3A_987 : vector<16xf32>
        %eq3A_989 = arith.cmpf oeq, %gather3A_986, %max3A_661 : vector<16xf32>
        %jit3A_990 = arith.constant 2.500000e+01 : f32
        %jit3A_991 = arith.constant 0.000000e+00 : f32
        %broadcast_in_dim3A_992 = vector.broadcast %jit3A_990 : f32 to vector<16xf32>
        %broadcast_in_dim3A_993 = vector.broadcast %jit3A_991 : f32 to vector<16xf32>
        %select_n3A_994 = arith.select %eq3A_989, %broadcast_in_dim3A_992, %broadcast_in_dim3A_993 : vector<16xi1>, vector<16xf32>
        %add3A_995 = arith.addf %add3A_982, %select_n3A_994 : vector<16xf32>
        %add3A_996 = arith.constant 1 : i32
        %add3A_997 = vector.broadcast %add3A_996 : i32 to vector<16xi32>
        %add3A_998 = arith.addi %add3A_985, %add3A_997 : vector<16xi32>
        %gather3A_999 = tpu.vector_load_idx %arg5[%add3A_998] : memref<40000xf32, #tpu.memory_space<vmem>>[vector<16xi32>], vector<16xf32>,
        %exp3A_1000 = math.exp %gather3A_999 : vector<16xf32>
        %add3A_1001 = arith.addf %add3A_988, %exp3A_1000 : vector<16xf32>
        %eq3A_1002 = arith.cmpf oeq, %gather3A_999, %max3A_661 : vector<16xf32>
        %jit3A_1003 = arith.constant 2.600000e+01 : f32
        %jit3A_1004 = arith.constant 0.000000e+00 : f32
        %broadcast_in_dim3A_1005 = vector.broadcast %jit3A_1003 : f32 to vector<16xf32>
        %broadcast_in_dim3A_1006 = vector.broadcast %jit3A_1004 : f32 to vector<16xf32>
        %select_n3A_1007 = arith.select %eq3A_1002, %broadcast_in_dim3A_1005, %broadcast_in_dim3A_1006 : vector<16xi1>, vector<16xf32>
        %add3A_1008 = arith.addf %add3A_995, %select_n3A_1007 : vector<16xf32>
        %add3A_1009 = arith.constant 1 : i32
        %add3A_1010 = vector.broadcast %add3A_1009 : i32 to vector<16xi32>
        %add3A_1011 = arith.addi %add3A_998, %add3A_1010 : vector<16xi32>
        %gather3A_1012 = tpu.vector_load_idx %arg5[%add3A_1011] : memref<40000xf32, #tpu.memory_space<vmem>>[vector<16xi32>], vector<16xf32>,
        %exp3A_1013 = math.exp %gather3A_1012 : vector<16xf32>
        %add3A_1014 = arith.addf %add3A_1001, %exp3A_1013 : vector<16xf32>
        %eq3A_1015 = arith.cmpf oeq, %gather3A_1012, %max3A_661 : vector<16xf32>
        %jit3A_1016 = arith.constant 2.700000e+01 : f32
        %jit3A_1017 = arith.constant 0.000000e+00 : f32
        %broadcast_in_dim3A_1018 = vector.broadcast %jit3A_1016 : f32 to vector<16xf32>
        %broadcast_in_dim3A_1019 = vector.broadcast %jit3A_1017 : f32 to vector<16xf32>
        %select_n3A_1020 = arith.select %eq3A_1015, %broadcast_in_dim3A_1018, %broadcast_in_dim3A_1019 : vector<16xi1>, vector<16xf32>
        %add3A_1021 = arith.addf %add3A_1008, %select_n3A_1020 : vector<16xf32>
        %add3A_1022 = arith.constant 1 : i32
        %add3A_1023 = vector.broadcast %add3A_1022 : i32 to vector<16xi32>
        %add3A_1024 = arith.addi %add3A_1011, %add3A_1023 : vector<16xi32>
        %gather3A_1025 = tpu.vector_load_idx %arg5[%add3A_1024] : memref<40000xf32, #tpu.memory_space<vmem>>[vector<16xi32>], vector<16xf32>,
        %exp3A_1026 = math.exp %gather3A_1025 : vector<16xf32>
        %add3A_1027 = arith.addf %add3A_1014, %exp3A_1026 : vector<16xf32>
        %eq3A_1028 = arith.cmpf oeq, %gather3A_1025, %max3A_661 : vector<16xf32>
        %jit3A_1029 = arith.constant 2.800000e+01 : f32
        %jit3A_1030 = arith.constant 0.000000e+00 : f32
        %broadcast_in_dim3A_1031 = vector.broadcast %jit3A_1029 : f32 to vector<16xf32>
        %broadcast_in_dim3A_1032 = vector.broadcast %jit3A_1030 : f32 to vector<16xf32>
        %select_n3A_1033 = arith.select %eq3A_1028, %broadcast_in_dim3A_1031, %broadcast_in_dim3A_1032 : vector<16xi1>, vector<16xf32>
        %add3A_1034 = arith.addf %add3A_1021, %select_n3A_1033 : vector<16xf32>
        %add3A_1035 = arith.constant 1 : i32
        %add3A_1036 = vector.broadcast %add3A_1035 : i32 to vector<16xi32>
        %add3A_1037 = arith.addi %add3A_1024, %add3A_1036 : vector<16xi32>
        %gather3A_1038 = tpu.vector_load_idx %arg5[%add3A_1037] : memref<40000xf32, #tpu.memory_space<vmem>>[vector<16xi32>], vector<16xf32>,
        %exp3A_1039 = math.exp %gather3A_1038 : vector<16xf32>
        %add3A_1040 = arith.addf %add3A_1027, %exp3A_1039 : vector<16xf32>
        %eq3A_1041 = arith.cmpf oeq, %gather3A_1038, %max3A_661 : vector<16xf32>
        %jit3A_1042 = arith.constant 2.900000e+01 : f32
        %jit3A_1043 = arith.constant 0.000000e+00 : f32
        %broadcast_in_dim3A_1044 = vector.broadcast %jit3A_1042 : f32 to vector<16xf32>
        %broadcast_in_dim3A_1045 = vector.broadcast %jit3A_1043 : f32 to vector<16xf32>
        %select_n3A_1046 = arith.select %eq3A_1041, %broadcast_in_dim3A_1044, %broadcast_in_dim3A_1045 : vector<16xi1>, vector<16xf32>
        %add3A_1047 = arith.addf %add3A_1034, %select_n3A_1046 : vector<16xf32>
        %add3A_1048 = arith.constant 1 : i32
        %add3A_1049 = vector.broadcast %add3A_1048 : i32 to vector<16xi32>
        %add3A_1050 = arith.addi %add3A_1037, %add3A_1049 : vector<16xi32>
        %gather3A_1051 = tpu.vector_load_idx %arg5[%add3A_1050] : memref<40000xf32, #tpu.memory_space<vmem>>[vector<16xi32>], vector<16xf32>,
        %exp3A_1052 = math.exp %gather3A_1051 : vector<16xf32>
        %add3A_1053 = arith.addf %add3A_1040, %exp3A_1052 : vector<16xf32>
        %eq3A_1054 = arith.cmpf oeq, %gather3A_1051, %max3A_661 : vector<16xf32>
        %jit3A_1055 = arith.constant 3.000000e+01 : f32
        %jit3A_1056 = arith.constant 0.000000e+00 : f32
        %broadcast_in_dim3A_1057 = vector.broadcast %jit3A_1055 : f32 to vector<16xf32>
        %broadcast_in_dim3A_1058 = vector.broadcast %jit3A_1056 : f32 to vector<16xf32>
        %select_n3A_1059 = arith.select %eq3A_1054, %broadcast_in_dim3A_1057, %broadcast_in_dim3A_1058 : vector<16xi1>, vector<16xf32>
        %add3A_1060 = arith.addf %add3A_1047, %select_n3A_1059 : vector<16xf32>
        %add3A_1061 = arith.constant 1 : i32
        %add3A_1062 = vector.broadcast %add3A_1061 : i32 to vector<16xi32>
        %add3A_1063 = arith.addi %add3A_1050, %add3A_1062 : vector<16xi32>
        %gather3A_1064 = tpu.vector_load_idx %arg5[%add3A_1063] : memref<40000xf32, #tpu.memory_space<vmem>>[vector<16xi32>], vector<16xf32>,
        %exp3A_1065 = math.exp %gather3A_1064 : vector<16xf32>
        %add3A_1066 = arith.addf %add3A_1053, %exp3A_1065 : vector<16xf32>
        %eq3A_1067 = arith.cmpf oeq, %gather3A_1064, %max3A_661 : vector<16xf32>
        %jit3A_1068 = arith.constant 3.100000e+01 : f32
        %jit3A_1069 = arith.constant 0.000000e+00 : f32
        %broadcast_in_dim3A_1070 = vector.broadcast %jit3A_1068 : f32 to vector<16xf32>
        %broadcast_in_dim3A_1071 = vector.broadcast %jit3A_1069 : f32 to vector<16xf32>
        %select_n3A_1072 = arith.select %eq3A_1067, %broadcast_in_dim3A_1070, %broadcast_in_dim3A_1071 : vector<16xi1>, vector<16xf32>
        %add3A_1073 = arith.addf %add3A_1060, %select_n3A_1072 : vector<16xf32>
        %add3A_1074 = arith.constant 1 : i32
        %add3A_1075 = vector.broadcast %add3A_1074 : i32 to vector<16xi32>
        %add3A_1076 = arith.addi %add3A_1063, %add3A_1075 : vector<16xi32>
        %gather3A_1077 = tpu.vector_load_idx %arg5[%add3A_1076] : memref<40000xf32, #tpu.memory_space<vmem>>[vector<16xi32>], vector<16xf32>,
        %exp3A_1078 = math.exp %gather3A_1077 : vector<16xf32>
        %add3A_1079 = arith.addf %add3A_1066, %exp3A_1078 : vector<16xf32>
        %eq3A_1080 = arith.cmpf oeq, %gather3A_1077, %max3A_661 : vector<16xf32>
        %jit3A_1081 = arith.constant 3.200000e+01 : f32
        %jit3A_1082 = arith.constant 0.000000e+00 : f32
        %broadcast_in_dim3A_1083 = vector.broadcast %jit3A_1081 : f32 to vector<16xf32>
        %broadcast_in_dim3A_1084 = vector.broadcast %jit3A_1082 : f32 to vector<16xf32>
        %select_n3A_1085 = arith.select %eq3A_1080, %broadcast_in_dim3A_1083, %broadcast_in_dim3A_1084 : vector<16xi1>, vector<16xf32>
        %add3A_1086 = arith.addf %add3A_1073, %select_n3A_1085 : vector<16xf32>
        %add3A_1087 = arith.constant 1 : i32
        %add3A_1088 = vector.broadcast %add3A_1087 : i32 to vector<16xi32>
        %add3A_1089 = arith.addi %add3A_1076, %add3A_1088 : vector<16xi32>
        %gather3A_1090 = tpu.vector_load_idx %arg5[%add3A_1089] : memref<40000xf32, #tpu.memory_space<vmem>>[vector<16xi32>], vector<16xf32>,
        %exp3A_1091 = math.exp %gather3A_1090 : vector<16xf32>
        %add3A_1092 = arith.addf %add3A_1079, %exp3A_1091 : vector<16xf32>
        %eq3A_1093 = arith.cmpf oeq, %gather3A_1090, %max3A_661 : vector<16xf32>
        %jit3A_1094 = arith.constant 3.300000e+01 : f32
        %jit3A_1095 = arith.constant 0.000000e+00 : f32
        %broadcast_in_dim3A_1096 = vector.broadcast %jit3A_1094 : f32 to vector<16xf32>
        %broadcast_in_dim3A_1097 = vector.broadcast %jit3A_1095 : f32 to vector<16xf32>
        %select_n3A_1098 = arith.select %eq3A_1093, %broadcast_in_dim3A_1096, %broadcast_in_dim3A_1097 : vector<16xi1>, vector<16xf32>
        %add3A_1099 = arith.addf %add3A_1086, %select_n3A_1098 : vector<16xf32>
        %add3A_1100 = arith.constant 1 : i32
        %add3A_1101 = vector.broadcast %add3A_1100 : i32 to vector<16xi32>
        %add3A_1102 = arith.addi %add3A_1089, %add3A_1101 : vector<16xi32>
        %gather3A_1103 = tpu.vector_load_idx %arg5[%add3A_1102] : memref<40000xf32, #tpu.memory_space<vmem>>[vector<16xi32>], vector<16xf32>,
        %exp3A_1104 = math.exp %gather3A_1103 : vector<16xf32>
        %add3A_1105 = arith.addf %add3A_1092, %exp3A_1104 : vector<16xf32>
        %eq3A_1106 = arith.cmpf oeq, %gather3A_1103, %max3A_661 : vector<16xf32>
        %jit3A_1107 = arith.constant 3.400000e+01 : f32
        %jit3A_1108 = arith.constant 0.000000e+00 : f32
        %broadcast_in_dim3A_1109 = vector.broadcast %jit3A_1107 : f32 to vector<16xf32>
        %broadcast_in_dim3A_1110 = vector.broadcast %jit3A_1108 : f32 to vector<16xf32>
        %select_n3A_1111 = arith.select %eq3A_1106, %broadcast_in_dim3A_1109, %broadcast_in_dim3A_1110 : vector<16xi1>, vector<16xf32>
        %add3A_1112 = arith.addf %add3A_1099, %select_n3A_1111 : vector<16xf32>
        %add3A_1113 = arith.constant 1 : i32
        %add3A_1114 = vector.broadcast %add3A_1113 : i32 to vector<16xi32>
        %add3A_1115 = arith.addi %add3A_1102, %add3A_1114 : vector<16xi32>
        %gather3A_1116 = tpu.vector_load_idx %arg5[%add3A_1115] : memref<40000xf32, #tpu.memory_space<vmem>>[vector<16xi32>], vector<16xf32>,
        %exp3A_1117 = math.exp %gather3A_1116 : vector<16xf32>
        %add3A_1118 = arith.addf %add3A_1105, %exp3A_1117 : vector<16xf32>
        %eq3A_1119 = arith.cmpf oeq, %gather3A_1116, %max3A_661 : vector<16xf32>
        %jit3A_1120 = arith.constant 3.500000e+01 : f32
        %jit3A_1121 = arith.constant 0.000000e+00 : f32
        %broadcast_in_dim3A_1122 = vector.broadcast %jit3A_1120 : f32 to vector<16xf32>
        %broadcast_in_dim3A_1123 = vector.broadcast %jit3A_1121 : f32 to vector<16xf32>
        %select_n3A_1124 = arith.select %eq3A_1119, %broadcast_in_dim3A_1122, %broadcast_in_dim3A_1123 : vector<16xi1>, vector<16xf32>
        %add3A_1125 = arith.addf %add3A_1112, %select_n3A_1124 : vector<16xf32>
        %add3A_1126 = arith.constant 1 : i32
        %add3A_1127 = vector.broadcast %add3A_1126 : i32 to vector<16xi32>
        %add3A_1128 = arith.addi %add3A_1115, %add3A_1127 : vector<16xi32>
        %gather3A_1129 = tpu.vector_load_idx %arg5[%add3A_1128] : memref<40000xf32, #tpu.memory_space<vmem>>[vector<16xi32>], vector<16xf32>,
        %exp3A_1130 = math.exp %gather3A_1129 : vector<16xf32>
        %add3A_1131 = arith.addf %add3A_1118, %exp3A_1130 : vector<16xf32>
        %eq3A_1132 = arith.cmpf oeq, %gather3A_1129, %max3A_661 : vector<16xf32>
        %jit3A_1133 = arith.constant 3.600000e+01 : f32
        %jit3A_1134 = arith.constant 0.000000e+00 : f32
        %broadcast_in_dim3A_1135 = vector.broadcast %jit3A_1133 : f32 to vector<16xf32>
        %broadcast_in_dim3A_1136 = vector.broadcast %jit3A_1134 : f32 to vector<16xf32>
        %select_n3A_1137 = arith.select %eq3A_1132, %broadcast_in_dim3A_1135, %broadcast_in_dim3A_1136 : vector<16xi1>, vector<16xf32>
        %add3A_1138 = arith.addf %add3A_1125, %select_n3A_1137 : vector<16xf32>
        %add3A_1139 = arith.constant 1 : i32
        %add3A_1140 = vector.broadcast %add3A_1139 : i32 to vector<16xi32>
        %add3A_1141 = arith.addi %add3A_1128, %add3A_1140 : vector<16xi32>
        %gather3A_1142 = tpu.vector_load_idx %arg5[%add3A_1141] : memref<40000xf32, #tpu.memory_space<vmem>>[vector<16xi32>], vector<16xf32>,
        %exp3A_1143 = math.exp %gather3A_1142 : vector<16xf32>
        %add3A_1144 = arith.addf %add3A_1131, %exp3A_1143 : vector<16xf32>
        %eq3A_1145 = arith.cmpf oeq, %gather3A_1142, %max3A_661 : vector<16xf32>
        %jit3A_1146 = arith.constant 3.700000e+01 : f32
        %jit3A_1147 = arith.constant 0.000000e+00 : f32
        %broadcast_in_dim3A_1148 = vector.broadcast %jit3A_1146 : f32 to vector<16xf32>
        %broadcast_in_dim3A_1149 = vector.broadcast %jit3A_1147 : f32 to vector<16xf32>
        %select_n3A_1150 = arith.select %eq3A_1145, %broadcast_in_dim3A_1148, %broadcast_in_dim3A_1149 : vector<16xi1>, vector<16xf32>
        %add3A_1151 = arith.addf %add3A_1138, %select_n3A_1150 : vector<16xf32>
        %add3A_1152 = arith.constant 1 : i32
        %add3A_1153 = vector.broadcast %add3A_1152 : i32 to vector<16xi32>
        %add3A_1154 = arith.addi %add3A_1141, %add3A_1153 : vector<16xi32>
        %gather3A_1155 = tpu.vector_load_idx %arg5[%add3A_1154] : memref<40000xf32, #tpu.memory_space<vmem>>[vector<16xi32>], vector<16xf32>,
        %exp3A_1156 = math.exp %gather3A_1155 : vector<16xf32>
        %add3A_1157 = arith.addf %add3A_1144, %exp3A_1156 : vector<16xf32>
        %eq3A_1158 = arith.cmpf oeq, %gather3A_1155, %max3A_661 : vector<16xf32>
        %jit3A_1159 = arith.constant 3.800000e+01 : f32
        %jit3A_1160 = arith.constant 0.000000e+00 : f32
        %broadcast_in_dim3A_1161 = vector.broadcast %jit3A_1159 : f32 to vector<16xf32>
        %broadcast_in_dim3A_1162 = vector.broadcast %jit3A_1160 : f32 to vector<16xf32>
        %select_n3A_1163 = arith.select %eq3A_1158, %broadcast_in_dim3A_1161, %broadcast_in_dim3A_1162 : vector<16xi1>, vector<16xf32>
        %add3A_1164 = arith.addf %add3A_1151, %select_n3A_1163 : vector<16xf32>
        %add3A_1165 = arith.constant 1 : i32
        %add3A_1166 = vector.broadcast %add3A_1165 : i32 to vector<16xi32>
        %add3A_1167 = arith.addi %add3A_1154, %add3A_1166 : vector<16xi32>
        %gather3A_1168 = tpu.vector_load_idx %arg5[%add3A_1167] : memref<40000xf32, #tpu.memory_space<vmem>>[vector<16xi32>], vector<16xf32>,
        %exp3A_1169 = math.exp %gather3A_1168 : vector<16xf32>
        %add3A_1170 = arith.addf %add3A_1157, %exp3A_1169 : vector<16xf32>
        %eq3A_1171 = arith.cmpf oeq, %gather3A_1168, %max3A_661 : vector<16xf32>
        %jit3A_1172 = arith.constant 3.900000e+01 : f32
        %jit3A_1173 = arith.constant 0.000000e+00 : f32
        %broadcast_in_dim3A_1174 = vector.broadcast %jit3A_1172 : f32 to vector<16xf32>
        %broadcast_in_dim3A_1175 = vector.broadcast %jit3A_1173 : f32 to vector<16xf32>
        %select_n3A_1176 = arith.select %eq3A_1171, %broadcast_in_dim3A_1174, %broadcast_in_dim3A_1175 : vector<16xi1>, vector<16xf32>
        %add3A_1177 = arith.addf %add3A_1164, %select_n3A_1176 : vector<16xf32>
        %add3A_1178 = arith.constant 1 : i32
        %add3A_1179 = vector.broadcast %add3A_1178 : i32 to vector<16xi32>
        %add3A_1180 = arith.addi %add3A_1167, %add3A_1179 : vector<16xi32>
        %gather3A_1181 = tpu.vector_load_idx %arg5[%add3A_1180] : memref<40000xf32, #tpu.memory_space<vmem>>[vector<16xi32>], vector<16xf32>,
        %exp3A_1182 = math.exp %gather3A_1181 : vector<16xf32>
        %add3A_1183 = arith.addf %add3A_1170, %exp3A_1182 : vector<16xf32>
        %eq3A_1184 = arith.cmpf oeq, %gather3A_1181, %max3A_661 : vector<16xf32>
        %jit3A_1185 = arith.constant 4.000000e+01 : f32
        %jit3A_1186 = arith.constant 0.000000e+00 : f32
        %broadcast_in_dim3A_1187 = vector.broadcast %jit3A_1185 : f32 to vector<16xf32>
        %broadcast_in_dim3A_1188 = vector.broadcast %jit3A_1186 : f32 to vector<16xf32>
        %select_n3A_1189 = arith.select %eq3A_1184, %broadcast_in_dim3A_1187, %broadcast_in_dim3A_1188 : vector<16xi1>, vector<16xf32>
        %add3A_1190 = arith.addf %add3A_1177, %select_n3A_1189 : vector<16xf32>
        %add3A_1191 = arith.constant 1 : i32
        %add3A_1192 = vector.broadcast %add3A_1191 : i32 to vector<16xi32>
        %add3A_1193 = arith.addi %add3A_1180, %add3A_1192 : vector<16xi32>
        %gather3A_1194 = tpu.vector_load_idx %arg5[%add3A_1193] : memref<40000xf32, #tpu.memory_space<vmem>>[vector<16xi32>], vector<16xf32>,
        %exp3A_1195 = math.exp %gather3A_1194 : vector<16xf32>
        %add3A_1196 = arith.addf %add3A_1183, %exp3A_1195 : vector<16xf32>
        %eq3A_1197 = arith.cmpf oeq, %gather3A_1194, %max3A_661 : vector<16xf32>
        %jit3A_1198 = arith.constant 4.100000e+01 : f32
        %jit3A_1199 = arith.constant 0.000000e+00 : f32
        %broadcast_in_dim3A_1200 = vector.broadcast %jit3A_1198 : f32 to vector<16xf32>
        %broadcast_in_dim3A_1201 = vector.broadcast %jit3A_1199 : f32 to vector<16xf32>
        %select_n3A_1202 = arith.select %eq3A_1197, %broadcast_in_dim3A_1200, %broadcast_in_dim3A_1201 : vector<16xi1>, vector<16xf32>
        %add3A_1203 = arith.addf %add3A_1190, %select_n3A_1202 : vector<16xf32>
        %add3A_1204 = arith.constant 1 : i32
        %add3A_1205 = vector.broadcast %add3A_1204 : i32 to vector<16xi32>
        %add3A_1206 = arith.addi %add3A_1193, %add3A_1205 : vector<16xi32>
        %gather3A_1207 = tpu.vector_load_idx %arg5[%add3A_1206] : memref<40000xf32, #tpu.memory_space<vmem>>[vector<16xi32>], vector<16xf32>,
        %exp3A_1208 = math.exp %gather3A_1207 : vector<16xf32>
        %add3A_1209 = arith.addf %add3A_1196, %exp3A_1208 : vector<16xf32>
        %eq3A_1210 = arith.cmpf oeq, %gather3A_1207, %max3A_661 : vector<16xf32>
        %jit3A_1211 = arith.constant 4.200000e+01 : f32
        %jit3A_1212 = arith.constant 0.000000e+00 : f32
        %broadcast_in_dim3A_1213 = vector.broadcast %jit3A_1211 : f32 to vector<16xf32>
        %broadcast_in_dim3A_1214 = vector.broadcast %jit3A_1212 : f32 to vector<16xf32>
        %select_n3A_1215 = arith.select %eq3A_1210, %broadcast_in_dim3A_1213, %broadcast_in_dim3A_1214 : vector<16xi1>, vector<16xf32>
        %add3A_1216 = arith.addf %add3A_1203, %select_n3A_1215 : vector<16xf32>
        %add3A_1217 = arith.constant 1 : i32
        %add3A_1218 = vector.broadcast %add3A_1217 : i32 to vector<16xi32>
        %add3A_1219 = arith.addi %add3A_1206, %add3A_1218 : vector<16xi32>
        %gather3A_1220 = tpu.vector_load_idx %arg5[%add3A_1219] : memref<40000xf32, #tpu.memory_space<vmem>>[vector<16xi32>], vector<16xf32>,
        %exp3A_1221 = math.exp %gather3A_1220 : vector<16xf32>
        %add3A_1222 = arith.addf %add3A_1209, %exp3A_1221 : vector<16xf32>
        %eq3A_1223 = arith.cmpf oeq, %gather3A_1220, %max3A_661 : vector<16xf32>
        %jit3A_1224 = arith.constant 4.300000e+01 : f32
        %jit3A_1225 = arith.constant 0.000000e+00 : f32
        %broadcast_in_dim3A_1226 = vector.broadcast %jit3A_1224 : f32 to vector<16xf32>
        %broadcast_in_dim3A_1227 = vector.broadcast %jit3A_1225 : f32 to vector<16xf32>
        %select_n3A_1228 = arith.select %eq3A_1223, %broadcast_in_dim3A_1226, %broadcast_in_dim3A_1227 : vector<16xi1>, vector<16xf32>
        %add3A_1229 = arith.addf %add3A_1216, %select_n3A_1228 : vector<16xf32>
        %add3A_1230 = arith.constant 1 : i32
        %add3A_1231 = vector.broadcast %add3A_1230 : i32 to vector<16xi32>
        %add3A_1232 = arith.addi %add3A_1219, %add3A_1231 : vector<16xi32>
        %gather3A_1233 = tpu.vector_load_idx %arg5[%add3A_1232] : memref<40000xf32, #tpu.memory_space<vmem>>[vector<16xi32>], vector<16xf32>,
        %exp3A_1234 = math.exp %gather3A_1233 : vector<16xf32>
        %add3A_1235 = arith.addf %add3A_1222, %exp3A_1234 : vector<16xf32>
        %eq3A_1236 = arith.cmpf oeq, %gather3A_1233, %max3A_661 : vector<16xf32>
        %jit3A_1237 = arith.constant 4.400000e+01 : f32
        %jit3A_1238 = arith.constant 0.000000e+00 : f32
        %broadcast_in_dim3A_1239 = vector.broadcast %jit3A_1237 : f32 to vector<16xf32>
        %broadcast_in_dim3A_1240 = vector.broadcast %jit3A_1238 : f32 to vector<16xf32>
        %select_n3A_1241 = arith.select %eq3A_1236, %broadcast_in_dim3A_1239, %broadcast_in_dim3A_1240 : vector<16xi1>, vector<16xf32>
        %add3A_1242 = arith.addf %add3A_1229, %select_n3A_1241 : vector<16xf32>
        %add3A_1243 = arith.constant 1 : i32
        %add3A_1244 = vector.broadcast %add3A_1243 : i32 to vector<16xi32>
        %add3A_1245 = arith.addi %add3A_1232, %add3A_1244 : vector<16xi32>
        %gather3A_1246 = tpu.vector_load_idx %arg5[%add3A_1245] : memref<40000xf32, #tpu.memory_space<vmem>>[vector<16xi32>], vector<16xf32>,
        %exp3A_1247 = math.exp %gather3A_1246 : vector<16xf32>
        %add3A_1248 = arith.addf %add3A_1235, %exp3A_1247 : vector<16xf32>
        %eq3A_1249 = arith.cmpf oeq, %gather3A_1246, %max3A_661 : vector<16xf32>
        %jit3A_1250 = arith.constant 4.500000e+01 : f32
        %jit3A_1251 = arith.constant 0.000000e+00 : f32
        %broadcast_in_dim3A_1252 = vector.broadcast %jit3A_1250 : f32 to vector<16xf32>
        %broadcast_in_dim3A_1253 = vector.broadcast %jit3A_1251 : f32 to vector<16xf32>
        %select_n3A_1254 = arith.select %eq3A_1249, %broadcast_in_dim3A_1252, %broadcast_in_dim3A_1253 : vector<16xi1>, vector<16xf32>
        %add3A_1255 = arith.addf %add3A_1242, %select_n3A_1254 : vector<16xf32>
        %add3A_1256 = arith.constant 1 : i32
        %add3A_1257 = vector.broadcast %add3A_1256 : i32 to vector<16xi32>
        %add3A_1258 = arith.addi %add3A_1245, %add3A_1257 : vector<16xi32>
        %gather3A_1259 = tpu.vector_load_idx %arg5[%add3A_1258] : memref<40000xf32, #tpu.memory_space<vmem>>[vector<16xi32>], vector<16xf32>,
        %exp3A_1260 = math.exp %gather3A_1259 : vector<16xf32>
        %add3A_1261 = arith.addf %add3A_1248, %exp3A_1260 : vector<16xf32>
        %eq3A_1262 = arith.cmpf oeq, %gather3A_1259, %max3A_661 : vector<16xf32>
        %jit3A_1263 = arith.constant 4.600000e+01 : f32
        %jit3A_1264 = arith.constant 0.000000e+00 : f32
        %broadcast_in_dim3A_1265 = vector.broadcast %jit3A_1263 : f32 to vector<16xf32>
        %broadcast_in_dim3A_1266 = vector.broadcast %jit3A_1264 : f32 to vector<16xf32>
        %select_n3A_1267 = arith.select %eq3A_1262, %broadcast_in_dim3A_1265, %broadcast_in_dim3A_1266 : vector<16xi1>, vector<16xf32>
        %add3A_1268 = arith.addf %add3A_1255, %select_n3A_1267 : vector<16xf32>
        %add3A_1269 = arith.constant 1 : i32
        %add3A_1270 = vector.broadcast %add3A_1269 : i32 to vector<16xi32>
        %add3A_1271 = arith.addi %add3A_1258, %add3A_1270 : vector<16xi32>
        %gather3A_1272 = tpu.vector_load_idx %arg5[%add3A_1271] : memref<40000xf32, #tpu.memory_space<vmem>>[vector<16xi32>], vector<16xf32>,
        %exp3A_1273 = math.exp %gather3A_1272 : vector<16xf32>
        %add3A_1274 = arith.addf %add3A_1261, %exp3A_1273 : vector<16xf32>
        %eq3A_1275 = arith.cmpf oeq, %gather3A_1272, %max3A_661 : vector<16xf32>
        %jit3A_1276 = arith.constant 4.700000e+01 : f32
        %jit3A_1277 = arith.constant 0.000000e+00 : f32
        %broadcast_in_dim3A_1278 = vector.broadcast %jit3A_1276 : f32 to vector<16xf32>
        %broadcast_in_dim3A_1279 = vector.broadcast %jit3A_1277 : f32 to vector<16xf32>
        %select_n3A_1280 = arith.select %eq3A_1275, %broadcast_in_dim3A_1278, %broadcast_in_dim3A_1279 : vector<16xi1>, vector<16xf32>
        %add3A_1281 = arith.addf %add3A_1268, %select_n3A_1280 : vector<16xf32>
        %add3A_1282 = arith.constant 1 : i32
        %add3A_1283 = vector.broadcast %add3A_1282 : i32 to vector<16xi32>
        %add3A_1284 = arith.addi %add3A_1271, %add3A_1283 : vector<16xi32>
        %gather3A_1285 = tpu.vector_load_idx %arg5[%add3A_1284] : memref<40000xf32, #tpu.memory_space<vmem>>[vector<16xi32>], vector<16xf32>,
        %exp3A_1286 = math.exp %gather3A_1285 : vector<16xf32>
        %add3A_1287 = arith.addf %add3A_1274, %exp3A_1286 : vector<16xf32>
        %eq3A_1288 = arith.cmpf oeq, %gather3A_1285, %max3A_661 : vector<16xf32>
        %jit3A_1289 = arith.constant 4.800000e+01 : f32
        %jit3A_1290 = arith.constant 0.000000e+00 : f32
        %broadcast_in_dim3A_1291 = vector.broadcast %jit3A_1289 : f32 to vector<16xf32>
        %broadcast_in_dim3A_1292 = vector.broadcast %jit3A_1290 : f32 to vector<16xf32>
        %select_n3A_1293 = arith.select %eq3A_1288, %broadcast_in_dim3A_1291, %broadcast_in_dim3A_1292 : vector<16xi1>, vector<16xf32>
        %add3A_1294 = arith.addf %add3A_1281, %select_n3A_1293 : vector<16xf32>
        %add3A_1295 = arith.constant 1 : i32
        %add3A_1296 = vector.broadcast %add3A_1295 : i32 to vector<16xi32>
        %add3A_1297 = arith.addi %add3A_1284, %add3A_1296 : vector<16xi32>
        %gather3A_1298 = tpu.vector_load_idx %arg5[%add3A_1297] : memref<40000xf32, #tpu.memory_space<vmem>>[vector<16xi32>], vector<16xf32>,
        %exp3A_1299 = math.exp %gather3A_1298 : vector<16xf32>
        %add3A_1300 = arith.addf %add3A_1287, %exp3A_1299 : vector<16xf32>
        %eq3A_1301 = arith.cmpf oeq, %gather3A_1298, %max3A_661 : vector<16xf32>
        %jit3A_1302 = arith.constant 4.900000e+01 : f32
        %jit3A_1303 = arith.constant 0.000000e+00 : f32
        %broadcast_in_dim3A_1304 = vector.broadcast %jit3A_1302 : f32 to vector<16xf32>
        %broadcast_in_dim3A_1305 = vector.broadcast %jit3A_1303 : f32 to vector<16xf32>
        %select_n3A_1306 = arith.select %eq3A_1301, %broadcast_in_dim3A_1304, %broadcast_in_dim3A_1305 : vector<16xi1>, vector<16xf32>
        %add3A_1307 = arith.addf %add3A_1294, %select_n3A_1306 : vector<16xf32>
        %add3A_1308 = arith.constant 1 : i32
        %add3A_1309 = vector.broadcast %add3A_1308 : i32 to vector<16xi32>
        %add3A_1310 = arith.addi %add3A_1297, %add3A_1309 : vector<16xi32>
        %gather3A_1311 = tpu.vector_load_idx %arg5[%add3A_1310] : memref<40000xf32, #tpu.memory_space<vmem>>[vector<16xi32>], vector<16xf32>,
        %exp3A_1312 = math.exp %gather3A_1311 : vector<16xf32>
        %add3A_1313 = arith.addf %add3A_1300, %exp3A_1312 : vector<16xf32>
        %eq3A_1314 = arith.cmpf oeq, %gather3A_1311, %max3A_661 : vector<16xf32>
        %jit3A_1315 = arith.constant 5.000000e+01 : f32
        %jit3A_1316 = arith.constant 0.000000e+00 : f32
        %broadcast_in_dim3A_1317 = vector.broadcast %jit3A_1315 : f32 to vector<16xf32>
        %broadcast_in_dim3A_1318 = vector.broadcast %jit3A_1316 : f32 to vector<16xf32>
        %select_n3A_1319 = arith.select %eq3A_1314, %broadcast_in_dim3A_1317, %broadcast_in_dim3A_1318 : vector<16xi1>, vector<16xf32>
        %add3A_1320 = arith.addf %add3A_1307, %select_n3A_1319 : vector<16xf32>
        %add3A_1321 = arith.constant 1 : i32
        %add3A_1322 = vector.broadcast %add3A_1321 : i32 to vector<16xi32>
        %add3A_1323 = arith.addi %add3A_1310, %add3A_1322 : vector<16xi32>
        %gather3A_1324 = tpu.vector_load_idx %arg5[%add3A_1323] : memref<40000xf32, #tpu.memory_space<vmem>>[vector<16xi32>], vector<16xf32>,
        %exp3A_1325 = math.exp %gather3A_1324 : vector<16xf32>
        %add3A_1326 = arith.addf %add3A_1313, %exp3A_1325 : vector<16xf32>
        %eq3A_1327 = arith.cmpf oeq, %gather3A_1324, %max3A_661 : vector<16xf32>
        %jit3A_1328 = arith.constant 5.100000e+01 : f32
        %jit3A_1329 = arith.constant 0.000000e+00 : f32
        %broadcast_in_dim3A_1330 = vector.broadcast %jit3A_1328 : f32 to vector<16xf32>
        %broadcast_in_dim3A_1331 = vector.broadcast %jit3A_1329 : f32 to vector<16xf32>
        %select_n3A_1332 = arith.select %eq3A_1327, %broadcast_in_dim3A_1330, %broadcast_in_dim3A_1331 : vector<16xi1>, vector<16xf32>
        %add3A_1333 = arith.addf %add3A_1320, %select_n3A_1332 : vector<16xf32>
        %add3A_1334 = arith.constant 1 : i32
        %add3A_1335 = vector.broadcast %add3A_1334 : i32 to vector<16xi32>
        %add3A_1336 = arith.addi %add3A_1323, %add3A_1335 : vector<16xi32>
        %gather3A_1337 = tpu.vector_load_idx %arg5[%add3A_1336] : memref<40000xf32, #tpu.memory_space<vmem>>[vector<16xi32>], vector<16xf32>,
        %exp3A_1338 = math.exp %gather3A_1337 : vector<16xf32>
        %add3A_1339 = arith.addf %add3A_1326, %exp3A_1338 : vector<16xf32>
        %eq3A_1340 = arith.cmpf oeq, %gather3A_1337, %max3A_661 : vector<16xf32>
        %jit3A_1341 = arith.constant 5.200000e+01 : f32
        %jit3A_1342 = arith.constant 0.000000e+00 : f32
        %broadcast_in_dim3A_1343 = vector.broadcast %jit3A_1341 : f32 to vector<16xf32>
        %broadcast_in_dim3A_1344 = vector.broadcast %jit3A_1342 : f32 to vector<16xf32>
        %select_n3A_1345 = arith.select %eq3A_1340, %broadcast_in_dim3A_1343, %broadcast_in_dim3A_1344 : vector<16xi1>, vector<16xf32>
        %add3A_1346 = arith.addf %add3A_1333, %select_n3A_1345 : vector<16xf32>
        %add3A_1347 = arith.constant 1 : i32
        %add3A_1348 = vector.broadcast %add3A_1347 : i32 to vector<16xi32>
        %add3A_1349 = arith.addi %add3A_1336, %add3A_1348 : vector<16xi32>
        %gather3A_1350 = tpu.vector_load_idx %arg5[%add3A_1349] : memref<40000xf32, #tpu.memory_space<vmem>>[vector<16xi32>], vector<16xf32>,
        %exp3A_1351 = math.exp %gather3A_1350 : vector<16xf32>
        %add3A_1352 = arith.addf %add3A_1339, %exp3A_1351 : vector<16xf32>
        %eq3A_1353 = arith.cmpf oeq, %gather3A_1350, %max3A_661 : vector<16xf32>
        %jit3A_1354 = arith.constant 5.300000e+01 : f32
        %jit3A_1355 = arith.constant 0.000000e+00 : f32
        %broadcast_in_dim3A_1356 = vector.broadcast %jit3A_1354 : f32 to vector<16xf32>
        %broadcast_in_dim3A_1357 = vector.broadcast %jit3A_1355 : f32 to vector<16xf32>
        %select_n3A_1358 = arith.select %eq3A_1353, %broadcast_in_dim3A_1356, %broadcast_in_dim3A_1357 : vector<16xi1>, vector<16xf32>
        %add3A_1359 = arith.addf %add3A_1346, %select_n3A_1358 : vector<16xf32>
        %add3A_1360 = arith.constant 1 : i32
        %add3A_1361 = vector.broadcast %add3A_1360 : i32 to vector<16xi32>
        %add3A_1362 = arith.addi %add3A_1349, %add3A_1361 : vector<16xi32>
        %gather3A_1363 = tpu.vector_load_idx %arg5[%add3A_1362] : memref<40000xf32, #tpu.memory_space<vmem>>[vector<16xi32>], vector<16xf32>,
        %exp3A_1364 = math.exp %gather3A_1363 : vector<16xf32>
        %add3A_1365 = arith.addf %add3A_1352, %exp3A_1364 : vector<16xf32>
        %eq3A_1366 = arith.cmpf oeq, %gather3A_1363, %max3A_661 : vector<16xf32>
        %jit3A_1367 = arith.constant 5.400000e+01 : f32
        %jit3A_1368 = arith.constant 0.000000e+00 : f32
        %broadcast_in_dim3A_1369 = vector.broadcast %jit3A_1367 : f32 to vector<16xf32>
        %broadcast_in_dim3A_1370 = vector.broadcast %jit3A_1368 : f32 to vector<16xf32>
        %select_n3A_1371 = arith.select %eq3A_1366, %broadcast_in_dim3A_1369, %broadcast_in_dim3A_1370 : vector<16xi1>, vector<16xf32>
        %add3A_1372 = arith.addf %add3A_1359, %select_n3A_1371 : vector<16xf32>
        %add3A_1373 = arith.constant 1 : i32
        %add3A_1374 = vector.broadcast %add3A_1373 : i32 to vector<16xi32>
        %add3A_1375 = arith.addi %add3A_1362, %add3A_1374 : vector<16xi32>
        %gather3A_1376 = tpu.vector_load_idx %arg5[%add3A_1375] : memref<40000xf32, #tpu.memory_space<vmem>>[vector<16xi32>], vector<16xf32>,
        %exp3A_1377 = math.exp %gather3A_1376 : vector<16xf32>
        %add3A_1378 = arith.addf %add3A_1365, %exp3A_1377 : vector<16xf32>
        %eq3A_1379 = arith.cmpf oeq, %gather3A_1376, %max3A_661 : vector<16xf32>
        %jit3A_1380 = arith.constant 5.500000e+01 : f32
        %jit3A_1381 = arith.constant 0.000000e+00 : f32
        %broadcast_in_dim3A_1382 = vector.broadcast %jit3A_1380 : f32 to vector<16xf32>
        %broadcast_in_dim3A_1383 = vector.broadcast %jit3A_1381 : f32 to vector<16xf32>
        %select_n3A_1384 = arith.select %eq3A_1379, %broadcast_in_dim3A_1382, %broadcast_in_dim3A_1383 : vector<16xi1>, vector<16xf32>
        %add3A_1385 = arith.addf %add3A_1372, %select_n3A_1384 : vector<16xf32>
        %add3A_1386 = arith.constant 1 : i32
        %add3A_1387 = vector.broadcast %add3A_1386 : i32 to vector<16xi32>
        %add3A_1388 = arith.addi %add3A_1375, %add3A_1387 : vector<16xi32>
        %gather3A_1389 = tpu.vector_load_idx %arg5[%add3A_1388] : memref<40000xf32, #tpu.memory_space<vmem>>[vector<16xi32>], vector<16xf32>,
        %exp3A_1390 = math.exp %gather3A_1389 : vector<16xf32>
        %add3A_1391 = arith.addf %add3A_1378, %exp3A_1390 : vector<16xf32>
        %eq3A_1392 = arith.cmpf oeq, %gather3A_1389, %max3A_661 : vector<16xf32>
        %jit3A_1393 = arith.constant 5.600000e+01 : f32
        %jit3A_1394 = arith.constant 0.000000e+00 : f32
        %broadcast_in_dim3A_1395 = vector.broadcast %jit3A_1393 : f32 to vector<16xf32>
        %broadcast_in_dim3A_1396 = vector.broadcast %jit3A_1394 : f32 to vector<16xf32>
        %select_n3A_1397 = arith.select %eq3A_1392, %broadcast_in_dim3A_1395, %broadcast_in_dim3A_1396 : vector<16xi1>, vector<16xf32>
        %add3A_1398 = arith.addf %add3A_1385, %select_n3A_1397 : vector<16xf32>
        %add3A_1399 = arith.constant 1 : i32
        %add3A_1400 = vector.broadcast %add3A_1399 : i32 to vector<16xi32>
        %add3A_1401 = arith.addi %add3A_1388, %add3A_1400 : vector<16xi32>
        %gather3A_1402 = tpu.vector_load_idx %arg5[%add3A_1401] : memref<40000xf32, #tpu.memory_space<vmem>>[vector<16xi32>], vector<16xf32>,
        %exp3A_1403 = math.exp %gather3A_1402 : vector<16xf32>
        %add3A_1404 = arith.addf %add3A_1391, %exp3A_1403 : vector<16xf32>
        %eq3A_1405 = arith.cmpf oeq, %gather3A_1402, %max3A_661 : vector<16xf32>
        %jit3A_1406 = arith.constant 5.700000e+01 : f32
        %jit3A_1407 = arith.constant 0.000000e+00 : f32
        %broadcast_in_dim3A_1408 = vector.broadcast %jit3A_1406 : f32 to vector<16xf32>
        %broadcast_in_dim3A_1409 = vector.broadcast %jit3A_1407 : f32 to vector<16xf32>
        %select_n3A_1410 = arith.select %eq3A_1405, %broadcast_in_dim3A_1408, %broadcast_in_dim3A_1409 : vector<16xi1>, vector<16xf32>
        %add3A_1411 = arith.addf %add3A_1398, %select_n3A_1410 : vector<16xf32>
        %add3A_1412 = arith.constant 1 : i32
        %add3A_1413 = vector.broadcast %add3A_1412 : i32 to vector<16xi32>
        %add3A_1414 = arith.addi %add3A_1401, %add3A_1413 : vector<16xi32>
        %gather3A_1415 = tpu.vector_load_idx %arg5[%add3A_1414] : memref<40000xf32, #tpu.memory_space<vmem>>[vector<16xi32>], vector<16xf32>,
        %exp3A_1416 = math.exp %gather3A_1415 : vector<16xf32>
        %add3A_1417 = arith.addf %add3A_1404, %exp3A_1416 : vector<16xf32>
        %eq3A_1418 = arith.cmpf oeq, %gather3A_1415, %max3A_661 : vector<16xf32>
        %jit3A_1419 = arith.constant 5.800000e+01 : f32
        %jit3A_1420 = arith.constant 0.000000e+00 : f32
        %broadcast_in_dim3A_1421 = vector.broadcast %jit3A_1419 : f32 to vector<16xf32>
        %broadcast_in_dim3A_1422 = vector.broadcast %jit3A_1420 : f32 to vector<16xf32>
        %select_n3A_1423 = arith.select %eq3A_1418, %broadcast_in_dim3A_1421, %broadcast_in_dim3A_1422 : vector<16xi1>, vector<16xf32>
        %add3A_1424 = arith.addf %add3A_1411, %select_n3A_1423 : vector<16xf32>
        %add3A_1425 = arith.constant 1 : i32
        %add3A_1426 = vector.broadcast %add3A_1425 : i32 to vector<16xi32>
        %add3A_1427 = arith.addi %add3A_1414, %add3A_1426 : vector<16xi32>
        %gather3A_1428 = tpu.vector_load_idx %arg5[%add3A_1427] : memref<40000xf32, #tpu.memory_space<vmem>>[vector<16xi32>], vector<16xf32>,
        %exp3A_1429 = math.exp %gather3A_1428 : vector<16xf32>
        %add3A_1430 = arith.addf %add3A_1417, %exp3A_1429 : vector<16xf32>
        %eq3A_1431 = arith.cmpf oeq, %gather3A_1428, %max3A_661 : vector<16xf32>
        %jit3A_1432 = arith.constant 5.900000e+01 : f32
        %jit3A_1433 = arith.constant 0.000000e+00 : f32
        %broadcast_in_dim3A_1434 = vector.broadcast %jit3A_1432 : f32 to vector<16xf32>
        %broadcast_in_dim3A_1435 = vector.broadcast %jit3A_1433 : f32 to vector<16xf32>
        %select_n3A_1436 = arith.select %eq3A_1431, %broadcast_in_dim3A_1434, %broadcast_in_dim3A_1435 : vector<16xi1>, vector<16xf32>
        %add3A_1437 = arith.addf %add3A_1424, %select_n3A_1436 : vector<16xf32>
        %add3A_1438 = arith.constant 1 : i32
        %add3A_1439 = vector.broadcast %add3A_1438 : i32 to vector<16xi32>
        %add3A_1440 = arith.addi %add3A_1427, %add3A_1439 : vector<16xi32>
        %gather3A_1441 = tpu.vector_load_idx %arg5[%add3A_1440] : memref<40000xf32, #tpu.memory_space<vmem>>[vector<16xi32>], vector<16xf32>,
        %exp3A_1442 = math.exp %gather3A_1441 : vector<16xf32>
        %add3A_1443 = arith.addf %add3A_1430, %exp3A_1442 : vector<16xf32>
        %eq3A_1444 = arith.cmpf oeq, %gather3A_1441, %max3A_661 : vector<16xf32>
        %jit3A_1445 = arith.constant 6.000000e+01 : f32
        %jit3A_1446 = arith.constant 0.000000e+00 : f32
        %broadcast_in_dim3A_1447 = vector.broadcast %jit3A_1445 : f32 to vector<16xf32>
        %broadcast_in_dim3A_1448 = vector.broadcast %jit3A_1446 : f32 to vector<16xf32>
        %select_n3A_1449 = arith.select %eq3A_1444, %broadcast_in_dim3A_1447, %broadcast_in_dim3A_1448 : vector<16xi1>, vector<16xf32>
        %add3A_1450 = arith.addf %add3A_1437, %select_n3A_1449 : vector<16xf32>
        %add3A_1451 = arith.constant 1 : i32
        %add3A_1452 = vector.broadcast %add3A_1451 : i32 to vector<16xi32>
        %add3A_1453 = arith.addi %add3A_1440, %add3A_1452 : vector<16xi32>
        %gather3A_1454 = tpu.vector_load_idx %arg5[%add3A_1453] : memref<40000xf32, #tpu.memory_space<vmem>>[vector<16xi32>], vector<16xf32>,
        %exp3A_1455 = math.exp %gather3A_1454 : vector<16xf32>
        %add3A_1456 = arith.addf %add3A_1443, %exp3A_1455 : vector<16xf32>
        %eq3A_1457 = arith.cmpf oeq, %gather3A_1454, %max3A_661 : vector<16xf32>
        %jit3A_1458 = arith.constant 6.100000e+01 : f32
        %jit3A_1459 = arith.constant 0.000000e+00 : f32
        %broadcast_in_dim3A_1460 = vector.broadcast %jit3A_1458 : f32 to vector<16xf32>
        %broadcast_in_dim3A_1461 = vector.broadcast %jit3A_1459 : f32 to vector<16xf32>
        %select_n3A_1462 = arith.select %eq3A_1457, %broadcast_in_dim3A_1460, %broadcast_in_dim3A_1461 : vector<16xi1>, vector<16xf32>
        %add3A_1463 = arith.addf %add3A_1450, %select_n3A_1462 : vector<16xf32>
        %add3A_1464 = arith.constant 1 : i32
        %add3A_1465 = vector.broadcast %add3A_1464 : i32 to vector<16xi32>
        %add3A_1466 = arith.addi %add3A_1453, %add3A_1465 : vector<16xi32>
        %gather3A_1467 = tpu.vector_load_idx %arg5[%add3A_1466] : memref<40000xf32, #tpu.memory_space<vmem>>[vector<16xi32>], vector<16xf32>,
        %exp3A_1468 = math.exp %gather3A_1467 : vector<16xf32>
        %add3A_1469 = arith.addf %add3A_1456, %exp3A_1468 : vector<16xf32>
        %eq3A_1470 = arith.cmpf oeq, %gather3A_1467, %max3A_661 : vector<16xf32>
        %jit3A_1471 = arith.constant 6.200000e+01 : f32
        %jit3A_1472 = arith.constant 0.000000e+00 : f32
        %broadcast_in_dim3A_1473 = vector.broadcast %jit3A_1471 : f32 to vector<16xf32>
        %broadcast_in_dim3A_1474 = vector.broadcast %jit3A_1472 : f32 to vector<16xf32>
        %select_n3A_1475 = arith.select %eq3A_1470, %broadcast_in_dim3A_1473, %broadcast_in_dim3A_1474 : vector<16xi1>, vector<16xf32>
        %add3A_1476 = arith.addf %add3A_1463, %select_n3A_1475 : vector<16xf32>
        %add3A_1477 = arith.constant 1 : i32
        %add3A_1478 = vector.broadcast %add3A_1477 : i32 to vector<16xi32>
        %add3A_1479 = arith.addi %add3A_1466, %add3A_1478 : vector<16xi32>
        %gather3A_1480 = tpu.vector_load_idx %arg5[%add3A_1479] : memref<40000xf32, #tpu.memory_space<vmem>>[vector<16xi32>], vector<16xf32>,
        %exp3A_1481 = math.exp %gather3A_1480 : vector<16xf32>
        %add3A_1482 = arith.addf %add3A_1469, %exp3A_1481 : vector<16xf32>
        %eq3A_1483 = arith.cmpf oeq, %gather3A_1480, %max3A_661 : vector<16xf32>
        %jit3A_1484 = arith.constant 6.300000e+01 : f32
        %jit3A_1485 = arith.constant 0.000000e+00 : f32
        %broadcast_in_dim3A_1486 = vector.broadcast %jit3A_1484 : f32 to vector<16xf32>
        %broadcast_in_dim3A_1487 = vector.broadcast %jit3A_1485 : f32 to vector<16xf32>
        %select_n3A_1488 = arith.select %eq3A_1483, %broadcast_in_dim3A_1486, %broadcast_in_dim3A_1487 : vector<16xi1>, vector<16xf32>
        %add3A_1489 = arith.addf %add3A_1476, %select_n3A_1488 : vector<16xf32>
        %add3A_1490 = arith.constant 1 : i32
        %add3A_1491 = vector.broadcast %add3A_1490 : i32 to vector<16xi32>
        %add3A_1492 = arith.addi %add3A_1479, %add3A_1491 : vector<16xi32>
        %gather3A_1493 = tpu.vector_load_idx %arg5[%add3A_1492] : memref<40000xf32, #tpu.memory_space<vmem>>[vector<16xi32>], vector<16xf32>,
        %exp3A_1494 = math.exp %gather3A_1493 : vector<16xf32>
        %add3A_1495 = arith.addf %add3A_1482, %exp3A_1494 : vector<16xf32>
        %eq3A_1496 = arith.cmpf oeq, %gather3A_1493, %max3A_661 : vector<16xf32>
        %jit3A_1497 = arith.constant 6.400000e+01 : f32
        %jit3A_1498 = arith.constant 0.000000e+00 : f32
        %broadcast_in_dim3A_1499 = vector.broadcast %jit3A_1497 : f32 to vector<16xf32>
        %broadcast_in_dim3A_1500 = vector.broadcast %jit3A_1498 : f32 to vector<16xf32>
        %select_n3A_1501 = arith.select %eq3A_1496, %broadcast_in_dim3A_1499, %broadcast_in_dim3A_1500 : vector<16xi1>, vector<16xf32>
        %add3A_1502 = arith.addf %add3A_1489, %select_n3A_1501 : vector<16xf32>
        %add3A_1503 = arith.constant 1 : i32
        %add3A_1504 = vector.broadcast %add3A_1503 : i32 to vector<16xi32>
        %add3A_1505 = arith.addi %add3A_1492, %add3A_1504 : vector<16xi32>
        %gather3A_1506 = tpu.vector_load_idx %arg5[%add3A_1505] : memref<40000xf32, #tpu.memory_space<vmem>>[vector<16xi32>], vector<16xf32>,
        %exp3A_1507 = math.exp %gather3A_1506 : vector<16xf32>
        %add3A_1508 = arith.addf %add3A_1495, %exp3A_1507 : vector<16xf32>
        %eq3A_1509 = arith.cmpf oeq, %gather3A_1506, %max3A_661 : vector<16xf32>
        %jit3A_1510 = arith.constant 6.500000e+01 : f32
        %jit3A_1511 = arith.constant 0.000000e+00 : f32
        %broadcast_in_dim3A_1512 = vector.broadcast %jit3A_1510 : f32 to vector<16xf32>
        %broadcast_in_dim3A_1513 = vector.broadcast %jit3A_1511 : f32 to vector<16xf32>
        %select_n3A_1514 = arith.select %eq3A_1509, %broadcast_in_dim3A_1512, %broadcast_in_dim3A_1513 : vector<16xi1>, vector<16xf32>
        %add3A_1515 = arith.addf %add3A_1502, %select_n3A_1514 : vector<16xf32>
        %add3A_1516 = arith.constant 1 : i32
        %add3A_1517 = vector.broadcast %add3A_1516 : i32 to vector<16xi32>
        %add3A_1518 = arith.addi %add3A_1505, %add3A_1517 : vector<16xi32>
        %gather3A_1519 = tpu.vector_load_idx %arg5[%add3A_1518] : memref<40000xf32, #tpu.memory_space<vmem>>[vector<16xi32>], vector<16xf32>,
        %exp3A_1520 = math.exp %gather3A_1519 : vector<16xf32>
        %add3A_1521 = arith.addf %add3A_1508, %exp3A_1520 : vector<16xf32>
        %eq3A_1522 = arith.cmpf oeq, %gather3A_1519, %max3A_661 : vector<16xf32>
        %jit3A_1523 = arith.constant 6.600000e+01 : f32
        %jit3A_1524 = arith.constant 0.000000e+00 : f32
        %broadcast_in_dim3A_1525 = vector.broadcast %jit3A_1523 : f32 to vector<16xf32>
        %broadcast_in_dim3A_1526 = vector.broadcast %jit3A_1524 : f32 to vector<16xf32>
        %select_n3A_1527 = arith.select %eq3A_1522, %broadcast_in_dim3A_1525, %broadcast_in_dim3A_1526 : vector<16xi1>, vector<16xf32>
        %add3A_1528 = arith.addf %add3A_1515, %select_n3A_1527 : vector<16xf32>
        %add3A_1529 = arith.constant 1 : i32
        %add3A_1530 = vector.broadcast %add3A_1529 : i32 to vector<16xi32>
        %add3A_1531 = arith.addi %add3A_1518, %add3A_1530 : vector<16xi32>
        %gather3A_1532 = tpu.vector_load_idx %arg5[%add3A_1531] : memref<40000xf32, #tpu.memory_space<vmem>>[vector<16xi32>], vector<16xf32>,
        %exp3A_1533 = math.exp %gather3A_1532 : vector<16xf32>
        %add3A_1534 = arith.addf %add3A_1521, %exp3A_1533 : vector<16xf32>
        %eq3A_1535 = arith.cmpf oeq, %gather3A_1532, %max3A_661 : vector<16xf32>
        %jit3A_1536 = arith.constant 6.700000e+01 : f32
        %jit3A_1537 = arith.constant 0.000000e+00 : f32
        %broadcast_in_dim3A_1538 = vector.broadcast %jit3A_1536 : f32 to vector<16xf32>
        %broadcast_in_dim3A_1539 = vector.broadcast %jit3A_1537 : f32 to vector<16xf32>
        %select_n3A_1540 = arith.select %eq3A_1535, %broadcast_in_dim3A_1538, %broadcast_in_dim3A_1539 : vector<16xi1>, vector<16xf32>
        %add3A_1541 = arith.addf %add3A_1528, %select_n3A_1540 : vector<16xf32>
        %add3A_1542 = arith.constant 1 : i32
        %add3A_1543 = vector.broadcast %add3A_1542 : i32 to vector<16xi32>
        %add3A_1544 = arith.addi %add3A_1531, %add3A_1543 : vector<16xi32>
        %gather3A_1545 = tpu.vector_load_idx %arg5[%add3A_1544] : memref<40000xf32, #tpu.memory_space<vmem>>[vector<16xi32>], vector<16xf32>,
        %exp3A_1546 = math.exp %gather3A_1545 : vector<16xf32>
        %add3A_1547 = arith.addf %add3A_1534, %exp3A_1546 : vector<16xf32>
        %eq3A_1548 = arith.cmpf oeq, %gather3A_1545, %max3A_661 : vector<16xf32>
        %jit3A_1549 = arith.constant 6.800000e+01 : f32
        %jit3A_1550 = arith.constant 0.000000e+00 : f32
        %broadcast_in_dim3A_1551 = vector.broadcast %jit3A_1549 : f32 to vector<16xf32>
        %broadcast_in_dim3A_1552 = vector.broadcast %jit3A_1550 : f32 to vector<16xf32>
        %select_n3A_1553 = arith.select %eq3A_1548, %broadcast_in_dim3A_1551, %broadcast_in_dim3A_1552 : vector<16xi1>, vector<16xf32>
        %add3A_1554 = arith.addf %add3A_1541, %select_n3A_1553 : vector<16xf32>
        %add3A_1555 = arith.constant 1 : i32
        %add3A_1556 = vector.broadcast %add3A_1555 : i32 to vector<16xi32>
        %add3A_1557 = arith.addi %add3A_1544, %add3A_1556 : vector<16xi32>
        %gather3A_1558 = tpu.vector_load_idx %arg5[%add3A_1557] : memref<40000xf32, #tpu.memory_space<vmem>>[vector<16xi32>], vector<16xf32>,
        %exp3A_1559 = math.exp %gather3A_1558 : vector<16xf32>
        %add3A_1560 = arith.addf %add3A_1547, %exp3A_1559 : vector<16xf32>
        %eq3A_1561 = arith.cmpf oeq, %gather3A_1558, %max3A_661 : vector<16xf32>
        %jit3A_1562 = arith.constant 6.900000e+01 : f32
        %jit3A_1563 = arith.constant 0.000000e+00 : f32
        %broadcast_in_dim3A_1564 = vector.broadcast %jit3A_1562 : f32 to vector<16xf32>
        %broadcast_in_dim3A_1565 = vector.broadcast %jit3A_1563 : f32 to vector<16xf32>
        %select_n3A_1566 = arith.select %eq3A_1561, %broadcast_in_dim3A_1564, %broadcast_in_dim3A_1565 : vector<16xi1>, vector<16xf32>
        %add3A_1567 = arith.addf %add3A_1554, %select_n3A_1566 : vector<16xf32>
        %add3A_1568 = arith.constant 1 : i32
        %add3A_1569 = vector.broadcast %add3A_1568 : i32 to vector<16xi32>
        %add3A_1570 = arith.addi %add3A_1557, %add3A_1569 : vector<16xi32>
        %gather3A_1571 = tpu.vector_load_idx %arg5[%add3A_1570] : memref<40000xf32, #tpu.memory_space<vmem>>[vector<16xi32>], vector<16xf32>,
        %exp3A_1572 = math.exp %gather3A_1571 : vector<16xf32>
        %add3A_1573 = arith.addf %add3A_1560, %exp3A_1572 : vector<16xf32>
        %eq3A_1574 = arith.cmpf oeq, %gather3A_1571, %max3A_661 : vector<16xf32>
        %jit3A_1575 = arith.constant 7.000000e+01 : f32
        %jit3A_1576 = arith.constant 0.000000e+00 : f32
        %broadcast_in_dim3A_1577 = vector.broadcast %jit3A_1575 : f32 to vector<16xf32>
        %broadcast_in_dim3A_1578 = vector.broadcast %jit3A_1576 : f32 to vector<16xf32>
        %select_n3A_1579 = arith.select %eq3A_1574, %broadcast_in_dim3A_1577, %broadcast_in_dim3A_1578 : vector<16xi1>, vector<16xf32>
        %add3A_1580 = arith.addf %add3A_1567, %select_n3A_1579 : vector<16xf32>
        %add3A_1581 = arith.constant 1 : i32
        %add3A_1582 = vector.broadcast %add3A_1581 : i32 to vector<16xi32>
        %add3A_1583 = arith.addi %add3A_1570, %add3A_1582 : vector<16xi32>
        %gather3A_1584 = tpu.vector_load_idx %arg5[%add3A_1583] : memref<40000xf32, #tpu.memory_space<vmem>>[vector<16xi32>], vector<16xf32>,
        %exp3A_1585 = math.exp %gather3A_1584 : vector<16xf32>
        %add3A_1586 = arith.addf %add3A_1573, %exp3A_1585 : vector<16xf32>
        %eq3A_1587 = arith.cmpf oeq, %gather3A_1584, %max3A_661 : vector<16xf32>
        %jit3A_1588 = arith.constant 7.100000e+01 : f32
        %jit3A_1589 = arith.constant 0.000000e+00 : f32
        %broadcast_in_dim3A_1590 = vector.broadcast %jit3A_1588 : f32 to vector<16xf32>
        %broadcast_in_dim3A_1591 = vector.broadcast %jit3A_1589 : f32 to vector<16xf32>
        %select_n3A_1592 = arith.select %eq3A_1587, %broadcast_in_dim3A_1590, %broadcast_in_dim3A_1591 : vector<16xi1>, vector<16xf32>
        %add3A_1593 = arith.addf %add3A_1580, %select_n3A_1592 : vector<16xf32>
        %add3A_1594 = arith.constant 1 : i32
        %add3A_1595 = vector.broadcast %add3A_1594 : i32 to vector<16xi32>
        %add3A_1596 = arith.addi %add3A_1583, %add3A_1595 : vector<16xi32>
        %gather3A_1597 = tpu.vector_load_idx %arg5[%add3A_1596] : memref<40000xf32, #tpu.memory_space<vmem>>[vector<16xi32>], vector<16xf32>,
        %exp3A_1598 = math.exp %gather3A_1597 : vector<16xf32>
        %add3A_1599 = arith.addf %add3A_1586, %exp3A_1598 : vector<16xf32>
        %eq3A_1600 = arith.cmpf oeq, %gather3A_1597, %max3A_661 : vector<16xf32>
        %jit3A_1601 = arith.constant 7.200000e+01 : f32
        %jit3A_1602 = arith.constant 0.000000e+00 : f32
        %broadcast_in_dim3A_1603 = vector.broadcast %jit3A_1601 : f32 to vector<16xf32>
        %broadcast_in_dim3A_1604 = vector.broadcast %jit3A_1602 : f32 to vector<16xf32>
        %select_n3A_1605 = arith.select %eq3A_1600, %broadcast_in_dim3A_1603, %broadcast_in_dim3A_1604 : vector<16xi1>, vector<16xf32>
        %add3A_1606 = arith.addf %add3A_1593, %select_n3A_1605 : vector<16xf32>
        %add3A_1607 = arith.constant 1 : i32
        %add3A_1608 = vector.broadcast %add3A_1607 : i32 to vector<16xi32>
        %add3A_1609 = arith.addi %add3A_1596, %add3A_1608 : vector<16xi32>
        %gather3A_1610 = tpu.vector_load_idx %arg5[%add3A_1609] : memref<40000xf32, #tpu.memory_space<vmem>>[vector<16xi32>], vector<16xf32>,
        %exp3A_1611 = math.exp %gather3A_1610 : vector<16xf32>
        %add3A_1612 = arith.addf %add3A_1599, %exp3A_1611 : vector<16xf32>
        %eq3A_1613 = arith.cmpf oeq, %gather3A_1610, %max3A_661 : vector<16xf32>
        %jit3A_1614 = arith.constant 7.300000e+01 : f32
        %jit3A_1615 = arith.constant 0.000000e+00 : f32
        %broadcast_in_dim3A_1616 = vector.broadcast %jit3A_1614 : f32 to vector<16xf32>
        %broadcast_in_dim3A_1617 = vector.broadcast %jit3A_1615 : f32 to vector<16xf32>
        %select_n3A_1618 = arith.select %eq3A_1613, %broadcast_in_dim3A_1616, %broadcast_in_dim3A_1617 : vector<16xi1>, vector<16xf32>
        %add3A_1619 = arith.addf %add3A_1606, %select_n3A_1618 : vector<16xf32>
        %add3A_1620 = arith.constant 1 : i32
        %add3A_1621 = vector.broadcast %add3A_1620 : i32 to vector<16xi32>
        %add3A_1622 = arith.addi %add3A_1609, %add3A_1621 : vector<16xi32>
        %gather3A_1623 = tpu.vector_load_idx %arg5[%add3A_1622] : memref<40000xf32, #tpu.memory_space<vmem>>[vector<16xi32>], vector<16xf32>,
        %exp3A_1624 = math.exp %gather3A_1623 : vector<16xf32>
        %add3A_1625 = arith.addf %add3A_1612, %exp3A_1624 : vector<16xf32>
        %eq3A_1626 = arith.cmpf oeq, %gather3A_1623, %max3A_661 : vector<16xf32>
        %jit3A_1627 = arith.constant 7.400000e+01 : f32
        %jit3A_1628 = arith.constant 0.000000e+00 : f32
        %broadcast_in_dim3A_1629 = vector.broadcast %jit3A_1627 : f32 to vector<16xf32>
        %broadcast_in_dim3A_1630 = vector.broadcast %jit3A_1628 : f32 to vector<16xf32>
        %select_n3A_1631 = arith.select %eq3A_1626, %broadcast_in_dim3A_1629, %broadcast_in_dim3A_1630 : vector<16xi1>, vector<16xf32>
        %add3A_1632 = arith.addf %add3A_1619, %select_n3A_1631 : vector<16xf32>
        %add3A_1633 = arith.constant 1 : i32
        %add3A_1634 = vector.broadcast %add3A_1633 : i32 to vector<16xi32>
        %add3A_1635 = arith.addi %add3A_1622, %add3A_1634 : vector<16xi32>
        %gather3A_1636 = tpu.vector_load_idx %arg5[%add3A_1635] : memref<40000xf32, #tpu.memory_space<vmem>>[vector<16xi32>], vector<16xf32>,
        %exp3A_1637 = math.exp %gather3A_1636 : vector<16xf32>
        %add3A_1638 = arith.addf %add3A_1625, %exp3A_1637 : vector<16xf32>
        %eq3A_1639 = arith.cmpf oeq, %gather3A_1636, %max3A_661 : vector<16xf32>
        %jit3A_1640 = arith.constant 7.500000e+01 : f32
        %jit3A_1641 = arith.constant 0.000000e+00 : f32
        %broadcast_in_dim3A_1642 = vector.broadcast %jit3A_1640 : f32 to vector<16xf32>
        %broadcast_in_dim3A_1643 = vector.broadcast %jit3A_1641 : f32 to vector<16xf32>
        %select_n3A_1644 = arith.select %eq3A_1639, %broadcast_in_dim3A_1642, %broadcast_in_dim3A_1643 : vector<16xi1>, vector<16xf32>
        %add3A_1645 = arith.addf %add3A_1632, %select_n3A_1644 : vector<16xf32>
        %add3A_1646 = arith.constant 1 : i32
        %add3A_1647 = vector.broadcast %add3A_1646 : i32 to vector<16xi32>
        %add3A_1648 = arith.addi %add3A_1635, %add3A_1647 : vector<16xi32>
        %gather3A_1649 = tpu.vector_load_idx %arg5[%add3A_1648] : memref<40000xf32, #tpu.memory_space<vmem>>[vector<16xi32>], vector<16xf32>,
        %exp3A_1650 = math.exp %gather3A_1649 : vector<16xf32>
        %add3A_1651 = arith.addf %add3A_1638, %exp3A_1650 : vector<16xf32>
        %eq3A_1652 = arith.cmpf oeq, %gather3A_1649, %max3A_661 : vector<16xf32>
        %jit3A_1653 = arith.constant 7.600000e+01 : f32
        %jit3A_1654 = arith.constant 0.000000e+00 : f32
        %broadcast_in_dim3A_1655 = vector.broadcast %jit3A_1653 : f32 to vector<16xf32>
        %broadcast_in_dim3A_1656 = vector.broadcast %jit3A_1654 : f32 to vector<16xf32>
        %select_n3A_1657 = arith.select %eq3A_1652, %broadcast_in_dim3A_1655, %broadcast_in_dim3A_1656 : vector<16xi1>, vector<16xf32>
        %add3A_1658 = arith.addf %add3A_1645, %select_n3A_1657 : vector<16xf32>
        %add3A_1659 = arith.constant 1 : i32
        %add3A_1660 = vector.broadcast %add3A_1659 : i32 to vector<16xi32>
        %add3A_1661 = arith.addi %add3A_1648, %add3A_1660 : vector<16xi32>
        %gather3A_1662 = tpu.vector_load_idx %arg5[%add3A_1661] : memref<40000xf32, #tpu.memory_space<vmem>>[vector<16xi32>], vector<16xf32>,
        %exp3A_1663 = math.exp %gather3A_1662 : vector<16xf32>
        %add3A_1664 = arith.addf %add3A_1651, %exp3A_1663 : vector<16xf32>
        %eq3A_1665 = arith.cmpf oeq, %gather3A_1662, %max3A_661 : vector<16xf32>
        %jit3A_1666 = arith.constant 7.700000e+01 : f32
        %jit3A_1667 = arith.constant 0.000000e+00 : f32
        %broadcast_in_dim3A_1668 = vector.broadcast %jit3A_1666 : f32 to vector<16xf32>
        %broadcast_in_dim3A_1669 = vector.broadcast %jit3A_1667 : f32 to vector<16xf32>
        %select_n3A_1670 = arith.select %eq3A_1665, %broadcast_in_dim3A_1668, %broadcast_in_dim3A_1669 : vector<16xi1>, vector<16xf32>
        %add3A_1671 = arith.addf %add3A_1658, %select_n3A_1670 : vector<16xf32>
        %add3A_1672 = arith.constant 1 : i32
        %add3A_1673 = vector.broadcast %add3A_1672 : i32 to vector<16xi32>
        %add3A_1674 = arith.addi %add3A_1661, %add3A_1673 : vector<16xi32>
        %gather3A_1675 = tpu.vector_load_idx %arg5[%add3A_1674] : memref<40000xf32, #tpu.memory_space<vmem>>[vector<16xi32>], vector<16xf32>,
        %exp3A_1676 = math.exp %gather3A_1675 : vector<16xf32>
        %add3A_1677 = arith.addf %add3A_1664, %exp3A_1676 : vector<16xf32>
        %eq3A_1678 = arith.cmpf oeq, %gather3A_1675, %max3A_661 : vector<16xf32>
        %jit3A_1679 = arith.constant 7.800000e+01 : f32
        %jit3A_1680 = arith.constant 0.000000e+00 : f32
        %broadcast_in_dim3A_1681 = vector.broadcast %jit3A_1679 : f32 to vector<16xf32>
        %broadcast_in_dim3A_1682 = vector.broadcast %jit3A_1680 : f32 to vector<16xf32>
        %select_n3A_1683 = arith.select %eq3A_1678, %broadcast_in_dim3A_1681, %broadcast_in_dim3A_1682 : vector<16xi1>, vector<16xf32>
        %add3A_1684 = arith.addf %add3A_1671, %select_n3A_1683 : vector<16xf32>
        %add3A_1685 = arith.constant 1 : i32
        %add3A_1686 = vector.broadcast %add3A_1685 : i32 to vector<16xi32>
        %add3A_1687 = arith.addi %add3A_1674, %add3A_1686 : vector<16xi32>
        %gather3A_1688 = tpu.vector_load_idx %arg5[%add3A_1687] : memref<40000xf32, #tpu.memory_space<vmem>>[vector<16xi32>], vector<16xf32>,
        %exp3A_1689 = math.exp %gather3A_1688 : vector<16xf32>
        %add3A_1690 = arith.addf %add3A_1677, %exp3A_1689 : vector<16xf32>
        %eq3A_1691 = arith.cmpf oeq, %gather3A_1688, %max3A_661 : vector<16xf32>
        %jit3A_1692 = arith.constant 7.900000e+01 : f32
        %jit3A_1693 = arith.constant 0.000000e+00 : f32
        %broadcast_in_dim3A_1694 = vector.broadcast %jit3A_1692 : f32 to vector<16xf32>
        %broadcast_in_dim3A_1695 = vector.broadcast %jit3A_1693 : f32 to vector<16xf32>
        %select_n3A_1696 = arith.select %eq3A_1691, %broadcast_in_dim3A_1694, %broadcast_in_dim3A_1695 : vector<16xi1>, vector<16xf32>
        %add3A_1697 = arith.addf %add3A_1684, %select_n3A_1696 : vector<16xf32>
        %add3A_1698 = arith.constant 1 : i32
        %add3A_1699 = vector.broadcast %add3A_1698 : i32 to vector<16xi32>
        %add3A_1700 = arith.addi %add3A_1687, %add3A_1699 : vector<16xi32>
        %gather3A_1701 = tpu.vector_load_idx %arg5[%add3A_1700] : memref<40000xf32, #tpu.memory_space<vmem>>[vector<16xi32>], vector<16xf32>,
        %exp3A_1702 = math.exp %gather3A_1701 : vector<16xf32>
        %add3A_1703 = arith.addf %add3A_1690, %exp3A_1702 : vector<16xf32>
        %eq3A_1704 = arith.cmpf oeq, %gather3A_1701, %max3A_661 : vector<16xf32>
        %jit3A_1705 = arith.constant 8.000000e+01 : f32
        %jit3A_1706 = arith.constant 0.000000e+00 : f32
        %broadcast_in_dim3A_1707 = vector.broadcast %jit3A_1705 : f32 to vector<16xf32>
        %broadcast_in_dim3A_1708 = vector.broadcast %jit3A_1706 : f32 to vector<16xf32>
        %select_n3A_1709 = arith.select %eq3A_1704, %broadcast_in_dim3A_1707, %broadcast_in_dim3A_1708 : vector<16xi1>, vector<16xf32>
        %add3A_1710 = arith.addf %add3A_1697, %select_n3A_1709 : vector<16xf32>
        %add3A_1711 = arith.constant 1 : i32
        %add3A_1712 = vector.broadcast %add3A_1711 : i32 to vector<16xi32>
        %add3A_1713 = arith.addi %add3A_1700, %add3A_1712 : vector<16xi32>
        %gather3A_1714 = tpu.vector_load_idx %arg5[%add3A_1713] : memref<40000xf32, #tpu.memory_space<vmem>>[vector<16xi32>], vector<16xf32>,
        %exp3A_1715 = math.exp %gather3A_1714 : vector<16xf32>
        %add3A_1716 = arith.addf %add3A_1703, %exp3A_1715 : vector<16xf32>
        %eq3A_1717 = arith.cmpf oeq, %gather3A_1714, %max3A_661 : vector<16xf32>
        %jit3A_1718 = arith.constant 8.100000e+01 : f32
        %jit3A_1719 = arith.constant 0.000000e+00 : f32
        %broadcast_in_dim3A_1720 = vector.broadcast %jit3A_1718 : f32 to vector<16xf32>
        %broadcast_in_dim3A_1721 = vector.broadcast %jit3A_1719 : f32 to vector<16xf32>
        %select_n3A_1722 = arith.select %eq3A_1717, %broadcast_in_dim3A_1720, %broadcast_in_dim3A_1721 : vector<16xi1>, vector<16xf32>
        %add3A_1723 = arith.addf %add3A_1710, %select_n3A_1722 : vector<16xf32>
        %add3A_1724 = arith.constant 1 : i32
        %add3A_1725 = vector.broadcast %add3A_1724 : i32 to vector<16xi32>
        %add3A_1726 = arith.addi %add3A_1713, %add3A_1725 : vector<16xi32>
        %gather3A_1727 = tpu.vector_load_idx %arg5[%add3A_1726] : memref<40000xf32, #tpu.memory_space<vmem>>[vector<16xi32>], vector<16xf32>,
        %exp3A_1728 = math.exp %gather3A_1727 : vector<16xf32>
        %add3A_1729 = arith.addf %add3A_1716, %exp3A_1728 : vector<16xf32>
        %eq3A_1730 = arith.cmpf oeq, %gather3A_1727, %max3A_661 : vector<16xf32>
        %jit3A_1731 = arith.constant 8.200000e+01 : f32
        %jit3A_1732 = arith.constant 0.000000e+00 : f32
        %broadcast_in_dim3A_1733 = vector.broadcast %jit3A_1731 : f32 to vector<16xf32>
        %broadcast_in_dim3A_1734 = vector.broadcast %jit3A_1732 : f32 to vector<16xf32>
        %select_n3A_1735 = arith.select %eq3A_1730, %broadcast_in_dim3A_1733, %broadcast_in_dim3A_1734 : vector<16xi1>, vector<16xf32>
        %add3A_1736 = arith.addf %add3A_1723, %select_n3A_1735 : vector<16xf32>
        %add3A_1737 = arith.constant 1 : i32
        %add3A_1738 = vector.broadcast %add3A_1737 : i32 to vector<16xi32>
        %add3A_1739 = arith.addi %add3A_1726, %add3A_1738 : vector<16xi32>
        %gather3A_1740 = tpu.vector_load_idx %arg5[%add3A_1739] : memref<40000xf32, #tpu.memory_space<vmem>>[vector<16xi32>], vector<16xf32>,
        %exp3A_1741 = math.exp %gather3A_1740 : vector<16xf32>
        %add3A_1742 = arith.addf %add3A_1729, %exp3A_1741 : vector<16xf32>
        %eq3A_1743 = arith.cmpf oeq, %gather3A_1740, %max3A_661 : vector<16xf32>
        %jit3A_1744 = arith.constant 8.300000e+01 : f32
        %jit3A_1745 = arith.constant 0.000000e+00 : f32
        %broadcast_in_dim3A_1746 = vector.broadcast %jit3A_1744 : f32 to vector<16xf32>
        %broadcast_in_dim3A_1747 = vector.broadcast %jit3A_1745 : f32 to vector<16xf32>
        %select_n3A_1748 = arith.select %eq3A_1743, %broadcast_in_dim3A_1746, %broadcast_in_dim3A_1747 : vector<16xi1>, vector<16xf32>
        %add3A_1749 = arith.addf %add3A_1736, %select_n3A_1748 : vector<16xf32>
        %add3A_1750 = arith.constant 1 : i32
        %add3A_1751 = vector.broadcast %add3A_1750 : i32 to vector<16xi32>
        %add3A_1752 = arith.addi %add3A_1739, %add3A_1751 : vector<16xi32>
        %gather3A_1753 = tpu.vector_load_idx %arg5[%add3A_1752] : memref<40000xf32, #tpu.memory_space<vmem>>[vector<16xi32>], vector<16xf32>,
        %exp3A_1754 = math.exp %gather3A_1753 : vector<16xf32>
        %add3A_1755 = arith.addf %add3A_1742, %exp3A_1754 : vector<16xf32>
        %eq3A_1756 = arith.cmpf oeq, %gather3A_1753, %max3A_661 : vector<16xf32>
        %jit3A_1757 = arith.constant 8.400000e+01 : f32
        %jit3A_1758 = arith.constant 0.000000e+00 : f32
        %broadcast_in_dim3A_1759 = vector.broadcast %jit3A_1757 : f32 to vector<16xf32>
        %broadcast_in_dim3A_1760 = vector.broadcast %jit3A_1758 : f32 to vector<16xf32>
        %select_n3A_1761 = arith.select %eq3A_1756, %broadcast_in_dim3A_1759, %broadcast_in_dim3A_1760 : vector<16xi1>, vector<16xf32>
        %add3A_1762 = arith.addf %add3A_1749, %select_n3A_1761 : vector<16xf32>
        %add3A_1763 = arith.constant 1 : i32
        %add3A_1764 = vector.broadcast %add3A_1763 : i32 to vector<16xi32>
        %add3A_1765 = arith.addi %add3A_1752, %add3A_1764 : vector<16xi32>
        %gather3A_1766 = tpu.vector_load_idx %arg5[%add3A_1765] : memref<40000xf32, #tpu.memory_space<vmem>>[vector<16xi32>], vector<16xf32>,
        %exp3A_1767 = math.exp %gather3A_1766 : vector<16xf32>
        %add3A_1768 = arith.addf %add3A_1755, %exp3A_1767 : vector<16xf32>
        %eq3A_1769 = arith.cmpf oeq, %gather3A_1766, %max3A_661 : vector<16xf32>
        %jit3A_1770 = arith.constant 8.500000e+01 : f32
        %jit3A_1771 = arith.constant 0.000000e+00 : f32
        %broadcast_in_dim3A_1772 = vector.broadcast %jit3A_1770 : f32 to vector<16xf32>
        %broadcast_in_dim3A_1773 = vector.broadcast %jit3A_1771 : f32 to vector<16xf32>
        %select_n3A_1774 = arith.select %eq3A_1769, %broadcast_in_dim3A_1772, %broadcast_in_dim3A_1773 : vector<16xi1>, vector<16xf32>
        %add3A_1775 = arith.addf %add3A_1762, %select_n3A_1774 : vector<16xf32>
        %add3A_1776 = arith.constant 1 : i32
        %add3A_1777 = vector.broadcast %add3A_1776 : i32 to vector<16xi32>
        %add3A_1778 = arith.addi %add3A_1765, %add3A_1777 : vector<16xi32>
        %gather3A_1779 = tpu.vector_load_idx %arg5[%add3A_1778] : memref<40000xf32, #tpu.memory_space<vmem>>[vector<16xi32>], vector<16xf32>,
        %exp3A_1780 = math.exp %gather3A_1779 : vector<16xf32>
        %add3A_1781 = arith.addf %add3A_1768, %exp3A_1780 : vector<16xf32>
        %eq3A_1782 = arith.cmpf oeq, %gather3A_1779, %max3A_661 : vector<16xf32>
        %jit3A_1783 = arith.constant 8.600000e+01 : f32
        %jit3A_1784 = arith.constant 0.000000e+00 : f32
        %broadcast_in_dim3A_1785 = vector.broadcast %jit3A_1783 : f32 to vector<16xf32>
        %broadcast_in_dim3A_1786 = vector.broadcast %jit3A_1784 : f32 to vector<16xf32>
        %select_n3A_1787 = arith.select %eq3A_1782, %broadcast_in_dim3A_1785, %broadcast_in_dim3A_1786 : vector<16xi1>, vector<16xf32>
        %add3A_1788 = arith.addf %add3A_1775, %select_n3A_1787 : vector<16xf32>
        %add3A_1789 = arith.constant 1 : i32
        %add3A_1790 = vector.broadcast %add3A_1789 : i32 to vector<16xi32>
        %add3A_1791 = arith.addi %add3A_1778, %add3A_1790 : vector<16xi32>
        %gather3A_1792 = tpu.vector_load_idx %arg5[%add3A_1791] : memref<40000xf32, #tpu.memory_space<vmem>>[vector<16xi32>], vector<16xf32>,
        %exp3A_1793 = math.exp %gather3A_1792 : vector<16xf32>
        %add3A_1794 = arith.addf %add3A_1781, %exp3A_1793 : vector<16xf32>
        %eq3A_1795 = arith.cmpf oeq, %gather3A_1792, %max3A_661 : vector<16xf32>
        %jit3A_1796 = arith.constant 8.700000e+01 : f32
        %jit3A_1797 = arith.constant 0.000000e+00 : f32
        %broadcast_in_dim3A_1798 = vector.broadcast %jit3A_1796 : f32 to vector<16xf32>
        %broadcast_in_dim3A_1799 = vector.broadcast %jit3A_1797 : f32 to vector<16xf32>
        %select_n3A_1800 = arith.select %eq3A_1795, %broadcast_in_dim3A_1798, %broadcast_in_dim3A_1799 : vector<16xi1>, vector<16xf32>
        %add3A_1801 = arith.addf %add3A_1788, %select_n3A_1800 : vector<16xf32>
        %add3A_1802 = arith.constant 1 : i32
        %add3A_1803 = vector.broadcast %add3A_1802 : i32 to vector<16xi32>
        %add3A_1804 = arith.addi %add3A_1791, %add3A_1803 : vector<16xi32>
        %gather3A_1805 = tpu.vector_load_idx %arg5[%add3A_1804] : memref<40000xf32, #tpu.memory_space<vmem>>[vector<16xi32>], vector<16xf32>,
        %exp3A_1806 = math.exp %gather3A_1805 : vector<16xf32>
        %add3A_1807 = arith.addf %add3A_1794, %exp3A_1806 : vector<16xf32>
        %eq3A_1808 = arith.cmpf oeq, %gather3A_1805, %max3A_661 : vector<16xf32>
        %jit3A_1809 = arith.constant 8.800000e+01 : f32
        %jit3A_1810 = arith.constant 0.000000e+00 : f32
        %broadcast_in_dim3A_1811 = vector.broadcast %jit3A_1809 : f32 to vector<16xf32>
        %broadcast_in_dim3A_1812 = vector.broadcast %jit3A_1810 : f32 to vector<16xf32>
        %select_n3A_1813 = arith.select %eq3A_1808, %broadcast_in_dim3A_1811, %broadcast_in_dim3A_1812 : vector<16xi1>, vector<16xf32>
        %add3A_1814 = arith.addf %add3A_1801, %select_n3A_1813 : vector<16xf32>
        %add3A_1815 = arith.constant 1 : i32
        %add3A_1816 = vector.broadcast %add3A_1815 : i32 to vector<16xi32>
        %add3A_1817 = arith.addi %add3A_1804, %add3A_1816 : vector<16xi32>
        %gather3A_1818 = tpu.vector_load_idx %arg5[%add3A_1817] : memref<40000xf32, #tpu.memory_space<vmem>>[vector<16xi32>], vector<16xf32>,
        %exp3A_1819 = math.exp %gather3A_1818 : vector<16xf32>
        %add3A_1820 = arith.addf %add3A_1807, %exp3A_1819 : vector<16xf32>
        %eq3A_1821 = arith.cmpf oeq, %gather3A_1818, %max3A_661 : vector<16xf32>
        %jit3A_1822 = arith.constant 8.900000e+01 : f32
        %jit3A_1823 = arith.constant 0.000000e+00 : f32
        %broadcast_in_dim3A_1824 = vector.broadcast %jit3A_1822 : f32 to vector<16xf32>
        %broadcast_in_dim3A_1825 = vector.broadcast %jit3A_1823 : f32 to vector<16xf32>
        %select_n3A_1826 = arith.select %eq3A_1821, %broadcast_in_dim3A_1824, %broadcast_in_dim3A_1825 : vector<16xi1>, vector<16xf32>
        %add3A_1827 = arith.addf %add3A_1814, %select_n3A_1826 : vector<16xf32>
        %add3A_1828 = arith.constant 1 : i32
        %add3A_1829 = vector.broadcast %add3A_1828 : i32 to vector<16xi32>
        %add3A_1830 = arith.addi %add3A_1817, %add3A_1829 : vector<16xi32>
        %gather3A_1831 = tpu.vector_load_idx %arg5[%add3A_1830] : memref<40000xf32, #tpu.memory_space<vmem>>[vector<16xi32>], vector<16xf32>,
        %exp3A_1832 = math.exp %gather3A_1831 : vector<16xf32>
        %add3A_1833 = arith.addf %add3A_1820, %exp3A_1832 : vector<16xf32>
        %eq3A_1834 = arith.cmpf oeq, %gather3A_1831, %max3A_661 : vector<16xf32>
        %jit3A_1835 = arith.constant 9.000000e+01 : f32
        %jit3A_1836 = arith.constant 0.000000e+00 : f32
        %broadcast_in_dim3A_1837 = vector.broadcast %jit3A_1835 : f32 to vector<16xf32>
        %broadcast_in_dim3A_1838 = vector.broadcast %jit3A_1836 : f32 to vector<16xf32>
        %select_n3A_1839 = arith.select %eq3A_1834, %broadcast_in_dim3A_1837, %broadcast_in_dim3A_1838 : vector<16xi1>, vector<16xf32>
        %add3A_1840 = arith.addf %add3A_1827, %select_n3A_1839 : vector<16xf32>
        %add3A_1841 = arith.constant 1 : i32
        %add3A_1842 = vector.broadcast %add3A_1841 : i32 to vector<16xi32>
        %add3A_1843 = arith.addi %add3A_1830, %add3A_1842 : vector<16xi32>
        %gather3A_1844 = tpu.vector_load_idx %arg5[%add3A_1843] : memref<40000xf32, #tpu.memory_space<vmem>>[vector<16xi32>], vector<16xf32>,
        %exp3A_1845 = math.exp %gather3A_1844 : vector<16xf32>
        %add3A_1846 = arith.addf %add3A_1833, %exp3A_1845 : vector<16xf32>
        %eq3A_1847 = arith.cmpf oeq, %gather3A_1844, %max3A_661 : vector<16xf32>
        %jit3A_1848 = arith.constant 9.100000e+01 : f32
        %jit3A_1849 = arith.constant 0.000000e+00 : f32
        %broadcast_in_dim3A_1850 = vector.broadcast %jit3A_1848 : f32 to vector<16xf32>
        %broadcast_in_dim3A_1851 = vector.broadcast %jit3A_1849 : f32 to vector<16xf32>
        %select_n3A_1852 = arith.select %eq3A_1847, %broadcast_in_dim3A_1850, %broadcast_in_dim3A_1851 : vector<16xi1>, vector<16xf32>
        %add3A_1853 = arith.addf %add3A_1840, %select_n3A_1852 : vector<16xf32>
        %add3A_1854 = arith.constant 1 : i32
        %add3A_1855 = vector.broadcast %add3A_1854 : i32 to vector<16xi32>
        %add3A_1856 = arith.addi %add3A_1843, %add3A_1855 : vector<16xi32>
        %gather3A_1857 = tpu.vector_load_idx %arg5[%add3A_1856] : memref<40000xf32, #tpu.memory_space<vmem>>[vector<16xi32>], vector<16xf32>,
        %exp3A_1858 = math.exp %gather3A_1857 : vector<16xf32>
        %add3A_1859 = arith.addf %add3A_1846, %exp3A_1858 : vector<16xf32>
        %eq3A_1860 = arith.cmpf oeq, %gather3A_1857, %max3A_661 : vector<16xf32>
        %jit3A_1861 = arith.constant 9.200000e+01 : f32
        %jit3A_1862 = arith.constant 0.000000e+00 : f32
        %broadcast_in_dim3A_1863 = vector.broadcast %jit3A_1861 : f32 to vector<16xf32>
        %broadcast_in_dim3A_1864 = vector.broadcast %jit3A_1862 : f32 to vector<16xf32>
        %select_n3A_1865 = arith.select %eq3A_1860, %broadcast_in_dim3A_1863, %broadcast_in_dim3A_1864 : vector<16xi1>, vector<16xf32>
        %add3A_1866 = arith.addf %add3A_1853, %select_n3A_1865 : vector<16xf32>
        %add3A_1867 = arith.constant 1 : i32
        %add3A_1868 = vector.broadcast %add3A_1867 : i32 to vector<16xi32>
        %add3A_1869 = arith.addi %add3A_1856, %add3A_1868 : vector<16xi32>
        %gather3A_1870 = tpu.vector_load_idx %arg5[%add3A_1869] : memref<40000xf32, #tpu.memory_space<vmem>>[vector<16xi32>], vector<16xf32>,
        %exp3A_1871 = math.exp %gather3A_1870 : vector<16xf32>
        %add3A_1872 = arith.addf %add3A_1859, %exp3A_1871 : vector<16xf32>
        %eq3A_1873 = arith.cmpf oeq, %gather3A_1870, %max3A_661 : vector<16xf32>
        %jit3A_1874 = arith.constant 9.300000e+01 : f32
        %jit3A_1875 = arith.constant 0.000000e+00 : f32
        %broadcast_in_dim3A_1876 = vector.broadcast %jit3A_1874 : f32 to vector<16xf32>
        %broadcast_in_dim3A_1877 = vector.broadcast %jit3A_1875 : f32 to vector<16xf32>
        %select_n3A_1878 = arith.select %eq3A_1873, %broadcast_in_dim3A_1876, %broadcast_in_dim3A_1877 : vector<16xi1>, vector<16xf32>
        %add3A_1879 = arith.addf %add3A_1866, %select_n3A_1878 : vector<16xf32>
        %add3A_1880 = arith.constant 1 : i32
        %add3A_1881 = vector.broadcast %add3A_1880 : i32 to vector<16xi32>
        %add3A_1882 = arith.addi %add3A_1869, %add3A_1881 : vector<16xi32>
        %gather3A_1883 = tpu.vector_load_idx %arg5[%add3A_1882] : memref<40000xf32, #tpu.memory_space<vmem>>[vector<16xi32>], vector<16xf32>,
        %exp3A_1884 = math.exp %gather3A_1883 : vector<16xf32>
        %add3A_1885 = arith.addf %add3A_1872, %exp3A_1884 : vector<16xf32>
        %eq3A_1886 = arith.cmpf oeq, %gather3A_1883, %max3A_661 : vector<16xf32>
        %jit3A_1887 = arith.constant 9.400000e+01 : f32
        %jit3A_1888 = arith.constant 0.000000e+00 : f32
        %broadcast_in_dim3A_1889 = vector.broadcast %jit3A_1887 : f32 to vector<16xf32>
        %broadcast_in_dim3A_1890 = vector.broadcast %jit3A_1888 : f32 to vector<16xf32>
        %select_n3A_1891 = arith.select %eq3A_1886, %broadcast_in_dim3A_1889, %broadcast_in_dim3A_1890 : vector<16xi1>, vector<16xf32>
        %add3A_1892 = arith.addf %add3A_1879, %select_n3A_1891 : vector<16xf32>
        %add3A_1893 = arith.constant 1 : i32
        %add3A_1894 = vector.broadcast %add3A_1893 : i32 to vector<16xi32>
        %add3A_1895 = arith.addi %add3A_1882, %add3A_1894 : vector<16xi32>
        %gather3A_1896 = tpu.vector_load_idx %arg5[%add3A_1895] : memref<40000xf32, #tpu.memory_space<vmem>>[vector<16xi32>], vector<16xf32>,
        %exp3A_1897 = math.exp %gather3A_1896 : vector<16xf32>
        %add3A_1898 = arith.addf %add3A_1885, %exp3A_1897 : vector<16xf32>
        %eq3A_1899 = arith.cmpf oeq, %gather3A_1896, %max3A_661 : vector<16xf32>
        %jit3A_1900 = arith.constant 9.500000e+01 : f32
        %jit3A_1901 = arith.constant 0.000000e+00 : f32
        %broadcast_in_dim3A_1902 = vector.broadcast %jit3A_1900 : f32 to vector<16xf32>
        %broadcast_in_dim3A_1903 = vector.broadcast %jit3A_1901 : f32 to vector<16xf32>
        %select_n3A_1904 = arith.select %eq3A_1899, %broadcast_in_dim3A_1902, %broadcast_in_dim3A_1903 : vector<16xi1>, vector<16xf32>
        %add3A_1905 = arith.addf %add3A_1892, %select_n3A_1904 : vector<16xf32>
        %add3A_1906 = arith.constant 1 : i32
        %add3A_1907 = vector.broadcast %add3A_1906 : i32 to vector<16xi32>
        %add3A_1908 = arith.addi %add3A_1895, %add3A_1907 : vector<16xi32>
        %gather3A_1909 = tpu.vector_load_idx %arg5[%add3A_1908] : memref<40000xf32, #tpu.memory_space<vmem>>[vector<16xi32>], vector<16xf32>,
        %exp3A_1910 = math.exp %gather3A_1909 : vector<16xf32>
        %add3A_1911 = arith.addf %add3A_1898, %exp3A_1910 : vector<16xf32>
        %eq3A_1912 = arith.cmpf oeq, %gather3A_1909, %max3A_661 : vector<16xf32>
        %jit3A_1913 = arith.constant 9.600000e+01 : f32
        %jit3A_1914 = arith.constant 0.000000e+00 : f32
        %broadcast_in_dim3A_1915 = vector.broadcast %jit3A_1913 : f32 to vector<16xf32>
        %broadcast_in_dim3A_1916 = vector.broadcast %jit3A_1914 : f32 to vector<16xf32>
        %select_n3A_1917 = arith.select %eq3A_1912, %broadcast_in_dim3A_1915, %broadcast_in_dim3A_1916 : vector<16xi1>, vector<16xf32>
        %add3A_1918 = arith.addf %add3A_1905, %select_n3A_1917 : vector<16xf32>
        %add3A_1919 = arith.constant 1 : i32
        %add3A_1920 = vector.broadcast %add3A_1919 : i32 to vector<16xi32>
        %add3A_1921 = arith.addi %add3A_1908, %add3A_1920 : vector<16xi32>
        %gather3A_1922 = tpu.vector_load_idx %arg5[%add3A_1921] : memref<40000xf32, #tpu.memory_space<vmem>>[vector<16xi32>], vector<16xf32>,
        %exp3A_1923 = math.exp %gather3A_1922 : vector<16xf32>
        %add3A_1924 = arith.addf %add3A_1911, %exp3A_1923 : vector<16xf32>
        %eq3A_1925 = arith.cmpf oeq, %gather3A_1922, %max3A_661 : vector<16xf32>
        %jit3A_1926 = arith.constant 9.700000e+01 : f32
        %jit3A_1927 = arith.constant 0.000000e+00 : f32
        %broadcast_in_dim3A_1928 = vector.broadcast %jit3A_1926 : f32 to vector<16xf32>
        %broadcast_in_dim3A_1929 = vector.broadcast %jit3A_1927 : f32 to vector<16xf32>
        %select_n3A_1930 = arith.select %eq3A_1925, %broadcast_in_dim3A_1928, %broadcast_in_dim3A_1929 : vector<16xi1>, vector<16xf32>
        %add3A_1931 = arith.addf %add3A_1918, %select_n3A_1930 : vector<16xf32>
        %add3A_1932 = arith.constant 1 : i32
        %add3A_1933 = vector.broadcast %add3A_1932 : i32 to vector<16xi32>
        %add3A_1934 = arith.addi %add3A_1921, %add3A_1933 : vector<16xi32>
        %gather3A_1935 = tpu.vector_load_idx %arg5[%add3A_1934] : memref<40000xf32, #tpu.memory_space<vmem>>[vector<16xi32>], vector<16xf32>,
        %exp3A_1936 = math.exp %gather3A_1935 : vector<16xf32>
        %add3A_1937 = arith.addf %add3A_1924, %exp3A_1936 : vector<16xf32>
        %eq3A_1938 = arith.cmpf oeq, %gather3A_1935, %max3A_661 : vector<16xf32>
        %jit3A_1939 = arith.constant 9.800000e+01 : f32
        %jit3A_1940 = arith.constant 0.000000e+00 : f32
        %broadcast_in_dim3A_1941 = vector.broadcast %jit3A_1939 : f32 to vector<16xf32>
        %broadcast_in_dim3A_1942 = vector.broadcast %jit3A_1940 : f32 to vector<16xf32>
        %select_n3A_1943 = arith.select %eq3A_1938, %broadcast_in_dim3A_1941, %broadcast_in_dim3A_1942 : vector<16xi1>, vector<16xf32>
        %add3A_1944 = arith.addf %add3A_1931, %select_n3A_1943 : vector<16xf32>
        %add3A_1945 = arith.constant 1 : i32
        %add3A_1946 = vector.broadcast %add3A_1945 : i32 to vector<16xi32>
        %add3A_1947 = arith.addi %add3A_1934, %add3A_1946 : vector<16xi32>
        %gather3A_1948 = tpu.vector_load_idx %arg5[%add3A_1947] : memref<40000xf32, #tpu.memory_space<vmem>>[vector<16xi32>], vector<16xf32>,
        %exp3A_1949 = math.exp %gather3A_1948 : vector<16xf32>
        %add3A_1950 = arith.addf %add3A_1937, %exp3A_1949 : vector<16xf32>
        %eq3A_1951 = arith.cmpf oeq, %gather3A_1948, %max3A_661 : vector<16xf32>
        %jit3A_1952 = arith.constant 9.900000e+01 : f32
        %jit3A_1953 = arith.constant 0.000000e+00 : f32
        %broadcast_in_dim3A_1954 = vector.broadcast %jit3A_1952 : f32 to vector<16xf32>
        %broadcast_in_dim3A_1955 = vector.broadcast %jit3A_1953 : f32 to vector<16xf32>
        %select_n3A_1956 = arith.select %eq3A_1951, %broadcast_in_dim3A_1954, %broadcast_in_dim3A_1955 : vector<16xi1>, vector<16xf32>
        %add3A_1957 = arith.addf %add3A_1944, %select_n3A_1956 : vector<16xf32>
        %add3A_1958 = arith.constant 1 : i32
        %add3A_1959 = vector.broadcast %add3A_1958 : i32 to vector<16xi32>
        %add3A_1960 = arith.addi %add3A_1947, %add3A_1959 : vector<16xi32>
        %exp3A_1961 = math.exp %max3A_661 : vector<16xf32>
        %div3A = arith.divf %exp3A_1961, %add3A_1950 : vector<16xf32>
        %mul3A_1962 = arith.constant 16 : i32
        %mul3A_1963 = arith.muli %scan3A_157, %mul3A_1962 : i32
        %get3A = arith.index_cast %mul3A_1963 : i32 to index
        %get3A_1964 = tpu.vector_load %arg6[%get3A] {strides = array<i32>} : memref<400xi32, #tpu.memory_space<vmem>>, vector<16xi32>,
        %convert_element_type3A = arith.sitofp %get3A_1964 : vector<16xi32> to vector<16xf32>
        %eq3A_1965 = arith.cmpf oeq, %add3A_1957, %convert_element_type3A : vector<16xf32>
        %mul3A_1966 = arith.constant 1.500000e+01 : f32
        %mul3A_1967 = vector.broadcast %mul3A_1966 : f32 to vector<16xf32>
        %mul3A_1968 = arith.mulf %div3A, %mul3A_1967 : vector<16xf32>
        %convert_element_type3A_1969 = arith.fptosi %mul3A_1968 : vector<16xf32> to vector<16xi32>
        %convert_element_type3A_1970 = arith.sitofp %convert_element_type3A_1969 : vector<16xi32> to vector<16xf32>
        %lt3A = arith.cmpf olt, %convert_element_type3A_1970, %mul3A_1968 : vector<16xf32>
        %jit3A_1971 = arith.constant 1 : i32
        %jit3A_1972 = arith.constant 0 : i32
        %broadcast_in_dim3A_1973 = vector.broadcast %jit3A_1971 : i32 to vector<16xi32>
        %broadcast_in_dim3A_1974 = vector.broadcast %jit3A_1972 : i32 to vector<16xi32>
        %select_n3A_1975 = arith.select %lt3A, %broadcast_in_dim3A_1973, %broadcast_in_dim3A_1974 : vector<16xi1>, vector<16xi32>
        %add3A_1976 = arith.addi %convert_element_type3A_1969, %select_n3A_1975 : vector<16xi32>
        %sub3A = arith.constant 1 : i32
        %sub3A_1977 = vector.broadcast %sub3A : i32 to vector<16xi32>
        %sub3A_1978 = arith.subi %add3A_1976, %sub3A_1977 : vector<16xi32>
        %max3A_1979 = arith.constant 0 : i32
        %max3A_1980 = vector.broadcast %max3A_1979 : i32 to vector<16xi32>
        %max3A_1981 = arith.maxsi %sub3A_1978, %max3A_1980 : vector<16xi32>
        %min3A = arith.constant 14 : i32
        %min3A_1982 = vector.broadcast %min3A : i32 to vector<16xi32>
        %min3A_1983 = arith.minsi %max3A_1981, %min3A_1982 : vector<16xi32>
        %jit3A_1984 = arith.constant 15 : i32
        %jit3A_1985 = arith.constant 0 : i32
        %broadcast_in_dim3A_1986 = vector.broadcast %jit3A_1984 : i32 to vector<16xi32>
        %broadcast_in_dim3A_1987 = vector.broadcast %jit3A_1985 : i32 to vector<16xi32>
        %select_n3A_1988 = arith.select %eq3A_1965, %broadcast_in_dim3A_1986, %broadcast_in_dim3A_1987 : vector<16xi1>, vector<16xi32>
        %add3A_1989 = arith.addi %min3A_1983, %select_n3A_1988 : vector<16xi32>
        %mul3A_1990 = arith.constant 16 : i32
        %mul3A_1991 = vector.broadcast %mul3A_1990 : i32 to vector<16xi32>
        %mul3A_1992 = arith.muli %add3A_1989, %mul3A_1991 : vector<16xi32>
        %add3A_1993 = arith.addi %mul3A_1992, %iota3A : vector<16xi32>
        tpu.vector_store_idx %arg7[%add3A_1993], %broadcast_in_dim3A_7 {add = true} : memref<512xf32, #tpu.memory_space<vmem>>[vector<16xi32>], vector<16xf32>,
        tpu.vector_store_idx %arg8[%add3A_1993], %div3A {add = true} : memref<512xf32, #tpu.memory_space<vmem>>[vector<16xi32>], vector<16xf32>,
      }
      %scan3A_156 = arith.constant 25 : i32
    }
    %scan3A_139 = arith.constant 25 : i32
    %mul3A_140 = arith.constant 1024 : i32
    %mul3A_141 = arith.muli %add3A, %mul3A_140 : i32
    "tpu.region"() ({
      %run_scoped3A = tpu.sem_alloc : memref<!tpu.dma_semaphore, #tpu.memory_space<semaphore_mem>>
      %dma_start3A = tpu.memref_slice %arg4[%mul3A_141] : memref<32768xf32, #tpu.memory_space<hbm>> -> memref<512xf32, #tpu.memory_space<hbm>>
      %dma_start3A_146 = tpu.memref_slice %arg4[%mul3A_141] : memref<32768xf32, #tpu.memory_space<hbm>> -> memref<512xf32, #tpu.memory_space<hbm>>
      tpu.enqueue_dma source(%arg7 : memref<512xf32, #tpu.memory_space<vmem>>) target(%dma_start3A_146 : memref<512xf32, #tpu.memory_space<hbm>>) target_semaphore(%run_scoped3A : memref<!tpu.dma_semaphore, #tpu.memory_space<semaphore_mem>>)
      %dma_wait3A = tpu.memref_slice %arg4[%mul3A_141] : memref<32768xf32, #tpu.memory_space<hbm>> -> memref<512xf32, #tpu.memory_space<hbm>>
      %dma_wait3A_147 = tpu.memref_slice %arg4[%mul3A_141] : memref<32768xf32, #tpu.memory_space<hbm>> -> memref<512xf32, #tpu.memory_space<hbm>>
      tpu.wait_dma2 semaphore(%run_scoped3A : memref<!tpu.dma_semaphore, #tpu.memory_space<semaphore_mem>>) src(%arg7 : memref<512xf32, #tpu.memory_space<vmem>>) dst(%dma_wait3A_147 : memref<512xf32, #tpu.memory_space<hbm>>)
      tpu.yield
    }) : () -> ()
    %mul3A_142 = arith.constant 1024 : i32
    %mul3A_143 = arith.muli %add3A, %mul3A_142 : i32
    %add3A_144 = arith.constant 512 : i32
    %add3A_145 = arith.addi %mul3A_143, %add3A_144 : i32
    "tpu.region"() ({
      %run_scoped3A = tpu.sem_alloc : memref<!tpu.dma_semaphore, #tpu.memory_space<semaphore_mem>>
      %dma_start3A = tpu.memref_slice %arg4[%add3A_145] : memref<32768xf32, #tpu.memory_space<hbm>> -> memref<512xf32, #tpu.memory_space<hbm>>
      %dma_start3A_146 = tpu.memref_slice %arg4[%add3A_145] : memref<32768xf32, #tpu.memory_space<hbm>> -> memref<512xf32, #tpu.memory_space<hbm>>
      tpu.enqueue_dma source(%arg8 : memref<512xf32, #tpu.memory_space<vmem>>) target(%dma_start3A_146 : memref<512xf32, #tpu.memory_space<hbm>>) target_semaphore(%run_scoped3A : memref<!tpu.dma_semaphore, #tpu.memory_space<semaphore_mem>>)
      %dma_wait3A = tpu.memref_slice %arg4[%add3A_145] : memref<32768xf32, #tpu.memory_space<hbm>> -> memref<512xf32, #tpu.memory_space<hbm>>
      %dma_wait3A_147 = tpu.memref_slice %arg4[%add3A_145] : memref<32768xf32, #tpu.memory_space<hbm>> -> memref<512xf32, #tpu.memory_space<hbm>>
      tpu.wait_dma2 semaphore(%run_scoped3A : memref<!tpu.dma_semaphore, #tpu.memory_space<semaphore_mem>>) src(%arg8 : memref<512xf32, #tpu.memory_space<vmem>>) dst(%dma_wait3A_147 : memref<512xf32, #tpu.memory_space<hbm>>)
      tpu.yield
    }) : () -> ()
    return
  }
}

module attributes {stable_mosaic.version = 14 : i64} {
  func.func @_tc_body(%arg0: i32, %arg1: memref<20000x100xf32, #tpu.memory_space<vmem>>, %arg2: memref<1x8x2500xi32, #tpu.memory_space<vmem>>, %arg3: memref<15xf32, #tpu.memory_space<smem>>, %arg4: memref<15xf32, #tpu.memory_space<smem>>, %arg5: memref<3x16xf32, #tpu.memory_space<smem>>, %arg6: memref<45x8x2500xf32, #tpu.memory_space<vmem>>) attributes {dimension_semantics = [#tpu.dimension_semantics<arbitrary>], iteration_bounds = array<i64: 34>, scalar_prefetch = 0 : i64, scratch_operands = 1 : i64, tpu.core_type = #tpu.core_type<tc>, window_params = [{transform_indices = @transform_0, window_bounds = array<i64: 20000, 100>}, {transform_indices = @transform_1, window_bounds = array<i64: 1, 8, 2500>}, {transform_indices = @transform_2, window_bounds = array<i64: 15>}, {transform_indices = @transform_3, window_bounds = array<i64: 15>}, {transform_indices = @transform_4, window_bounds = array<i64: 3, 16>}]} {
    %eq3A = arith.constant 0 : i32
    %eq3A_0 = arith.cmpi eq, %arg0, %eq3A : i32
    %convert_element_type3A = arith.extui %eq3A_0 : i1 to i32
    %cond3A = arith.constant 0 : i32
    %cond3A_1 = arith.cmpi ne, %convert_element_type3A, %cond3A : i32
    scf.if %cond3A_1 {
      %broadcast_in_dim3A_872 = arith.constant 0.000000e+00 : f32
      %broadcast_in_dim3A_873 = vector.broadcast %broadcast_in_dim3A_872 : f32 to vector<45x8x2500xf32>
      %swap3A_874 = arith.constant 0 : index
      %swap3A_875 = arith.constant 0 : index
      %swap3A_876 = arith.constant 0 : index
      %swap3A_877 = vector.load %arg6[%swap3A_874, %swap3A_875, %swap3A_876] : memref<45x8x2500xf32, #tpu.memory_space<vmem>>, vector<45x8x2500xf32>
      tpu.vector_store %arg6[%swap3A_874, %swap3A_875, %swap3A_876], %broadcast_in_dim3A_873 {strides = array<i32>} : memref<45x8x2500xf32, #tpu.memory_space<vmem>>, vector<45x8x2500xf32>,
    } else {
    }
    %get3A = arith.constant 0 : index
    %get3A_2 = arith.constant 0 : index
    %get3A_3 = vector.load %arg1[%get3A, %get3A_2] : memref<20000x100xf32, #tpu.memory_space<vmem>>, vector<20000x100xf32>
    %get3A_4 = arith.constant 0 : index
    %get3A_5 = arith.constant 0 : index
    %get3A_6 = arith.constant 0 : index
    %get3A_7 = vector.load %arg2[%get3A_4, %get3A_5, %get3A_6] : memref<1x8x2500xi32, #tpu.memory_space<vmem>>, vector<1x8x2500xi32>
    %get3A_8 = vector.shape_cast %get3A_7 : vector<1x8x2500xi32> to vector<8x2500xi32>
    %broadcast_in_dim3A = arith.constant 1.000000e+00 : f32
    %broadcast_in_dim3A_9 = vector.broadcast %broadcast_in_dim3A : f32 to vector<1x100xf32>
    %iota3A = tpu.iota {dimensions = array<i32: 1>} : vector<1x100xi32>
    %convert_element_type3A_10 = arith.sitofp %iota3A : vector<1x100xi32> to vector<1x100xf32>
    %slice3A = vector.extract_strided_slice %get3A_3 {offsets = [0, 0], sizes = [2500, 100], strides = [1, 1]} : vector<20000x100xf32> to vector<2500x100xf32>
    %transpose3A = tpu.transpose %slice3A, [1, 0] : vector<2500x100xf32> -> vector<100x2500xf32>
    %reduce_max3A = arith.constant dense<0xFF800000> : vector<2500xf32>
    %reduce_max3A_11 = vector.multi_reduction <maximumf>, %transpose3A, %reduce_max3A [0] : vector<100x2500xf32> to vector<2500xf32>
    %broadcast_in_dim3A_12 = vector.shape_cast %reduce_max3A_11 : vector<2500xf32> to vector<1x2500xf32>
    %exp3A = math.exp %transpose3A : vector<100x2500xf32>
    %dot_general3A = arith.constant dense<0.000000e+00> : vector<1x2500xf32>
    %dot_general3A_13 = tpu.matmul %broadcast_in_dim3A_9, %exp3A, %dot_general3A {dimension_numbers = #tpu.dot_dimension_numbers<[1], [0], [0], [1], [0, 0, 1, 1], [], []>, transpose_lhs_hint = false} : vector<1x100xf32>, vector<100x2500xf32>, vector<1x2500xf32> -> vector<1x2500xf32>
    %eq3A_14 = vector.broadcast %broadcast_in_dim3A_12 : vector<1x2500xf32> to vector<100x2500xf32>
    %eq3A_15 = arith.cmpf oeq, %transpose3A, %eq3A_14 : vector<100x2500xf32>
    %convert_element_type3A_16 = arith.extui %eq3A_15 : vector<100x2500xi1> to vector<100x2500xi32>
    %convert_element_type3A_17 = arith.sitofp %convert_element_type3A_16 : vector<100x2500xi32> to vector<100x2500xf32>
    %dot_general3A_18 = arith.constant dense<0.000000e+00> : vector<1x2500xf32>
    %dot_general3A_19 = tpu.matmul %convert_element_type3A_10, %convert_element_type3A_17, %dot_general3A_18 {dimension_numbers = #tpu.dot_dimension_numbers<[1], [0], [0], [1], [0, 0, 1, 1], [], []>, transpose_lhs_hint = false} : vector<1x100xf32>, vector<100x2500xf32>, vector<1x2500xf32> -> vector<1x2500xf32>
    %exp3A_20 = math.exp %broadcast_in_dim3A_12 : vector<1x2500xf32>
    %div3A = arith.divf %exp3A_20, %dot_general3A_13 : vector<1x2500xf32>
    %slice3A_21 = vector.extract_strided_slice %get3A_3 {offsets = [2500, 0], sizes = [2500, 100], strides = [1, 1]} : vector<20000x100xf32> to vector<2500x100xf32>
    %transpose3A_22 = tpu.transpose %slice3A_21, [1, 0] : vector<2500x100xf32> -> vector<100x2500xf32>
    %reduce_max3A_23 = arith.constant dense<0xFF800000> : vector<2500xf32>
    %reduce_max3A_24 = vector.multi_reduction <maximumf>, %transpose3A_22, %reduce_max3A_23 [0] : vector<100x2500xf32> to vector<2500xf32>
    %broadcast_in_dim3A_25 = vector.shape_cast %reduce_max3A_24 : vector<2500xf32> to vector<1x2500xf32>
    %exp3A_26 = math.exp %transpose3A_22 : vector<100x2500xf32>
    %dot_general3A_27 = arith.constant dense<0.000000e+00> : vector<1x2500xf32>
    %dot_general3A_28 = tpu.matmul %broadcast_in_dim3A_9, %exp3A_26, %dot_general3A_27 {dimension_numbers = #tpu.dot_dimension_numbers<[1], [0], [0], [1], [0, 0, 1, 1], [], []>, transpose_lhs_hint = false} : vector<1x100xf32>, vector<100x2500xf32>, vector<1x2500xf32> -> vector<1x2500xf32>
    %eq3A_29 = vector.broadcast %broadcast_in_dim3A_25 : vector<1x2500xf32> to vector<100x2500xf32>
    %eq3A_30 = arith.cmpf oeq, %transpose3A_22, %eq3A_29 : vector<100x2500xf32>
    %convert_element_type3A_31 = arith.extui %eq3A_30 : vector<100x2500xi1> to vector<100x2500xi32>
    %convert_element_type3A_32 = arith.sitofp %convert_element_type3A_31 : vector<100x2500xi32> to vector<100x2500xf32>
    %dot_general3A_33 = arith.constant dense<0.000000e+00> : vector<1x2500xf32>
    %dot_general3A_34 = tpu.matmul %convert_element_type3A_10, %convert_element_type3A_32, %dot_general3A_33 {dimension_numbers = #tpu.dot_dimension_numbers<[1], [0], [0], [1], [0, 0, 1, 1], [], []>, transpose_lhs_hint = false} : vector<1x100xf32>, vector<100x2500xf32>, vector<1x2500xf32> -> vector<1x2500xf32>
    %exp3A_35 = math.exp %broadcast_in_dim3A_25 : vector<1x2500xf32>
    %div3A_36 = arith.divf %exp3A_35, %dot_general3A_28 : vector<1x2500xf32>
    %slice3A_37 = vector.extract_strided_slice %get3A_3 {offsets = [5000, 0], sizes = [2500, 100], strides = [1, 1]} : vector<20000x100xf32> to vector<2500x100xf32>
    %transpose3A_38 = tpu.transpose %slice3A_37, [1, 0] : vector<2500x100xf32> -> vector<100x2500xf32>
    %reduce_max3A_39 = arith.constant dense<0xFF800000> : vector<2500xf32>
    %reduce_max3A_40 = vector.multi_reduction <maximumf>, %transpose3A_38, %reduce_max3A_39 [0] : vector<100x2500xf32> to vector<2500xf32>
    %broadcast_in_dim3A_41 = vector.shape_cast %reduce_max3A_40 : vector<2500xf32> to vector<1x2500xf32>
    %exp3A_42 = math.exp %transpose3A_38 : vector<100x2500xf32>
    %dot_general3A_43 = arith.constant dense<0.000000e+00> : vector<1x2500xf32>
    %dot_general3A_44 = tpu.matmul %broadcast_in_dim3A_9, %exp3A_42, %dot_general3A_43 {dimension_numbers = #tpu.dot_dimension_numbers<[1], [0], [0], [1], [0, 0, 1, 1], [], []>, transpose_lhs_hint = false} : vector<1x100xf32>, vector<100x2500xf32>, vector<1x2500xf32> -> vector<1x2500xf32>
    %eq3A_45 = vector.broadcast %broadcast_in_dim3A_41 : vector<1x2500xf32> to vector<100x2500xf32>
    %eq3A_46 = arith.cmpf oeq, %transpose3A_38, %eq3A_45 : vector<100x2500xf32>
    %convert_element_type3A_47 = arith.extui %eq3A_46 : vector<100x2500xi1> to vector<100x2500xi32>
    %convert_element_type3A_48 = arith.sitofp %convert_element_type3A_47 : vector<100x2500xi32> to vector<100x2500xf32>
    %dot_general3A_49 = arith.constant dense<0.000000e+00> : vector<1x2500xf32>
    %dot_general3A_50 = tpu.matmul %convert_element_type3A_10, %convert_element_type3A_48, %dot_general3A_49 {dimension_numbers = #tpu.dot_dimension_numbers<[1], [0], [0], [1], [0, 0, 1, 1], [], []>, transpose_lhs_hint = false} : vector<1x100xf32>, vector<100x2500xf32>, vector<1x2500xf32> -> vector<1x2500xf32>
    %exp3A_51 = math.exp %broadcast_in_dim3A_41 : vector<1x2500xf32>
    %div3A_52 = arith.divf %exp3A_51, %dot_general3A_44 : vector<1x2500xf32>
    %slice3A_53 = vector.extract_strided_slice %get3A_3 {offsets = [7500, 0], sizes = [2500, 100], strides = [1, 1]} : vector<20000x100xf32> to vector<2500x100xf32>
    %transpose3A_54 = tpu.transpose %slice3A_53, [1, 0] : vector<2500x100xf32> -> vector<100x2500xf32>
    %reduce_max3A_55 = arith.constant dense<0xFF800000> : vector<2500xf32>
    %reduce_max3A_56 = vector.multi_reduction <maximumf>, %transpose3A_54, %reduce_max3A_55 [0] : vector<100x2500xf32> to vector<2500xf32>
    %broadcast_in_dim3A_57 = vector.shape_cast %reduce_max3A_56 : vector<2500xf32> to vector<1x2500xf32>
    %exp3A_58 = math.exp %transpose3A_54 : vector<100x2500xf32>
    %dot_general3A_59 = arith.constant dense<0.000000e+00> : vector<1x2500xf32>
    %dot_general3A_60 = tpu.matmul %broadcast_in_dim3A_9, %exp3A_58, %dot_general3A_59 {dimension_numbers = #tpu.dot_dimension_numbers<[1], [0], [0], [1], [0, 0, 1, 1], [], []>, transpose_lhs_hint = false} : vector<1x100xf32>, vector<100x2500xf32>, vector<1x2500xf32> -> vector<1x2500xf32>
    %eq3A_61 = vector.broadcast %broadcast_in_dim3A_57 : vector<1x2500xf32> to vector<100x2500xf32>
    %eq3A_62 = arith.cmpf oeq, %transpose3A_54, %eq3A_61 : vector<100x2500xf32>
    %convert_element_type3A_63 = arith.extui %eq3A_62 : vector<100x2500xi1> to vector<100x2500xi32>
    %convert_element_type3A_64 = arith.sitofp %convert_element_type3A_63 : vector<100x2500xi32> to vector<100x2500xf32>
    %dot_general3A_65 = arith.constant dense<0.000000e+00> : vector<1x2500xf32>
    %dot_general3A_66 = tpu.matmul %convert_element_type3A_10, %convert_element_type3A_64, %dot_general3A_65 {dimension_numbers = #tpu.dot_dimension_numbers<[1], [0], [0], [1], [0, 0, 1, 1], [], []>, transpose_lhs_hint = false} : vector<1x100xf32>, vector<100x2500xf32>, vector<1x2500xf32> -> vector<1x2500xf32>
    %exp3A_67 = math.exp %broadcast_in_dim3A_57 : vector<1x2500xf32>
    %div3A_68 = arith.divf %exp3A_67, %dot_general3A_60 : vector<1x2500xf32>
    %slice3A_69 = vector.extract_strided_slice %get3A_3 {offsets = [10000, 0], sizes = [2500, 100], strides = [1, 1]} : vector<20000x100xf32> to vector<2500x100xf32>
    %transpose3A_70 = tpu.transpose %slice3A_69, [1, 0] : vector<2500x100xf32> -> vector<100x2500xf32>
    %reduce_max3A_71 = arith.constant dense<0xFF800000> : vector<2500xf32>
    %reduce_max3A_72 = vector.multi_reduction <maximumf>, %transpose3A_70, %reduce_max3A_71 [0] : vector<100x2500xf32> to vector<2500xf32>
    %broadcast_in_dim3A_73 = vector.shape_cast %reduce_max3A_72 : vector<2500xf32> to vector<1x2500xf32>
    %exp3A_74 = math.exp %transpose3A_70 : vector<100x2500xf32>
    %dot_general3A_75 = arith.constant dense<0.000000e+00> : vector<1x2500xf32>
    %dot_general3A_76 = tpu.matmul %broadcast_in_dim3A_9, %exp3A_74, %dot_general3A_75 {dimension_numbers = #tpu.dot_dimension_numbers<[1], [0], [0], [1], [0, 0, 1, 1], [], []>, transpose_lhs_hint = false} : vector<1x100xf32>, vector<100x2500xf32>, vector<1x2500xf32> -> vector<1x2500xf32>
    %eq3A_77 = vector.broadcast %broadcast_in_dim3A_73 : vector<1x2500xf32> to vector<100x2500xf32>
    %eq3A_78 = arith.cmpf oeq, %transpose3A_70, %eq3A_77 : vector<100x2500xf32>
    %convert_element_type3A_79 = arith.extui %eq3A_78 : vector<100x2500xi1> to vector<100x2500xi32>
    %convert_element_type3A_80 = arith.sitofp %convert_element_type3A_79 : vector<100x2500xi32> to vector<100x2500xf32>
    %dot_general3A_81 = arith.constant dense<0.000000e+00> : vector<1x2500xf32>
    %dot_general3A_82 = tpu.matmul %convert_element_type3A_10, %convert_element_type3A_80, %dot_general3A_81 {dimension_numbers = #tpu.dot_dimension_numbers<[1], [0], [0], [1], [0, 0, 1, 1], [], []>, transpose_lhs_hint = false} : vector<1x100xf32>, vector<100x2500xf32>, vector<1x2500xf32> -> vector<1x2500xf32>
    %exp3A_83 = math.exp %broadcast_in_dim3A_73 : vector<1x2500xf32>
    %div3A_84 = arith.divf %exp3A_83, %dot_general3A_76 : vector<1x2500xf32>
    %slice3A_85 = vector.extract_strided_slice %get3A_3 {offsets = [12500, 0], sizes = [2500, 100], strides = [1, 1]} : vector<20000x100xf32> to vector<2500x100xf32>
    %transpose3A_86 = tpu.transpose %slice3A_85, [1, 0] : vector<2500x100xf32> -> vector<100x2500xf32>
    %reduce_max3A_87 = arith.constant dense<0xFF800000> : vector<2500xf32>
    %reduce_max3A_88 = vector.multi_reduction <maximumf>, %transpose3A_86, %reduce_max3A_87 [0] : vector<100x2500xf32> to vector<2500xf32>
    %broadcast_in_dim3A_89 = vector.shape_cast %reduce_max3A_88 : vector<2500xf32> to vector<1x2500xf32>
    %exp3A_90 = math.exp %transpose3A_86 : vector<100x2500xf32>
    %dot_general3A_91 = arith.constant dense<0.000000e+00> : vector<1x2500xf32>
    %dot_general3A_92 = tpu.matmul %broadcast_in_dim3A_9, %exp3A_90, %dot_general3A_91 {dimension_numbers = #tpu.dot_dimension_numbers<[1], [0], [0], [1], [0, 0, 1, 1], [], []>, transpose_lhs_hint = false} : vector<1x100xf32>, vector<100x2500xf32>, vector<1x2500xf32> -> vector<1x2500xf32>
    %eq3A_93 = vector.broadcast %broadcast_in_dim3A_89 : vector<1x2500xf32> to vector<100x2500xf32>
    %eq3A_94 = arith.cmpf oeq, %transpose3A_86, %eq3A_93 : vector<100x2500xf32>
    %convert_element_type3A_95 = arith.extui %eq3A_94 : vector<100x2500xi1> to vector<100x2500xi32>
    %convert_element_type3A_96 = arith.sitofp %convert_element_type3A_95 : vector<100x2500xi32> to vector<100x2500xf32>
    %dot_general3A_97 = arith.constant dense<0.000000e+00> : vector<1x2500xf32>
    %dot_general3A_98 = tpu.matmul %convert_element_type3A_10, %convert_element_type3A_96, %dot_general3A_97 {dimension_numbers = #tpu.dot_dimension_numbers<[1], [0], [0], [1], [0, 0, 1, 1], [], []>, transpose_lhs_hint = false} : vector<1x100xf32>, vector<100x2500xf32>, vector<1x2500xf32> -> vector<1x2500xf32>
    %exp3A_99 = math.exp %broadcast_in_dim3A_89 : vector<1x2500xf32>
    %div3A_100 = arith.divf %exp3A_99, %dot_general3A_92 : vector<1x2500xf32>
    %slice3A_101 = vector.extract_strided_slice %get3A_3 {offsets = [15000, 0], sizes = [2500, 100], strides = [1, 1]} : vector<20000x100xf32> to vector<2500x100xf32>
    %transpose3A_102 = tpu.transpose %slice3A_101, [1, 0] : vector<2500x100xf32> -> vector<100x2500xf32>
    %reduce_max3A_103 = arith.constant dense<0xFF800000> : vector<2500xf32>
    %reduce_max3A_104 = vector.multi_reduction <maximumf>, %transpose3A_102, %reduce_max3A_103 [0] : vector<100x2500xf32> to vector<2500xf32>
    %broadcast_in_dim3A_105 = vector.shape_cast %reduce_max3A_104 : vector<2500xf32> to vector<1x2500xf32>
    %exp3A_106 = math.exp %transpose3A_102 : vector<100x2500xf32>
    %dot_general3A_107 = arith.constant dense<0.000000e+00> : vector<1x2500xf32>
    %dot_general3A_108 = tpu.matmul %broadcast_in_dim3A_9, %exp3A_106, %dot_general3A_107 {dimension_numbers = #tpu.dot_dimension_numbers<[1], [0], [0], [1], [0, 0, 1, 1], [], []>, transpose_lhs_hint = false} : vector<1x100xf32>, vector<100x2500xf32>, vector<1x2500xf32> -> vector<1x2500xf32>
    %eq3A_109 = vector.broadcast %broadcast_in_dim3A_105 : vector<1x2500xf32> to vector<100x2500xf32>
    %eq3A_110 = arith.cmpf oeq, %transpose3A_102, %eq3A_109 : vector<100x2500xf32>
    %convert_element_type3A_111 = arith.extui %eq3A_110 : vector<100x2500xi1> to vector<100x2500xi32>
    %convert_element_type3A_112 = arith.sitofp %convert_element_type3A_111 : vector<100x2500xi32> to vector<100x2500xf32>
    %dot_general3A_113 = arith.constant dense<0.000000e+00> : vector<1x2500xf32>
    %dot_general3A_114 = tpu.matmul %convert_element_type3A_10, %convert_element_type3A_112, %dot_general3A_113 {dimension_numbers = #tpu.dot_dimension_numbers<[1], [0], [0], [1], [0, 0, 1, 1], [], []>, transpose_lhs_hint = false} : vector<1x100xf32>, vector<100x2500xf32>, vector<1x2500xf32> -> vector<1x2500xf32>
    %exp3A_115 = math.exp %broadcast_in_dim3A_105 : vector<1x2500xf32>
    %div3A_116 = arith.divf %exp3A_115, %dot_general3A_108 : vector<1x2500xf32>
    %slice3A_117 = vector.extract_strided_slice %get3A_3 {offsets = [17500, 0], sizes = [2500, 100], strides = [1, 1]} : vector<20000x100xf32> to vector<2500x100xf32>
    %transpose3A_118 = tpu.transpose %slice3A_117, [1, 0] : vector<2500x100xf32> -> vector<100x2500xf32>
    %reduce_max3A_119 = arith.constant dense<0xFF800000> : vector<2500xf32>
    %reduce_max3A_120 = vector.multi_reduction <maximumf>, %transpose3A_118, %reduce_max3A_119 [0] : vector<100x2500xf32> to vector<2500xf32>
    %broadcast_in_dim3A_121 = vector.shape_cast %reduce_max3A_120 : vector<2500xf32> to vector<1x2500xf32>
    %exp3A_122 = math.exp %transpose3A_118 : vector<100x2500xf32>
    %dot_general3A_123 = arith.constant dense<0.000000e+00> : vector<1x2500xf32>
    %dot_general3A_124 = tpu.matmul %broadcast_in_dim3A_9, %exp3A_122, %dot_general3A_123 {dimension_numbers = #tpu.dot_dimension_numbers<[1], [0], [0], [1], [0, 0, 1, 1], [], []>, transpose_lhs_hint = false} : vector<1x100xf32>, vector<100x2500xf32>, vector<1x2500xf32> -> vector<1x2500xf32>
    %eq3A_125 = vector.broadcast %broadcast_in_dim3A_121 : vector<1x2500xf32> to vector<100x2500xf32>
    %eq3A_126 = arith.cmpf oeq, %transpose3A_118, %eq3A_125 : vector<100x2500xf32>
    %convert_element_type3A_127 = arith.extui %eq3A_126 : vector<100x2500xi1> to vector<100x2500xi32>
    %convert_element_type3A_128 = arith.sitofp %convert_element_type3A_127 : vector<100x2500xi32> to vector<100x2500xf32>
    %dot_general3A_129 = arith.constant dense<0.000000e+00> : vector<1x2500xf32>
    %dot_general3A_130 = tpu.matmul %convert_element_type3A_10, %convert_element_type3A_128, %dot_general3A_129 {dimension_numbers = #tpu.dot_dimension_numbers<[1], [0], [0], [1], [0, 0, 1, 1], [], []>, transpose_lhs_hint = false} : vector<1x100xf32>, vector<100x2500xf32>, vector<1x2500xf32> -> vector<1x2500xf32>
    %exp3A_131 = math.exp %broadcast_in_dim3A_121 : vector<1x2500xf32>
    %div3A_132 = arith.divf %exp3A_131, %dot_general3A_124 : vector<1x2500xf32>
    %concatenate3A = tpu.concatenate %div3A, %div3A_36, %div3A_52, %div3A_68, %div3A_84, %div3A_100, %div3A_116, %div3A_132 in 0 : vector<1x2500xf32>, vector<1x2500xf32>, vector<1x2500xf32>, vector<1x2500xf32>, vector<1x2500xf32>, vector<1x2500xf32>, vector<1x2500xf32>, vector<1x2500xf32> -> vector<8x2500xf32>
    %concatenate3A_133 = tpu.concatenate %dot_general3A_19, %dot_general3A_34, %dot_general3A_50, %dot_general3A_66, %dot_general3A_82, %dot_general3A_98, %dot_general3A_114, %dot_general3A_130 in 0 : vector<1x2500xf32>, vector<1x2500xf32>, vector<1x2500xf32>, vector<1x2500xf32>, vector<1x2500xf32>, vector<1x2500xf32>, vector<1x2500xf32>, vector<1x2500xf32> -> vector<8x2500xf32>
    %convert_element_type3A_134 = arith.sitofp %get3A_8 : vector<8x2500xi32> to vector<8x2500xf32>
    %eq3A_135 = arith.cmpf oeq, %concatenate3A_133, %convert_element_type3A_134 : vector<8x2500xf32>
    %convert_element_type3A_136 = arith.extui %eq3A_135 : vector<8x2500xi1> to vector<8x2500xi32>
    %convert_element_type3A_137 = arith.sitofp %convert_element_type3A_136 : vector<8x2500xi32> to vector<8x2500xf32>
    %get3A_138 = arith.constant 0 : index
    %get3A_139 = memref.load %arg3[%get3A_138] : memref<15xf32, #tpu.memory_space<smem>>
    %get3A_140 = arith.constant 0 : index
    %get3A_141 = memref.load %arg4[%get3A_140] : memref<15xf32, #tpu.memory_space<smem>>
    %gt3A = vector.broadcast %get3A_139 : f32 to vector<8x2500xf32>
    %gt3A_142 = arith.cmpf ogt, %concatenate3A, %gt3A : vector<8x2500xf32>
    %le3A = vector.broadcast %get3A_141 : f32 to vector<8x2500xf32>
    %le3A_143 = arith.cmpf ole, %concatenate3A, %le3A : vector<8x2500xf32>
    %and3A = arith.andi %gt3A_142, %le3A_143 : vector<8x2500xi1>
    %convert_element_type3A_144 = arith.extui %and3A : vector<8x2500xi1> to vector<8x2500xi32>
    %convert_element_type3A_145 = arith.sitofp %convert_element_type3A_144 : vector<8x2500xi32> to vector<8x2500xf32>
    %get3A_146 = arith.constant 0 : index
    %get3A_147 = arith.constant 0 : index
    %get3A_148 = arith.constant 0 : index
    %get3A_149 = vector.load %arg6[%get3A_146, %get3A_147, %get3A_148] : memref<45x8x2500xf32, #tpu.memory_space<vmem>>, vector<1x8x2500xf32>
    %get3A_150 = vector.shape_cast %get3A_149 : vector<1x8x2500xf32> to vector<8x2500xf32>
    %add3A = arith.addf %get3A_150, %convert_element_type3A_145 : vector<8x2500xf32>
    %swap3A = arith.constant 0 : index
    %swap3A_151 = arith.constant 0 : index
    %swap3A_152 = arith.constant 0 : index
    %swap3A_153 = vector.load %arg6[%swap3A, %swap3A_151, %swap3A_152] : memref<45x8x2500xf32, #tpu.memory_space<vmem>>, vector<1x8x2500xf32>
    %swap3A_154 = vector.shape_cast %swap3A_153 : vector<1x8x2500xf32> to vector<8x2500xf32>
    %swap3A_155 = vector.shape_cast %add3A : vector<8x2500xf32> to vector<1x8x2500xf32>
    tpu.vector_store %arg6[%swap3A, %swap3A_151, %swap3A_152], %swap3A_155 {strides = array<i32>} : memref<45x8x2500xf32, #tpu.memory_space<vmem>>, vector<1x8x2500xf32>,
    %get3A_156 = arith.constant 1 : index
    %get3A_157 = arith.constant 0 : index
    %get3A_158 = arith.constant 0 : index
    %get3A_159 = vector.load %arg6[%get3A_156, %get3A_157, %get3A_158] : memref<45x8x2500xf32, #tpu.memory_space<vmem>>, vector<1x8x2500xf32>
    %get3A_160 = vector.shape_cast %get3A_159 : vector<1x8x2500xf32> to vector<8x2500xf32>
    %mul3A = arith.mulf %convert_element_type3A_145, %convert_element_type3A_137 : vector<8x2500xf32>
    %add3A_161 = arith.addf %get3A_160, %mul3A : vector<8x2500xf32>
    %swap3A_162 = arith.constant 1 : index
    %swap3A_163 = arith.constant 0 : index
    %swap3A_164 = arith.constant 0 : index
    %swap3A_165 = vector.load %arg6[%swap3A_162, %swap3A_163, %swap3A_164] : memref<45x8x2500xf32, #tpu.memory_space<vmem>>, vector<1x8x2500xf32>
    %swap3A_166 = vector.shape_cast %swap3A_165 : vector<1x8x2500xf32> to vector<8x2500xf32>
    %swap3A_167 = vector.shape_cast %add3A_161 : vector<8x2500xf32> to vector<1x8x2500xf32>
    tpu.vector_store %arg6[%swap3A_162, %swap3A_163, %swap3A_164], %swap3A_167 {strides = array<i32>} : memref<45x8x2500xf32, #tpu.memory_space<vmem>>, vector<1x8x2500xf32>,
    %get3A_168 = arith.constant 2 : index
    %get3A_169 = arith.constant 0 : index
    %get3A_170 = arith.constant 0 : index
    %get3A_171 = vector.load %arg6[%get3A_168, %get3A_169, %get3A_170] : memref<45x8x2500xf32, #tpu.memory_space<vmem>>, vector<1x8x2500xf32>
    %get3A_172 = vector.shape_cast %get3A_171 : vector<1x8x2500xf32> to vector<8x2500xf32>
    %mul3A_173 = arith.mulf %convert_element_type3A_145, %concatenate3A : vector<8x2500xf32>
    %add3A_174 = arith.addf %get3A_172, %mul3A_173 : vector<8x2500xf32>
    %swap3A_175 = arith.constant 2 : index
    %swap3A_176 = arith.constant 0 : index
    %swap3A_177 = arith.constant 0 : index
    %swap3A_178 = vector.load %arg6[%swap3A_175, %swap3A_176, %swap3A_177] : memref<45x8x2500xf32, #tpu.memory_space<vmem>>, vector<1x8x2500xf32>
    %swap3A_179 = vector.shape_cast %swap3A_178 : vector<1x8x2500xf32> to vector<8x2500xf32>
    %swap3A_180 = vector.shape_cast %add3A_174 : vector<8x2500xf32> to vector<1x8x2500xf32>
    tpu.vector_store %arg6[%swap3A_175, %swap3A_176, %swap3A_177], %swap3A_180 {strides = array<i32>} : memref<45x8x2500xf32, #tpu.memory_space<vmem>>, vector<1x8x2500xf32>,
    %get3A_181 = arith.constant 1 : index
    %get3A_182 = memref.load %arg3[%get3A_181] : memref<15xf32, #tpu.memory_space<smem>>
    %get3A_183 = arith.constant 1 : index
    %get3A_184 = memref.load %arg4[%get3A_183] : memref<15xf32, #tpu.memory_space<smem>>
    %gt3A_185 = vector.broadcast %get3A_182 : f32 to vector<8x2500xf32>
    %gt3A_186 = arith.cmpf ogt, %concatenate3A, %gt3A_185 : vector<8x2500xf32>
    %le3A_187 = vector.broadcast %get3A_184 : f32 to vector<8x2500xf32>
    %le3A_188 = arith.cmpf ole, %concatenate3A, %le3A_187 : vector<8x2500xf32>
    %and3A_189 = arith.andi %gt3A_186, %le3A_188 : vector<8x2500xi1>
    %convert_element_type3A_190 = arith.extui %and3A_189 : vector<8x2500xi1> to vector<8x2500xi32>
    %convert_element_type3A_191 = arith.sitofp %convert_element_type3A_190 : vector<8x2500xi32> to vector<8x2500xf32>
    %get3A_192 = arith.constant 3 : index
    %get3A_193 = arith.constant 0 : index
    %get3A_194 = arith.constant 0 : index
    %get3A_195 = vector.load %arg6[%get3A_192, %get3A_193, %get3A_194] : memref<45x8x2500xf32, #tpu.memory_space<vmem>>, vector<1x8x2500xf32>
    %get3A_196 = vector.shape_cast %get3A_195 : vector<1x8x2500xf32> to vector<8x2500xf32>
    %add3A_197 = arith.addf %get3A_196, %convert_element_type3A_191 : vector<8x2500xf32>
    %swap3A_198 = arith.constant 3 : index
    %swap3A_199 = arith.constant 0 : index
    %swap3A_200 = arith.constant 0 : index
    %swap3A_201 = vector.load %arg6[%swap3A_198, %swap3A_199, %swap3A_200] : memref<45x8x2500xf32, #tpu.memory_space<vmem>>, vector<1x8x2500xf32>
    %swap3A_202 = vector.shape_cast %swap3A_201 : vector<1x8x2500xf32> to vector<8x2500xf32>
    %swap3A_203 = vector.shape_cast %add3A_197 : vector<8x2500xf32> to vector<1x8x2500xf32>
    tpu.vector_store %arg6[%swap3A_198, %swap3A_199, %swap3A_200], %swap3A_203 {strides = array<i32>} : memref<45x8x2500xf32, #tpu.memory_space<vmem>>, vector<1x8x2500xf32>,
    %get3A_204 = arith.constant 4 : index
    %get3A_205 = arith.constant 0 : index
    %get3A_206 = arith.constant 0 : index
    %get3A_207 = vector.load %arg6[%get3A_204, %get3A_205, %get3A_206] : memref<45x8x2500xf32, #tpu.memory_space<vmem>>, vector<1x8x2500xf32>
    %get3A_208 = vector.shape_cast %get3A_207 : vector<1x8x2500xf32> to vector<8x2500xf32>
    %mul3A_209 = arith.mulf %convert_element_type3A_191, %convert_element_type3A_137 : vector<8x2500xf32>
    %add3A_210 = arith.addf %get3A_208, %mul3A_209 : vector<8x2500xf32>
    %swap3A_211 = arith.constant 4 : index
    %swap3A_212 = arith.constant 0 : index
    %swap3A_213 = arith.constant 0 : index
    %swap3A_214 = vector.load %arg6[%swap3A_211, %swap3A_212, %swap3A_213] : memref<45x8x2500xf32, #tpu.memory_space<vmem>>, vector<1x8x2500xf32>
    %swap3A_215 = vector.shape_cast %swap3A_214 : vector<1x8x2500xf32> to vector<8x2500xf32>
    %swap3A_216 = vector.shape_cast %add3A_210 : vector<8x2500xf32> to vector<1x8x2500xf32>
    tpu.vector_store %arg6[%swap3A_211, %swap3A_212, %swap3A_213], %swap3A_216 {strides = array<i32>} : memref<45x8x2500xf32, #tpu.memory_space<vmem>>, vector<1x8x2500xf32>,
    %get3A_217 = arith.constant 5 : index
    %get3A_218 = arith.constant 0 : index
    %get3A_219 = arith.constant 0 : index
    %get3A_220 = vector.load %arg6[%get3A_217, %get3A_218, %get3A_219] : memref<45x8x2500xf32, #tpu.memory_space<vmem>>, vector<1x8x2500xf32>
    %get3A_221 = vector.shape_cast %get3A_220 : vector<1x8x2500xf32> to vector<8x2500xf32>
    %mul3A_222 = arith.mulf %convert_element_type3A_191, %concatenate3A : vector<8x2500xf32>
    %add3A_223 = arith.addf %get3A_221, %mul3A_222 : vector<8x2500xf32>
    %swap3A_224 = arith.constant 5 : index
    %swap3A_225 = arith.constant 0 : index
    %swap3A_226 = arith.constant 0 : index
    %swap3A_227 = vector.load %arg6[%swap3A_224, %swap3A_225, %swap3A_226] : memref<45x8x2500xf32, #tpu.memory_space<vmem>>, vector<1x8x2500xf32>
    %swap3A_228 = vector.shape_cast %swap3A_227 : vector<1x8x2500xf32> to vector<8x2500xf32>
    %swap3A_229 = vector.shape_cast %add3A_223 : vector<8x2500xf32> to vector<1x8x2500xf32>
    tpu.vector_store %arg6[%swap3A_224, %swap3A_225, %swap3A_226], %swap3A_229 {strides = array<i32>} : memref<45x8x2500xf32, #tpu.memory_space<vmem>>, vector<1x8x2500xf32>,
    %get3A_230 = arith.constant 2 : index
    %get3A_231 = memref.load %arg3[%get3A_230] : memref<15xf32, #tpu.memory_space<smem>>
    %get3A_232 = arith.constant 2 : index
    %get3A_233 = memref.load %arg4[%get3A_232] : memref<15xf32, #tpu.memory_space<smem>>
    %gt3A_234 = vector.broadcast %get3A_231 : f32 to vector<8x2500xf32>
    %gt3A_235 = arith.cmpf ogt, %concatenate3A, %gt3A_234 : vector<8x2500xf32>
    %le3A_236 = vector.broadcast %get3A_233 : f32 to vector<8x2500xf32>
    %le3A_237 = arith.cmpf ole, %concatenate3A, %le3A_236 : vector<8x2500xf32>
    %and3A_238 = arith.andi %gt3A_235, %le3A_237 : vector<8x2500xi1>
    %convert_element_type3A_239 = arith.extui %and3A_238 : vector<8x2500xi1> to vector<8x2500xi32>
    %convert_element_type3A_240 = arith.sitofp %convert_element_type3A_239 : vector<8x2500xi32> to vector<8x2500xf32>
    %get3A_241 = arith.constant 6 : index
    %get3A_242 = arith.constant 0 : index
    %get3A_243 = arith.constant 0 : index
    %get3A_244 = vector.load %arg6[%get3A_241, %get3A_242, %get3A_243] : memref<45x8x2500xf32, #tpu.memory_space<vmem>>, vector<1x8x2500xf32>
    %get3A_245 = vector.shape_cast %get3A_244 : vector<1x8x2500xf32> to vector<8x2500xf32>
    %add3A_246 = arith.addf %get3A_245, %convert_element_type3A_240 : vector<8x2500xf32>
    %swap3A_247 = arith.constant 6 : index
    %swap3A_248 = arith.constant 0 : index
    %swap3A_249 = arith.constant 0 : index
    %swap3A_250 = vector.load %arg6[%swap3A_247, %swap3A_248, %swap3A_249] : memref<45x8x2500xf32, #tpu.memory_space<vmem>>, vector<1x8x2500xf32>
    %swap3A_251 = vector.shape_cast %swap3A_250 : vector<1x8x2500xf32> to vector<8x2500xf32>
    %swap3A_252 = vector.shape_cast %add3A_246 : vector<8x2500xf32> to vector<1x8x2500xf32>
    tpu.vector_store %arg6[%swap3A_247, %swap3A_248, %swap3A_249], %swap3A_252 {strides = array<i32>} : memref<45x8x2500xf32, #tpu.memory_space<vmem>>, vector<1x8x2500xf32>,
    %get3A_253 = arith.constant 7 : index
    %get3A_254 = arith.constant 0 : index
    %get3A_255 = arith.constant 0 : index
    %get3A_256 = vector.load %arg6[%get3A_253, %get3A_254, %get3A_255] : memref<45x8x2500xf32, #tpu.memory_space<vmem>>, vector<1x8x2500xf32>
    %get3A_257 = vector.shape_cast %get3A_256 : vector<1x8x2500xf32> to vector<8x2500xf32>
    %mul3A_258 = arith.mulf %convert_element_type3A_240, %convert_element_type3A_137 : vector<8x2500xf32>
    %add3A_259 = arith.addf %get3A_257, %mul3A_258 : vector<8x2500xf32>
    %swap3A_260 = arith.constant 7 : index
    %swap3A_261 = arith.constant 0 : index
    %swap3A_262 = arith.constant 0 : index
    %swap3A_263 = vector.load %arg6[%swap3A_260, %swap3A_261, %swap3A_262] : memref<45x8x2500xf32, #tpu.memory_space<vmem>>, vector<1x8x2500xf32>
    %swap3A_264 = vector.shape_cast %swap3A_263 : vector<1x8x2500xf32> to vector<8x2500xf32>
    %swap3A_265 = vector.shape_cast %add3A_259 : vector<8x2500xf32> to vector<1x8x2500xf32>
    tpu.vector_store %arg6[%swap3A_260, %swap3A_261, %swap3A_262], %swap3A_265 {strides = array<i32>} : memref<45x8x2500xf32, #tpu.memory_space<vmem>>, vector<1x8x2500xf32>,
    %get3A_266 = arith.constant 8 : index
    %get3A_267 = arith.constant 0 : index
    %get3A_268 = arith.constant 0 : index
    %get3A_269 = vector.load %arg6[%get3A_266, %get3A_267, %get3A_268] : memref<45x8x2500xf32, #tpu.memory_space<vmem>>, vector<1x8x2500xf32>
    %get3A_270 = vector.shape_cast %get3A_269 : vector<1x8x2500xf32> to vector<8x2500xf32>
    %mul3A_271 = arith.mulf %convert_element_type3A_240, %concatenate3A : vector<8x2500xf32>
    %add3A_272 = arith.addf %get3A_270, %mul3A_271 : vector<8x2500xf32>
    %swap3A_273 = arith.constant 8 : index
    %swap3A_274 = arith.constant 0 : index
    %swap3A_275 = arith.constant 0 : index
    %swap3A_276 = vector.load %arg6[%swap3A_273, %swap3A_274, %swap3A_275] : memref<45x8x2500xf32, #tpu.memory_space<vmem>>, vector<1x8x2500xf32>
    %swap3A_277 = vector.shape_cast %swap3A_276 : vector<1x8x2500xf32> to vector<8x2500xf32>
    %swap3A_278 = vector.shape_cast %add3A_272 : vector<8x2500xf32> to vector<1x8x2500xf32>
    tpu.vector_store %arg6[%swap3A_273, %swap3A_274, %swap3A_275], %swap3A_278 {strides = array<i32>} : memref<45x8x2500xf32, #tpu.memory_space<vmem>>, vector<1x8x2500xf32>,
    %get3A_279 = arith.constant 3 : index
    %get3A_280 = memref.load %arg3[%get3A_279] : memref<15xf32, #tpu.memory_space<smem>>
    %get3A_281 = arith.constant 3 : index
    %get3A_282 = memref.load %arg4[%get3A_281] : memref<15xf32, #tpu.memory_space<smem>>
    %gt3A_283 = vector.broadcast %get3A_280 : f32 to vector<8x2500xf32>
    %gt3A_284 = arith.cmpf ogt, %concatenate3A, %gt3A_283 : vector<8x2500xf32>
    %le3A_285 = vector.broadcast %get3A_282 : f32 to vector<8x2500xf32>
    %le3A_286 = arith.cmpf ole, %concatenate3A, %le3A_285 : vector<8x2500xf32>
    %and3A_287 = arith.andi %gt3A_284, %le3A_286 : vector<8x2500xi1>
    %convert_element_type3A_288 = arith.extui %and3A_287 : vector<8x2500xi1> to vector<8x2500xi32>
    %convert_element_type3A_289 = arith.sitofp %convert_element_type3A_288 : vector<8x2500xi32> to vector<8x2500xf32>
    %get3A_290 = arith.constant 9 : index
    %get3A_291 = arith.constant 0 : index
    %get3A_292 = arith.constant 0 : index
    %get3A_293 = vector.load %arg6[%get3A_290, %get3A_291, %get3A_292] : memref<45x8x2500xf32, #tpu.memory_space<vmem>>, vector<1x8x2500xf32>
    %get3A_294 = vector.shape_cast %get3A_293 : vector<1x8x2500xf32> to vector<8x2500xf32>
    %add3A_295 = arith.addf %get3A_294, %convert_element_type3A_289 : vector<8x2500xf32>
    %swap3A_296 = arith.constant 9 : index
    %swap3A_297 = arith.constant 0 : index
    %swap3A_298 = arith.constant 0 : index
    %swap3A_299 = vector.load %arg6[%swap3A_296, %swap3A_297, %swap3A_298] : memref<45x8x2500xf32, #tpu.memory_space<vmem>>, vector<1x8x2500xf32>
    %swap3A_300 = vector.shape_cast %swap3A_299 : vector<1x8x2500xf32> to vector<8x2500xf32>
    %swap3A_301 = vector.shape_cast %add3A_295 : vector<8x2500xf32> to vector<1x8x2500xf32>
    tpu.vector_store %arg6[%swap3A_296, %swap3A_297, %swap3A_298], %swap3A_301 {strides = array<i32>} : memref<45x8x2500xf32, #tpu.memory_space<vmem>>, vector<1x8x2500xf32>,
    %get3A_302 = arith.constant 10 : index
    %get3A_303 = arith.constant 0 : index
    %get3A_304 = arith.constant 0 : index
    %get3A_305 = vector.load %arg6[%get3A_302, %get3A_303, %get3A_304] : memref<45x8x2500xf32, #tpu.memory_space<vmem>>, vector<1x8x2500xf32>
    %get3A_306 = vector.shape_cast %get3A_305 : vector<1x8x2500xf32> to vector<8x2500xf32>
    %mul3A_307 = arith.mulf %convert_element_type3A_289, %convert_element_type3A_137 : vector<8x2500xf32>
    %add3A_308 = arith.addf %get3A_306, %mul3A_307 : vector<8x2500xf32>
    %swap3A_309 = arith.constant 10 : index
    %swap3A_310 = arith.constant 0 : index
    %swap3A_311 = arith.constant 0 : index
    %swap3A_312 = vector.load %arg6[%swap3A_309, %swap3A_310, %swap3A_311] : memref<45x8x2500xf32, #tpu.memory_space<vmem>>, vector<1x8x2500xf32>
    %swap3A_313 = vector.shape_cast %swap3A_312 : vector<1x8x2500xf32> to vector<8x2500xf32>
    %swap3A_314 = vector.shape_cast %add3A_308 : vector<8x2500xf32> to vector<1x8x2500xf32>
    tpu.vector_store %arg6[%swap3A_309, %swap3A_310, %swap3A_311], %swap3A_314 {strides = array<i32>} : memref<45x8x2500xf32, #tpu.memory_space<vmem>>, vector<1x8x2500xf32>,
    %get3A_315 = arith.constant 11 : index
    %get3A_316 = arith.constant 0 : index
    %get3A_317 = arith.constant 0 : index
    %get3A_318 = vector.load %arg6[%get3A_315, %get3A_316, %get3A_317] : memref<45x8x2500xf32, #tpu.memory_space<vmem>>, vector<1x8x2500xf32>
    %get3A_319 = vector.shape_cast %get3A_318 : vector<1x8x2500xf32> to vector<8x2500xf32>
    %mul3A_320 = arith.mulf %convert_element_type3A_289, %concatenate3A : vector<8x2500xf32>
    %add3A_321 = arith.addf %get3A_319, %mul3A_320 : vector<8x2500xf32>
    %swap3A_322 = arith.constant 11 : index
    %swap3A_323 = arith.constant 0 : index
    %swap3A_324 = arith.constant 0 : index
    %swap3A_325 = vector.load %arg6[%swap3A_322, %swap3A_323, %swap3A_324] : memref<45x8x2500xf32, #tpu.memory_space<vmem>>, vector<1x8x2500xf32>
    %swap3A_326 = vector.shape_cast %swap3A_325 : vector<1x8x2500xf32> to vector<8x2500xf32>
    %swap3A_327 = vector.shape_cast %add3A_321 : vector<8x2500xf32> to vector<1x8x2500xf32>
    tpu.vector_store %arg6[%swap3A_322, %swap3A_323, %swap3A_324], %swap3A_327 {strides = array<i32>} : memref<45x8x2500xf32, #tpu.memory_space<vmem>>, vector<1x8x2500xf32>,
    %get3A_328 = arith.constant 4 : index
    %get3A_329 = memref.load %arg3[%get3A_328] : memref<15xf32, #tpu.memory_space<smem>>
    %get3A_330 = arith.constant 4 : index
    %get3A_331 = memref.load %arg4[%get3A_330] : memref<15xf32, #tpu.memory_space<smem>>
    %gt3A_332 = vector.broadcast %get3A_329 : f32 to vector<8x2500xf32>
    %gt3A_333 = arith.cmpf ogt, %concatenate3A, %gt3A_332 : vector<8x2500xf32>
    %le3A_334 = vector.broadcast %get3A_331 : f32 to vector<8x2500xf32>
    %le3A_335 = arith.cmpf ole, %concatenate3A, %le3A_334 : vector<8x2500xf32>
    %and3A_336 = arith.andi %gt3A_333, %le3A_335 : vector<8x2500xi1>
    %convert_element_type3A_337 = arith.extui %and3A_336 : vector<8x2500xi1> to vector<8x2500xi32>
    %convert_element_type3A_338 = arith.sitofp %convert_element_type3A_337 : vector<8x2500xi32> to vector<8x2500xf32>
    %get3A_339 = arith.constant 12 : index
    %get3A_340 = arith.constant 0 : index
    %get3A_341 = arith.constant 0 : index
    %get3A_342 = vector.load %arg6[%get3A_339, %get3A_340, %get3A_341] : memref<45x8x2500xf32, #tpu.memory_space<vmem>>, vector<1x8x2500xf32>
    %get3A_343 = vector.shape_cast %get3A_342 : vector<1x8x2500xf32> to vector<8x2500xf32>
    %add3A_344 = arith.addf %get3A_343, %convert_element_type3A_338 : vector<8x2500xf32>
    %swap3A_345 = arith.constant 12 : index
    %swap3A_346 = arith.constant 0 : index
    %swap3A_347 = arith.constant 0 : index
    %swap3A_348 = vector.load %arg6[%swap3A_345, %swap3A_346, %swap3A_347] : memref<45x8x2500xf32, #tpu.memory_space<vmem>>, vector<1x8x2500xf32>
    %swap3A_349 = vector.shape_cast %swap3A_348 : vector<1x8x2500xf32> to vector<8x2500xf32>
    %swap3A_350 = vector.shape_cast %add3A_344 : vector<8x2500xf32> to vector<1x8x2500xf32>
    tpu.vector_store %arg6[%swap3A_345, %swap3A_346, %swap3A_347], %swap3A_350 {strides = array<i32>} : memref<45x8x2500xf32, #tpu.memory_space<vmem>>, vector<1x8x2500xf32>,
    %get3A_351 = arith.constant 13 : index
    %get3A_352 = arith.constant 0 : index
    %get3A_353 = arith.constant 0 : index
    %get3A_354 = vector.load %arg6[%get3A_351, %get3A_352, %get3A_353] : memref<45x8x2500xf32, #tpu.memory_space<vmem>>, vector<1x8x2500xf32>
    %get3A_355 = vector.shape_cast %get3A_354 : vector<1x8x2500xf32> to vector<8x2500xf32>
    %mul3A_356 = arith.mulf %convert_element_type3A_338, %convert_element_type3A_137 : vector<8x2500xf32>
    %add3A_357 = arith.addf %get3A_355, %mul3A_356 : vector<8x2500xf32>
    %swap3A_358 = arith.constant 13 : index
    %swap3A_359 = arith.constant 0 : index
    %swap3A_360 = arith.constant 0 : index
    %swap3A_361 = vector.load %arg6[%swap3A_358, %swap3A_359, %swap3A_360] : memref<45x8x2500xf32, #tpu.memory_space<vmem>>, vector<1x8x2500xf32>
    %swap3A_362 = vector.shape_cast %swap3A_361 : vector<1x8x2500xf32> to vector<8x2500xf32>
    %swap3A_363 = vector.shape_cast %add3A_357 : vector<8x2500xf32> to vector<1x8x2500xf32>
    tpu.vector_store %arg6[%swap3A_358, %swap3A_359, %swap3A_360], %swap3A_363 {strides = array<i32>} : memref<45x8x2500xf32, #tpu.memory_space<vmem>>, vector<1x8x2500xf32>,
    %get3A_364 = arith.constant 14 : index
    %get3A_365 = arith.constant 0 : index
    %get3A_366 = arith.constant 0 : index
    %get3A_367 = vector.load %arg6[%get3A_364, %get3A_365, %get3A_366] : memref<45x8x2500xf32, #tpu.memory_space<vmem>>, vector<1x8x2500xf32>
    %get3A_368 = vector.shape_cast %get3A_367 : vector<1x8x2500xf32> to vector<8x2500xf32>
    %mul3A_369 = arith.mulf %convert_element_type3A_338, %concatenate3A : vector<8x2500xf32>
    %add3A_370 = arith.addf %get3A_368, %mul3A_369 : vector<8x2500xf32>
    %swap3A_371 = arith.constant 14 : index
    %swap3A_372 = arith.constant 0 : index
    %swap3A_373 = arith.constant 0 : index
    %swap3A_374 = vector.load %arg6[%swap3A_371, %swap3A_372, %swap3A_373] : memref<45x8x2500xf32, #tpu.memory_space<vmem>>, vector<1x8x2500xf32>
    %swap3A_375 = vector.shape_cast %swap3A_374 : vector<1x8x2500xf32> to vector<8x2500xf32>
    %swap3A_376 = vector.shape_cast %add3A_370 : vector<8x2500xf32> to vector<1x8x2500xf32>
    tpu.vector_store %arg6[%swap3A_371, %swap3A_372, %swap3A_373], %swap3A_376 {strides = array<i32>} : memref<45x8x2500xf32, #tpu.memory_space<vmem>>, vector<1x8x2500xf32>,
    %get3A_377 = arith.constant 5 : index
    %get3A_378 = memref.load %arg3[%get3A_377] : memref<15xf32, #tpu.memory_space<smem>>
    %get3A_379 = arith.constant 5 : index
    %get3A_380 = memref.load %arg4[%get3A_379] : memref<15xf32, #tpu.memory_space<smem>>
    %gt3A_381 = vector.broadcast %get3A_378 : f32 to vector<8x2500xf32>
    %gt3A_382 = arith.cmpf ogt, %concatenate3A, %gt3A_381 : vector<8x2500xf32>
    %le3A_383 = vector.broadcast %get3A_380 : f32 to vector<8x2500xf32>
    %le3A_384 = arith.cmpf ole, %concatenate3A, %le3A_383 : vector<8x2500xf32>
    %and3A_385 = arith.andi %gt3A_382, %le3A_384 : vector<8x2500xi1>
    %convert_element_type3A_386 = arith.extui %and3A_385 : vector<8x2500xi1> to vector<8x2500xi32>
    %convert_element_type3A_387 = arith.sitofp %convert_element_type3A_386 : vector<8x2500xi32> to vector<8x2500xf32>
    %get3A_388 = arith.constant 15 : index
    %get3A_389 = arith.constant 0 : index
    %get3A_390 = arith.constant 0 : index
    %get3A_391 = vector.load %arg6[%get3A_388, %get3A_389, %get3A_390] : memref<45x8x2500xf32, #tpu.memory_space<vmem>>, vector<1x8x2500xf32>
    %get3A_392 = vector.shape_cast %get3A_391 : vector<1x8x2500xf32> to vector<8x2500xf32>
    %add3A_393 = arith.addf %get3A_392, %convert_element_type3A_387 : vector<8x2500xf32>
    %swap3A_394 = arith.constant 15 : index
    %swap3A_395 = arith.constant 0 : index
    %swap3A_396 = arith.constant 0 : index
    %swap3A_397 = vector.load %arg6[%swap3A_394, %swap3A_395, %swap3A_396] : memref<45x8x2500xf32, #tpu.memory_space<vmem>>, vector<1x8x2500xf32>
    %swap3A_398 = vector.shape_cast %swap3A_397 : vector<1x8x2500xf32> to vector<8x2500xf32>
    %swap3A_399 = vector.shape_cast %add3A_393 : vector<8x2500xf32> to vector<1x8x2500xf32>
    tpu.vector_store %arg6[%swap3A_394, %swap3A_395, %swap3A_396], %swap3A_399 {strides = array<i32>} : memref<45x8x2500xf32, #tpu.memory_space<vmem>>, vector<1x8x2500xf32>,
    %get3A_400 = arith.constant 16 : index
    %get3A_401 = arith.constant 0 : index
    %get3A_402 = arith.constant 0 : index
    %get3A_403 = vector.load %arg6[%get3A_400, %get3A_401, %get3A_402] : memref<45x8x2500xf32, #tpu.memory_space<vmem>>, vector<1x8x2500xf32>
    %get3A_404 = vector.shape_cast %get3A_403 : vector<1x8x2500xf32> to vector<8x2500xf32>
    %mul3A_405 = arith.mulf %convert_element_type3A_387, %convert_element_type3A_137 : vector<8x2500xf32>
    %add3A_406 = arith.addf %get3A_404, %mul3A_405 : vector<8x2500xf32>
    %swap3A_407 = arith.constant 16 : index
    %swap3A_408 = arith.constant 0 : index
    %swap3A_409 = arith.constant 0 : index
    %swap3A_410 = vector.load %arg6[%swap3A_407, %swap3A_408, %swap3A_409] : memref<45x8x2500xf32, #tpu.memory_space<vmem>>, vector<1x8x2500xf32>
    %swap3A_411 = vector.shape_cast %swap3A_410 : vector<1x8x2500xf32> to vector<8x2500xf32>
    %swap3A_412 = vector.shape_cast %add3A_406 : vector<8x2500xf32> to vector<1x8x2500xf32>
    tpu.vector_store %arg6[%swap3A_407, %swap3A_408, %swap3A_409], %swap3A_412 {strides = array<i32>} : memref<45x8x2500xf32, #tpu.memory_space<vmem>>, vector<1x8x2500xf32>,
    %get3A_413 = arith.constant 17 : index
    %get3A_414 = arith.constant 0 : index
    %get3A_415 = arith.constant 0 : index
    %get3A_416 = vector.load %arg6[%get3A_413, %get3A_414, %get3A_415] : memref<45x8x2500xf32, #tpu.memory_space<vmem>>, vector<1x8x2500xf32>
    %get3A_417 = vector.shape_cast %get3A_416 : vector<1x8x2500xf32> to vector<8x2500xf32>
    %mul3A_418 = arith.mulf %convert_element_type3A_387, %concatenate3A : vector<8x2500xf32>
    %add3A_419 = arith.addf %get3A_417, %mul3A_418 : vector<8x2500xf32>
    %swap3A_420 = arith.constant 17 : index
    %swap3A_421 = arith.constant 0 : index
    %swap3A_422 = arith.constant 0 : index
    %swap3A_423 = vector.load %arg6[%swap3A_420, %swap3A_421, %swap3A_422] : memref<45x8x2500xf32, #tpu.memory_space<vmem>>, vector<1x8x2500xf32>
    %swap3A_424 = vector.shape_cast %swap3A_423 : vector<1x8x2500xf32> to vector<8x2500xf32>
    %swap3A_425 = vector.shape_cast %add3A_419 : vector<8x2500xf32> to vector<1x8x2500xf32>
    tpu.vector_store %arg6[%swap3A_420, %swap3A_421, %swap3A_422], %swap3A_425 {strides = array<i32>} : memref<45x8x2500xf32, #tpu.memory_space<vmem>>, vector<1x8x2500xf32>,
    %get3A_426 = arith.constant 6 : index
    %get3A_427 = memref.load %arg3[%get3A_426] : memref<15xf32, #tpu.memory_space<smem>>
    %get3A_428 = arith.constant 6 : index
    %get3A_429 = memref.load %arg4[%get3A_428] : memref<15xf32, #tpu.memory_space<smem>>
    %gt3A_430 = vector.broadcast %get3A_427 : f32 to vector<8x2500xf32>
    %gt3A_431 = arith.cmpf ogt, %concatenate3A, %gt3A_430 : vector<8x2500xf32>
    %le3A_432 = vector.broadcast %get3A_429 : f32 to vector<8x2500xf32>
    %le3A_433 = arith.cmpf ole, %concatenate3A, %le3A_432 : vector<8x2500xf32>
    %and3A_434 = arith.andi %gt3A_431, %le3A_433 : vector<8x2500xi1>
    %convert_element_type3A_435 = arith.extui %and3A_434 : vector<8x2500xi1> to vector<8x2500xi32>
    %convert_element_type3A_436 = arith.sitofp %convert_element_type3A_435 : vector<8x2500xi32> to vector<8x2500xf32>
    %get3A_437 = arith.constant 18 : index
    %get3A_438 = arith.constant 0 : index
    %get3A_439 = arith.constant 0 : index
    %get3A_440 = vector.load %arg6[%get3A_437, %get3A_438, %get3A_439] : memref<45x8x2500xf32, #tpu.memory_space<vmem>>, vector<1x8x2500xf32>
    %get3A_441 = vector.shape_cast %get3A_440 : vector<1x8x2500xf32> to vector<8x2500xf32>
    %add3A_442 = arith.addf %get3A_441, %convert_element_type3A_436 : vector<8x2500xf32>
    %swap3A_443 = arith.constant 18 : index
    %swap3A_444 = arith.constant 0 : index
    %swap3A_445 = arith.constant 0 : index
    %swap3A_446 = vector.load %arg6[%swap3A_443, %swap3A_444, %swap3A_445] : memref<45x8x2500xf32, #tpu.memory_space<vmem>>, vector<1x8x2500xf32>
    %swap3A_447 = vector.shape_cast %swap3A_446 : vector<1x8x2500xf32> to vector<8x2500xf32>
    %swap3A_448 = vector.shape_cast %add3A_442 : vector<8x2500xf32> to vector<1x8x2500xf32>
    tpu.vector_store %arg6[%swap3A_443, %swap3A_444, %swap3A_445], %swap3A_448 {strides = array<i32>} : memref<45x8x2500xf32, #tpu.memory_space<vmem>>, vector<1x8x2500xf32>,
    %get3A_449 = arith.constant 19 : index
    %get3A_450 = arith.constant 0 : index
    %get3A_451 = arith.constant 0 : index
    %get3A_452 = vector.load %arg6[%get3A_449, %get3A_450, %get3A_451] : memref<45x8x2500xf32, #tpu.memory_space<vmem>>, vector<1x8x2500xf32>
    %get3A_453 = vector.shape_cast %get3A_452 : vector<1x8x2500xf32> to vector<8x2500xf32>
    %mul3A_454 = arith.mulf %convert_element_type3A_436, %convert_element_type3A_137 : vector<8x2500xf32>
    %add3A_455 = arith.addf %get3A_453, %mul3A_454 : vector<8x2500xf32>
    %swap3A_456 = arith.constant 19 : index
    %swap3A_457 = arith.constant 0 : index
    %swap3A_458 = arith.constant 0 : index
    %swap3A_459 = vector.load %arg6[%swap3A_456, %swap3A_457, %swap3A_458] : memref<45x8x2500xf32, #tpu.memory_space<vmem>>, vector<1x8x2500xf32>
    %swap3A_460 = vector.shape_cast %swap3A_459 : vector<1x8x2500xf32> to vector<8x2500xf32>
    %swap3A_461 = vector.shape_cast %add3A_455 : vector<8x2500xf32> to vector<1x8x2500xf32>
    tpu.vector_store %arg6[%swap3A_456, %swap3A_457, %swap3A_458], %swap3A_461 {strides = array<i32>} : memref<45x8x2500xf32, #tpu.memory_space<vmem>>, vector<1x8x2500xf32>,
    %get3A_462 = arith.constant 20 : index
    %get3A_463 = arith.constant 0 : index
    %get3A_464 = arith.constant 0 : index
    %get3A_465 = vector.load %arg6[%get3A_462, %get3A_463, %get3A_464] : memref<45x8x2500xf32, #tpu.memory_space<vmem>>, vector<1x8x2500xf32>
    %get3A_466 = vector.shape_cast %get3A_465 : vector<1x8x2500xf32> to vector<8x2500xf32>
    %mul3A_467 = arith.mulf %convert_element_type3A_436, %concatenate3A : vector<8x2500xf32>
    %add3A_468 = arith.addf %get3A_466, %mul3A_467 : vector<8x2500xf32>
    %swap3A_469 = arith.constant 20 : index
    %swap3A_470 = arith.constant 0 : index
    %swap3A_471 = arith.constant 0 : index
    %swap3A_472 = vector.load %arg6[%swap3A_469, %swap3A_470, %swap3A_471] : memref<45x8x2500xf32, #tpu.memory_space<vmem>>, vector<1x8x2500xf32>
    %swap3A_473 = vector.shape_cast %swap3A_472 : vector<1x8x2500xf32> to vector<8x2500xf32>
    %swap3A_474 = vector.shape_cast %add3A_468 : vector<8x2500xf32> to vector<1x8x2500xf32>
    tpu.vector_store %arg6[%swap3A_469, %swap3A_470, %swap3A_471], %swap3A_474 {strides = array<i32>} : memref<45x8x2500xf32, #tpu.memory_space<vmem>>, vector<1x8x2500xf32>,
    %get3A_475 = arith.constant 7 : index
    %get3A_476 = memref.load %arg3[%get3A_475] : memref<15xf32, #tpu.memory_space<smem>>
    %get3A_477 = arith.constant 7 : index
    %get3A_478 = memref.load %arg4[%get3A_477] : memref<15xf32, #tpu.memory_space<smem>>
    %gt3A_479 = vector.broadcast %get3A_476 : f32 to vector<8x2500xf32>
    %gt3A_480 = arith.cmpf ogt, %concatenate3A, %gt3A_479 : vector<8x2500xf32>
    %le3A_481 = vector.broadcast %get3A_478 : f32 to vector<8x2500xf32>
    %le3A_482 = arith.cmpf ole, %concatenate3A, %le3A_481 : vector<8x2500xf32>
    %and3A_483 = arith.andi %gt3A_480, %le3A_482 : vector<8x2500xi1>
    %convert_element_type3A_484 = arith.extui %and3A_483 : vector<8x2500xi1> to vector<8x2500xi32>
    %convert_element_type3A_485 = arith.sitofp %convert_element_type3A_484 : vector<8x2500xi32> to vector<8x2500xf32>
    %get3A_486 = arith.constant 21 : index
    %get3A_487 = arith.constant 0 : index
    %get3A_488 = arith.constant 0 : index
    %get3A_489 = vector.load %arg6[%get3A_486, %get3A_487, %get3A_488] : memref<45x8x2500xf32, #tpu.memory_space<vmem>>, vector<1x8x2500xf32>
    %get3A_490 = vector.shape_cast %get3A_489 : vector<1x8x2500xf32> to vector<8x2500xf32>
    %add3A_491 = arith.addf %get3A_490, %convert_element_type3A_485 : vector<8x2500xf32>
    %swap3A_492 = arith.constant 21 : index
    %swap3A_493 = arith.constant 0 : index
    %swap3A_494 = arith.constant 0 : index
    %swap3A_495 = vector.load %arg6[%swap3A_492, %swap3A_493, %swap3A_494] : memref<45x8x2500xf32, #tpu.memory_space<vmem>>, vector<1x8x2500xf32>
    %swap3A_496 = vector.shape_cast %swap3A_495 : vector<1x8x2500xf32> to vector<8x2500xf32>
    %swap3A_497 = vector.shape_cast %add3A_491 : vector<8x2500xf32> to vector<1x8x2500xf32>
    tpu.vector_store %arg6[%swap3A_492, %swap3A_493, %swap3A_494], %swap3A_497 {strides = array<i32>} : memref<45x8x2500xf32, #tpu.memory_space<vmem>>, vector<1x8x2500xf32>,
    %get3A_498 = arith.constant 22 : index
    %get3A_499 = arith.constant 0 : index
    %get3A_500 = arith.constant 0 : index
    %get3A_501 = vector.load %arg6[%get3A_498, %get3A_499, %get3A_500] : memref<45x8x2500xf32, #tpu.memory_space<vmem>>, vector<1x8x2500xf32>
    %get3A_502 = vector.shape_cast %get3A_501 : vector<1x8x2500xf32> to vector<8x2500xf32>
    %mul3A_503 = arith.mulf %convert_element_type3A_485, %convert_element_type3A_137 : vector<8x2500xf32>
    %add3A_504 = arith.addf %get3A_502, %mul3A_503 : vector<8x2500xf32>
    %swap3A_505 = arith.constant 22 : index
    %swap3A_506 = arith.constant 0 : index
    %swap3A_507 = arith.constant 0 : index
    %swap3A_508 = vector.load %arg6[%swap3A_505, %swap3A_506, %swap3A_507] : memref<45x8x2500xf32, #tpu.memory_space<vmem>>, vector<1x8x2500xf32>
    %swap3A_509 = vector.shape_cast %swap3A_508 : vector<1x8x2500xf32> to vector<8x2500xf32>
    %swap3A_510 = vector.shape_cast %add3A_504 : vector<8x2500xf32> to vector<1x8x2500xf32>
    tpu.vector_store %arg6[%swap3A_505, %swap3A_506, %swap3A_507], %swap3A_510 {strides = array<i32>} : memref<45x8x2500xf32, #tpu.memory_space<vmem>>, vector<1x8x2500xf32>,
    %get3A_511 = arith.constant 23 : index
    %get3A_512 = arith.constant 0 : index
    %get3A_513 = arith.constant 0 : index
    %get3A_514 = vector.load %arg6[%get3A_511, %get3A_512, %get3A_513] : memref<45x8x2500xf32, #tpu.memory_space<vmem>>, vector<1x8x2500xf32>
    %get3A_515 = vector.shape_cast %get3A_514 : vector<1x8x2500xf32> to vector<8x2500xf32>
    %mul3A_516 = arith.mulf %convert_element_type3A_485, %concatenate3A : vector<8x2500xf32>
    %add3A_517 = arith.addf %get3A_515, %mul3A_516 : vector<8x2500xf32>
    %swap3A_518 = arith.constant 23 : index
    %swap3A_519 = arith.constant 0 : index
    %swap3A_520 = arith.constant 0 : index
    %swap3A_521 = vector.load %arg6[%swap3A_518, %swap3A_519, %swap3A_520] : memref<45x8x2500xf32, #tpu.memory_space<vmem>>, vector<1x8x2500xf32>
    %swap3A_522 = vector.shape_cast %swap3A_521 : vector<1x8x2500xf32> to vector<8x2500xf32>
    %swap3A_523 = vector.shape_cast %add3A_517 : vector<8x2500xf32> to vector<1x8x2500xf32>
    tpu.vector_store %arg6[%swap3A_518, %swap3A_519, %swap3A_520], %swap3A_523 {strides = array<i32>} : memref<45x8x2500xf32, #tpu.memory_space<vmem>>, vector<1x8x2500xf32>,
    %get3A_524 = arith.constant 8 : index
    %get3A_525 = memref.load %arg3[%get3A_524] : memref<15xf32, #tpu.memory_space<smem>>
    %get3A_526 = arith.constant 8 : index
    %get3A_527 = memref.load %arg4[%get3A_526] : memref<15xf32, #tpu.memory_space<smem>>
    %gt3A_528 = vector.broadcast %get3A_525 : f32 to vector<8x2500xf32>
    %gt3A_529 = arith.cmpf ogt, %concatenate3A, %gt3A_528 : vector<8x2500xf32>
    %le3A_530 = vector.broadcast %get3A_527 : f32 to vector<8x2500xf32>
    %le3A_531 = arith.cmpf ole, %concatenate3A, %le3A_530 : vector<8x2500xf32>
    %and3A_532 = arith.andi %gt3A_529, %le3A_531 : vector<8x2500xi1>
    %convert_element_type3A_533 = arith.extui %and3A_532 : vector<8x2500xi1> to vector<8x2500xi32>
    %convert_element_type3A_534 = arith.sitofp %convert_element_type3A_533 : vector<8x2500xi32> to vector<8x2500xf32>
    %get3A_535 = arith.constant 24 : index
    %get3A_536 = arith.constant 0 : index
    %get3A_537 = arith.constant 0 : index
    %get3A_538 = vector.load %arg6[%get3A_535, %get3A_536, %get3A_537] : memref<45x8x2500xf32, #tpu.memory_space<vmem>>, vector<1x8x2500xf32>
    %get3A_539 = vector.shape_cast %get3A_538 : vector<1x8x2500xf32> to vector<8x2500xf32>
    %add3A_540 = arith.addf %get3A_539, %convert_element_type3A_534 : vector<8x2500xf32>
    %swap3A_541 = arith.constant 24 : index
    %swap3A_542 = arith.constant 0 : index
    %swap3A_543 = arith.constant 0 : index
    %swap3A_544 = vector.load %arg6[%swap3A_541, %swap3A_542, %swap3A_543] : memref<45x8x2500xf32, #tpu.memory_space<vmem>>, vector<1x8x2500xf32>
    %swap3A_545 = vector.shape_cast %swap3A_544 : vector<1x8x2500xf32> to vector<8x2500xf32>
    %swap3A_546 = vector.shape_cast %add3A_540 : vector<8x2500xf32> to vector<1x8x2500xf32>
    tpu.vector_store %arg6[%swap3A_541, %swap3A_542, %swap3A_543], %swap3A_546 {strides = array<i32>} : memref<45x8x2500xf32, #tpu.memory_space<vmem>>, vector<1x8x2500xf32>,
    %get3A_547 = arith.constant 25 : index
    %get3A_548 = arith.constant 0 : index
    %get3A_549 = arith.constant 0 : index
    %get3A_550 = vector.load %arg6[%get3A_547, %get3A_548, %get3A_549] : memref<45x8x2500xf32, #tpu.memory_space<vmem>>, vector<1x8x2500xf32>
    %get3A_551 = vector.shape_cast %get3A_550 : vector<1x8x2500xf32> to vector<8x2500xf32>
    %mul3A_552 = arith.mulf %convert_element_type3A_534, %convert_element_type3A_137 : vector<8x2500xf32>
    %add3A_553 = arith.addf %get3A_551, %mul3A_552 : vector<8x2500xf32>
    %swap3A_554 = arith.constant 25 : index
    %swap3A_555 = arith.constant 0 : index
    %swap3A_556 = arith.constant 0 : index
    %swap3A_557 = vector.load %arg6[%swap3A_554, %swap3A_555, %swap3A_556] : memref<45x8x2500xf32, #tpu.memory_space<vmem>>, vector<1x8x2500xf32>
    %swap3A_558 = vector.shape_cast %swap3A_557 : vector<1x8x2500xf32> to vector<8x2500xf32>
    %swap3A_559 = vector.shape_cast %add3A_553 : vector<8x2500xf32> to vector<1x8x2500xf32>
    tpu.vector_store %arg6[%swap3A_554, %swap3A_555, %swap3A_556], %swap3A_559 {strides = array<i32>} : memref<45x8x2500xf32, #tpu.memory_space<vmem>>, vector<1x8x2500xf32>,
    %get3A_560 = arith.constant 26 : index
    %get3A_561 = arith.constant 0 : index
    %get3A_562 = arith.constant 0 : index
    %get3A_563 = vector.load %arg6[%get3A_560, %get3A_561, %get3A_562] : memref<45x8x2500xf32, #tpu.memory_space<vmem>>, vector<1x8x2500xf32>
    %get3A_564 = vector.shape_cast %get3A_563 : vector<1x8x2500xf32> to vector<8x2500xf32>
    %mul3A_565 = arith.mulf %convert_element_type3A_534, %concatenate3A : vector<8x2500xf32>
    %add3A_566 = arith.addf %get3A_564, %mul3A_565 : vector<8x2500xf32>
    %swap3A_567 = arith.constant 26 : index
    %swap3A_568 = arith.constant 0 : index
    %swap3A_569 = arith.constant 0 : index
    %swap3A_570 = vector.load %arg6[%swap3A_567, %swap3A_568, %swap3A_569] : memref<45x8x2500xf32, #tpu.memory_space<vmem>>, vector<1x8x2500xf32>
    %swap3A_571 = vector.shape_cast %swap3A_570 : vector<1x8x2500xf32> to vector<8x2500xf32>
    %swap3A_572 = vector.shape_cast %add3A_566 : vector<8x2500xf32> to vector<1x8x2500xf32>
    tpu.vector_store %arg6[%swap3A_567, %swap3A_568, %swap3A_569], %swap3A_572 {strides = array<i32>} : memref<45x8x2500xf32, #tpu.memory_space<vmem>>, vector<1x8x2500xf32>,
    %get3A_573 = arith.constant 9 : index
    %get3A_574 = memref.load %arg3[%get3A_573] : memref<15xf32, #tpu.memory_space<smem>>
    %get3A_575 = arith.constant 9 : index
    %get3A_576 = memref.load %arg4[%get3A_575] : memref<15xf32, #tpu.memory_space<smem>>
    %gt3A_577 = vector.broadcast %get3A_574 : f32 to vector<8x2500xf32>
    %gt3A_578 = arith.cmpf ogt, %concatenate3A, %gt3A_577 : vector<8x2500xf32>
    %le3A_579 = vector.broadcast %get3A_576 : f32 to vector<8x2500xf32>
    %le3A_580 = arith.cmpf ole, %concatenate3A, %le3A_579 : vector<8x2500xf32>
    %and3A_581 = arith.andi %gt3A_578, %le3A_580 : vector<8x2500xi1>
    %convert_element_type3A_582 = arith.extui %and3A_581 : vector<8x2500xi1> to vector<8x2500xi32>
    %convert_element_type3A_583 = arith.sitofp %convert_element_type3A_582 : vector<8x2500xi32> to vector<8x2500xf32>
    %get3A_584 = arith.constant 27 : index
    %get3A_585 = arith.constant 0 : index
    %get3A_586 = arith.constant 0 : index
    %get3A_587 = vector.load %arg6[%get3A_584, %get3A_585, %get3A_586] : memref<45x8x2500xf32, #tpu.memory_space<vmem>>, vector<1x8x2500xf32>
    %get3A_588 = vector.shape_cast %get3A_587 : vector<1x8x2500xf32> to vector<8x2500xf32>
    %add3A_589 = arith.addf %get3A_588, %convert_element_type3A_583 : vector<8x2500xf32>
    %swap3A_590 = arith.constant 27 : index
    %swap3A_591 = arith.constant 0 : index
    %swap3A_592 = arith.constant 0 : index
    %swap3A_593 = vector.load %arg6[%swap3A_590, %swap3A_591, %swap3A_592] : memref<45x8x2500xf32, #tpu.memory_space<vmem>>, vector<1x8x2500xf32>
    %swap3A_594 = vector.shape_cast %swap3A_593 : vector<1x8x2500xf32> to vector<8x2500xf32>
    %swap3A_595 = vector.shape_cast %add3A_589 : vector<8x2500xf32> to vector<1x8x2500xf32>
    tpu.vector_store %arg6[%swap3A_590, %swap3A_591, %swap3A_592], %swap3A_595 {strides = array<i32>} : memref<45x8x2500xf32, #tpu.memory_space<vmem>>, vector<1x8x2500xf32>,
    %get3A_596 = arith.constant 28 : index
    %get3A_597 = arith.constant 0 : index
    %get3A_598 = arith.constant 0 : index
    %get3A_599 = vector.load %arg6[%get3A_596, %get3A_597, %get3A_598] : memref<45x8x2500xf32, #tpu.memory_space<vmem>>, vector<1x8x2500xf32>
    %get3A_600 = vector.shape_cast %get3A_599 : vector<1x8x2500xf32> to vector<8x2500xf32>
    %mul3A_601 = arith.mulf %convert_element_type3A_583, %convert_element_type3A_137 : vector<8x2500xf32>
    %add3A_602 = arith.addf %get3A_600, %mul3A_601 : vector<8x2500xf32>
    %swap3A_603 = arith.constant 28 : index
    %swap3A_604 = arith.constant 0 : index
    %swap3A_605 = arith.constant 0 : index
    %swap3A_606 = vector.load %arg6[%swap3A_603, %swap3A_604, %swap3A_605] : memref<45x8x2500xf32, #tpu.memory_space<vmem>>, vector<1x8x2500xf32>
    %swap3A_607 = vector.shape_cast %swap3A_606 : vector<1x8x2500xf32> to vector<8x2500xf32>
    %swap3A_608 = vector.shape_cast %add3A_602 : vector<8x2500xf32> to vector<1x8x2500xf32>
    tpu.vector_store %arg6[%swap3A_603, %swap3A_604, %swap3A_605], %swap3A_608 {strides = array<i32>} : memref<45x8x2500xf32, #tpu.memory_space<vmem>>, vector<1x8x2500xf32>,
    %get3A_609 = arith.constant 29 : index
    %get3A_610 = arith.constant 0 : index
    %get3A_611 = arith.constant 0 : index
    %get3A_612 = vector.load %arg6[%get3A_609, %get3A_610, %get3A_611] : memref<45x8x2500xf32, #tpu.memory_space<vmem>>, vector<1x8x2500xf32>
    %get3A_613 = vector.shape_cast %get3A_612 : vector<1x8x2500xf32> to vector<8x2500xf32>
    %mul3A_614 = arith.mulf %convert_element_type3A_583, %concatenate3A : vector<8x2500xf32>
    %add3A_615 = arith.addf %get3A_613, %mul3A_614 : vector<8x2500xf32>
    %swap3A_616 = arith.constant 29 : index
    %swap3A_617 = arith.constant 0 : index
    %swap3A_618 = arith.constant 0 : index
    %swap3A_619 = vector.load %arg6[%swap3A_616, %swap3A_617, %swap3A_618] : memref<45x8x2500xf32, #tpu.memory_space<vmem>>, vector<1x8x2500xf32>
    %swap3A_620 = vector.shape_cast %swap3A_619 : vector<1x8x2500xf32> to vector<8x2500xf32>
    %swap3A_621 = vector.shape_cast %add3A_615 : vector<8x2500xf32> to vector<1x8x2500xf32>
    tpu.vector_store %arg6[%swap3A_616, %swap3A_617, %swap3A_618], %swap3A_621 {strides = array<i32>} : memref<45x8x2500xf32, #tpu.memory_space<vmem>>, vector<1x8x2500xf32>,
    %get3A_622 = arith.constant 10 : index
    %get3A_623 = memref.load %arg3[%get3A_622] : memref<15xf32, #tpu.memory_space<smem>>
    %get3A_624 = arith.constant 10 : index
    %get3A_625 = memref.load %arg4[%get3A_624] : memref<15xf32, #tpu.memory_space<smem>>
    %gt3A_626 = vector.broadcast %get3A_623 : f32 to vector<8x2500xf32>
    %gt3A_627 = arith.cmpf ogt, %concatenate3A, %gt3A_626 : vector<8x2500xf32>
    %le3A_628 = vector.broadcast %get3A_625 : f32 to vector<8x2500xf32>
    %le3A_629 = arith.cmpf ole, %concatenate3A, %le3A_628 : vector<8x2500xf32>
    %and3A_630 = arith.andi %gt3A_627, %le3A_629 : vector<8x2500xi1>
    %convert_element_type3A_631 = arith.extui %and3A_630 : vector<8x2500xi1> to vector<8x2500xi32>
    %convert_element_type3A_632 = arith.sitofp %convert_element_type3A_631 : vector<8x2500xi32> to vector<8x2500xf32>
    %get3A_633 = arith.constant 30 : index
    %get3A_634 = arith.constant 0 : index
    %get3A_635 = arith.constant 0 : index
    %get3A_636 = vector.load %arg6[%get3A_633, %get3A_634, %get3A_635] : memref<45x8x2500xf32, #tpu.memory_space<vmem>>, vector<1x8x2500xf32>
    %get3A_637 = vector.shape_cast %get3A_636 : vector<1x8x2500xf32> to vector<8x2500xf32>
    %add3A_638 = arith.addf %get3A_637, %convert_element_type3A_632 : vector<8x2500xf32>
    %swap3A_639 = arith.constant 30 : index
    %swap3A_640 = arith.constant 0 : index
    %swap3A_641 = arith.constant 0 : index
    %swap3A_642 = vector.load %arg6[%swap3A_639, %swap3A_640, %swap3A_641] : memref<45x8x2500xf32, #tpu.memory_space<vmem>>, vector<1x8x2500xf32>
    %swap3A_643 = vector.shape_cast %swap3A_642 : vector<1x8x2500xf32> to vector<8x2500xf32>
    %swap3A_644 = vector.shape_cast %add3A_638 : vector<8x2500xf32> to vector<1x8x2500xf32>
    tpu.vector_store %arg6[%swap3A_639, %swap3A_640, %swap3A_641], %swap3A_644 {strides = array<i32>} : memref<45x8x2500xf32, #tpu.memory_space<vmem>>, vector<1x8x2500xf32>,
    %get3A_645 = arith.constant 31 : index
    %get3A_646 = arith.constant 0 : index
    %get3A_647 = arith.constant 0 : index
    %get3A_648 = vector.load %arg6[%get3A_645, %get3A_646, %get3A_647] : memref<45x8x2500xf32, #tpu.memory_space<vmem>>, vector<1x8x2500xf32>
    %get3A_649 = vector.shape_cast %get3A_648 : vector<1x8x2500xf32> to vector<8x2500xf32>
    %mul3A_650 = arith.mulf %convert_element_type3A_632, %convert_element_type3A_137 : vector<8x2500xf32>
    %add3A_651 = arith.addf %get3A_649, %mul3A_650 : vector<8x2500xf32>
    %swap3A_652 = arith.constant 31 : index
    %swap3A_653 = arith.constant 0 : index
    %swap3A_654 = arith.constant 0 : index
    %swap3A_655 = vector.load %arg6[%swap3A_652, %swap3A_653, %swap3A_654] : memref<45x8x2500xf32, #tpu.memory_space<vmem>>, vector<1x8x2500xf32>
    %swap3A_656 = vector.shape_cast %swap3A_655 : vector<1x8x2500xf32> to vector<8x2500xf32>
    %swap3A_657 = vector.shape_cast %add3A_651 : vector<8x2500xf32> to vector<1x8x2500xf32>
    tpu.vector_store %arg6[%swap3A_652, %swap3A_653, %swap3A_654], %swap3A_657 {strides = array<i32>} : memref<45x8x2500xf32, #tpu.memory_space<vmem>>, vector<1x8x2500xf32>,
    %get3A_658 = arith.constant 32 : index
    %get3A_659 = arith.constant 0 : index
    %get3A_660 = arith.constant 0 : index
    %get3A_661 = vector.load %arg6[%get3A_658, %get3A_659, %get3A_660] : memref<45x8x2500xf32, #tpu.memory_space<vmem>>, vector<1x8x2500xf32>
    %get3A_662 = vector.shape_cast %get3A_661 : vector<1x8x2500xf32> to vector<8x2500xf32>
    %mul3A_663 = arith.mulf %convert_element_type3A_632, %concatenate3A : vector<8x2500xf32>
    %add3A_664 = arith.addf %get3A_662, %mul3A_663 : vector<8x2500xf32>
    %swap3A_665 = arith.constant 32 : index
    %swap3A_666 = arith.constant 0 : index
    %swap3A_667 = arith.constant 0 : index
    %swap3A_668 = vector.load %arg6[%swap3A_665, %swap3A_666, %swap3A_667] : memref<45x8x2500xf32, #tpu.memory_space<vmem>>, vector<1x8x2500xf32>
    %swap3A_669 = vector.shape_cast %swap3A_668 : vector<1x8x2500xf32> to vector<8x2500xf32>
    %swap3A_670 = vector.shape_cast %add3A_664 : vector<8x2500xf32> to vector<1x8x2500xf32>
    tpu.vector_store %arg6[%swap3A_665, %swap3A_666, %swap3A_667], %swap3A_670 {strides = array<i32>} : memref<45x8x2500xf32, #tpu.memory_space<vmem>>, vector<1x8x2500xf32>,
    %get3A_671 = arith.constant 11 : index
    %get3A_672 = memref.load %arg3[%get3A_671] : memref<15xf32, #tpu.memory_space<smem>>
    %get3A_673 = arith.constant 11 : index
    %get3A_674 = memref.load %arg4[%get3A_673] : memref<15xf32, #tpu.memory_space<smem>>
    %gt3A_675 = vector.broadcast %get3A_672 : f32 to vector<8x2500xf32>
    %gt3A_676 = arith.cmpf ogt, %concatenate3A, %gt3A_675 : vector<8x2500xf32>
    %le3A_677 = vector.broadcast %get3A_674 : f32 to vector<8x2500xf32>
    %le3A_678 = arith.cmpf ole, %concatenate3A, %le3A_677 : vector<8x2500xf32>
    %and3A_679 = arith.andi %gt3A_676, %le3A_678 : vector<8x2500xi1>
    %convert_element_type3A_680 = arith.extui %and3A_679 : vector<8x2500xi1> to vector<8x2500xi32>
    %convert_element_type3A_681 = arith.sitofp %convert_element_type3A_680 : vector<8x2500xi32> to vector<8x2500xf32>
    %get3A_682 = arith.constant 33 : index
    %get3A_683 = arith.constant 0 : index
    %get3A_684 = arith.constant 0 : index
    %get3A_685 = vector.load %arg6[%get3A_682, %get3A_683, %get3A_684] : memref<45x8x2500xf32, #tpu.memory_space<vmem>>, vector<1x8x2500xf32>
    %get3A_686 = vector.shape_cast %get3A_685 : vector<1x8x2500xf32> to vector<8x2500xf32>
    %add3A_687 = arith.addf %get3A_686, %convert_element_type3A_681 : vector<8x2500xf32>
    %swap3A_688 = arith.constant 33 : index
    %swap3A_689 = arith.constant 0 : index
    %swap3A_690 = arith.constant 0 : index
    %swap3A_691 = vector.load %arg6[%swap3A_688, %swap3A_689, %swap3A_690] : memref<45x8x2500xf32, #tpu.memory_space<vmem>>, vector<1x8x2500xf32>
    %swap3A_692 = vector.shape_cast %swap3A_691 : vector<1x8x2500xf32> to vector<8x2500xf32>
    %swap3A_693 = vector.shape_cast %add3A_687 : vector<8x2500xf32> to vector<1x8x2500xf32>
    tpu.vector_store %arg6[%swap3A_688, %swap3A_689, %swap3A_690], %swap3A_693 {strides = array<i32>} : memref<45x8x2500xf32, #tpu.memory_space<vmem>>, vector<1x8x2500xf32>,
    %get3A_694 = arith.constant 34 : index
    %get3A_695 = arith.constant 0 : index
    %get3A_696 = arith.constant 0 : index
    %get3A_697 = vector.load %arg6[%get3A_694, %get3A_695, %get3A_696] : memref<45x8x2500xf32, #tpu.memory_space<vmem>>, vector<1x8x2500xf32>
    %get3A_698 = vector.shape_cast %get3A_697 : vector<1x8x2500xf32> to vector<8x2500xf32>
    %mul3A_699 = arith.mulf %convert_element_type3A_681, %convert_element_type3A_137 : vector<8x2500xf32>
    %add3A_700 = arith.addf %get3A_698, %mul3A_699 : vector<8x2500xf32>
    %swap3A_701 = arith.constant 34 : index
    %swap3A_702 = arith.constant 0 : index
    %swap3A_703 = arith.constant 0 : index
    %swap3A_704 = vector.load %arg6[%swap3A_701, %swap3A_702, %swap3A_703] : memref<45x8x2500xf32, #tpu.memory_space<vmem>>, vector<1x8x2500xf32>
    %swap3A_705 = vector.shape_cast %swap3A_704 : vector<1x8x2500xf32> to vector<8x2500xf32>
    %swap3A_706 = vector.shape_cast %add3A_700 : vector<8x2500xf32> to vector<1x8x2500xf32>
    tpu.vector_store %arg6[%swap3A_701, %swap3A_702, %swap3A_703], %swap3A_706 {strides = array<i32>} : memref<45x8x2500xf32, #tpu.memory_space<vmem>>, vector<1x8x2500xf32>,
    %get3A_707 = arith.constant 35 : index
    %get3A_708 = arith.constant 0 : index
    %get3A_709 = arith.constant 0 : index
    %get3A_710 = vector.load %arg6[%get3A_707, %get3A_708, %get3A_709] : memref<45x8x2500xf32, #tpu.memory_space<vmem>>, vector<1x8x2500xf32>
    %get3A_711 = vector.shape_cast %get3A_710 : vector<1x8x2500xf32> to vector<8x2500xf32>
    %mul3A_712 = arith.mulf %convert_element_type3A_681, %concatenate3A : vector<8x2500xf32>
    %add3A_713 = arith.addf %get3A_711, %mul3A_712 : vector<8x2500xf32>
    %swap3A_714 = arith.constant 35 : index
    %swap3A_715 = arith.constant 0 : index
    %swap3A_716 = arith.constant 0 : index
    %swap3A_717 = vector.load %arg6[%swap3A_714, %swap3A_715, %swap3A_716] : memref<45x8x2500xf32, #tpu.memory_space<vmem>>, vector<1x8x2500xf32>
    %swap3A_718 = vector.shape_cast %swap3A_717 : vector<1x8x2500xf32> to vector<8x2500xf32>
    %swap3A_719 = vector.shape_cast %add3A_713 : vector<8x2500xf32> to vector<1x8x2500xf32>
    tpu.vector_store %arg6[%swap3A_714, %swap3A_715, %swap3A_716], %swap3A_719 {strides = array<i32>} : memref<45x8x2500xf32, #tpu.memory_space<vmem>>, vector<1x8x2500xf32>,
    %get3A_720 = arith.constant 12 : index
    %get3A_721 = memref.load %arg3[%get3A_720] : memref<15xf32, #tpu.memory_space<smem>>
    %get3A_722 = arith.constant 12 : index
    %get3A_723 = memref.load %arg4[%get3A_722] : memref<15xf32, #tpu.memory_space<smem>>
    %gt3A_724 = vector.broadcast %get3A_721 : f32 to vector<8x2500xf32>
    %gt3A_725 = arith.cmpf ogt, %concatenate3A, %gt3A_724 : vector<8x2500xf32>
    %le3A_726 = vector.broadcast %get3A_723 : f32 to vector<8x2500xf32>
    %le3A_727 = arith.cmpf ole, %concatenate3A, %le3A_726 : vector<8x2500xf32>
    %and3A_728 = arith.andi %gt3A_725, %le3A_727 : vector<8x2500xi1>
    %convert_element_type3A_729 = arith.extui %and3A_728 : vector<8x2500xi1> to vector<8x2500xi32>
    %convert_element_type3A_730 = arith.sitofp %convert_element_type3A_729 : vector<8x2500xi32> to vector<8x2500xf32>
    %get3A_731 = arith.constant 36 : index
    %get3A_732 = arith.constant 0 : index
    %get3A_733 = arith.constant 0 : index
    %get3A_734 = vector.load %arg6[%get3A_731, %get3A_732, %get3A_733] : memref<45x8x2500xf32, #tpu.memory_space<vmem>>, vector<1x8x2500xf32>
    %get3A_735 = vector.shape_cast %get3A_734 : vector<1x8x2500xf32> to vector<8x2500xf32>
    %add3A_736 = arith.addf %get3A_735, %convert_element_type3A_730 : vector<8x2500xf32>
    %swap3A_737 = arith.constant 36 : index
    %swap3A_738 = arith.constant 0 : index
    %swap3A_739 = arith.constant 0 : index
    %swap3A_740 = vector.load %arg6[%swap3A_737, %swap3A_738, %swap3A_739] : memref<45x8x2500xf32, #tpu.memory_space<vmem>>, vector<1x8x2500xf32>
    %swap3A_741 = vector.shape_cast %swap3A_740 : vector<1x8x2500xf32> to vector<8x2500xf32>
    %swap3A_742 = vector.shape_cast %add3A_736 : vector<8x2500xf32> to vector<1x8x2500xf32>
    tpu.vector_store %arg6[%swap3A_737, %swap3A_738, %swap3A_739], %swap3A_742 {strides = array<i32>} : memref<45x8x2500xf32, #tpu.memory_space<vmem>>, vector<1x8x2500xf32>,
    %get3A_743 = arith.constant 37 : index
    %get3A_744 = arith.constant 0 : index
    %get3A_745 = arith.constant 0 : index
    %get3A_746 = vector.load %arg6[%get3A_743, %get3A_744, %get3A_745] : memref<45x8x2500xf32, #tpu.memory_space<vmem>>, vector<1x8x2500xf32>
    %get3A_747 = vector.shape_cast %get3A_746 : vector<1x8x2500xf32> to vector<8x2500xf32>
    %mul3A_748 = arith.mulf %convert_element_type3A_730, %convert_element_type3A_137 : vector<8x2500xf32>
    %add3A_749 = arith.addf %get3A_747, %mul3A_748 : vector<8x2500xf32>
    %swap3A_750 = arith.constant 37 : index
    %swap3A_751 = arith.constant 0 : index
    %swap3A_752 = arith.constant 0 : index
    %swap3A_753 = vector.load %arg6[%swap3A_750, %swap3A_751, %swap3A_752] : memref<45x8x2500xf32, #tpu.memory_space<vmem>>, vector<1x8x2500xf32>
    %swap3A_754 = vector.shape_cast %swap3A_753 : vector<1x8x2500xf32> to vector<8x2500xf32>
    %swap3A_755 = vector.shape_cast %add3A_749 : vector<8x2500xf32> to vector<1x8x2500xf32>
    tpu.vector_store %arg6[%swap3A_750, %swap3A_751, %swap3A_752], %swap3A_755 {strides = array<i32>} : memref<45x8x2500xf32, #tpu.memory_space<vmem>>, vector<1x8x2500xf32>,
    %get3A_756 = arith.constant 38 : index
    %get3A_757 = arith.constant 0 : index
    %get3A_758 = arith.constant 0 : index
    %get3A_759 = vector.load %arg6[%get3A_756, %get3A_757, %get3A_758] : memref<45x8x2500xf32, #tpu.memory_space<vmem>>, vector<1x8x2500xf32>
    %get3A_760 = vector.shape_cast %get3A_759 : vector<1x8x2500xf32> to vector<8x2500xf32>
    %mul3A_761 = arith.mulf %convert_element_type3A_730, %concatenate3A : vector<8x2500xf32>
    %add3A_762 = arith.addf %get3A_760, %mul3A_761 : vector<8x2500xf32>
    %swap3A_763 = arith.constant 38 : index
    %swap3A_764 = arith.constant 0 : index
    %swap3A_765 = arith.constant 0 : index
    %swap3A_766 = vector.load %arg6[%swap3A_763, %swap3A_764, %swap3A_765] : memref<45x8x2500xf32, #tpu.memory_space<vmem>>, vector<1x8x2500xf32>
    %swap3A_767 = vector.shape_cast %swap3A_766 : vector<1x8x2500xf32> to vector<8x2500xf32>
    %swap3A_768 = vector.shape_cast %add3A_762 : vector<8x2500xf32> to vector<1x8x2500xf32>
    tpu.vector_store %arg6[%swap3A_763, %swap3A_764, %swap3A_765], %swap3A_768 {strides = array<i32>} : memref<45x8x2500xf32, #tpu.memory_space<vmem>>, vector<1x8x2500xf32>,
    %get3A_769 = arith.constant 13 : index
    %get3A_770 = memref.load %arg3[%get3A_769] : memref<15xf32, #tpu.memory_space<smem>>
    %get3A_771 = arith.constant 13 : index
    %get3A_772 = memref.load %arg4[%get3A_771] : memref<15xf32, #tpu.memory_space<smem>>
    %gt3A_773 = vector.broadcast %get3A_770 : f32 to vector<8x2500xf32>
    %gt3A_774 = arith.cmpf ogt, %concatenate3A, %gt3A_773 : vector<8x2500xf32>
    %le3A_775 = vector.broadcast %get3A_772 : f32 to vector<8x2500xf32>
    %le3A_776 = arith.cmpf ole, %concatenate3A, %le3A_775 : vector<8x2500xf32>
    %and3A_777 = arith.andi %gt3A_774, %le3A_776 : vector<8x2500xi1>
    %convert_element_type3A_778 = arith.extui %and3A_777 : vector<8x2500xi1> to vector<8x2500xi32>
    %convert_element_type3A_779 = arith.sitofp %convert_element_type3A_778 : vector<8x2500xi32> to vector<8x2500xf32>
    %get3A_780 = arith.constant 39 : index
    %get3A_781 = arith.constant 0 : index
    %get3A_782 = arith.constant 0 : index
    %get3A_783 = vector.load %arg6[%get3A_780, %get3A_781, %get3A_782] : memref<45x8x2500xf32, #tpu.memory_space<vmem>>, vector<1x8x2500xf32>
    %get3A_784 = vector.shape_cast %get3A_783 : vector<1x8x2500xf32> to vector<8x2500xf32>
    %add3A_785 = arith.addf %get3A_784, %convert_element_type3A_779 : vector<8x2500xf32>
    %swap3A_786 = arith.constant 39 : index
    %swap3A_787 = arith.constant 0 : index
    %swap3A_788 = arith.constant 0 : index
    %swap3A_789 = vector.load %arg6[%swap3A_786, %swap3A_787, %swap3A_788] : memref<45x8x2500xf32, #tpu.memory_space<vmem>>, vector<1x8x2500xf32>
    %swap3A_790 = vector.shape_cast %swap3A_789 : vector<1x8x2500xf32> to vector<8x2500xf32>
    %swap3A_791 = vector.shape_cast %add3A_785 : vector<8x2500xf32> to vector<1x8x2500xf32>
    tpu.vector_store %arg6[%swap3A_786, %swap3A_787, %swap3A_788], %swap3A_791 {strides = array<i32>} : memref<45x8x2500xf32, #tpu.memory_space<vmem>>, vector<1x8x2500xf32>,
    %get3A_792 = arith.constant 40 : index
    %get3A_793 = arith.constant 0 : index
    %get3A_794 = arith.constant 0 : index
    %get3A_795 = vector.load %arg6[%get3A_792, %get3A_793, %get3A_794] : memref<45x8x2500xf32, #tpu.memory_space<vmem>>, vector<1x8x2500xf32>
    %get3A_796 = vector.shape_cast %get3A_795 : vector<1x8x2500xf32> to vector<8x2500xf32>
    %mul3A_797 = arith.mulf %convert_element_type3A_779, %convert_element_type3A_137 : vector<8x2500xf32>
    %add3A_798 = arith.addf %get3A_796, %mul3A_797 : vector<8x2500xf32>
    %swap3A_799 = arith.constant 40 : index
    %swap3A_800 = arith.constant 0 : index
    %swap3A_801 = arith.constant 0 : index
    %swap3A_802 = vector.load %arg6[%swap3A_799, %swap3A_800, %swap3A_801] : memref<45x8x2500xf32, #tpu.memory_space<vmem>>, vector<1x8x2500xf32>
    %swap3A_803 = vector.shape_cast %swap3A_802 : vector<1x8x2500xf32> to vector<8x2500xf32>
    %swap3A_804 = vector.shape_cast %add3A_798 : vector<8x2500xf32> to vector<1x8x2500xf32>
    tpu.vector_store %arg6[%swap3A_799, %swap3A_800, %swap3A_801], %swap3A_804 {strides = array<i32>} : memref<45x8x2500xf32, #tpu.memory_space<vmem>>, vector<1x8x2500xf32>,
    %get3A_805 = arith.constant 41 : index
    %get3A_806 = arith.constant 0 : index
    %get3A_807 = arith.constant 0 : index
    %get3A_808 = vector.load %arg6[%get3A_805, %get3A_806, %get3A_807] : memref<45x8x2500xf32, #tpu.memory_space<vmem>>, vector<1x8x2500xf32>
    %get3A_809 = vector.shape_cast %get3A_808 : vector<1x8x2500xf32> to vector<8x2500xf32>
    %mul3A_810 = arith.mulf %convert_element_type3A_779, %concatenate3A : vector<8x2500xf32>
    %add3A_811 = arith.addf %get3A_809, %mul3A_810 : vector<8x2500xf32>
    %swap3A_812 = arith.constant 41 : index
    %swap3A_813 = arith.constant 0 : index
    %swap3A_814 = arith.constant 0 : index
    %swap3A_815 = vector.load %arg6[%swap3A_812, %swap3A_813, %swap3A_814] : memref<45x8x2500xf32, #tpu.memory_space<vmem>>, vector<1x8x2500xf32>
    %swap3A_816 = vector.shape_cast %swap3A_815 : vector<1x8x2500xf32> to vector<8x2500xf32>
    %swap3A_817 = vector.shape_cast %add3A_811 : vector<8x2500xf32> to vector<1x8x2500xf32>
    tpu.vector_store %arg6[%swap3A_812, %swap3A_813, %swap3A_814], %swap3A_817 {strides = array<i32>} : memref<45x8x2500xf32, #tpu.memory_space<vmem>>, vector<1x8x2500xf32>,
    %get3A_818 = arith.constant 14 : index
    %get3A_819 = memref.load %arg3[%get3A_818] : memref<15xf32, #tpu.memory_space<smem>>
    %get3A_820 = arith.constant 14 : index
    %get3A_821 = memref.load %arg4[%get3A_820] : memref<15xf32, #tpu.memory_space<smem>>
    %gt3A_822 = vector.broadcast %get3A_819 : f32 to vector<8x2500xf32>
    %gt3A_823 = arith.cmpf ogt, %concatenate3A, %gt3A_822 : vector<8x2500xf32>
    %le3A_824 = vector.broadcast %get3A_821 : f32 to vector<8x2500xf32>
    %le3A_825 = arith.cmpf ole, %concatenate3A, %le3A_824 : vector<8x2500xf32>
    %and3A_826 = arith.andi %gt3A_823, %le3A_825 : vector<8x2500xi1>
    %convert_element_type3A_827 = arith.extui %and3A_826 : vector<8x2500xi1> to vector<8x2500xi32>
    %convert_element_type3A_828 = arith.sitofp %convert_element_type3A_827 : vector<8x2500xi32> to vector<8x2500xf32>
    %get3A_829 = arith.constant 42 : index
    %get3A_830 = arith.constant 0 : index
    %get3A_831 = arith.constant 0 : index
    %get3A_832 = vector.load %arg6[%get3A_829, %get3A_830, %get3A_831] : memref<45x8x2500xf32, #tpu.memory_space<vmem>>, vector<1x8x2500xf32>
    %get3A_833 = vector.shape_cast %get3A_832 : vector<1x8x2500xf32> to vector<8x2500xf32>
    %add3A_834 = arith.addf %get3A_833, %convert_element_type3A_828 : vector<8x2500xf32>
    %swap3A_835 = arith.constant 42 : index
    %swap3A_836 = arith.constant 0 : index
    %swap3A_837 = arith.constant 0 : index
    %swap3A_838 = vector.load %arg6[%swap3A_835, %swap3A_836, %swap3A_837] : memref<45x8x2500xf32, #tpu.memory_space<vmem>>, vector<1x8x2500xf32>
    %swap3A_839 = vector.shape_cast %swap3A_838 : vector<1x8x2500xf32> to vector<8x2500xf32>
    %swap3A_840 = vector.shape_cast %add3A_834 : vector<8x2500xf32> to vector<1x8x2500xf32>
    tpu.vector_store %arg6[%swap3A_835, %swap3A_836, %swap3A_837], %swap3A_840 {strides = array<i32>} : memref<45x8x2500xf32, #tpu.memory_space<vmem>>, vector<1x8x2500xf32>,
    %get3A_841 = arith.constant 43 : index
    %get3A_842 = arith.constant 0 : index
    %get3A_843 = arith.constant 0 : index
    %get3A_844 = vector.load %arg6[%get3A_841, %get3A_842, %get3A_843] : memref<45x8x2500xf32, #tpu.memory_space<vmem>>, vector<1x8x2500xf32>
    %get3A_845 = vector.shape_cast %get3A_844 : vector<1x8x2500xf32> to vector<8x2500xf32>
    %mul3A_846 = arith.mulf %convert_element_type3A_828, %convert_element_type3A_137 : vector<8x2500xf32>
    %add3A_847 = arith.addf %get3A_845, %mul3A_846 : vector<8x2500xf32>
    %swap3A_848 = arith.constant 43 : index
    %swap3A_849 = arith.constant 0 : index
    %swap3A_850 = arith.constant 0 : index
    %swap3A_851 = vector.load %arg6[%swap3A_848, %swap3A_849, %swap3A_850] : memref<45x8x2500xf32, #tpu.memory_space<vmem>>, vector<1x8x2500xf32>
    %swap3A_852 = vector.shape_cast %swap3A_851 : vector<1x8x2500xf32> to vector<8x2500xf32>
    %swap3A_853 = vector.shape_cast %add3A_847 : vector<8x2500xf32> to vector<1x8x2500xf32>
    tpu.vector_store %arg6[%swap3A_848, %swap3A_849, %swap3A_850], %swap3A_853 {strides = array<i32>} : memref<45x8x2500xf32, #tpu.memory_space<vmem>>, vector<1x8x2500xf32>,
    %get3A_854 = arith.constant 44 : index
    %get3A_855 = arith.constant 0 : index
    %get3A_856 = arith.constant 0 : index
    %get3A_857 = vector.load %arg6[%get3A_854, %get3A_855, %get3A_856] : memref<45x8x2500xf32, #tpu.memory_space<vmem>>, vector<1x8x2500xf32>
    %get3A_858 = vector.shape_cast %get3A_857 : vector<1x8x2500xf32> to vector<8x2500xf32>
    %mul3A_859 = arith.mulf %convert_element_type3A_828, %concatenate3A : vector<8x2500xf32>
    %add3A_860 = arith.addf %get3A_858, %mul3A_859 : vector<8x2500xf32>
    %swap3A_861 = arith.constant 44 : index
    %swap3A_862 = arith.constant 0 : index
    %swap3A_863 = arith.constant 0 : index
    %swap3A_864 = vector.load %arg6[%swap3A_861, %swap3A_862, %swap3A_863] : memref<45x8x2500xf32, #tpu.memory_space<vmem>>, vector<1x8x2500xf32>
    %swap3A_865 = vector.shape_cast %swap3A_864 : vector<1x8x2500xf32> to vector<8x2500xf32>
    %swap3A_866 = vector.shape_cast %add3A_860 : vector<8x2500xf32> to vector<1x8x2500xf32>
    tpu.vector_store %arg6[%swap3A_861, %swap3A_862, %swap3A_863], %swap3A_866 {strides = array<i32>} : memref<45x8x2500xf32, #tpu.memory_space<vmem>>, vector<1x8x2500xf32>,
    %eq3A_867 = arith.constant 33 : i32
    %eq3A_868 = arith.cmpi eq, %arg0, %eq3A_867 : i32
    %convert_element_type3A_869 = arith.extui %eq3A_868 : i1 to i32
    %cond3A_870 = arith.constant 0 : i32
    %cond3A_871 = arith.cmpi ne, %convert_element_type3A_869, %cond3A_870 : i32
    scf.if %cond3A_871 {
      %get3A_872 = arith.constant 0 : index
      %get3A_873 = arith.constant 0 : index
      %get3A_874 = arith.constant 0 : index
      %get3A_875 = vector.load %arg6[%get3A_872, %get3A_873, %get3A_874] : memref<45x8x2500xf32, #tpu.memory_space<vmem>>, vector<1x8x2500xf32>
      %get3A_876 = vector.shape_cast %get3A_875 : vector<1x8x2500xf32> to vector<8x2500xf32>
      %reduce_sum3A = vector.shape_cast %get3A_876 : vector<8x2500xf32> to vector<1x8x2500xf32>
      %reduce_sum3A_877 = arith.constant dense<0.000000e+00> : vector<1xf32>
      %reduce_sum3A_878 = vector.multi_reduction <add>, %reduce_sum3A, %reduce_sum3A_877 [1, 2] : vector<1x8x2500xf32> to vector<1xf32>
      %reduce_sum3A_879 = vector.shape_cast %reduce_sum3A_878 : vector<1xf32> to vector<1x1x1xf32>
      %reduce_sum3A_880 = vector.extract %reduce_sum3A_879[0, 0, 0] : f32 from vector<1x1x1xf32>
      %swap3A_881 = arith.constant 0 : index
      %swap3A_882 = arith.constant 0 : index
      %swap3A_883 = memref.load %arg5[%swap3A_881, %swap3A_882] : memref<3x16xf32, #tpu.memory_space<smem>>
      memref.store %reduce_sum3A_880, %arg5[%swap3A_881, %swap3A_882] : memref<3x16xf32, #tpu.memory_space<smem>>
      %get3A_884 = arith.constant 1 : index
      %get3A_885 = arith.constant 0 : index
      %get3A_886 = arith.constant 0 : index
      %get3A_887 = vector.load %arg6[%get3A_884, %get3A_885, %get3A_886] : memref<45x8x2500xf32, #tpu.memory_space<vmem>>, vector<1x8x2500xf32>
      %get3A_888 = vector.shape_cast %get3A_887 : vector<1x8x2500xf32> to vector<8x2500xf32>
      %reduce_sum3A_889 = vector.shape_cast %get3A_888 : vector<8x2500xf32> to vector<1x8x2500xf32>
      %reduce_sum3A_890 = arith.constant dense<0.000000e+00> : vector<1xf32>
      %reduce_sum3A_891 = vector.multi_reduction <add>, %reduce_sum3A_889, %reduce_sum3A_890 [1, 2] : vector<1x8x2500xf32> to vector<1xf32>
      %reduce_sum3A_892 = vector.shape_cast %reduce_sum3A_891 : vector<1xf32> to vector<1x1x1xf32>
      %reduce_sum3A_893 = vector.extract %reduce_sum3A_892[0, 0, 0] : f32 from vector<1x1x1xf32>
      %swap3A_894 = arith.constant 1 : index
      %swap3A_895 = arith.constant 0 : index
      %swap3A_896 = memref.load %arg5[%swap3A_894, %swap3A_895] : memref<3x16xf32, #tpu.memory_space<smem>>
      memref.store %reduce_sum3A_893, %arg5[%swap3A_894, %swap3A_895] : memref<3x16xf32, #tpu.memory_space<smem>>
      %get3A_897 = arith.constant 2 : index
      %get3A_898 = arith.constant 0 : index
      %get3A_899 = arith.constant 0 : index
      %get3A_900 = vector.load %arg6[%get3A_897, %get3A_898, %get3A_899] : memref<45x8x2500xf32, #tpu.memory_space<vmem>>, vector<1x8x2500xf32>
      %get3A_901 = vector.shape_cast %get3A_900 : vector<1x8x2500xf32> to vector<8x2500xf32>
      %reduce_sum3A_902 = vector.shape_cast %get3A_901 : vector<8x2500xf32> to vector<1x8x2500xf32>
      %reduce_sum3A_903 = arith.constant dense<0.000000e+00> : vector<1xf32>
      %reduce_sum3A_904 = vector.multi_reduction <add>, %reduce_sum3A_902, %reduce_sum3A_903 [1, 2] : vector<1x8x2500xf32> to vector<1xf32>
      %reduce_sum3A_905 = vector.shape_cast %reduce_sum3A_904 : vector<1xf32> to vector<1x1x1xf32>
      %reduce_sum3A_906 = vector.extract %reduce_sum3A_905[0, 0, 0] : f32 from vector<1x1x1xf32>
      %swap3A_907 = arith.constant 2 : index
      %swap3A_908 = arith.constant 0 : index
      %swap3A_909 = memref.load %arg5[%swap3A_907, %swap3A_908] : memref<3x16xf32, #tpu.memory_space<smem>>
      memref.store %reduce_sum3A_906, %arg5[%swap3A_907, %swap3A_908] : memref<3x16xf32, #tpu.memory_space<smem>>
      %get3A_910 = arith.constant 3 : index
      %get3A_911 = arith.constant 0 : index
      %get3A_912 = arith.constant 0 : index
      %get3A_913 = vector.load %arg6[%get3A_910, %get3A_911, %get3A_912] : memref<45x8x2500xf32, #tpu.memory_space<vmem>>, vector<1x8x2500xf32>
      %get3A_914 = vector.shape_cast %get3A_913 : vector<1x8x2500xf32> to vector<8x2500xf32>
      %reduce_sum3A_915 = vector.shape_cast %get3A_914 : vector<8x2500xf32> to vector<1x8x2500xf32>
      %reduce_sum3A_916 = arith.constant dense<0.000000e+00> : vector<1xf32>
      %reduce_sum3A_917 = vector.multi_reduction <add>, %reduce_sum3A_915, %reduce_sum3A_916 [1, 2] : vector<1x8x2500xf32> to vector<1xf32>
      %reduce_sum3A_918 = vector.shape_cast %reduce_sum3A_917 : vector<1xf32> to vector<1x1x1xf32>
      %reduce_sum3A_919 = vector.extract %reduce_sum3A_918[0, 0, 0] : f32 from vector<1x1x1xf32>
      %swap3A_920 = arith.constant 0 : index
      %swap3A_921 = arith.constant 1 : index
      %swap3A_922 = memref.load %arg5[%swap3A_920, %swap3A_921] : memref<3x16xf32, #tpu.memory_space<smem>>
      memref.store %reduce_sum3A_919, %arg5[%swap3A_920, %swap3A_921] : memref<3x16xf32, #tpu.memory_space<smem>>
      %get3A_923 = arith.constant 4 : index
      %get3A_924 = arith.constant 0 : index
      %get3A_925 = arith.constant 0 : index
      %get3A_926 = vector.load %arg6[%get3A_923, %get3A_924, %get3A_925] : memref<45x8x2500xf32, #tpu.memory_space<vmem>>, vector<1x8x2500xf32>
      %get3A_927 = vector.shape_cast %get3A_926 : vector<1x8x2500xf32> to vector<8x2500xf32>
      %reduce_sum3A_928 = vector.shape_cast %get3A_927 : vector<8x2500xf32> to vector<1x8x2500xf32>
      %reduce_sum3A_929 = arith.constant dense<0.000000e+00> : vector<1xf32>
      %reduce_sum3A_930 = vector.multi_reduction <add>, %reduce_sum3A_928, %reduce_sum3A_929 [1, 2] : vector<1x8x2500xf32> to vector<1xf32>
      %reduce_sum3A_931 = vector.shape_cast %reduce_sum3A_930 : vector<1xf32> to vector<1x1x1xf32>
      %reduce_sum3A_932 = vector.extract %reduce_sum3A_931[0, 0, 0] : f32 from vector<1x1x1xf32>
      %swap3A_933 = arith.constant 1 : index
      %swap3A_934 = arith.constant 1 : index
      %swap3A_935 = memref.load %arg5[%swap3A_933, %swap3A_934] : memref<3x16xf32, #tpu.memory_space<smem>>
      memref.store %reduce_sum3A_932, %arg5[%swap3A_933, %swap3A_934] : memref<3x16xf32, #tpu.memory_space<smem>>
      %get3A_936 = arith.constant 5 : index
      %get3A_937 = arith.constant 0 : index
      %get3A_938 = arith.constant 0 : index
      %get3A_939 = vector.load %arg6[%get3A_936, %get3A_937, %get3A_938] : memref<45x8x2500xf32, #tpu.memory_space<vmem>>, vector<1x8x2500xf32>
      %get3A_940 = vector.shape_cast %get3A_939 : vector<1x8x2500xf32> to vector<8x2500xf32>
      %reduce_sum3A_941 = vector.shape_cast %get3A_940 : vector<8x2500xf32> to vector<1x8x2500xf32>
      %reduce_sum3A_942 = arith.constant dense<0.000000e+00> : vector<1xf32>
      %reduce_sum3A_943 = vector.multi_reduction <add>, %reduce_sum3A_941, %reduce_sum3A_942 [1, 2] : vector<1x8x2500xf32> to vector<1xf32>
      %reduce_sum3A_944 = vector.shape_cast %reduce_sum3A_943 : vector<1xf32> to vector<1x1x1xf32>
      %reduce_sum3A_945 = vector.extract %reduce_sum3A_944[0, 0, 0] : f32 from vector<1x1x1xf32>
      %swap3A_946 = arith.constant 2 : index
      %swap3A_947 = arith.constant 1 : index
      %swap3A_948 = memref.load %arg5[%swap3A_946, %swap3A_947] : memref<3x16xf32, #tpu.memory_space<smem>>
      memref.store %reduce_sum3A_945, %arg5[%swap3A_946, %swap3A_947] : memref<3x16xf32, #tpu.memory_space<smem>>
      %get3A_949 = arith.constant 6 : index
      %get3A_950 = arith.constant 0 : index
      %get3A_951 = arith.constant 0 : index
      %get3A_952 = vector.load %arg6[%get3A_949, %get3A_950, %get3A_951] : memref<45x8x2500xf32, #tpu.memory_space<vmem>>, vector<1x8x2500xf32>
      %get3A_953 = vector.shape_cast %get3A_952 : vector<1x8x2500xf32> to vector<8x2500xf32>
      %reduce_sum3A_954 = vector.shape_cast %get3A_953 : vector<8x2500xf32> to vector<1x8x2500xf32>
      %reduce_sum3A_955 = arith.constant dense<0.000000e+00> : vector<1xf32>
      %reduce_sum3A_956 = vector.multi_reduction <add>, %reduce_sum3A_954, %reduce_sum3A_955 [1, 2] : vector<1x8x2500xf32> to vector<1xf32>
      %reduce_sum3A_957 = vector.shape_cast %reduce_sum3A_956 : vector<1xf32> to vector<1x1x1xf32>
      %reduce_sum3A_958 = vector.extract %reduce_sum3A_957[0, 0, 0] : f32 from vector<1x1x1xf32>
      %swap3A_959 = arith.constant 0 : index
      %swap3A_960 = arith.constant 2 : index
      %swap3A_961 = memref.load %arg5[%swap3A_959, %swap3A_960] : memref<3x16xf32, #tpu.memory_space<smem>>
      memref.store %reduce_sum3A_958, %arg5[%swap3A_959, %swap3A_960] : memref<3x16xf32, #tpu.memory_space<smem>>
      %get3A_962 = arith.constant 7 : index
      %get3A_963 = arith.constant 0 : index
      %get3A_964 = arith.constant 0 : index
      %get3A_965 = vector.load %arg6[%get3A_962, %get3A_963, %get3A_964] : memref<45x8x2500xf32, #tpu.memory_space<vmem>>, vector<1x8x2500xf32>
      %get3A_966 = vector.shape_cast %get3A_965 : vector<1x8x2500xf32> to vector<8x2500xf32>
      %reduce_sum3A_967 = vector.shape_cast %get3A_966 : vector<8x2500xf32> to vector<1x8x2500xf32>
      %reduce_sum3A_968 = arith.constant dense<0.000000e+00> : vector<1xf32>
      %reduce_sum3A_969 = vector.multi_reduction <add>, %reduce_sum3A_967, %reduce_sum3A_968 [1, 2] : vector<1x8x2500xf32> to vector<1xf32>
      %reduce_sum3A_970 = vector.shape_cast %reduce_sum3A_969 : vector<1xf32> to vector<1x1x1xf32>
      %reduce_sum3A_971 = vector.extract %reduce_sum3A_970[0, 0, 0] : f32 from vector<1x1x1xf32>
      %swap3A_972 = arith.constant 1 : index
      %swap3A_973 = arith.constant 2 : index
      %swap3A_974 = memref.load %arg5[%swap3A_972, %swap3A_973] : memref<3x16xf32, #tpu.memory_space<smem>>
      memref.store %reduce_sum3A_971, %arg5[%swap3A_972, %swap3A_973] : memref<3x16xf32, #tpu.memory_space<smem>>
      %get3A_975 = arith.constant 8 : index
      %get3A_976 = arith.constant 0 : index
      %get3A_977 = arith.constant 0 : index
      %get3A_978 = vector.load %arg6[%get3A_975, %get3A_976, %get3A_977] : memref<45x8x2500xf32, #tpu.memory_space<vmem>>, vector<1x8x2500xf32>
      %get3A_979 = vector.shape_cast %get3A_978 : vector<1x8x2500xf32> to vector<8x2500xf32>
      %reduce_sum3A_980 = vector.shape_cast %get3A_979 : vector<8x2500xf32> to vector<1x8x2500xf32>
      %reduce_sum3A_981 = arith.constant dense<0.000000e+00> : vector<1xf32>
      %reduce_sum3A_982 = vector.multi_reduction <add>, %reduce_sum3A_980, %reduce_sum3A_981 [1, 2] : vector<1x8x2500xf32> to vector<1xf32>
      %reduce_sum3A_983 = vector.shape_cast %reduce_sum3A_982 : vector<1xf32> to vector<1x1x1xf32>
      %reduce_sum3A_984 = vector.extract %reduce_sum3A_983[0, 0, 0] : f32 from vector<1x1x1xf32>
      %swap3A_985 = arith.constant 2 : index
      %swap3A_986 = arith.constant 2 : index
      %swap3A_987 = memref.load %arg5[%swap3A_985, %swap3A_986] : memref<3x16xf32, #tpu.memory_space<smem>>
      memref.store %reduce_sum3A_984, %arg5[%swap3A_985, %swap3A_986] : memref<3x16xf32, #tpu.memory_space<smem>>
      %get3A_988 = arith.constant 9 : index
      %get3A_989 = arith.constant 0 : index
      %get3A_990 = arith.constant 0 : index
      %get3A_991 = vector.load %arg6[%get3A_988, %get3A_989, %get3A_990] : memref<45x8x2500xf32, #tpu.memory_space<vmem>>, vector<1x8x2500xf32>
      %get3A_992 = vector.shape_cast %get3A_991 : vector<1x8x2500xf32> to vector<8x2500xf32>
      %reduce_sum3A_993 = vector.shape_cast %get3A_992 : vector<8x2500xf32> to vector<1x8x2500xf32>
      %reduce_sum3A_994 = arith.constant dense<0.000000e+00> : vector<1xf32>
      %reduce_sum3A_995 = vector.multi_reduction <add>, %reduce_sum3A_993, %reduce_sum3A_994 [1, 2] : vector<1x8x2500xf32> to vector<1xf32>
      %reduce_sum3A_996 = vector.shape_cast %reduce_sum3A_995 : vector<1xf32> to vector<1x1x1xf32>
      %reduce_sum3A_997 = vector.extract %reduce_sum3A_996[0, 0, 0] : f32 from vector<1x1x1xf32>
      %swap3A_998 = arith.constant 0 : index
      %swap3A_999 = arith.constant 3 : index
      %swap3A_1000 = memref.load %arg5[%swap3A_998, %swap3A_999] : memref<3x16xf32, #tpu.memory_space<smem>>
      memref.store %reduce_sum3A_997, %arg5[%swap3A_998, %swap3A_999] : memref<3x16xf32, #tpu.memory_space<smem>>
      %get3A_1001 = arith.constant 10 : index
      %get3A_1002 = arith.constant 0 : index
      %get3A_1003 = arith.constant 0 : index
      %get3A_1004 = vector.load %arg6[%get3A_1001, %get3A_1002, %get3A_1003] : memref<45x8x2500xf32, #tpu.memory_space<vmem>>, vector<1x8x2500xf32>
      %get3A_1005 = vector.shape_cast %get3A_1004 : vector<1x8x2500xf32> to vector<8x2500xf32>
      %reduce_sum3A_1006 = vector.shape_cast %get3A_1005 : vector<8x2500xf32> to vector<1x8x2500xf32>
      %reduce_sum3A_1007 = arith.constant dense<0.000000e+00> : vector<1xf32>
      %reduce_sum3A_1008 = vector.multi_reduction <add>, %reduce_sum3A_1006, %reduce_sum3A_1007 [1, 2] : vector<1x8x2500xf32> to vector<1xf32>
      %reduce_sum3A_1009 = vector.shape_cast %reduce_sum3A_1008 : vector<1xf32> to vector<1x1x1xf32>
      %reduce_sum3A_1010 = vector.extract %reduce_sum3A_1009[0, 0, 0] : f32 from vector<1x1x1xf32>
      %swap3A_1011 = arith.constant 1 : index
      %swap3A_1012 = arith.constant 3 : index
      %swap3A_1013 = memref.load %arg5[%swap3A_1011, %swap3A_1012] : memref<3x16xf32, #tpu.memory_space<smem>>
      memref.store %reduce_sum3A_1010, %arg5[%swap3A_1011, %swap3A_1012] : memref<3x16xf32, #tpu.memory_space<smem>>
      %get3A_1014 = arith.constant 11 : index
      %get3A_1015 = arith.constant 0 : index
      %get3A_1016 = arith.constant 0 : index
      %get3A_1017 = vector.load %arg6[%get3A_1014, %get3A_1015, %get3A_1016] : memref<45x8x2500xf32, #tpu.memory_space<vmem>>, vector<1x8x2500xf32>
      %get3A_1018 = vector.shape_cast %get3A_1017 : vector<1x8x2500xf32> to vector<8x2500xf32>
      %reduce_sum3A_1019 = vector.shape_cast %get3A_1018 : vector<8x2500xf32> to vector<1x8x2500xf32>
      %reduce_sum3A_1020 = arith.constant dense<0.000000e+00> : vector<1xf32>
      %reduce_sum3A_1021 = vector.multi_reduction <add>, %reduce_sum3A_1019, %reduce_sum3A_1020 [1, 2] : vector<1x8x2500xf32> to vector<1xf32>
      %reduce_sum3A_1022 = vector.shape_cast %reduce_sum3A_1021 : vector<1xf32> to vector<1x1x1xf32>
      %reduce_sum3A_1023 = vector.extract %reduce_sum3A_1022[0, 0, 0] : f32 from vector<1x1x1xf32>
      %swap3A_1024 = arith.constant 2 : index
      %swap3A_1025 = arith.constant 3 : index
      %swap3A_1026 = memref.load %arg5[%swap3A_1024, %swap3A_1025] : memref<3x16xf32, #tpu.memory_space<smem>>
      memref.store %reduce_sum3A_1023, %arg5[%swap3A_1024, %swap3A_1025] : memref<3x16xf32, #tpu.memory_space<smem>>
      %get3A_1027 = arith.constant 12 : index
      %get3A_1028 = arith.constant 0 : index
      %get3A_1029 = arith.constant 0 : index
      %get3A_1030 = vector.load %arg6[%get3A_1027, %get3A_1028, %get3A_1029] : memref<45x8x2500xf32, #tpu.memory_space<vmem>>, vector<1x8x2500xf32>
      %get3A_1031 = vector.shape_cast %get3A_1030 : vector<1x8x2500xf32> to vector<8x2500xf32>
      %reduce_sum3A_1032 = vector.shape_cast %get3A_1031 : vector<8x2500xf32> to vector<1x8x2500xf32>
      %reduce_sum3A_1033 = arith.constant dense<0.000000e+00> : vector<1xf32>
      %reduce_sum3A_1034 = vector.multi_reduction <add>, %reduce_sum3A_1032, %reduce_sum3A_1033 [1, 2] : vector<1x8x2500xf32> to vector<1xf32>
      %reduce_sum3A_1035 = vector.shape_cast %reduce_sum3A_1034 : vector<1xf32> to vector<1x1x1xf32>
      %reduce_sum3A_1036 = vector.extract %reduce_sum3A_1035[0, 0, 0] : f32 from vector<1x1x1xf32>
      %swap3A_1037 = arith.constant 0 : index
      %swap3A_1038 = arith.constant 4 : index
      %swap3A_1039 = memref.load %arg5[%swap3A_1037, %swap3A_1038] : memref<3x16xf32, #tpu.memory_space<smem>>
      memref.store %reduce_sum3A_1036, %arg5[%swap3A_1037, %swap3A_1038] : memref<3x16xf32, #tpu.memory_space<smem>>
      %get3A_1040 = arith.constant 13 : index
      %get3A_1041 = arith.constant 0 : index
      %get3A_1042 = arith.constant 0 : index
      %get3A_1043 = vector.load %arg6[%get3A_1040, %get3A_1041, %get3A_1042] : memref<45x8x2500xf32, #tpu.memory_space<vmem>>, vector<1x8x2500xf32>
      %get3A_1044 = vector.shape_cast %get3A_1043 : vector<1x8x2500xf32> to vector<8x2500xf32>
      %reduce_sum3A_1045 = vector.shape_cast %get3A_1044 : vector<8x2500xf32> to vector<1x8x2500xf32>
      %reduce_sum3A_1046 = arith.constant dense<0.000000e+00> : vector<1xf32>
      %reduce_sum3A_1047 = vector.multi_reduction <add>, %reduce_sum3A_1045, %reduce_sum3A_1046 [1, 2] : vector<1x8x2500xf32> to vector<1xf32>
      %reduce_sum3A_1048 = vector.shape_cast %reduce_sum3A_1047 : vector<1xf32> to vector<1x1x1xf32>
      %reduce_sum3A_1049 = vector.extract %reduce_sum3A_1048[0, 0, 0] : f32 from vector<1x1x1xf32>
      %swap3A_1050 = arith.constant 1 : index
      %swap3A_1051 = arith.constant 4 : index
      %swap3A_1052 = memref.load %arg5[%swap3A_1050, %swap3A_1051] : memref<3x16xf32, #tpu.memory_space<smem>>
      memref.store %reduce_sum3A_1049, %arg5[%swap3A_1050, %swap3A_1051] : memref<3x16xf32, #tpu.memory_space<smem>>
      %get3A_1053 = arith.constant 14 : index
      %get3A_1054 = arith.constant 0 : index
      %get3A_1055 = arith.constant 0 : index
      %get3A_1056 = vector.load %arg6[%get3A_1053, %get3A_1054, %get3A_1055] : memref<45x8x2500xf32, #tpu.memory_space<vmem>>, vector<1x8x2500xf32>
      %get3A_1057 = vector.shape_cast %get3A_1056 : vector<1x8x2500xf32> to vector<8x2500xf32>
      %reduce_sum3A_1058 = vector.shape_cast %get3A_1057 : vector<8x2500xf32> to vector<1x8x2500xf32>
      %reduce_sum3A_1059 = arith.constant dense<0.000000e+00> : vector<1xf32>
      %reduce_sum3A_1060 = vector.multi_reduction <add>, %reduce_sum3A_1058, %reduce_sum3A_1059 [1, 2] : vector<1x8x2500xf32> to vector<1xf32>
      %reduce_sum3A_1061 = vector.shape_cast %reduce_sum3A_1060 : vector<1xf32> to vector<1x1x1xf32>
      %reduce_sum3A_1062 = vector.extract %reduce_sum3A_1061[0, 0, 0] : f32 from vector<1x1x1xf32>
      %swap3A_1063 = arith.constant 2 : index
      %swap3A_1064 = arith.constant 4 : index
      %swap3A_1065 = memref.load %arg5[%swap3A_1063, %swap3A_1064] : memref<3x16xf32, #tpu.memory_space<smem>>
      memref.store %reduce_sum3A_1062, %arg5[%swap3A_1063, %swap3A_1064] : memref<3x16xf32, #tpu.memory_space<smem>>
      %get3A_1066 = arith.constant 15 : index
      %get3A_1067 = arith.constant 0 : index
      %get3A_1068 = arith.constant 0 : index
      %get3A_1069 = vector.load %arg6[%get3A_1066, %get3A_1067, %get3A_1068] : memref<45x8x2500xf32, #tpu.memory_space<vmem>>, vector<1x8x2500xf32>
      %get3A_1070 = vector.shape_cast %get3A_1069 : vector<1x8x2500xf32> to vector<8x2500xf32>
      %reduce_sum3A_1071 = vector.shape_cast %get3A_1070 : vector<8x2500xf32> to vector<1x8x2500xf32>
      %reduce_sum3A_1072 = arith.constant dense<0.000000e+00> : vector<1xf32>
      %reduce_sum3A_1073 = vector.multi_reduction <add>, %reduce_sum3A_1071, %reduce_sum3A_1072 [1, 2] : vector<1x8x2500xf32> to vector<1xf32>
      %reduce_sum3A_1074 = vector.shape_cast %reduce_sum3A_1073 : vector<1xf32> to vector<1x1x1xf32>
      %reduce_sum3A_1075 = vector.extract %reduce_sum3A_1074[0, 0, 0] : f32 from vector<1x1x1xf32>
      %swap3A_1076 = arith.constant 0 : index
      %swap3A_1077 = arith.constant 5 : index
      %swap3A_1078 = memref.load %arg5[%swap3A_1076, %swap3A_1077] : memref<3x16xf32, #tpu.memory_space<smem>>
      memref.store %reduce_sum3A_1075, %arg5[%swap3A_1076, %swap3A_1077] : memref<3x16xf32, #tpu.memory_space<smem>>
      %get3A_1079 = arith.constant 16 : index
      %get3A_1080 = arith.constant 0 : index
      %get3A_1081 = arith.constant 0 : index
      %get3A_1082 = vector.load %arg6[%get3A_1079, %get3A_1080, %get3A_1081] : memref<45x8x2500xf32, #tpu.memory_space<vmem>>, vector<1x8x2500xf32>
      %get3A_1083 = vector.shape_cast %get3A_1082 : vector<1x8x2500xf32> to vector<8x2500xf32>
      %reduce_sum3A_1084 = vector.shape_cast %get3A_1083 : vector<8x2500xf32> to vector<1x8x2500xf32>
      %reduce_sum3A_1085 = arith.constant dense<0.000000e+00> : vector<1xf32>
      %reduce_sum3A_1086 = vector.multi_reduction <add>, %reduce_sum3A_1084, %reduce_sum3A_1085 [1, 2] : vector<1x8x2500xf32> to vector<1xf32>
      %reduce_sum3A_1087 = vector.shape_cast %reduce_sum3A_1086 : vector<1xf32> to vector<1x1x1xf32>
      %reduce_sum3A_1088 = vector.extract %reduce_sum3A_1087[0, 0, 0] : f32 from vector<1x1x1xf32>
      %swap3A_1089 = arith.constant 1 : index
      %swap3A_1090 = arith.constant 5 : index
      %swap3A_1091 = memref.load %arg5[%swap3A_1089, %swap3A_1090] : memref<3x16xf32, #tpu.memory_space<smem>>
      memref.store %reduce_sum3A_1088, %arg5[%swap3A_1089, %swap3A_1090] : memref<3x16xf32, #tpu.memory_space<smem>>
      %get3A_1092 = arith.constant 17 : index
      %get3A_1093 = arith.constant 0 : index
      %get3A_1094 = arith.constant 0 : index
      %get3A_1095 = vector.load %arg6[%get3A_1092, %get3A_1093, %get3A_1094] : memref<45x8x2500xf32, #tpu.memory_space<vmem>>, vector<1x8x2500xf32>
      %get3A_1096 = vector.shape_cast %get3A_1095 : vector<1x8x2500xf32> to vector<8x2500xf32>
      %reduce_sum3A_1097 = vector.shape_cast %get3A_1096 : vector<8x2500xf32> to vector<1x8x2500xf32>
      %reduce_sum3A_1098 = arith.constant dense<0.000000e+00> : vector<1xf32>
      %reduce_sum3A_1099 = vector.multi_reduction <add>, %reduce_sum3A_1097, %reduce_sum3A_1098 [1, 2] : vector<1x8x2500xf32> to vector<1xf32>
      %reduce_sum3A_1100 = vector.shape_cast %reduce_sum3A_1099 : vector<1xf32> to vector<1x1x1xf32>
      %reduce_sum3A_1101 = vector.extract %reduce_sum3A_1100[0, 0, 0] : f32 from vector<1x1x1xf32>
      %swap3A_1102 = arith.constant 2 : index
      %swap3A_1103 = arith.constant 5 : index
      %swap3A_1104 = memref.load %arg5[%swap3A_1102, %swap3A_1103] : memref<3x16xf32, #tpu.memory_space<smem>>
      memref.store %reduce_sum3A_1101, %arg5[%swap3A_1102, %swap3A_1103] : memref<3x16xf32, #tpu.memory_space<smem>>
      %get3A_1105 = arith.constant 18 : index
      %get3A_1106 = arith.constant 0 : index
      %get3A_1107 = arith.constant 0 : index
      %get3A_1108 = vector.load %arg6[%get3A_1105, %get3A_1106, %get3A_1107] : memref<45x8x2500xf32, #tpu.memory_space<vmem>>, vector<1x8x2500xf32>
      %get3A_1109 = vector.shape_cast %get3A_1108 : vector<1x8x2500xf32> to vector<8x2500xf32>
      %reduce_sum3A_1110 = vector.shape_cast %get3A_1109 : vector<8x2500xf32> to vector<1x8x2500xf32>
      %reduce_sum3A_1111 = arith.constant dense<0.000000e+00> : vector<1xf32>
      %reduce_sum3A_1112 = vector.multi_reduction <add>, %reduce_sum3A_1110, %reduce_sum3A_1111 [1, 2] : vector<1x8x2500xf32> to vector<1xf32>
      %reduce_sum3A_1113 = vector.shape_cast %reduce_sum3A_1112 : vector<1xf32> to vector<1x1x1xf32>
      %reduce_sum3A_1114 = vector.extract %reduce_sum3A_1113[0, 0, 0] : f32 from vector<1x1x1xf32>
      %swap3A_1115 = arith.constant 0 : index
      %swap3A_1116 = arith.constant 6 : index
      %swap3A_1117 = memref.load %arg5[%swap3A_1115, %swap3A_1116] : memref<3x16xf32, #tpu.memory_space<smem>>
      memref.store %reduce_sum3A_1114, %arg5[%swap3A_1115, %swap3A_1116] : memref<3x16xf32, #tpu.memory_space<smem>>
      %get3A_1118 = arith.constant 19 : index
      %get3A_1119 = arith.constant 0 : index
      %get3A_1120 = arith.constant 0 : index
      %get3A_1121 = vector.load %arg6[%get3A_1118, %get3A_1119, %get3A_1120] : memref<45x8x2500xf32, #tpu.memory_space<vmem>>, vector<1x8x2500xf32>
      %get3A_1122 = vector.shape_cast %get3A_1121 : vector<1x8x2500xf32> to vector<8x2500xf32>
      %reduce_sum3A_1123 = vector.shape_cast %get3A_1122 : vector<8x2500xf32> to vector<1x8x2500xf32>
      %reduce_sum3A_1124 = arith.constant dense<0.000000e+00> : vector<1xf32>
      %reduce_sum3A_1125 = vector.multi_reduction <add>, %reduce_sum3A_1123, %reduce_sum3A_1124 [1, 2] : vector<1x8x2500xf32> to vector<1xf32>
      %reduce_sum3A_1126 = vector.shape_cast %reduce_sum3A_1125 : vector<1xf32> to vector<1x1x1xf32>
      %reduce_sum3A_1127 = vector.extract %reduce_sum3A_1126[0, 0, 0] : f32 from vector<1x1x1xf32>
      %swap3A_1128 = arith.constant 1 : index
      %swap3A_1129 = arith.constant 6 : index
      %swap3A_1130 = memref.load %arg5[%swap3A_1128, %swap3A_1129] : memref<3x16xf32, #tpu.memory_space<smem>>
      memref.store %reduce_sum3A_1127, %arg5[%swap3A_1128, %swap3A_1129] : memref<3x16xf32, #tpu.memory_space<smem>>
      %get3A_1131 = arith.constant 20 : index
      %get3A_1132 = arith.constant 0 : index
      %get3A_1133 = arith.constant 0 : index
      %get3A_1134 = vector.load %arg6[%get3A_1131, %get3A_1132, %get3A_1133] : memref<45x8x2500xf32, #tpu.memory_space<vmem>>, vector<1x8x2500xf32>
      %get3A_1135 = vector.shape_cast %get3A_1134 : vector<1x8x2500xf32> to vector<8x2500xf32>
      %reduce_sum3A_1136 = vector.shape_cast %get3A_1135 : vector<8x2500xf32> to vector<1x8x2500xf32>
      %reduce_sum3A_1137 = arith.constant dense<0.000000e+00> : vector<1xf32>
      %reduce_sum3A_1138 = vector.multi_reduction <add>, %reduce_sum3A_1136, %reduce_sum3A_1137 [1, 2] : vector<1x8x2500xf32> to vector<1xf32>
      %reduce_sum3A_1139 = vector.shape_cast %reduce_sum3A_1138 : vector<1xf32> to vector<1x1x1xf32>
      %reduce_sum3A_1140 = vector.extract %reduce_sum3A_1139[0, 0, 0] : f32 from vector<1x1x1xf32>
      %swap3A_1141 = arith.constant 2 : index
      %swap3A_1142 = arith.constant 6 : index
      %swap3A_1143 = memref.load %arg5[%swap3A_1141, %swap3A_1142] : memref<3x16xf32, #tpu.memory_space<smem>>
      memref.store %reduce_sum3A_1140, %arg5[%swap3A_1141, %swap3A_1142] : memref<3x16xf32, #tpu.memory_space<smem>>
      %get3A_1144 = arith.constant 21 : index
      %get3A_1145 = arith.constant 0 : index
      %get3A_1146 = arith.constant 0 : index
      %get3A_1147 = vector.load %arg6[%get3A_1144, %get3A_1145, %get3A_1146] : memref<45x8x2500xf32, #tpu.memory_space<vmem>>, vector<1x8x2500xf32>
      %get3A_1148 = vector.shape_cast %get3A_1147 : vector<1x8x2500xf32> to vector<8x2500xf32>
      %reduce_sum3A_1149 = vector.shape_cast %get3A_1148 : vector<8x2500xf32> to vector<1x8x2500xf32>
      %reduce_sum3A_1150 = arith.constant dense<0.000000e+00> : vector<1xf32>
      %reduce_sum3A_1151 = vector.multi_reduction <add>, %reduce_sum3A_1149, %reduce_sum3A_1150 [1, 2] : vector<1x8x2500xf32> to vector<1xf32>
      %reduce_sum3A_1152 = vector.shape_cast %reduce_sum3A_1151 : vector<1xf32> to vector<1x1x1xf32>
      %reduce_sum3A_1153 = vector.extract %reduce_sum3A_1152[0, 0, 0] : f32 from vector<1x1x1xf32>
      %swap3A_1154 = arith.constant 0 : index
      %swap3A_1155 = arith.constant 7 : index
      %swap3A_1156 = memref.load %arg5[%swap3A_1154, %swap3A_1155] : memref<3x16xf32, #tpu.memory_space<smem>>
      memref.store %reduce_sum3A_1153, %arg5[%swap3A_1154, %swap3A_1155] : memref<3x16xf32, #tpu.memory_space<smem>>
      %get3A_1157 = arith.constant 22 : index
      %get3A_1158 = arith.constant 0 : index
      %get3A_1159 = arith.constant 0 : index
      %get3A_1160 = vector.load %arg6[%get3A_1157, %get3A_1158, %get3A_1159] : memref<45x8x2500xf32, #tpu.memory_space<vmem>>, vector<1x8x2500xf32>
      %get3A_1161 = vector.shape_cast %get3A_1160 : vector<1x8x2500xf32> to vector<8x2500xf32>
      %reduce_sum3A_1162 = vector.shape_cast %get3A_1161 : vector<8x2500xf32> to vector<1x8x2500xf32>
      %reduce_sum3A_1163 = arith.constant dense<0.000000e+00> : vector<1xf32>
      %reduce_sum3A_1164 = vector.multi_reduction <add>, %reduce_sum3A_1162, %reduce_sum3A_1163 [1, 2] : vector<1x8x2500xf32> to vector<1xf32>
      %reduce_sum3A_1165 = vector.shape_cast %reduce_sum3A_1164 : vector<1xf32> to vector<1x1x1xf32>
      %reduce_sum3A_1166 = vector.extract %reduce_sum3A_1165[0, 0, 0] : f32 from vector<1x1x1xf32>
      %swap3A_1167 = arith.constant 1 : index
      %swap3A_1168 = arith.constant 7 : index
      %swap3A_1169 = memref.load %arg5[%swap3A_1167, %swap3A_1168] : memref<3x16xf32, #tpu.memory_space<smem>>
      memref.store %reduce_sum3A_1166, %arg5[%swap3A_1167, %swap3A_1168] : memref<3x16xf32, #tpu.memory_space<smem>>
      %get3A_1170 = arith.constant 23 : index
      %get3A_1171 = arith.constant 0 : index
      %get3A_1172 = arith.constant 0 : index
      %get3A_1173 = vector.load %arg6[%get3A_1170, %get3A_1171, %get3A_1172] : memref<45x8x2500xf32, #tpu.memory_space<vmem>>, vector<1x8x2500xf32>
      %get3A_1174 = vector.shape_cast %get3A_1173 : vector<1x8x2500xf32> to vector<8x2500xf32>
      %reduce_sum3A_1175 = vector.shape_cast %get3A_1174 : vector<8x2500xf32> to vector<1x8x2500xf32>
      %reduce_sum3A_1176 = arith.constant dense<0.000000e+00> : vector<1xf32>
      %reduce_sum3A_1177 = vector.multi_reduction <add>, %reduce_sum3A_1175, %reduce_sum3A_1176 [1, 2] : vector<1x8x2500xf32> to vector<1xf32>
      %reduce_sum3A_1178 = vector.shape_cast %reduce_sum3A_1177 : vector<1xf32> to vector<1x1x1xf32>
      %reduce_sum3A_1179 = vector.extract %reduce_sum3A_1178[0, 0, 0] : f32 from vector<1x1x1xf32>
      %swap3A_1180 = arith.constant 2 : index
      %swap3A_1181 = arith.constant 7 : index
      %swap3A_1182 = memref.load %arg5[%swap3A_1180, %swap3A_1181] : memref<3x16xf32, #tpu.memory_space<smem>>
      memref.store %reduce_sum3A_1179, %arg5[%swap3A_1180, %swap3A_1181] : memref<3x16xf32, #tpu.memory_space<smem>>
      %get3A_1183 = arith.constant 24 : index
      %get3A_1184 = arith.constant 0 : index
      %get3A_1185 = arith.constant 0 : index
      %get3A_1186 = vector.load %arg6[%get3A_1183, %get3A_1184, %get3A_1185] : memref<45x8x2500xf32, #tpu.memory_space<vmem>>, vector<1x8x2500xf32>
      %get3A_1187 = vector.shape_cast %get3A_1186 : vector<1x8x2500xf32> to vector<8x2500xf32>
      %reduce_sum3A_1188 = vector.shape_cast %get3A_1187 : vector<8x2500xf32> to vector<1x8x2500xf32>
      %reduce_sum3A_1189 = arith.constant dense<0.000000e+00> : vector<1xf32>
      %reduce_sum3A_1190 = vector.multi_reduction <add>, %reduce_sum3A_1188, %reduce_sum3A_1189 [1, 2] : vector<1x8x2500xf32> to vector<1xf32>
      %reduce_sum3A_1191 = vector.shape_cast %reduce_sum3A_1190 : vector<1xf32> to vector<1x1x1xf32>
      %reduce_sum3A_1192 = vector.extract %reduce_sum3A_1191[0, 0, 0] : f32 from vector<1x1x1xf32>
      %swap3A_1193 = arith.constant 0 : index
      %swap3A_1194 = arith.constant 8 : index
      %swap3A_1195 = memref.load %arg5[%swap3A_1193, %swap3A_1194] : memref<3x16xf32, #tpu.memory_space<smem>>
      memref.store %reduce_sum3A_1192, %arg5[%swap3A_1193, %swap3A_1194] : memref<3x16xf32, #tpu.memory_space<smem>>
      %get3A_1196 = arith.constant 25 : index
      %get3A_1197 = arith.constant 0 : index
      %get3A_1198 = arith.constant 0 : index
      %get3A_1199 = vector.load %arg6[%get3A_1196, %get3A_1197, %get3A_1198] : memref<45x8x2500xf32, #tpu.memory_space<vmem>>, vector<1x8x2500xf32>
      %get3A_1200 = vector.shape_cast %get3A_1199 : vector<1x8x2500xf32> to vector<8x2500xf32>
      %reduce_sum3A_1201 = vector.shape_cast %get3A_1200 : vector<8x2500xf32> to vector<1x8x2500xf32>
      %reduce_sum3A_1202 = arith.constant dense<0.000000e+00> : vector<1xf32>
      %reduce_sum3A_1203 = vector.multi_reduction <add>, %reduce_sum3A_1201, %reduce_sum3A_1202 [1, 2] : vector<1x8x2500xf32> to vector<1xf32>
      %reduce_sum3A_1204 = vector.shape_cast %reduce_sum3A_1203 : vector<1xf32> to vector<1x1x1xf32>
      %reduce_sum3A_1205 = vector.extract %reduce_sum3A_1204[0, 0, 0] : f32 from vector<1x1x1xf32>
      %swap3A_1206 = arith.constant 1 : index
      %swap3A_1207 = arith.constant 8 : index
      %swap3A_1208 = memref.load %arg5[%swap3A_1206, %swap3A_1207] : memref<3x16xf32, #tpu.memory_space<smem>>
      memref.store %reduce_sum3A_1205, %arg5[%swap3A_1206, %swap3A_1207] : memref<3x16xf32, #tpu.memory_space<smem>>
      %get3A_1209 = arith.constant 26 : index
      %get3A_1210 = arith.constant 0 : index
      %get3A_1211 = arith.constant 0 : index
      %get3A_1212 = vector.load %arg6[%get3A_1209, %get3A_1210, %get3A_1211] : memref<45x8x2500xf32, #tpu.memory_space<vmem>>, vector<1x8x2500xf32>
      %get3A_1213 = vector.shape_cast %get3A_1212 : vector<1x8x2500xf32> to vector<8x2500xf32>
      %reduce_sum3A_1214 = vector.shape_cast %get3A_1213 : vector<8x2500xf32> to vector<1x8x2500xf32>
      %reduce_sum3A_1215 = arith.constant dense<0.000000e+00> : vector<1xf32>
      %reduce_sum3A_1216 = vector.multi_reduction <add>, %reduce_sum3A_1214, %reduce_sum3A_1215 [1, 2] : vector<1x8x2500xf32> to vector<1xf32>
      %reduce_sum3A_1217 = vector.shape_cast %reduce_sum3A_1216 : vector<1xf32> to vector<1x1x1xf32>
      %reduce_sum3A_1218 = vector.extract %reduce_sum3A_1217[0, 0, 0] : f32 from vector<1x1x1xf32>
      %swap3A_1219 = arith.constant 2 : index
      %swap3A_1220 = arith.constant 8 : index
      %swap3A_1221 = memref.load %arg5[%swap3A_1219, %swap3A_1220] : memref<3x16xf32, #tpu.memory_space<smem>>
      memref.store %reduce_sum3A_1218, %arg5[%swap3A_1219, %swap3A_1220] : memref<3x16xf32, #tpu.memory_space<smem>>
      %get3A_1222 = arith.constant 27 : index
      %get3A_1223 = arith.constant 0 : index
      %get3A_1224 = arith.constant 0 : index
      %get3A_1225 = vector.load %arg6[%get3A_1222, %get3A_1223, %get3A_1224] : memref<45x8x2500xf32, #tpu.memory_space<vmem>>, vector<1x8x2500xf32>
      %get3A_1226 = vector.shape_cast %get3A_1225 : vector<1x8x2500xf32> to vector<8x2500xf32>
      %reduce_sum3A_1227 = vector.shape_cast %get3A_1226 : vector<8x2500xf32> to vector<1x8x2500xf32>
      %reduce_sum3A_1228 = arith.constant dense<0.000000e+00> : vector<1xf32>
      %reduce_sum3A_1229 = vector.multi_reduction <add>, %reduce_sum3A_1227, %reduce_sum3A_1228 [1, 2] : vector<1x8x2500xf32> to vector<1xf32>
      %reduce_sum3A_1230 = vector.shape_cast %reduce_sum3A_1229 : vector<1xf32> to vector<1x1x1xf32>
      %reduce_sum3A_1231 = vector.extract %reduce_sum3A_1230[0, 0, 0] : f32 from vector<1x1x1xf32>
      %swap3A_1232 = arith.constant 0 : index
      %swap3A_1233 = arith.constant 9 : index
      %swap3A_1234 = memref.load %arg5[%swap3A_1232, %swap3A_1233] : memref<3x16xf32, #tpu.memory_space<smem>>
      memref.store %reduce_sum3A_1231, %arg5[%swap3A_1232, %swap3A_1233] : memref<3x16xf32, #tpu.memory_space<smem>>
      %get3A_1235 = arith.constant 28 : index
      %get3A_1236 = arith.constant 0 : index
      %get3A_1237 = arith.constant 0 : index
      %get3A_1238 = vector.load %arg6[%get3A_1235, %get3A_1236, %get3A_1237] : memref<45x8x2500xf32, #tpu.memory_space<vmem>>, vector<1x8x2500xf32>
      %get3A_1239 = vector.shape_cast %get3A_1238 : vector<1x8x2500xf32> to vector<8x2500xf32>
      %reduce_sum3A_1240 = vector.shape_cast %get3A_1239 : vector<8x2500xf32> to vector<1x8x2500xf32>
      %reduce_sum3A_1241 = arith.constant dense<0.000000e+00> : vector<1xf32>
      %reduce_sum3A_1242 = vector.multi_reduction <add>, %reduce_sum3A_1240, %reduce_sum3A_1241 [1, 2] : vector<1x8x2500xf32> to vector<1xf32>
      %reduce_sum3A_1243 = vector.shape_cast %reduce_sum3A_1242 : vector<1xf32> to vector<1x1x1xf32>
      %reduce_sum3A_1244 = vector.extract %reduce_sum3A_1243[0, 0, 0] : f32 from vector<1x1x1xf32>
      %swap3A_1245 = arith.constant 1 : index
      %swap3A_1246 = arith.constant 9 : index
      %swap3A_1247 = memref.load %arg5[%swap3A_1245, %swap3A_1246] : memref<3x16xf32, #tpu.memory_space<smem>>
      memref.store %reduce_sum3A_1244, %arg5[%swap3A_1245, %swap3A_1246] : memref<3x16xf32, #tpu.memory_space<smem>>
      %get3A_1248 = arith.constant 29 : index
      %get3A_1249 = arith.constant 0 : index
      %get3A_1250 = arith.constant 0 : index
      %get3A_1251 = vector.load %arg6[%get3A_1248, %get3A_1249, %get3A_1250] : memref<45x8x2500xf32, #tpu.memory_space<vmem>>, vector<1x8x2500xf32>
      %get3A_1252 = vector.shape_cast %get3A_1251 : vector<1x8x2500xf32> to vector<8x2500xf32>
      %reduce_sum3A_1253 = vector.shape_cast %get3A_1252 : vector<8x2500xf32> to vector<1x8x2500xf32>
      %reduce_sum3A_1254 = arith.constant dense<0.000000e+00> : vector<1xf32>
      %reduce_sum3A_1255 = vector.multi_reduction <add>, %reduce_sum3A_1253, %reduce_sum3A_1254 [1, 2] : vector<1x8x2500xf32> to vector<1xf32>
      %reduce_sum3A_1256 = vector.shape_cast %reduce_sum3A_1255 : vector<1xf32> to vector<1x1x1xf32>
      %reduce_sum3A_1257 = vector.extract %reduce_sum3A_1256[0, 0, 0] : f32 from vector<1x1x1xf32>
      %swap3A_1258 = arith.constant 2 : index
      %swap3A_1259 = arith.constant 9 : index
      %swap3A_1260 = memref.load %arg5[%swap3A_1258, %swap3A_1259] : memref<3x16xf32, #tpu.memory_space<smem>>
      memref.store %reduce_sum3A_1257, %arg5[%swap3A_1258, %swap3A_1259] : memref<3x16xf32, #tpu.memory_space<smem>>
      %get3A_1261 = arith.constant 30 : index
      %get3A_1262 = arith.constant 0 : index
      %get3A_1263 = arith.constant 0 : index
      %get3A_1264 = vector.load %arg6[%get3A_1261, %get3A_1262, %get3A_1263] : memref<45x8x2500xf32, #tpu.memory_space<vmem>>, vector<1x8x2500xf32>
      %get3A_1265 = vector.shape_cast %get3A_1264 : vector<1x8x2500xf32> to vector<8x2500xf32>
      %reduce_sum3A_1266 = vector.shape_cast %get3A_1265 : vector<8x2500xf32> to vector<1x8x2500xf32>
      %reduce_sum3A_1267 = arith.constant dense<0.000000e+00> : vector<1xf32>
      %reduce_sum3A_1268 = vector.multi_reduction <add>, %reduce_sum3A_1266, %reduce_sum3A_1267 [1, 2] : vector<1x8x2500xf32> to vector<1xf32>
      %reduce_sum3A_1269 = vector.shape_cast %reduce_sum3A_1268 : vector<1xf32> to vector<1x1x1xf32>
      %reduce_sum3A_1270 = vector.extract %reduce_sum3A_1269[0, 0, 0] : f32 from vector<1x1x1xf32>
      %swap3A_1271 = arith.constant 0 : index
      %swap3A_1272 = arith.constant 10 : index
      %swap3A_1273 = memref.load %arg5[%swap3A_1271, %swap3A_1272] : memref<3x16xf32, #tpu.memory_space<smem>>
      memref.store %reduce_sum3A_1270, %arg5[%swap3A_1271, %swap3A_1272] : memref<3x16xf32, #tpu.memory_space<smem>>
      %get3A_1274 = arith.constant 31 : index
      %get3A_1275 = arith.constant 0 : index
      %get3A_1276 = arith.constant 0 : index
      %get3A_1277 = vector.load %arg6[%get3A_1274, %get3A_1275, %get3A_1276] : memref<45x8x2500xf32, #tpu.memory_space<vmem>>, vector<1x8x2500xf32>
      %get3A_1278 = vector.shape_cast %get3A_1277 : vector<1x8x2500xf32> to vector<8x2500xf32>
      %reduce_sum3A_1279 = vector.shape_cast %get3A_1278 : vector<8x2500xf32> to vector<1x8x2500xf32>
      %reduce_sum3A_1280 = arith.constant dense<0.000000e+00> : vector<1xf32>
      %reduce_sum3A_1281 = vector.multi_reduction <add>, %reduce_sum3A_1279, %reduce_sum3A_1280 [1, 2] : vector<1x8x2500xf32> to vector<1xf32>
      %reduce_sum3A_1282 = vector.shape_cast %reduce_sum3A_1281 : vector<1xf32> to vector<1x1x1xf32>
      %reduce_sum3A_1283 = vector.extract %reduce_sum3A_1282[0, 0, 0] : f32 from vector<1x1x1xf32>
      %swap3A_1284 = arith.constant 1 : index
      %swap3A_1285 = arith.constant 10 : index
      %swap3A_1286 = memref.load %arg5[%swap3A_1284, %swap3A_1285] : memref<3x16xf32, #tpu.memory_space<smem>>
      memref.store %reduce_sum3A_1283, %arg5[%swap3A_1284, %swap3A_1285] : memref<3x16xf32, #tpu.memory_space<smem>>
      %get3A_1287 = arith.constant 32 : index
      %get3A_1288 = arith.constant 0 : index
      %get3A_1289 = arith.constant 0 : index
      %get3A_1290 = vector.load %arg6[%get3A_1287, %get3A_1288, %get3A_1289] : memref<45x8x2500xf32, #tpu.memory_space<vmem>>, vector<1x8x2500xf32>
      %get3A_1291 = vector.shape_cast %get3A_1290 : vector<1x8x2500xf32> to vector<8x2500xf32>
      %reduce_sum3A_1292 = vector.shape_cast %get3A_1291 : vector<8x2500xf32> to vector<1x8x2500xf32>
      %reduce_sum3A_1293 = arith.constant dense<0.000000e+00> : vector<1xf32>
      %reduce_sum3A_1294 = vector.multi_reduction <add>, %reduce_sum3A_1292, %reduce_sum3A_1293 [1, 2] : vector<1x8x2500xf32> to vector<1xf32>
      %reduce_sum3A_1295 = vector.shape_cast %reduce_sum3A_1294 : vector<1xf32> to vector<1x1x1xf32>
      %reduce_sum3A_1296 = vector.extract %reduce_sum3A_1295[0, 0, 0] : f32 from vector<1x1x1xf32>
      %swap3A_1297 = arith.constant 2 : index
      %swap3A_1298 = arith.constant 10 : index
      %swap3A_1299 = memref.load %arg5[%swap3A_1297, %swap3A_1298] : memref<3x16xf32, #tpu.memory_space<smem>>
      memref.store %reduce_sum3A_1296, %arg5[%swap3A_1297, %swap3A_1298] : memref<3x16xf32, #tpu.memory_space<smem>>
      %get3A_1300 = arith.constant 33 : index
      %get3A_1301 = arith.constant 0 : index
      %get3A_1302 = arith.constant 0 : index
      %get3A_1303 = vector.load %arg6[%get3A_1300, %get3A_1301, %get3A_1302] : memref<45x8x2500xf32, #tpu.memory_space<vmem>>, vector<1x8x2500xf32>
      %get3A_1304 = vector.shape_cast %get3A_1303 : vector<1x8x2500xf32> to vector<8x2500xf32>
      %reduce_sum3A_1305 = vector.shape_cast %get3A_1304 : vector<8x2500xf32> to vector<1x8x2500xf32>
      %reduce_sum3A_1306 = arith.constant dense<0.000000e+00> : vector<1xf32>
      %reduce_sum3A_1307 = vector.multi_reduction <add>, %reduce_sum3A_1305, %reduce_sum3A_1306 [1, 2] : vector<1x8x2500xf32> to vector<1xf32>
      %reduce_sum3A_1308 = vector.shape_cast %reduce_sum3A_1307 : vector<1xf32> to vector<1x1x1xf32>
      %reduce_sum3A_1309 = vector.extract %reduce_sum3A_1308[0, 0, 0] : f32 from vector<1x1x1xf32>
      %swap3A_1310 = arith.constant 0 : index
      %swap3A_1311 = arith.constant 11 : index
      %swap3A_1312 = memref.load %arg5[%swap3A_1310, %swap3A_1311] : memref<3x16xf32, #tpu.memory_space<smem>>
      memref.store %reduce_sum3A_1309, %arg5[%swap3A_1310, %swap3A_1311] : memref<3x16xf32, #tpu.memory_space<smem>>
      %get3A_1313 = arith.constant 34 : index
      %get3A_1314 = arith.constant 0 : index
      %get3A_1315 = arith.constant 0 : index
      %get3A_1316 = vector.load %arg6[%get3A_1313, %get3A_1314, %get3A_1315] : memref<45x8x2500xf32, #tpu.memory_space<vmem>>, vector<1x8x2500xf32>
      %get3A_1317 = vector.shape_cast %get3A_1316 : vector<1x8x2500xf32> to vector<8x2500xf32>
      %reduce_sum3A_1318 = vector.shape_cast %get3A_1317 : vector<8x2500xf32> to vector<1x8x2500xf32>
      %reduce_sum3A_1319 = arith.constant dense<0.000000e+00> : vector<1xf32>
      %reduce_sum3A_1320 = vector.multi_reduction <add>, %reduce_sum3A_1318, %reduce_sum3A_1319 [1, 2] : vector<1x8x2500xf32> to vector<1xf32>
      %reduce_sum3A_1321 = vector.shape_cast %reduce_sum3A_1320 : vector<1xf32> to vector<1x1x1xf32>
      %reduce_sum3A_1322 = vector.extract %reduce_sum3A_1321[0, 0, 0] : f32 from vector<1x1x1xf32>
      %swap3A_1323 = arith.constant 1 : index
      %swap3A_1324 = arith.constant 11 : index
      %swap3A_1325 = memref.load %arg5[%swap3A_1323, %swap3A_1324] : memref<3x16xf32, #tpu.memory_space<smem>>
      memref.store %reduce_sum3A_1322, %arg5[%swap3A_1323, %swap3A_1324] : memref<3x16xf32, #tpu.memory_space<smem>>
      %get3A_1326 = arith.constant 35 : index
      %get3A_1327 = arith.constant 0 : index
      %get3A_1328 = arith.constant 0 : index
      %get3A_1329 = vector.load %arg6[%get3A_1326, %get3A_1327, %get3A_1328] : memref<45x8x2500xf32, #tpu.memory_space<vmem>>, vector<1x8x2500xf32>
      %get3A_1330 = vector.shape_cast %get3A_1329 : vector<1x8x2500xf32> to vector<8x2500xf32>
      %reduce_sum3A_1331 = vector.shape_cast %get3A_1330 : vector<8x2500xf32> to vector<1x8x2500xf32>
      %reduce_sum3A_1332 = arith.constant dense<0.000000e+00> : vector<1xf32>
      %reduce_sum3A_1333 = vector.multi_reduction <add>, %reduce_sum3A_1331, %reduce_sum3A_1332 [1, 2] : vector<1x8x2500xf32> to vector<1xf32>
      %reduce_sum3A_1334 = vector.shape_cast %reduce_sum3A_1333 : vector<1xf32> to vector<1x1x1xf32>
      %reduce_sum3A_1335 = vector.extract %reduce_sum3A_1334[0, 0, 0] : f32 from vector<1x1x1xf32>
      %swap3A_1336 = arith.constant 2 : index
      %swap3A_1337 = arith.constant 11 : index
      %swap3A_1338 = memref.load %arg5[%swap3A_1336, %swap3A_1337] : memref<3x16xf32, #tpu.memory_space<smem>>
      memref.store %reduce_sum3A_1335, %arg5[%swap3A_1336, %swap3A_1337] : memref<3x16xf32, #tpu.memory_space<smem>>
      %get3A_1339 = arith.constant 36 : index
      %get3A_1340 = arith.constant 0 : index
      %get3A_1341 = arith.constant 0 : index
      %get3A_1342 = vector.load %arg6[%get3A_1339, %get3A_1340, %get3A_1341] : memref<45x8x2500xf32, #tpu.memory_space<vmem>>, vector<1x8x2500xf32>
      %get3A_1343 = vector.shape_cast %get3A_1342 : vector<1x8x2500xf32> to vector<8x2500xf32>
      %reduce_sum3A_1344 = vector.shape_cast %get3A_1343 : vector<8x2500xf32> to vector<1x8x2500xf32>
      %reduce_sum3A_1345 = arith.constant dense<0.000000e+00> : vector<1xf32>
      %reduce_sum3A_1346 = vector.multi_reduction <add>, %reduce_sum3A_1344, %reduce_sum3A_1345 [1, 2] : vector<1x8x2500xf32> to vector<1xf32>
      %reduce_sum3A_1347 = vector.shape_cast %reduce_sum3A_1346 : vector<1xf32> to vector<1x1x1xf32>
      %reduce_sum3A_1348 = vector.extract %reduce_sum3A_1347[0, 0, 0] : f32 from vector<1x1x1xf32>
      %swap3A_1349 = arith.constant 0 : index
      %swap3A_1350 = arith.constant 12 : index
      %swap3A_1351 = memref.load %arg5[%swap3A_1349, %swap3A_1350] : memref<3x16xf32, #tpu.memory_space<smem>>
      memref.store %reduce_sum3A_1348, %arg5[%swap3A_1349, %swap3A_1350] : memref<3x16xf32, #tpu.memory_space<smem>>
      %get3A_1352 = arith.constant 37 : index
      %get3A_1353 = arith.constant 0 : index
      %get3A_1354 = arith.constant 0 : index
      %get3A_1355 = vector.load %arg6[%get3A_1352, %get3A_1353, %get3A_1354] : memref<45x8x2500xf32, #tpu.memory_space<vmem>>, vector<1x8x2500xf32>
      %get3A_1356 = vector.shape_cast %get3A_1355 : vector<1x8x2500xf32> to vector<8x2500xf32>
      %reduce_sum3A_1357 = vector.shape_cast %get3A_1356 : vector<8x2500xf32> to vector<1x8x2500xf32>
      %reduce_sum3A_1358 = arith.constant dense<0.000000e+00> : vector<1xf32>
      %reduce_sum3A_1359 = vector.multi_reduction <add>, %reduce_sum3A_1357, %reduce_sum3A_1358 [1, 2] : vector<1x8x2500xf32> to vector<1xf32>
      %reduce_sum3A_1360 = vector.shape_cast %reduce_sum3A_1359 : vector<1xf32> to vector<1x1x1xf32>
      %reduce_sum3A_1361 = vector.extract %reduce_sum3A_1360[0, 0, 0] : f32 from vector<1x1x1xf32>
      %swap3A_1362 = arith.constant 1 : index
      %swap3A_1363 = arith.constant 12 : index
      %swap3A_1364 = memref.load %arg5[%swap3A_1362, %swap3A_1363] : memref<3x16xf32, #tpu.memory_space<smem>>
      memref.store %reduce_sum3A_1361, %arg5[%swap3A_1362, %swap3A_1363] : memref<3x16xf32, #tpu.memory_space<smem>>
      %get3A_1365 = arith.constant 38 : index
      %get3A_1366 = arith.constant 0 : index
      %get3A_1367 = arith.constant 0 : index
      %get3A_1368 = vector.load %arg6[%get3A_1365, %get3A_1366, %get3A_1367] : memref<45x8x2500xf32, #tpu.memory_space<vmem>>, vector<1x8x2500xf32>
      %get3A_1369 = vector.shape_cast %get3A_1368 : vector<1x8x2500xf32> to vector<8x2500xf32>
      %reduce_sum3A_1370 = vector.shape_cast %get3A_1369 : vector<8x2500xf32> to vector<1x8x2500xf32>
      %reduce_sum3A_1371 = arith.constant dense<0.000000e+00> : vector<1xf32>
      %reduce_sum3A_1372 = vector.multi_reduction <add>, %reduce_sum3A_1370, %reduce_sum3A_1371 [1, 2] : vector<1x8x2500xf32> to vector<1xf32>
      %reduce_sum3A_1373 = vector.shape_cast %reduce_sum3A_1372 : vector<1xf32> to vector<1x1x1xf32>
      %reduce_sum3A_1374 = vector.extract %reduce_sum3A_1373[0, 0, 0] : f32 from vector<1x1x1xf32>
      %swap3A_1375 = arith.constant 2 : index
      %swap3A_1376 = arith.constant 12 : index
      %swap3A_1377 = memref.load %arg5[%swap3A_1375, %swap3A_1376] : memref<3x16xf32, #tpu.memory_space<smem>>
      memref.store %reduce_sum3A_1374, %arg5[%swap3A_1375, %swap3A_1376] : memref<3x16xf32, #tpu.memory_space<smem>>
      %get3A_1378 = arith.constant 39 : index
      %get3A_1379 = arith.constant 0 : index
      %get3A_1380 = arith.constant 0 : index
      %get3A_1381 = vector.load %arg6[%get3A_1378, %get3A_1379, %get3A_1380] : memref<45x8x2500xf32, #tpu.memory_space<vmem>>, vector<1x8x2500xf32>
      %get3A_1382 = vector.shape_cast %get3A_1381 : vector<1x8x2500xf32> to vector<8x2500xf32>
      %reduce_sum3A_1383 = vector.shape_cast %get3A_1382 : vector<8x2500xf32> to vector<1x8x2500xf32>
      %reduce_sum3A_1384 = arith.constant dense<0.000000e+00> : vector<1xf32>
      %reduce_sum3A_1385 = vector.multi_reduction <add>, %reduce_sum3A_1383, %reduce_sum3A_1384 [1, 2] : vector<1x8x2500xf32> to vector<1xf32>
      %reduce_sum3A_1386 = vector.shape_cast %reduce_sum3A_1385 : vector<1xf32> to vector<1x1x1xf32>
      %reduce_sum3A_1387 = vector.extract %reduce_sum3A_1386[0, 0, 0] : f32 from vector<1x1x1xf32>
      %swap3A_1388 = arith.constant 0 : index
      %swap3A_1389 = arith.constant 13 : index
      %swap3A_1390 = memref.load %arg5[%swap3A_1388, %swap3A_1389] : memref<3x16xf32, #tpu.memory_space<smem>>
      memref.store %reduce_sum3A_1387, %arg5[%swap3A_1388, %swap3A_1389] : memref<3x16xf32, #tpu.memory_space<smem>>
      %get3A_1391 = arith.constant 40 : index
      %get3A_1392 = arith.constant 0 : index
      %get3A_1393 = arith.constant 0 : index
      %get3A_1394 = vector.load %arg6[%get3A_1391, %get3A_1392, %get3A_1393] : memref<45x8x2500xf32, #tpu.memory_space<vmem>>, vector<1x8x2500xf32>
      %get3A_1395 = vector.shape_cast %get3A_1394 : vector<1x8x2500xf32> to vector<8x2500xf32>
      %reduce_sum3A_1396 = vector.shape_cast %get3A_1395 : vector<8x2500xf32> to vector<1x8x2500xf32>
      %reduce_sum3A_1397 = arith.constant dense<0.000000e+00> : vector<1xf32>
      %reduce_sum3A_1398 = vector.multi_reduction <add>, %reduce_sum3A_1396, %reduce_sum3A_1397 [1, 2] : vector<1x8x2500xf32> to vector<1xf32>
      %reduce_sum3A_1399 = vector.shape_cast %reduce_sum3A_1398 : vector<1xf32> to vector<1x1x1xf32>
      %reduce_sum3A_1400 = vector.extract %reduce_sum3A_1399[0, 0, 0] : f32 from vector<1x1x1xf32>
      %swap3A_1401 = arith.constant 1 : index
      %swap3A_1402 = arith.constant 13 : index
      %swap3A_1403 = memref.load %arg5[%swap3A_1401, %swap3A_1402] : memref<3x16xf32, #tpu.memory_space<smem>>
      memref.store %reduce_sum3A_1400, %arg5[%swap3A_1401, %swap3A_1402] : memref<3x16xf32, #tpu.memory_space<smem>>
      %get3A_1404 = arith.constant 41 : index
      %get3A_1405 = arith.constant 0 : index
      %get3A_1406 = arith.constant 0 : index
      %get3A_1407 = vector.load %arg6[%get3A_1404, %get3A_1405, %get3A_1406] : memref<45x8x2500xf32, #tpu.memory_space<vmem>>, vector<1x8x2500xf32>
      %get3A_1408 = vector.shape_cast %get3A_1407 : vector<1x8x2500xf32> to vector<8x2500xf32>
      %reduce_sum3A_1409 = vector.shape_cast %get3A_1408 : vector<8x2500xf32> to vector<1x8x2500xf32>
      %reduce_sum3A_1410 = arith.constant dense<0.000000e+00> : vector<1xf32>
      %reduce_sum3A_1411 = vector.multi_reduction <add>, %reduce_sum3A_1409, %reduce_sum3A_1410 [1, 2] : vector<1x8x2500xf32> to vector<1xf32>
      %reduce_sum3A_1412 = vector.shape_cast %reduce_sum3A_1411 : vector<1xf32> to vector<1x1x1xf32>
      %reduce_sum3A_1413 = vector.extract %reduce_sum3A_1412[0, 0, 0] : f32 from vector<1x1x1xf32>
      %swap3A_1414 = arith.constant 2 : index
      %swap3A_1415 = arith.constant 13 : index
      %swap3A_1416 = memref.load %arg5[%swap3A_1414, %swap3A_1415] : memref<3x16xf32, #tpu.memory_space<smem>>
      memref.store %reduce_sum3A_1413, %arg5[%swap3A_1414, %swap3A_1415] : memref<3x16xf32, #tpu.memory_space<smem>>
      %get3A_1417 = arith.constant 42 : index
      %get3A_1418 = arith.constant 0 : index
      %get3A_1419 = arith.constant 0 : index
      %get3A_1420 = vector.load %arg6[%get3A_1417, %get3A_1418, %get3A_1419] : memref<45x8x2500xf32, #tpu.memory_space<vmem>>, vector<1x8x2500xf32>
      %get3A_1421 = vector.shape_cast %get3A_1420 : vector<1x8x2500xf32> to vector<8x2500xf32>
      %reduce_sum3A_1422 = vector.shape_cast %get3A_1421 : vector<8x2500xf32> to vector<1x8x2500xf32>
      %reduce_sum3A_1423 = arith.constant dense<0.000000e+00> : vector<1xf32>
      %reduce_sum3A_1424 = vector.multi_reduction <add>, %reduce_sum3A_1422, %reduce_sum3A_1423 [1, 2] : vector<1x8x2500xf32> to vector<1xf32>
      %reduce_sum3A_1425 = vector.shape_cast %reduce_sum3A_1424 : vector<1xf32> to vector<1x1x1xf32>
      %reduce_sum3A_1426 = vector.extract %reduce_sum3A_1425[0, 0, 0] : f32 from vector<1x1x1xf32>
      %swap3A_1427 = arith.constant 0 : index
      %swap3A_1428 = arith.constant 14 : index
      %swap3A_1429 = memref.load %arg5[%swap3A_1427, %swap3A_1428] : memref<3x16xf32, #tpu.memory_space<smem>>
      memref.store %reduce_sum3A_1426, %arg5[%swap3A_1427, %swap3A_1428] : memref<3x16xf32, #tpu.memory_space<smem>>
      %get3A_1430 = arith.constant 43 : index
      %get3A_1431 = arith.constant 0 : index
      %get3A_1432 = arith.constant 0 : index
      %get3A_1433 = vector.load %arg6[%get3A_1430, %get3A_1431, %get3A_1432] : memref<45x8x2500xf32, #tpu.memory_space<vmem>>, vector<1x8x2500xf32>
      %get3A_1434 = vector.shape_cast %get3A_1433 : vector<1x8x2500xf32> to vector<8x2500xf32>
      %reduce_sum3A_1435 = vector.shape_cast %get3A_1434 : vector<8x2500xf32> to vector<1x8x2500xf32>
      %reduce_sum3A_1436 = arith.constant dense<0.000000e+00> : vector<1xf32>
      %reduce_sum3A_1437 = vector.multi_reduction <add>, %reduce_sum3A_1435, %reduce_sum3A_1436 [1, 2] : vector<1x8x2500xf32> to vector<1xf32>
      %reduce_sum3A_1438 = vector.shape_cast %reduce_sum3A_1437 : vector<1xf32> to vector<1x1x1xf32>
      %reduce_sum3A_1439 = vector.extract %reduce_sum3A_1438[0, 0, 0] : f32 from vector<1x1x1xf32>
      %swap3A_1440 = arith.constant 1 : index
      %swap3A_1441 = arith.constant 14 : index
      %swap3A_1442 = memref.load %arg5[%swap3A_1440, %swap3A_1441] : memref<3x16xf32, #tpu.memory_space<smem>>
      memref.store %reduce_sum3A_1439, %arg5[%swap3A_1440, %swap3A_1441] : memref<3x16xf32, #tpu.memory_space<smem>>
      %get3A_1443 = arith.constant 44 : index
      %get3A_1444 = arith.constant 0 : index
      %get3A_1445 = arith.constant 0 : index
      %get3A_1446 = vector.load %arg6[%get3A_1443, %get3A_1444, %get3A_1445] : memref<45x8x2500xf32, #tpu.memory_space<vmem>>, vector<1x8x2500xf32>
      %get3A_1447 = vector.shape_cast %get3A_1446 : vector<1x8x2500xf32> to vector<8x2500xf32>
      %reduce_sum3A_1448 = vector.shape_cast %get3A_1447 : vector<8x2500xf32> to vector<1x8x2500xf32>
      %reduce_sum3A_1449 = arith.constant dense<0.000000e+00> : vector<1xf32>
      %reduce_sum3A_1450 = vector.multi_reduction <add>, %reduce_sum3A_1448, %reduce_sum3A_1449 [1, 2] : vector<1x8x2500xf32> to vector<1xf32>
      %reduce_sum3A_1451 = vector.shape_cast %reduce_sum3A_1450 : vector<1xf32> to vector<1x1x1xf32>
      %reduce_sum3A_1452 = vector.extract %reduce_sum3A_1451[0, 0, 0] : f32 from vector<1x1x1xf32>
      %swap3A_1453 = arith.constant 2 : index
      %swap3A_1454 = arith.constant 14 : index
      %swap3A_1455 = memref.load %arg5[%swap3A_1453, %swap3A_1454] : memref<3x16xf32, #tpu.memory_space<smem>>
      memref.store %reduce_sum3A_1452, %arg5[%swap3A_1453, %swap3A_1454] : memref<3x16xf32, #tpu.memory_space<smem>>
    } else {
    }
    return
  }
  func.func @transform_0(%arg0: i32) -> (i32, i32) {
    %c0_i32 = arith.constant 0 : i32
    %c0_i32_0 = arith.constant 0 : i32
    return %arg0, %c0_i32 : i32, i32
  }
  func.func @transform_1(%arg0: i32) -> (i32, i32, i32) {
    %c0_i32 = arith.constant 0 : i32
    %c0_i32_0 = arith.constant 0 : i32
    %c0_i32_1 = arith.constant 0 : i32
    return %arg0, %c0_i32, %c0_i32_0 : i32, i32, i32
  }
  func.func @transform_2(%arg0: i32) -> i32 {
    %c0_i32 = arith.constant 0 : i32
    %c0_i32_0 = arith.constant 0 : i32
    return %c0_i32 : i32
  }
  func.func @transform_3(%arg0: i32) -> i32 {
    %c0_i32 = arith.constant 0 : i32
    %c0_i32_0 = arith.constant 0 : i32
    return %c0_i32 : i32
  }
  func.func @transform_4(%arg0: i32) -> (i32, i32) {
    %c0_i32 = arith.constant 0 : i32
    %c0_i32_0 = arith.constant 0 : i32
    %c0_i32_1 = arith.constant 0 : i32
    return %c0_i32, %c0_i32_0 : i32, i32
  }
}

</mosaic_0001>

<sc_bundles>
// kernel: kernel.4.cloned.1.call-start
scs
__scs_entry_jumppad:
0x0: {  	(pc) =	sbr.rel $0x88, $3  }
0x1: {  	(tag) =	ssettag $0x0;
	lr =	simm.s32 $0x1  }
0x2: {  	[smem:$0x3F9D] =	sst lr;
	_ =	strace $0xD0000000  }
0x3: {  	_ = 	snop  }
0x4: {  	_ = 	snop  }
0x5: {  	_ = 	snop  }
0x6: {  	_ = 	snop  }
0x7: {  	_ = 	snop  }
__scs_overlays_trampoline_lowered:
0x8: {  	[smem:$0x3FAC] =	sst s0  }
0x9: {  	[smem:$0x3FAD] =	sst s1  }
0xa: {  	[smem:$0x3FAE] =	sst s2  }
0xb: {  	[smem:$0x3FAF] =	sst s3  }
0xc: {  	[smem:$0x3FB0] =	sst s4  }
0xd: {  	[smem:$0x3FB1] =	sst s5  }
0xe: {  	[smem:$0x3FB2] =	sst s6  }
0xf: {  	[smem:$0x3FB3] =	sst s7  }
0x10: {  	[smem:$0x3FB4] =	sst s8  }
0x11: {  	[smem:$0x3FB5] =	sst s9;
	s0 =	simm.s32 @!p0 $0x0  }
0x12: {  	s1 =	sld [smem:$0x3F9B];
	s0 =	simm.s32 @p0 $0x1  }
0x13: {  	[smem:$0x3FB6] =	sst s0;
	s0 =	simm.s32 @!p1 $0x0  }
0x14: {  	s2 =	sld [smem:$0x3F9A];
	s0 =	simm.s32 @p1 $0x1  }
0x15: {  	[smem:$0x3FB7] =	sst s0;
	s0 =	simm.s32 @!p2 $0x0  }
0x16: {  	s3 =	sld [smem:$0x3FDB];
	s0 =	simm.s32 @p2 $0x1  }
0x17: {  	s4 =	simm.s32 $0x1BF5;
	[smem:$0x3FB9] =	sst s0  }
0x18: {  	s0 =	sld [smem:$0x3F9C];
	_ =	swait.ge [sflag:s4], $0x0  }
0x19: {  	s7 =	sld [smem:$0x3F9D]  }
0x1a: {  	s8 =	sadd.s32 $0xFFFFE003, lr  }
0x1b: {  	s9 =	sadd.s32 $0xFFFFFEF7, lr;
	s5 =	simm.s32 $0xFFFFFFFF;
	p2 =	slt.u32 s8, $0xFFFFF086  }
0x1c: {  	p1 =	slt.u32 s9, $0xF7A;
	s5 =	simm.s32 @!p2 $0x0  }
0x1d: {  	s5 =	simm.s32 @p1 $0x1;
	p0 =	seq.s32 s7, s2  }
0x1e: {  	s7 =	smul.u32 @!p0 $0xF7A, s2;
	p2 =	seq.s32 @!p0 s5, $0x0  }
0x1f: {  	s9 =	smul.u32 $0xF7A, s1;
	s8 =	simm.s32 @!p0 $0x1BF5;
	p2 =	por !p2, p0  }
0x20: {  	[sflag:s8] =	ssyncset.s32 @!p0 $0xFFFFF086;
	s6 =	sadd.s32 @!p0 s3, s7;
	s7 =	simm.s32 @!p0 $0x108  }
0x21: {  	s3 =	sadd.s32 s3, s9;
	s6 =	sadd.s32 @!p0 $0x88, s6;
	s7 =	simm.s32 @p2 $0x1082  }
0x22: {  	[simem:s7], [sflag:s8] =	dma.local @!p0 [hbm:s6], $0xF7A  }
0x23: {  	s9 =	sor.u32 $0xD0000000, s2;
	s6 =	simm.s32 $0x108;
	_ =	swait.ge @!p0 [sflag:s8], $0x0  }
0x24: {  	s3 =	sadd.s32 $0x88, s3;
	s6 =	simm.s32 @!p1 $0x1082;
	[sflag:s4] =	ssyncset.s32 $0xFFFFF086  }
0x25: {  	[simem:s6], [sflag:s4] =	dma.local [hbm:s3], $0xF7A  }
0x26: {  	[smem:$0x3F9D] =	sst s1;
	(tag) =	ssettag s2;
	_ =	strace s9  }
0x27: {  	s1 =	sld [smem:$0x3FAD]  }
0x28: {  	s2 =	sld [smem:$0x3FAE]  }
0x29: {  	s4 =	sld [smem:$0x3FB0]  }
0x2a: {  	p0 =	seq.s32 s5, $0x0;
	s5 =	sld [smem:$0x3FB1]  }
0x2b: {  	s6 =	sld [smem:$0x3FB2]  }
0x2c: {  	s7 =	sld [smem:$0x3FB3]  }
0x2d: {  	s3 =	simm.s32 $0x108;
	s8 =	sld [smem:$0x3FB4]  }
0x2e: {  	s3 =	simm.s32 @!p0 $0x1082;
	s9 =	sld [smem:$0x3FB5]  }
0x2f: {  	lr =	sadd.s32 s0, s3;
	s0 =	sld [smem:$0x3FAC]  }
0x30: {  	s3 =	sld [smem:$0x3FAF]  }
0x31: {  	[smem:$0x3FB8] =	sst s10  }
0x32: {  	s10 =	sld [smem:$0x3FB6];
	_ =	sdelay $0x3  }
0x33: {  	p0 =	seq.s32 s10, $0x1;
	s10 =	sld [smem:$0x3FB8];
	_ =	sdelay $0x3  }
0x34: {  	[smem:$0x3FB8] =	sst s10  }
0x35: {  	s10 =	sld [smem:$0x3FB7];
	_ =	sdelay $0x3  }
0x36: {  	p1 =	seq.s32 s10, $0x1;
	s10 =	sld [smem:$0x3FB8];
	_ =	sdelay $0x3  }
0x37: {  	[smem:$0x3FB8] =	sst s10  }
0x38: {  	s10 =	sld [smem:$0x3FB9]  }
0x39: {  	_ = 	snop;
	(pc) =	sbr.ind lr, $3  }
0x3a: {  	_ = 	snop  }
0x3b: {  	_ = 	snop  }
0x3c: {  	p2 =	seq.s32 s10, $0x1;
	s10 =	sld [smem:$0x3FB8]  }
0x3d: {  	_ =	shalt  }
0x3e: {  	_ =	shalt  }
0x3f: {  	_ =	shalt  }
0x40: {  	_ =	shalt  }
0x41: {  	_ =	shalt  }
0x42: {  	_ =	shalt  }
0x43: {  	_ =	shalt  }
0x44: {  	_ =	shalt  }
0x45: {  	_ =	shalt  }
0x46: {  	_ =	shalt  }
0x47: {  	_ =	shalt  }
0x48: {  	_ =	shalt  }
0x49: {  	_ =	shalt  }
0x4a: {  	_ =	shalt  }
0x4b: {  	_ =	shalt  }
0x4c: {  	_ =	shalt  }
0x4d: {  	_ =	shalt  }
0x4e: {  	_ =	shalt  }
0x4f: {  	_ =	shalt  }
0x50: {  	_ =	shalt  }
0x51: {  	_ =	shalt  }
0x52: {  	_ =	shalt  }
0x53: {  	_ =	shalt  }
0x54: {  	_ =	shalt  }
0x55: {  	_ =	shalt  }
0x56: {  	_ =	shalt  }
0x57: {  	_ =	shalt  }
0x58: {  	_ =	shalt  }
0x59: {  	_ =	shalt  }
0x5a: {  	_ =	shalt  }
0x5b: {  	_ =	shalt  }
0x5c: {  	_ =	shalt  }
0x5d: {  	_ =	shalt  }
0x5e: {  	_ =	shalt  }
0x5f: {  	_ =	shalt  }
0x60: {  	_ =	shalt  }
0x61: {  	_ =	shalt  }
0x62: {  	_ =	shalt  }
0x63: {  	_ =	shalt  }
0x64: {  	_ =	shalt  }
0x65: {  	_ =	shalt  }
0x66: {  	_ =	shalt  }
0x67: {  	_ =	shalt  }
0x68: {  	_ =	shalt  }
0x69: {  	_ =	shalt  }
0x6a: {  	_ =	shalt  }
0x6b: {  	_ =	shalt  }
0x6c: {  	_ =	shalt  }
0x6d: {  	_ =	shalt  }
0x6e: {  	_ =	shalt  }
0x6f: {  	_ =	shalt  }
0x70: {  	_ =	shalt  }
0x71: {  	_ =	shalt  }
0x72: {  	_ =	shalt  }
0x73: {  	_ =	shalt  }
0x74: {  	_ =	shalt  }
0x75: {  	_ =	shalt  }
0x76: {  	_ =	shalt  }
0x77: {  	_ =	shalt  }
0x78: {  	_ =	shalt  }
0x79: {  	_ =	shalt  }
0x7a: {  	_ =	shalt  }
0x7b: {  	_ =	shalt  }
0x7c: {  	_ =	shalt  }
0x7d: {  	_ =	shalt  }
0x7e: {  	_ =	shalt  }
0x7f: {  	_ =	shalt  }
0x80: {  	_ =	shalt  }
0x81: {  	_ =	shalt  }
0x82: {  	_ =	shalt  }
0x83: {  	_ =	shalt  }
0x84: {  	_ =	shalt  }
0x85: {  	_ =	shalt  }
0x86: {  	_ =	shalt  }
0x87: {  	_ =	shalt  }
.Lfunc_end0:
.L_simem_size_0:
called_computation_lowered:
.L_overlay_start_0:
0x88: {  	s2 =	sld [smem:$0x3FD9]  }
0x89: {  	s3 =	sld [smem:$0x3FFE];
	_ =	sdelay $0x1  }
0x8a: {  	s1 =	srdreg.scid  }
0x8b: {  	s0 =	sand.u32 $0x1, s1  }
0x8c: {  	s17 =	sshll.u32 s0, $0xA;
	s2 =	sadd.s32 s3, s2  }
0x8d: {  	s2 =	sadd.s32 s2, s17  }
0x8e: {  	[smem:$0x3FC4] =	sst s2  }
0x8f: {  	_ = 	snop  }
0x90: {  	s2 =	sld [smem:$0x3FC8];
	(tm) =	ssettm $0x1  }
0x91: {  	s18 =	sld [smem:$0x3FFB];
	_ =	sdelay $0x3  }
0x92: {  	_ =	strace s18  }
0x93: {  	s3 =	sld [smem:$0x3FFC];
	_ =	sdelay $0x3  }
0x94: {  	_ =	strace s3  }
0x95: {  	s3 =	sld [smem:$0x3FFD];
	_ =	sdelay $0x3  }
0x96: {  	_ =	strace s3  }
0x97: {  	_ =	strace $0x8FFFFFFF  }
0x98: {  	s19 =	sld [smem:$0x3FDB];
	_ =	sdelay $0x1  }
0x99: {  	s4 =	simm.s32 $_scs_section_size  }
0x9a: {  	s5 =	simm.s32 $_size__tile_overlayer_lowered;
	s6 =	simm.s32 $_tile_overlayer_lowered  }
0x9b: {  	s22 =	simm.s32 $0x1BFF;
	s21 =	sshll.u32 s6, $0x1;
	s3 =	sadd.s32 s4, s19  }
0x9c: {  	s7 =	simm.s32 $0x0;
	s20 =	sshll.u32 s5, $0x1;
	s5 =	sadd.s32 s21, s3  }
0x9d: {  	[timem:s7], [sflag:s22] =	dma.local [hbm:s5], s20  }
0x9e: {  	_ =	swait.ge [sflag:s22], s20  }
0x9f: {  	s4 =	ssub.s32 $0x0, s20;
	[sflag:s22] =	ssyncset.done $0x0  }
0xa0: {  	[sflag:s22] =	ssyncadd.s32 s4;
	_ =	sdelay $0x1  }
0xa1: {  	s23 =	simm.s32 $0x1B8B  }
0xa2: {  	_ =	swait.ge [sflag:s23], $0x1  }
0xa3: {  	[sflag:s23] =	ssyncset.done $0x0  }
0xa4: {  	s25 =	simm.s32 $0x1B8E;
	s24 =	sld [smem:$0x3FFE];
	[sflag:s23] =	ssyncadd.s32 $0xFFFFFFFF  }
0xa5: {  	s26 =	simm.s32 $execute0_lowered;
	[smem:$0x3FD2] =	sst s25  }
0xa6: {  	s5 =	sshll.u32 s26, $0x1;
	_ =	strace $0x80000046;
	[dreg:$0x1] =	wrdreg $0xFFFFFFFF  }
0xa7: {  	s28 =	simm.s32 $_size_execute0_lowered;
	s3 =	sadd.s32 s3, s5;
	[dreg:$0x0] =	wrdreg $0x0  }
0xa8: {  	s5 =	sshll.u32 s28, $0x1;
	[dreg:$0x2] =	wrdreg s3  }
0xa9: {  	[dreg:$0x3] =	wrdreg s5  }
0xaa: {  	[dreg:$0x4] =	wrdreg $0xC0  }
0xab: {  	_ =	task [dreg:s7], $0x5FFFF  }
0xac: {  	[dreg:$0x1] =	wrdreg $0xFFFFFFFF  }
0xad: {  	[dreg:$0x0] =	wrdreg $0x60  }
0xae: {  	[dreg:$0x2] =	wrdreg s24  }
0xaf: {  	[dreg:$0x3] =	wrdreg s2  }
0xb0: {  	[dreg:$0x4] =	wrdreg $0x9  }
0xb1: {  	_ =	task.clear_ibuf [dreg:s7], $0x5FFFF;
	_ =	strace $0x90000046  }
0xb2: {  	s29 =	simm.s32 $0x9;
	_ =	strace $0x80000048  }
0xb3: {  	_ =	swait.ge [sflag:s29], $0x1  }
0xb4: {  	[sflag:s29] =	ssyncadd.s32 $0xFFFFFFFF  }
0xb5: {  	_ =	strace $0x90000048  }
0xb6: {  	_ =	sfence  }
0xb7: {  	s30 =	sld [smem:$0x0];
	_ =	sdelay $0x2  }
0xb8: {  	s31 =	sshll.u32 s1, $0xD;
	s1 =	sshrl.u32 s1, $0x2  }
0xb9: {  	s3 =	sand.u32 $0x4000, s31;
	s1 =	sadd.s32 s1, s30  }
0xba: {  	s0 =	sor.u32 s3, s0;
	s1 =	sshll.u32 s1, $0x11  }
0xbb: {  	s0 =	sor.u32 s1, s0  }
0xbc: {  	s0 =	sadd.s32 $0x8F2B, s0  }
0xbd: {  	[sflag:s0] =	ssyncadd.remote.s32 $0x1  }
0xbe: {  	_ =	sfence.sel $0xFFFF  }
0xbf: {  	[dreg:$0x0] =	wrdreg $0xFFFFFFFF;
	(pc) =	sbr.abs _section_cstart, $3  }
0xc0: {  	[dreg:$0x1] =	wrdreg $0xFFFFFFFF  }
0xc1: {  	_ =	task.clear_ibuf [dreg:s7], $0x2FFFF;
	_ =	strace $0x9FFFFFFF  }
0xc2: {  	(tm) =	ssettm $0x7FFFFFFF  }
0xc3: {  	_ =	shalt  }
tec
execute0_lowered:
.L_overlay_start_1:
0x0: {  	(tag) =	ssettag $0x1  }
0x1: {  	v0 =	vlaneseq.u32  }
0x2: {  	v60 =	vmul.u32 $0x64, v0;
	_ =	sdelay $0x1  }
0x3: {  	v0 =	vadd.s32 $0x4, v60  }
0x4: {  	[tilespmem:$0x1FC30] =	vst v0;
	v0 =	vadd.s32 $0x5, v60  }
0x5: {  	[tilespmem:$0x1FC40] =	vst v0;
	v0 =	vadd.s32 $0x6, v60  }
0x6: {  	[tilespmem:$0x1FC50] =	vst v0;
	v0 =	vadd.s32 $0x7, v60  }
0x7: {  	[tilespmem:$0x1FC60] =	vst v0;
	v0 =	vadd.s32 $0x8, v60  }
0x8: {  	[tilespmem:$0x1FC70] =	vst v0;
	v0 =	vadd.s32 $0x9, v60  }
0x9: {  	[tilespmem:$0x1FC80] =	vst v0;
	v0 =	vadd.s32 $0xA, v60  }
0xa: {  	[tilespmem:$0x1FC90] =	vst v0;
	v0 =	vadd.s32 $0xB, v60  }
0xb: {  	s5 =	rddreg [dreg:$0x0];
	[tilespmem:$0x1FCA0] =	vst v0;
	v0 =	vadd.s32 $0x27, v60  }
0xc: {  	s1 =	rddreg [dreg:$0x1];
	s3 =	simm.s32 $0x0;
	[tilespmem:$0x1FCB0] =	vst v0;
	v0 =	vadd.s32 $0x28, v60  }
0xd: {  	[smem:$0x7FF] =	sst s3;
	[tilespmem:$0x1FCC0] =	vst v0;
	v0 =	vadd.s32 $0x2F, v60  }
0xe: {  	s0 =	rddreg [dreg:$0x2];
	v1 =	vor.u32 $0x1, v60;
	_ =	strace $0x80000047;
	[tilespmem:$0x1FCD0] =	vst v0  }
0xf: {  	v4 =	vor.u32 $0x2, v60;
	[tilespmem:$0x1FDB0] =	vst v1  }
0x10: {  	v6 =	vor.u32 $0x3, v60;
	[tilespmem:$0x1FDC0] =	vst v4  }
0x11: {  	v15 =	vadd.s32 $0xC, v60;
	[tilespmem:$0x1FDD0] =	vst v6  }
0x12: {  	v16 =	vadd.s32 $0xD, v60;
	[tilespmem:$0x1FDE0] =	vst v15  }
0x13: {  	v17 =	vadd.s32 $0xE, v60;
	[tilespmem:$0x1FDF0] =	vst v16  }
0x14: {  	v18 =	vadd.s32 $0xF, v60;
	[tilespmem:$0x1FE00] =	vst v17  }
0x15: {  	v19 =	vadd.s32 $0x10, v60;
	[tilespmem:$0x1FE10] =	vst v18  }
0x16: {  	v21 =	vadd.s32 $0x11, v60;
	[tilespmem:$0x1FE20] =	vst v19  }
0x17: {  	v22 =	vadd.s32 $0x12, v60;
	[tilespmem:$0x1FE30] =	vst v21  }
0x18: {  	v23 =	vadd.s32 $0x13, v60;
	[tilespmem:$0x1FE40] =	vst v22  }
0x19: {  	v24 =	vadd.s32 $0x14, v60;
	[tilespmem:$0x1FE50] =	vst v23  }
0x1a: {  	v25 =	vadd.s32 $0x15, v60;
	[tilespmem:$0x1FE60] =	vst v24  }
0x1b: {  	v26 =	vadd.s32 $0x16, v60;
	[tilespmem:$0x1FE70] =	vst v25  }
0x1c: {  	v27 =	vadd.s32 $0x17, v60;
	[tilespmem:$0x1FE80] =	vst v26  }
0x1d: {  	v28 =	vadd.s32 $0x18, v60;
	[tilespmem:$0x1FE90] =	vst v27  }
0x1e: {  	v29 =	vadd.s32 $0x19, v60;
	[tilespmem:$0x1FEA0] =	vst v28  }
0x1f: {  	v30 =	vadd.s32 $0x1A, v60;
	[tilespmem:$0x1FEB0] =	vst v29  }
0x20: {  	v31 =	vadd.s32 $0x1B, v60;
	[tilespmem:$0x1FEC0] =	vst v30  }
0x21: {  	v32 =	vadd.s32 $0x1C, v60;
	[tilespmem:$0x1FED0] =	vst v31  }
0x22: {  	v33 =	vadd.s32 $0x1D, v60;
	[tilespmem:$0x1FEE0] =	vst v32  }
0x23: {  	v34 =	vadd.s32 $0x1E, v60;
	[tilespmem:$0x1FEF0] =	vst v33  }
0x24: {  	v35 =	vadd.s32 $0x1F, v60;
	[tilespmem:$0x1FF00] =	vst v34  }
0x25: {  	v36 =	vadd.s32 $0x20, v60;
	[tilespmem:$0x1FF10] =	vst v35  }
0x26: {  	v37 =	vadd.s32 $0x21, v60;
	[tilespmem:$0x1FF20] =	vst v36  }
0x27: {  	v38 =	vadd.s32 $0x22, v60;
	[tilespmem:$0x1FF30] =	vst v37  }
0x28: {  	v39 =	vadd.s32 $0x23, v60;
	[tilespmem:$0x1FF40] =	vst v38  }
0x29: {  	v40 =	vadd.s32 $0x24, v60;
	[tilespmem:$0x1FF50] =	vst v39  }
0x2a: {  	v41 =	vadd.s32 $0x25, v60;
	[tilespmem:$0x1FF60] =	vst v40  }
0x2b: {  	v42 =	vadd.s32 $0x26, v60;
	[tilespmem:$0x1FF70] =	vst v41  }
0x2c: {  	v46 =	vadd.s32 $0x29, v60;
	[tilespmem:$0x1FF80] =	vst v42  }
0x2d: {  	v47 =	vadd.s32 $0x2A, v60;
	[tilespmem:$0x1FF90] =	vst v46  }
0x2e: {  	v48 =	vadd.s32 $0x2B, v60;
	[tilespmem:$0x1FFA0] =	vst v47  }
0x2f: {  	v49 =	vadd.s32 $0x2C, v60;
	[tilespmem:$0x1FFB0] =	vst v48  }
0x30: {  	v50 =	vadd.s32 $0x2D, v60;
	[tilespmem:$0x1FFC0] =	vst v49  }
0x31: {  	v51 =	vadd.s32 $0x2E, v60;
	[tilespmem:$0x1FFD0] =	vst v50  }
0x32: {  	v53 =	vadd.s32 $0x30, v60;
	[tilespmem:$0x1FFE0] =	vst v51  }
0x33: {  	v0 =	vadd.s32 $0x31, v60;
	[tilespmem:$0x1FFF0] =	vst v53  }
0x34: {  	[tilespmem:$0x1FCE0] =	vst v0;
	v0 =	vadd.s32 $0x32, v60  }
0x35: {  	[tilespmem:$0x1FCF0] =	vst v0;
	v0 =	vadd.s32 $0x33, v60  }
0x36: {  	[tilespmem:$0x1FD00] =	vst v0;
	v0 =	vadd.s32 $0x34, v60  }
0x37: {  	[tilespmem:$0x1FD10] =	vst v0;
	v0 =	vadd.s32 $0x35, v60  }
0x38: {  	[tilespmem:$0x1FD20] =	vst v0;
	v0 =	vadd.s32 $0x36, v60  }
0x39: {  	[tilespmem:$0x1FD30] =	vst v0;
	v0 =	vadd.s32 $0x37, v60  }
0x3a: {  	s4 =	srdreg.scid;
	s2 =	stileid.u32;
	[tilespmem:$0x1FD40] =	vst v0;
	v0 =	vadd.s32 $0x38, v60  }
0x3b: {  	s9 =	simm.s32 $0x1;
	s4 =	sand.u32 $0x1, s4;
	s6 =	sshll.u32 s2, $0x1;
	[tilespmem:$0x1FD50] =	vst v0;
	v0 =	vadd.s32 $0x39, v60  }
0x3c: {  	s10 =	simm.s32 $0x9E80;
	s11 =	simm.s32 $0xA080;
	s6 =	sor.u32 s4, s6;
	[tilespmem:$0x1FD60] =	vst v0;
	v0 =	vadd.s32 $0x3A, v60  }
0x3d: {  	s8 =	ssub.s32 $0x2, s4;
	s7 =	sshll.u32 s6, $0x7;
	s6 =	smul.u32 $0x2710, s6;
	[tilespmem:$0x1FD70] =	vst v0;
	v0 =	vadd.s32 $0x3B, v60  }
0x3e: {  	s12 =	simm.s32 $0x0;
	s4 =	sadd.s32 $0xF42600, s5;
	s31 =	sshrl.u32 s8, $0x1;
	[tilespmem:$0x1FD80] =	vst v0;
	v0 =	vadd.s32 $0x3C, v60  }
0x3f: {  	s7 =	sadd.s32 s7, s5;
	s8 =	ssub.s32 s8, s31;
	s5 =	sadd.s32 $0xA6040, s6;
	[tilespmem:$0x1FD90] =	vst v0;
	v0 =	vadd.s32 $0x3D, v60  }
0x40: {  	v2 =	vimm.f32 $0.0e+00;
	s6 =	sadd.s32 $0x1B2E400, s7;
	s7 =	sadd.s32 $0x1B2E440, s7;
	s8 =	smax.u32 s8, $0x1;
	[tilespmem:$0x1FDA0] =	vst v0  }
.LBB2_1:
0x41: {  	[tilespmem:$0x9E80] =	vst v2  }
0x42: {  	[tilespmem:$0xA080] =	vst v2  }
0x43: {  	[tilespmem:$0x9E90] =	vst v2  }
0x44: {  	[tilespmem:$0xA090] =	vst v2  }
0x45: {  	[tilespmem:$0x9EA0] =	vst v2  }
0x46: {  	[tilespmem:$0xA0A0] =	vst v2  }
0x47: {  	[tilespmem:$0x9EB0] =	vst v2  }
0x48: {  	[tilespmem:$0xA0B0] =	vst v2  }
0x49: {  	[tilespmem:$0x9EC0] =	vst v2  }
0x4a: {  	[tilespmem:$0xA0C0] =	vst v2  }
0x4b: {  	[tilespmem:$0x9ED0] =	vst v2  }
0x4c: {  	[tilespmem:$0xA0D0] =	vst v2  }
0x4d: {  	[tilespmem:$0x9EE0] =	vst v2  }
0x4e: {  	[tilespmem:$0xA0E0] =	vst v2  }
0x4f: {  	[tilespmem:$0x9EF0] =	vst v2  }
0x50: {  	[tilespmem:$0xA0F0] =	vst v2  }
0x51: {  	[tilespmem:$0x9F00] =	vst v2  }
0x52: {  	[tilespmem:$0xA100] =	vst v2  }
0x53: {  	[tilespmem:$0x9F10] =	vst v2  }
0x54: {  	[tilespmem:$0xA110] =	vst v2  }
0x55: {  	[tilespmem:$0x9F20] =	vst v2  }
0x56: {  	[tilespmem:$0xA120] =	vst v2  }
0x57: {  	[tilespmem:$0x9F30] =	vst v2  }
0x58: {  	[tilespmem:$0xA130] =	vst v2  }
0x59: {  	[tilespmem:$0x9F40] =	vst v2  }
0x5a: {  	[tilespmem:$0xA140] =	vst v2  }
0x5b: {  	[tilespmem:$0x9F50] =	vst v2  }
0x5c: {  	[tilespmem:$0xA150] =	vst v2  }
0x5d: {  	[tilespmem:$0x9F60] =	vst v2  }
0x5e: {  	[tilespmem:$0xA160] =	vst v2  }
0x5f: {  	[tilespmem:$0x9F70] =	vst v2  }
0x60: {  	[tilespmem:$0xA170] =	vst v2  }
0x61: {  	[tilespmem:$0x9F80] =	vst v2  }
0x62: {  	[tilespmem:$0xA180] =	vst v2  }
0x63: {  	[tilespmem:$0x9F90] =	vst v2  }
0x64: {  	[tilespmem:$0xA190] =	vst v2  }
0x65: {  	[tilespmem:$0x9FA0] =	vst v2  }
0x66: {  	[tilespmem:$0xA1A0] =	vst v2  }
0x67: {  	[tilespmem:$0x9FB0] =	vst v2  }
0x68: {  	[tilespmem:$0xA1B0] =	vst v2  }
0x69: {  	[tilespmem:$0x9FC0] =	vst v2  }
0x6a: {  	[tilespmem:$0xA1C0] =	vst v2  }
0x6b: {  	[tilespmem:$0x9FD0] =	vst v2  }
0x6c: {  	[tilespmem:$0xA1D0] =	vst v2  }
0x6d: {  	[tilespmem:$0x9FE0] =	vst v2  }
0x6e: {  	[tilespmem:$0xA1E0] =	vst v2  }
0x6f: {  	[tilespmem:$0x9FF0] =	vst v2  }
0x70: {  	[tilespmem:$0xA1F0] =	vst v2  }
0x71: {  	[tilespmem:$0xA000] =	vst v2  }
0x72: {  	[tilespmem:$0xA200] =	vst v2  }
0x73: {  	[tilespmem:$0xA010] =	vst v2  }
0x74: {  	[tilespmem:$0xA210] =	vst v2  }
0x75: {  	[tilespmem:$0xA020] =	vst v2  }
0x76: {  	[tilespmem:$0xA220] =	vst v2  }
0x77: {  	[tilespmem:$0xA030] =	vst v2  }
0x78: {  	[tilespmem:$0xA230] =	vst v2  }
0x79: {  	[tilespmem:$0xA040] =	vst v2  }
0x7a: {  	[tilespmem:$0xA240] =	vst v2  }
0x7b: {  	[tilespmem:$0xA050] =	vst v2  }
0x7c: {  	[tilespmem:$0xA250] =	vst v2  }
0x7d: {  	[tilespmem:$0xA060] =	vst v2  }
0x7e: {  	[tilespmem:$0xA260] =	vst v2  }
0x7f: {  	[tilespmem:$0xA070] =	vst v2  }
0x80: {  	[tilespmem:$0xA270] =	vst v2;
	s13 =	simm.s32 $0x0  }
.LBB2_2:
0x81: {  	s14 =	smul.u32 $0x190, s13;
	_ =	sdelay $0x1  }
0x82: {  	s15 =	sadd.s32 s14, s5  }
0x83: {  	s14 =	smul.u32 $0x64, s15;
	_ =	sdelay $0x1  }
0x84: {  	s14 =	sshrl.u32 s14, $0x3  }
0x85: {  	s16 =	sadd.s32 s4, s14;
	s14 =	simm.s32 $0x0  }
0x86: {  	[tilespmem:s14], [sflag:$0x1] =	stream.linear.gather [hbm4b:s16+s14], $0x9C40, $0x38;
	[tilespmem:$0xA280] =	vst v63  }
0x87: {  	_ =	swait.ge [sflag:s9], $0x9C40  }
0x88: {  	s15 =	sshrl.u32 s15, $0x3;
	[sflag:s9] =	ssyncset.done $0x0  }
0x89: {  	s31 =	sadd.s32 s1, s15;
	s15 =	simm.s32 $0x9C80;
	[sflag:s9] =	ssyncadd.s32 $0xFFFF63C0  }
0x8a: {  	[tilespmem:s15], [sflag:$0x1] =	stream.linear.gather [hbm4b:s31+s14], $0x190, $0x38;
	[tilespmem:$0xA280] =	vst v63  }
0x8b: {  	_ =	swait.ge [sflag:s9], $0x190  }
0x8c: {  	[sflag:s9] =	ssyncset.done $0x0  }
0x8d: {  	[sflag:s9] =	ssyncadd.s32 $0xFFFFFE70  }
.LBB2_3:
0x8e: {  	v0 =	vmov s14  }
0x8f: {  	v0 =	vmul.u32 $0x64, v0;
	_ =	sdelay $0x1  }
0x90: {  	v20 =	vbroadcast v0, $0x0;
	_ =	sdelay $0x1  }
0x91: {  	v3 =	vadd.s32 v1, v20;
	v1 =	vld [tilespmem:$0x1FDD0];
	_ =	sdelay $0x4  }
0x92: {  	v6 =	vadd.s32 v1, v20;
	v1 =	vld [tilespmem:$0x1FC30];
	_ =	sdelay $0x4  }
0x93: {  	v7 =	vadd.s32 v1, v20;
	v1 =	vld [tilespmem:$0x1FC40];
	_ =	sdelay $0x4  }
0x94: {  	v8 =	vadd.s32 v1, v20;
	v1 =	vld [tilespmem:$0x1FC50];
	_ =	sdelay $0x4  }
0x95: {  	v9 =	vadd.s32 v1, v20;
	v1 =	vld [tilespmem:$0x1FC60];
	_ =	sdelay $0x4  }
0x96: {  	v10 =	vadd.s32 v1, v20;
	v1 =	vld [tilespmem:$0x1FC70];
	_ =	sdelay $0x4  }
0x97: {  	v11 =	vadd.s32 v1, v20;
	v1 =	vld [tilespmem:$0x1FC80];
	_ =	sdelay $0x4  }
0x98: {  	v12 =	vadd.s32 v1, v20;
	v1 =	vld [tilespmem:$0x1FC90];
	_ =	sdelay $0x4  }
0x99: {  	v14 =	vadd.s32 v1, v20;
	v1 =	vld [tilespmem:$0x1FCA0];
	_ =	sdelay $0x4  }
0x9a: {  	v15 =	vadd.s32 v1, v20;
	v1 =	vld [tilespmem:$0x1FDE0];
	_ =	sdelay $0x4  }
0x9b: {  	v16 =	vadd.s32 v1, v20;
	v1 =	vld [tilespmem:$0x1FDF0];
	_ =	sdelay $0x4  }
0x9c: {  	v17 =	vadd.s32 v1, v20;
	v1 =	vld [tilespmem:$0x1FE00];
	_ =	sdelay $0x4  }
0x9d: {  	v18 =	vadd.s32 v1, v20;
	v1 =	vld [tilespmem:$0x1FE10];
	_ =	sdelay $0x4  }
0x9e: {  	v19 =	vadd.s32 v1, v20;
	v1 =	vld [tilespmem:$0x1FE20];
	_ =	sdelay $0x4  }
0x9f: {  	v21 =	vadd.s32 v1, v20;
	v1 =	vld [tilespmem:$0x1FE30];
	_ =	sdelay $0x4  }
0xa0: {  	v22 =	vadd.s32 v1, v20;
	v1 =	vld [tilespmem:$0x1FE40]  }
0xa1: {  	v0 =	vadd.s32 v60, v20;
	_ =	sdelay $0x1  }
0xa2: {  	v5 =	vadd.s32 v4, v20;
	_ =	sdelay $0x1  }
0xa3: {  	v23 =	vadd.s32 v1, v20;
	v1 =	vld [tilespmem:$0x1FE50]  }
0xa4: {  	v0 =	vld.idx.msk [tilespmem:v0+s3+$0x0], $0xffff  }
0xa5: {  	v55 =	vld.idx.msk [tilespmem:v3+s3+$0x0], $0xffff  }
0xa6: {  	v59 =	vld.idx.msk [tilespmem:v5+s3+$0x0], $0xffff  }
0xa7: {  	v4 =	vld.idx.msk [tilespmem:v6+s3+$0x0], $0xffff  }
0xa8: {  	v24 =	vadd.s32 v1, v20;
	v1 =	vld [tilespmem:$0x1FE60]  }
0xa9: {  	v63 =	vld.idx.msk [tilespmem:v7+s3+$0x0], $0xffff  }
0xaa: {  	v62 =	vld.idx.msk [tilespmem:v8+s3+$0x0], $0xffff  }
0xab: {  	v13 =	vmax.f32 v0, $-3.000000010e+38;
	v58 =	vld.idx.msk [tilespmem:v9+s3+$0x0], $0xffff  }
0xac: {  	v13 =	vmax.f32 v13, v55;
	v10 =	vld.idx.msk [tilespmem:v10+s3+$0x0], $0xffff  }
0xad: {  	v13 =	vmax.f32 v13, v59;
	v25 =	vadd.s32 v1, v20;
	v1 =	vld [tilespmem:$0x1FE70]  }
0xae: {  	v13 =	vmax.f32 v13, v4  }
0xaf: {  	v13 =	vmax.f32 v13, v63  }
0xb0: {  	v13 =	vmax.f32 v13, v62  }
0xb1: {  	v26 =	vmax.f32 v13, v58;
	v11 =	vld.idx.msk [tilespmem:v11+s3+$0x0], $0xffff  }
0xb2: {  	v27 =	vmax.f32 v26, v10;
	v26 =	vadd.s32 v1, v20;
	v1 =	vld [tilespmem:$0x1FE80];
	_ =	sdelay $0x3  }
0xb3: {  	v12 =	vld.idx.msk [tilespmem:v12+s3+$0x0], $0xffff  }
0xb4: {  	v28 =	vmax.f32 v27, v11;
	v27 =	vadd.s32 v1, v20;
	v1 =	vld [tilespmem:$0x1FE90];
	_ =	sdelay $0x3  }
0xb5: {  	v8 =	vld.idx.msk [tilespmem:v14+s3+$0x0], $0xffff  }
0xb6: {  	v29 =	vmax.f32 v28, v12;
	v28 =	vadd.s32 v1, v20;
	v1 =	vld [tilespmem:$0x1FEA0];
	_ =	sdelay $0x3  }
0xb7: {  	v13 =	vld.idx.msk [tilespmem:v15+s3+$0x0], $0xffff  }
0xb8: {  	v30 =	vmax.f32 v29, v8;
	v29 =	vadd.s32 v1, v20;
	v1 =	vld [tilespmem:$0x1FEB0];
	_ =	sdelay $0x3  }
0xb9: {  	v14 =	vld.idx.msk [tilespmem:v16+s3+$0x0], $0xffff  }
0xba: {  	v31 =	vmax.f32 v30, v13;
	v30 =	vadd.s32 v1, v20;
	v1 =	vld [tilespmem:$0x1FEC0];
	_ =	sdelay $0x3  }
0xbb: {  	v15 =	vld.idx.msk [tilespmem:v17+s3+$0x0], $0xffff  }
0xbc: {  	v32 =	vmax.f32 v31, v14;
	v31 =	vadd.s32 v1, v20;
	v1 =	vld [tilespmem:$0x1FED0];
	_ =	sdelay $0x3  }
0xbd: {  	v16 =	vld.idx.msk [tilespmem:v18+s3+$0x0], $0xffff  }
0xbe: {  	v33 =	vmax.f32 v32, v15;
	v32 =	vadd.s32 v1, v20;
	v1 =	vld [tilespmem:$0x1FEE0];
	_ =	sdelay $0x3  }
0xbf: {  	v17 =	vld.idx.msk [tilespmem:v19+s3+$0x0], $0xffff  }
0xc0: {  	v34 =	vmax.f32 v33, v16;
	v33 =	vadd.s32 v1, v20;
	v1 =	vld [tilespmem:$0x1FEF0];
	_ =	sdelay $0x3  }
0xc1: {  	v18 =	vld.idx.msk [tilespmem:v21+s3+$0x0], $0xffff  }
0xc2: {  	v35 =	vmax.f32 v34, v17;
	v34 =	vadd.s32 v1, v20;
	v1 =	vld [tilespmem:$0x1FF00];
	_ =	sdelay $0x3  }
0xc3: {  	v19 =	vld.idx.msk [tilespmem:v22+s3+$0x0], $0xffff  }
0xc4: {  	v36 =	vmax.f32 v35, v18;
	v35 =	vadd.s32 v1, v20;
	v1 =	vld [tilespmem:$0x1FF10];
	_ =	sdelay $0x3  }
0xc5: {  	v21 =	vld.idx.msk [tilespmem:v23+s3+$0x0], $0xffff  }
0xc6: {  	v37 =	vmax.f32 v36, v19;
	v36 =	vadd.s32 v1, v20;
	v1 =	vld [tilespmem:$0x1FF20];
	_ =	sdelay $0x3  }
0xc7: {  	v22 =	vld.idx.msk [tilespmem:v24+s3+$0x0], $0xffff  }
0xc8: {  	v38 =	vmax.f32 v37, v21;
	v37 =	vadd.s32 v1, v20;
	v1 =	vld [tilespmem:$0x1FF30];
	_ =	sdelay $0x3  }
0xc9: {  	v23 =	vld.idx.msk [tilespmem:v25+s3+$0x0], $0xffff  }
0xca: {  	v39 =	vmax.f32 v38, v22;
	v38 =	vadd.s32 v1, v20;
	v1 =	vld [tilespmem:$0x1FF40];
	_ =	sdelay $0x3  }
0xcb: {  	v24 =	vld.idx.msk [tilespmem:v26+s3+$0x0], $0xffff  }
0xcc: {  	v40 =	vmax.f32 v39, v23;
	v39 =	vadd.s32 v1, v20;
	v1 =	vld [tilespmem:$0x1FF50];
	_ =	sdelay $0x3  }
0xcd: {  	v25 =	vld.idx.msk [tilespmem:v27+s3+$0x0], $0xffff  }
0xce: {  	v41 =	vmax.f32 v40, v24;
	v40 =	vadd.s32 v1, v20;
	v1 =	vld [tilespmem:$0x1FF60];
	_ =	sdelay $0x3  }
0xcf: {  	v26 =	vld.idx.msk [tilespmem:v28+s3+$0x0], $0xffff  }
0xd0: {  	v42 =	vmax.f32 v41, v25;
	v41 =	vadd.s32 v1, v20;
	v1 =	vld [tilespmem:$0x1FF70];
	_ =	sdelay $0x2  }
0xd1: {  	v27 =	vld.idx.msk [tilespmem:v29+s3+$0x0], $0xffff  }
0xd2: {  	v28 =	vld.idx.msk [tilespmem:v30+s3+$0x0], $0xffff  }
0xd3: {  	v43 =	vmax.f32 v42, v26;
	v42 =	vadd.s32 v1, v20;
	v1 =	vld [tilespmem:$0x1FF80]  }
0xd4: {  	v29 =	vld.idx.msk [tilespmem:v31+s3+$0x0], $0xffff  }
0xd5: {  	v30 =	vld.idx.msk [tilespmem:v32+s3+$0x0], $0xffff  }
0xd6: {  	v31 =	vld.idx.msk [tilespmem:v33+s3+$0x0], $0xffff  }
0xd7: {  	v32 =	vld.idx.msk [tilespmem:v34+s3+$0x0], $0xffff  }
0xd8: {  	v44 =	vmax.f32 v43, v27;
	v43 =	vadd.s32 v1, v20;
	v1 =	vld [tilespmem:$0x1FCB0]  }
0xd9: {  	v33 =	vld.idx.msk [tilespmem:v35+s3+$0x0], $0xffff  }
0xda: {  	v34 =	vld.idx.msk [tilespmem:v36+s3+$0x0], $0xffff  }
0xdb: {  	v45 =	vmax.f32 v44, v28;
	v35 =	vld.idx.msk [tilespmem:v37+s3+$0x0], $0xffff  }
0xdc: {  	v52 =	vmax.f32 v45, v29;
	v36 =	vld.idx.msk [tilespmem:v38+s3+$0x0], $0xffff  }
0xdd: {  	v54 =	vmax.f32 v52, v30;
	v44 =	vadd.s32 v1, v20;
	v1 =	vld [tilespmem:$0x1FCC0]  }
0xde: {  	v56 =	vmax.f32 v54, v31;
	v37 =	vld.idx.msk [tilespmem:v39+s3+$0x0], $0xffff  }
0xdf: {  	v57 =	vmax.f32 v56, v32;
	v38 =	vld.idx.msk [tilespmem:v40+s3+$0x0], $0xffff  }
0xe0: {  	v61 =	vmax.f32 v57, v33;
	v39 =	vld.idx.msk [tilespmem:v41+s3+$0x0], $0xffff  }
0xe1: {  	v56 =	vadd.s32 v46, v20;
	v9 =	vmax.f32 v61, v34;
	v40 =	vld.idx.msk [tilespmem:v42+s3+$0x0], $0xffff  }
0xe2: {  	v52 =	vmax.f32 v9, v35;
	v45 =	vadd.s32 v1, v20;
	v1 =	vld [tilespmem:$0x1FCD0]  }
0xe3: {  	v9 =	vadd.s32 v48, v20;
	v41 =	vmax.f32 v52, v36  }
0xe4: {  	v54 =	vmax.f32 v41, v37  }
0xe5: {  	v42 =	vmax.f32 v54, v38  }
0xe6: {  	v7 =	vld.idx.msk [tilespmem:v56+s3+$0x0], $0xffff;
	v57 =	vmax.f32 v42, v39  }
0xe7: {  	v0 =	vmul.f32 $1.442695020e+00, v0;
	v46 =	vmax.f32 v57, v40;
	v57 =	vadd.s32 v1, v20;
	v1 =	vld [tilespmem:$0x1FCE0]  }
0xe8: {  	v61 =	vadd.s32 v47, v20;
	v5 =	vld.idx.msk [tilespmem:v9+s3+$0x0], $0xffff  }
0xe9: {  	(erf) = vpow2.f32 v0;
	v0 =	vmul.f32 $1.442695020e+00, v55;
	v41 =	vld.idx.msk [tilespmem:v43+s3+$0x0], $0xffff  }
0xea: {  	v52 =	vadd.s32 v49, v20;
	v42 =	vld.idx.msk [tilespmem:v44+s3+$0x0], $0xffff  }
0xeb: {  	(erf) = vpow2.f32 v0;
	v54 =	vadd.s32 v50, v20;
	v3 =	vld.idx.msk [tilespmem:v45+s3+$0x0], $0xffff  }
0xec: {  	v0 =	vmul.f32 $1.442695020e+00, v59;
	v56 =	vadd.s32 v51, v20;
	v9 =	vadd.s32 v1, v20;
	v1 =	vld [tilespmem:$0x1FCF0]  }
0xed: {  	v6 =	vld.idx.msk [tilespmem:v61+s3+$0x0], $0xffff  }
0xee: {  	(erf) = vpow2.f32 v0;
	v0 =	vmul.f32 $1.442695020e+00, v4;
	v46 =	vmax.f32 v46, v41  }
0xef: {  	[tilespmem:$0x1F900] =	vst v4;
	v4 =	vld.idx.msk [tilespmem:v52+s3+$0x0], $0xffff;
	v46 =	vmax.f32 v46, v42  }
0xf0: {  	(erf) = vpow2.f32 v0;
	[tilespmem:$0x1F910] =	vst v3;
	v46 =	vmax.f32 v46, v3;
	v3 =	vld.idx.msk [tilespmem:v54+s3+$0x0], $0xffff  }
0xf1: {  	v0 =	vmul.f32 $1.442695020e+00, v63;
	v46 =	vmax.f32 v46, v7;
	v52 =	vadd.s32 v1, v20;
	v1 =	vld.idx.msk [tilespmem:v56+s3+$0x0], $0xffff  }
0xf2: {  	v61 =	vadd.s32 v53, v20;
	v53 =	vmax.f32 v46, v6  }
0xf3: {  	(erf) = vpow2.f32 v0;
	v0 =	vmul.f32 $1.442695020e+00, v62;
	v43 =	vmax.f32 v53, v5  }
0xf4: {  	v43 =	vmax.f32 v43, v4  }
0xf5: {  	v54 =	vpop (erf);
	(erf) = vpow2.f32 v0;
	v0 =	vmax.f32 v43, v3  }
0xf6: {  	[tilespmem:$0x1F970] =	vst v1;
	v0 =	vmax.f32 v0, v1;
	v1 =	vld [tilespmem:$0x1FD00]  }
0xf7: {  	[tilespmem:$0x1F930] =	vst v6;
	v6 =	vld.idx.msk [tilespmem:v57+s3+$0x0], $0xffff  }
0xf8: {  	[tilespmem:$0x1F940] =	vst v5;
	v5 =	vld.idx.msk [tilespmem:v61+s3+$0x0], $0xffff  }
0xf9: {  	[tilespmem:$0x1F950] =	vst v4;
	v4 =	vld.idx.msk [tilespmem:v9+s3+$0x0], $0xffff  }
0xfa: {  	[tilespmem:$0x1F960] =	vst v3;
	v3 =	vld.idx.msk [tilespmem:v52+s3+$0x0], $0xffff  }
0xfb: {  	v57 =	vadd.s32 v1, v20;
	v1 =	vld [tilespmem:$0x1FD10]  }
0xfc: {  	v0 =	vmax.f32 v0, v6  }
0xfd: {  	v0 =	vmax.f32 v0, v5  }
0xfe: {  	v0 =	vmax.f32 v0, v4  }
0xff: {  	v44 =	vadd.f32 $0.0e+00, v54;
	v50 =	vmax.f32 v0, v3;
	v0 =	vld [tilespmem:$0x1FD30]  }
0x100: {  	v56 =	vpop (erf);
	v9 =	vadd.s32 v1, v20;
	v1 =	vld [tilespmem:$0x1FD20]  }
0x101: {  	v43 =	vadd.f32 v56, v44  }
0x102: {  	v61 =	vpop (erf)  }
0x103: {  	v43 =	vadd.f32 v61, v43  }
0x104: {  	v54 =	vpop (erf);
	[tilespmem:$0x1F9B0] =	vst v3;
	v3 =	vld [tilespmem:$0x1FD70]  }
0x105: {  	v51 =	vadd.s32 v0, v20;
	v0 =	vadd.f32 v54, v43;
	v44 =	vadd.s32 v1, v20;
	v1 =	vld [tilespmem:$0x1FD40]  }
0x106: {  	v56 =	vpop (erf)  }
0x107: {  	[tilespmem:$0x1F9A0] =	vst v4;
	v4 =	vld.idx.msk [tilespmem:v57+s3+$0x0], $0xffff;
	v0 =	vadd.f32 v56, v0  }
0x108: {  	v48 =	vld.idx.msk [tilespmem:v9+s3+$0x0], $0xffff;
	v9 =	vpop (erf)  }
0x109: {  	v46 =	vadd.s32 v3, v20;
	v3 =	vadd.f32 v9, v0;
	v0 =	vld [tilespmem:$0x1FD80]  }
0x10a: {  	v43 =	vadd.s32 v1, v20;
	v1 =	vld [tilespmem:$0x1FD50];
	_ =	sdelay $0x3  }
0x10b: {  	[tilespmem:$0x1F9C0] =	vst v4;
	v49 =	vadd.s32 v0, v20;
	v0 =	vmax.f32 v50, v4;
	v4 =	vld [tilespmem:$0x1FD90]  }
0x10c: {  	v45 =	vadd.s32 v1, v20;
	v1 =	vld [tilespmem:$0x1FD60]  }
0x10d: {  	v57 =	vmul.f32 $1.442695020e+00, v58  }
0x10e: {  	v61 =	vmul.f32 $1.442695020e+00, v10  }
0x10f: {  	(erf) = vpow2.f32 v57  }
0x110: {  	(erf) = vpow2.f32 v61;
	v61 =	vadd.s32 v4, v20;
	v4 =	vld [tilespmem:$0x1FDA0]  }
0x111: {  	v52 =	vmul.f32 $1.442695020e+00, v11;
	v1 =	vadd.s32 v1, v20  }
0x112: {  	v56 =	vmul.f32 $1.442695020e+00, v12;
	v53 =	vld.idx.msk [tilespmem:v44+s3+$0x0], $0xffff  }
0x113: {  	v57 =	vmul.f32 $1.442695020e+00, v8;
	(erf) = vpow2.f32 v52;
	v51 =	vld.idx.msk [tilespmem:v51+s3+$0x0], $0xffff  }
0x114: {  	(erf) = vpow2.f32 v56;
	v50 =	vld.idx.msk [tilespmem:v43+s3+$0x0], $0xffff  }
0x115: {  	v56 =	vadd.s32 $0x3E, v60;
	(erf) = vpow2.f32 v57;
	v47 =	vld.idx.msk [tilespmem:v45+s3+$0x0], $0xffff;
	v9 =	vadd.s32 v4, v20  }
0x116: {  	v57 =	vadd.s32 $0x3F, v60;
	v44 =	vadd.s32 v56, v20;
	v0 =	vmax.f32 v0, v48;
	v4 =	vld.idx.msk [tilespmem:v1+s3+$0x0], $0xffff  }
0x117: {  	v54 =	vadd.s32 $0x40, v60;
	v46 =	vld.idx.msk [tilespmem:v46+s3+$0x0], $0xffff;
	v0 =	vmax.f32 v0, v53;
	v45 =	vadd.s32 v57, v20  }
0x118: {  	v54 =	vadd.s32 v54, v20;
	v56 =	vadd.s32 $0x41, v60;
	v0 =	vmax.f32 v0, v51;
	v49 =	vld.idx.msk [tilespmem:v49+s3+$0x0], $0xffff  }
0x119: {  	v56 =	vadd.s32 v56, v20;
	v0 =	vmax.f32 v0, v50;
	v57 =	vadd.s32 $0x42, v60;
	v43 =	vld.idx.msk [tilespmem:v61+s3+$0x0], $0xffff  }
0x11a: {  	v52 =	vadd.s32 v57, v20;
	v61 =	vadd.s32 $0x43, v60;
	v0 =	vmax.f32 v0, v47;
	v1 =	vld.idx.msk [tilespmem:v9+s3+$0x0], $0xffff  }
0x11b: {  	[tilespmem:$0x1F920] =	vst v7;
	v7 =	vld.idx.msk [tilespmem:v44+s3+$0x0], $0xffff;
	v44 =	vadd.s32 v61, v20;
	v9 =	vadd.s32 $0x44, v60;
	v0 =	vmax.f32 v0, v4  }
0x11c: {  	[tilespmem:$0x1F990] =	vst v5;
	v61 =	vadd.s32 $0x45, v60;
	v5 =	vld.idx.msk [tilespmem:v45+s3+$0x0], $0xffff;
	v45 =	vadd.s32 v9, v20;
	v0 =	vmax.f32 v0, v46  }
0x11d: {  	v9 =	vadd.s32 $0x46, v60;
	[tilespmem:$0x1F9D0] =	vst v4;
	v4 =	vld.idx.msk [tilespmem:v54+s3+$0x0], $0xffff;
	v54 =	vadd.s32 v61, v20;
	v0 =	vmax.f32 v0, v49  }
0x11e: {  	[tilespmem:$0x1F980] =	vst v6;
	v6 =	vld.idx.msk [tilespmem:v56+s3+$0x0], $0xffff;
	v56 =	vadd.s32 v9, v20;
	v61 =	vadd.s32 $0x47, v60;
	v0 =	vmax.f32 v0, v43  }
0x11f: {  	v9 =	vadd.s32 $0x48, v60;
	[tilespmem:$0x1F9E0] =	vst v1;
	v0 =	vmax.f32 v0, v1;
	v1 =	vld.idx.msk [tilespmem:v52+s3+$0x0], $0xffff;
	v52 =	vadd.s32 v61, v20  }
0x120: {  	[tilespmem:$0x1F9F0] =	vst v7;
	v61 =	vadd.s32 $0x49, v60;
	v0 =	vmax.f32 v0, v7;
	v7 =	vld.idx.msk [tilespmem:v44+s3+$0x0], $0xffff;
	v44 =	vadd.s32 v9, v20  }
0x121: {  	[tilespmem:$0x1FA00] =	vst v5;
	v9 =	vadd.s32 $0x4A, v60;
	v0 =	vmax.f32 v0, v5;
	v5 =	vld.idx.msk [tilespmem:v45+s3+$0x0], $0xffff;
	v45 =	vadd.s32 v61, v20  }
0x122: {  	[tilespmem:$0x1FA10] =	vst v4;
	v61 =	vadd.s32 $0x4B, v60;
	v0 =	vmax.f32 v0, v4;
	v4 =	vld.idx.msk [tilespmem:v54+s3+$0x0], $0xffff;
	v54 =	vadd.s32 v9, v20  }
0x123: {  	[tilespmem:$0x1FA20] =	vst v6;
	v9 =	vadd.s32 $0x4C, v60;
	v0 =	vmax.f32 v0, v6;
	v6 =	vld.idx.msk [tilespmem:v56+s3+$0x0], $0xffff;
	v56 =	vadd.s32 v61, v20  }
0x124: {  	v61 =	vadd.s32 $0x4D, v60;
	[tilespmem:$0x1FA30] =	vst v1;
	v0 =	vmax.f32 v0, v1;
	v1 =	vld.idx.msk [tilespmem:v52+s3+$0x0], $0xffff;
	v52 =	vadd.s32 v9, v20  }
0x125: {  	[tilespmem:$0x1FA40] =	vst v7;
	v0 =	vmax.f32 v0, v7;
	v9 =	vld.idx.msk [tilespmem:v44+s3+$0x0], $0xffff;
	v44 =	vadd.s32 v61, v20;
	v61 =	vadd.s32 $0x4E, v60  }
0x126: {  	[tilespmem:$0x1FA50] =	vst v5;
	v0 =	vmax.f32 v0, v5;
	v5 =	vld.idx.msk [tilespmem:v45+s3+$0x0], $0xffff;
	v45 =	vadd.s32 v61, v20;
	v61 =	vadd.s32 $0x4F, v60  }
0x127: {  	[tilespmem:$0x1FA60] =	vst v4;
	v0 =	vmax.f32 v0, v4;
	v4 =	vld.idx.msk [tilespmem:v54+s3+$0x0], $0xffff;
	v54 =	vadd.s32 v61, v20;
	v61 =	vadd.s32 $0x50, v60  }
0x128: {  	[tilespmem:$0x1FA70] =	vst v6;
	v0 =	vmax.f32 v0, v6;
	v7 =	vld.idx.msk [tilespmem:v56+s3+$0x0], $0xffff;
	v56 =	vadd.s32 v61, v20;
	v61 =	vadd.s32 $0x51, v60  }
0x129: {  	[tilespmem:$0x1FA80] =	vst v1;
	v0 =	vmax.f32 v0, v1;
	v1 =	vld.idx.msk [tilespmem:v52+s3+$0x0], $0xffff;
	v52 =	vadd.s32 v61, v20;
	v61 =	vadd.s32 $0x52, v60  }
0x12a: {  	[tilespmem:$0x1FA90] =	vst v9;
	v0 =	vmax.f32 v0, v9;
	v6 =	vld.idx.msk [tilespmem:v44+s3+$0x0], $0xffff;
	v44 =	vadd.s32 v61, v20;
	v61 =	vadd.s32 $0x53, v60  }
0x12b: {  	v9 =	vadd.s32 $0x54, v60;
	[tilespmem:$0x1FAA0] =	vst v5;
	v0 =	vmax.f32 v0, v5;
	v5 =	vld.idx.msk [tilespmem:v45+s3+$0x0], $0xffff;
	v45 =	vadd.s32 v61, v20  }
0x12c: {  	v61 =	vadd.s32 $0x55, v60;
	[tilespmem:$0x1FAB0] =	vst v4;
	v0 =	vmax.f32 v0, v4;
	v4 =	vld.idx.msk [tilespmem:v54+s3+$0x0], $0xffff;
	v54 =	vadd.s32 v9, v20  }
0x12d: {  	v0 =	vmax.f32 v0, v7;
	v9 =	vld.idx.msk [tilespmem:v56+s3+$0x0], $0xffff;
	v56 =	vadd.s32 v61, v20;
	v61 =	vadd.s32 $0x56, v60  }
0x12e: {  	[tilespmem:$0x1FAD0] =	vst v1;
	v0 =	vmax.f32 v0, v1;
	v1 =	vld.idx.msk [tilespmem:v52+s3+$0x0], $0xffff;
	v52 =	vadd.s32 v61, v20;
	v61 =	vadd.s32 $0x57, v60  }
0x12f: {  	[tilespmem:$0x1FAC0] =	vst v7;
	v0 =	vmax.f32 v0, v6;
	v7 =	vld.idx.msk [tilespmem:v44+s3+$0x0], $0xffff;
	v44 =	vadd.s32 v61, v20;
	v61 =	vadd.s32 $0x58, v60  }
0x130: {  	v57 =	vadd.s32 $0x59, v60;
	[tilespmem:$0x1FAF0] =	vst v5;
	v0 =	vmax.f32 v0, v5;
	v5 =	vld.idx.msk [tilespmem:v45+s3+$0x0], $0xffff;
	v45 =	vadd.s32 v61, v20  }
0x131: {  	v0 =	vmax.f32 v0, v4;
	v61 =	vld.idx.msk [tilespmem:v54+s3+$0x0], $0xffff;
	v54 =	vadd.s32 v57, v20;
	v57 =	vadd.s32 $0x5A, v60  }
0x132: {  	[tilespmem:$0x1FAE0] =	vst v6;
	v0 =	vmax.f32 v0, v9;
	v6 =	vld.idx.msk [tilespmem:v56+s3+$0x0], $0xffff;
	v56 =	vadd.s32 v57, v20;
	v57 =	vadd.s32 $0x5B, v60  }
0x133: {  	[tilespmem:$0x1FB10] =	vst v1;
	v0 =	vmax.f32 v0, v1;
	v1 =	vld.idx.msk [tilespmem:v52+s3+$0x0], $0xffff;
	v52 =	vadd.s32 v57, v20;
	v57 =	vadd.s32 $0x5C, v60  }
0x134: {  	[tilespmem:$0x1FB00] =	vst v4;
	v0 =	vmax.f32 v0, v7;
	v4 =	vld.idx.msk [tilespmem:v44+s3+$0x0], $0xffff;
	v44 =	vadd.s32 v57, v20;
	v57 =	vadd.s32 $0x5D, v60  }
0x135: {  	[tilespmem:$0x1FB30] =	vst v5;
	v0 =	vmax.f32 v0, v5;
	v5 =	vld.idx.msk [tilespmem:v45+s3+$0x0], $0xffff;
	v45 =	vadd.s32 v57, v20;
	v57 =	vadd.s32 $0x5E, v60  }
0x136: {  	[tilespmem:$0x1FB40] =	vst v61;
	v0 =	vmax.f32 v0, v61;
	v61 =	vld.idx.msk [tilespmem:v54+s3+$0x0], $0xffff;
	v54 =	vadd.s32 v57, v20;
	v57 =	vadd.s32 $0x5F, v60  }
0x137: {  	[tilespmem:$0x1FB50] =	vst v6;
	v0 =	vmax.f32 v0, v6;
	v6 =	vld.idx.msk [tilespmem:v56+s3+$0x0], $0xffff;
	v56 =	vadd.s32 v57, v20;
	v57 =	vadd.s32 $0x60, v60  }
0x138: {  	[tilespmem:$0x1FB60] =	vst v1;
	v0 =	vmax.f32 v0, v1;
	v1 =	vld.idx.msk [tilespmem:v52+s3+$0x0], $0xffff;
	v52 =	vadd.s32 v57, v20;
	v57 =	vadd.s32 $0x61, v60  }
0x139: {  	[tilespmem:$0x1FB70] =	vst v4;
	v0 =	vmax.f32 v0, v4;
	v4 =	vld.idx.msk [tilespmem:v44+s3+$0x0], $0xffff;
	v44 =	vadd.s32 v57, v20;
	v57 =	vadd.s32 $0x62, v60  }
0x13a: {  	[tilespmem:$0x1FB80] =	vst v5;
	v0 =	vmax.f32 v0, v5;
	v5 =	vld.idx.msk [tilespmem:v45+s3+$0x0], $0xffff;
	v45 =	vadd.s32 v57, v20;
	v57 =	vadd.s32 $0x63, v60  }
0x13b: {  	[tilespmem:$0x1FB90] =	vst v61;
	v20 =	vadd.s32 v57, v20;
	v0 =	vmax.f32 v0, v61;
	v61 =	vld.idx.msk [tilespmem:v54+s3+$0x0], $0xffff;
	v57 =	vmul.f32 $1.442695020e+00, v13  }
0x13c: {  	v54 =	vpop (erf);
	[tilespmem:$0x1FBA0] =	vst v6;
	v0 =	vmax.f32 v0, v6;
	v6 =	vld.idx.msk [tilespmem:v56+s3+$0x0], $0xffff  }
0x13d: {  	v3 =	vadd.f32 v54, v3;
	[tilespmem:$0x1FBB0] =	vst v1;
	(erf) = vpow2.f32 v57;
	v0 =	vmax.f32 v0, v1;
	v1 =	vld.idx.msk [tilespmem:v52+s3+$0x0], $0xffff  }
0x13e: {  	v52 =	vpop (erf);
	v57 =	vmul.f32 $1.442695020e+00, v14;
	[tilespmem:$0x1FBC0] =	vst v4;
	v0 =	vmax.f32 v0, v4;
	v4 =	vld.idx.msk [tilespmem:v44+s3+$0x0], $0xffff  }
0x13f: {  	v3 =	vadd.f32 v52, v3;
	[tilespmem:$0x1FBD0] =	vst v5;
	v0 =	vmax.f32 v0, v5;
	v5 =	vld.idx.msk [tilespmem:v45+s3+$0x0], $0xffff  }
0x140: {  	[tilespmem:$0x1FB20] =	vst v7;
	v56 =	vpop (erf);
	(erf) = vpow2.f32 v57;
	v57 =	vmul.f32 $1.442695020e+00, v15;
	v0 =	vmax.f32 v0, v61;
	v7 =	vld.idx.msk [tilespmem:v20+s3+$0x0], $0xffff  }
0x141: {  	v3 =	vadd.f32 v56, v3;
	v0 =	vmax.f32 v0, v6  }
0x142: {  	v54 =	vmul.f32 $1.442695020e+00, v16;
	v52 =	vpop (erf);
	(erf) = vpow2.f32 v57;
	v0 =	vmax.f32 v0, v1  }
0x143: {  	v3 =	vadd.f32 v52, v3;
	v0 =	vmax.f32 v0, v4  }
0x144: {  	v56 =	vpop (erf);
	v57 =	vmul.f32 $1.442695020e+00, v17;
	[tilespmem:$0x1FBF0] =	vst v1;
	(erf) = vpow2.f32 v54;
	v1 =	vld [tilespmem:$0x1F900];
	v0 =	vmax.f32 v0, v5  }
0x145: {  	v3 =	vadd.f32 v56, v3;
	v20 =	vmax.f32 v0, v7  }
0x146: {  	[tilespmem:$0x1FC00] =	vst v4;
	(erf) = vpow2.f32 v57;
	v0 =	vmul.f32 $1.442695020e+00, v18;
	vm0 =	veq.f32 v55, v20;
	v4 =	vpop (erf)  }
0x147: {  	vm1 =	veq.f32 v59, v20;
	v59 =	vmul.f32 $1.442695020e+00, v19;
	v3 =	vadd.f32 v4, v3  }
0x148: {  	[tilespmem:$0x1FBE0] =	vst v6;
	(erf) = vpow2.f32 v0;
	v0 =	vsel vm0, $0x3F800000, v2;
	v4 =	vsel vm1, $0x40000000, v2  }
0x149: {  	v6 =	vmul.f32 $1.442695020e+00, v21;
	[tilespmem:$0x1FC10] =	vst v5;
	vm12 =	veq.f32 v1, v20;
	v5 =	vpop (erf);
	v0 =	vadd.f32 v4, v0  }
0x14a: {  	(erf) = vpow2.f32 v59;
	v4 =	vsel vm12, $0x40400000, v2;
	v3 =	vadd.f32 v5, v3  }
0x14b: {  	vm13 =	veq.f32 v63, v20;
	v5 =	vpop (erf);
	v0 =	vadd.f32 v0, v4;
	(erf) = vpow2.f32 v6  }
0x14c: {  	v4 =	vsel vm13, $0x40800000, v2;
	v6 =	vmul.f32 $1.442695020e+00, v22;
	v3 =	vadd.f32 v5, v3  }
0x14d: {  	vm14 =	veq.f32 v62, v20;
	vm15 =	veq.f32 v58, v20;
	v5 =	vpop (erf);
	v0 =	vadd.f32 v0, v4  }
0x14e: {  	(erf) = vpow2.f32 v6;
	v4 =	vsel vm14, $0x40A00000, v2;
	v3 =	vadd.f32 v5, v3  }
0x14f: {  	v6 =	vmul.f32 $1.442695020e+00, v23;
	v5 =	vpop (erf);
	v0 =	vadd.f32 v0, v4;
	v4 =	vsel vm15, $0x40C00000, v2  }
0x150: {  	v3 =	vadd.f32 v5, v3;
	v5 =	vmul.f32 $1.442695020e+00, v24  }
0x151: {  	vm4 =	veq.f32 v10, v20;
	(erf) = vpow2.f32 v6  }
0x152: {  	vm5 =	veq.f32 v11, v20;
	v6 =	vmul.f32 $1.442695020e+00, v25;
	v0 =	vadd.f32 v0, v4;
	v4 =	vpop (erf)  }
0x153: {  	(erf) = vpow2.f32 v5;
	v3 =	vadd.f32 v4, v3;
	v4 =	vsel vm4, $0x40E00000, v2  }
0x154: {  	v5 =	vpop (erf);
	v0 =	vadd.f32 v0, v4;
	(erf) = vpow2.f32 v6;
	v6 =	vmul.f32 $1.442695020e+00, v26  }
0x155: {  	vm6 =	veq.f32 v12, v20;
	v4 =	vsel vm5, $0x41000000, v2;
	v3 =	vadd.f32 v5, v3  }
0x156: {  	v5 =	vpop (erf);
	v0 =	vadd.f32 v0, v4;
	(erf) = vpow2.f32 v6;
	v6 =	vmul.f32 $1.442695020e+00, v27  }
0x157: {  	v4 =	vsel vm6, $0x41100000, v2;
	v3 =	vadd.f32 v5, v3  }
0x158: {  	vm7 =	veq.f32 v8, v20;
	v5 =	vpop (erf);
	v0 =	vadd.f32 v0, v4;
	(erf) = vpow2.f32 v6  }
0x159: {  	v4 =	vsel vm7, $0x41200000, v2;
	v6 =	vmul.f32 $1.442695020e+00, v28;
	v3 =	vadd.f32 v5, v3  }
0x15a: {  	vm8 =	veq.f32 v13, v20;
	vm9 =	veq.f32 v14, v20;
	v5 =	vpop (erf);
	v0 =	vadd.f32 v0, v4  }
0x15b: {  	(erf) = vpow2.f32 v6;
	v4 =	vsel vm8, $0x41300000, v2;
	v3 =	vadd.f32 v5, v3  }
0x15c: {  	v6 =	vmul.f32 $1.442695020e+00, v29;
	v5 =	vpop (erf);
	v0 =	vadd.f32 v0, v4;
	v4 =	vsel vm9, $0x41400000, v2  }
0x15d: {  	v3 =	vadd.f32 v5, v3;
	v5 =	vmul.f32 $1.442695020e+00, v30  }
0x15e: {  	vm10 =	veq.f32 v15, v20;
	(erf) = vpow2.f32 v6  }
0x15f: {  	vm11 =	veq.f32 v16, v20;
	v6 =	vmul.f32 $1.442695020e+00, v31;
	v0 =	vadd.f32 v0, v4;
	v4 =	vpop (erf)  }
0x160: {  	(erf) = vpow2.f32 v5;
	v3 =	vadd.f32 v4, v3;
	v4 =	vsel vm10, $0x41500000, v2  }
0x161: {  	v5 =	vpop (erf);
	v0 =	vadd.f32 v0, v4;
	(erf) = vpow2.f32 v6;
	v6 =	vmul.f32 $1.442695020e+00, v32  }
0x162: {  	vm12 =	veq.f32 v17, v20;
	v4 =	vsel vm11, $0x41600000, v2;
	v3 =	vadd.f32 v5, v3  }
0x163: {  	v5 =	vpop (erf);
	v0 =	vadd.f32 v0, v4;
	(erf) = vpow2.f32 v6;
	v6 =	vmul.f32 $1.442695020e+00, v33  }
0x164: {  	v4 =	vsel vm12, $0x41700000, v2;
	v3 =	vadd.f32 v5, v3  }
0x165: {  	vm13 =	veq.f32 v18, v20;
	v5 =	vpop (erf);
	v0 =	vadd.f32 v0, v4;
	(erf) = vpow2.f32 v6  }
0x166: {  	v4 =	vsel vm13, $0x41800000, v2;
	v6 =	vmul.f32 $1.442695020e+00, v34;
	v3 =	vadd.f32 v5, v3  }
0x167: {  	vm14 =	veq.f32 v19, v20;
	vm15 =	veq.f32 v21, v20;
	v5 =	vpop (erf);
	v0 =	vadd.f32 v0, v4  }
0x168: {  	(erf) = vpow2.f32 v6;
	v4 =	vsel vm14, $0x41880000, v2;
	v3 =	vadd.f32 v5, v3  }
0x169: {  	v6 =	vmul.f32 $1.442695020e+00, v35;
	v5 =	vpop (erf);
	v0 =	vadd.f32 v0, v4;
	v4 =	vsel vm15, $0x41900000, v2  }
0x16a: {  	v3 =	vadd.f32 v5, v3;
	v5 =	vmul.f32 $1.442695020e+00, v36  }
0x16b: {  	vm4 =	veq.f32 v22, v20;
	(erf) = vpow2.f32 v6  }
0x16c: {  	vm5 =	veq.f32 v23, v20;
	v6 =	vmul.f32 $1.442695020e+00, v37;
	v0 =	vadd.f32 v0, v4;
	v4 =	vpop (erf)  }
0x16d: {  	(erf) = vpow2.f32 v5;
	v3 =	vadd.f32 v4, v3;
	v4 =	vsel vm4, $0x41980000, v2  }
0x16e: {  	v5 =	vpop (erf);
	v0 =	vadd.f32 v0, v4;
	(erf) = vpow2.f32 v6;
	v6 =	vmul.f32 $1.442695020e+00, v38  }
0x16f: {  	vm6 =	veq.f32 v24, v20;
	v4 =	vsel vm5, $0x41A00000, v2;
	v3 =	vadd.f32 v5, v3  }
0x170: {  	v5 =	vpop (erf);
	v0 =	vadd.f32 v0, v4;
	(erf) = vpow2.f32 v6;
	v6 =	vmul.f32 $1.442695020e+00, v39  }
0x171: {  	v4 =	vsel vm6, $0x41A80000, v2;
	v3 =	vadd.f32 v5, v3  }
0x172: {  	vm7 =	veq.f32 v25, v20;
	v5 =	vpop (erf);
	v0 =	vadd.f32 v0, v4;
	(erf) = vpow2.f32 v6  }
0x173: {  	v4 =	vsel vm7, $0x41B00000, v2;
	v6 =	vmul.f32 $1.442695020e+00, v40;
	v3 =	vadd.f32 v5, v3  }
0x174: {  	v24 =	vld [tilespmem:$0x1F910];
	vm8 =	veq.f32 v26, v20;
	vm9 =	veq.f32 v27, v20;
	v5 =	vpop (erf);
	v0 =	vadd.f32 v0, v4  }
0x175: {  	(erf) = vpow2.f32 v6;
	v4 =	vsel vm8, $0x41B80000, v2;
	v3 =	vadd.f32 v5, v3  }
0x176: {  	[tilespmem:$0x1FC20] =	vst v7;
	v7 =	vld [tilespmem:$0x1F920];
	v6 =	vmul.f32 $1.442695020e+00, v41;
	v5 =	vpop (erf);
	v0 =	vadd.f32 v0, v4;
	v4 =	vsel vm9, $0x41C00000, v2  }
0x177: {  	v3 =	vadd.f32 v5, v3;
	v5 =	vmul.f32 $1.442695020e+00, v42  }
0x178: {  	v25 =	vld [tilespmem:$0x1F930];
	vm10 =	veq.f32 v28, v20;
	(erf) = vpow2.f32 v6  }
0x179: {  	vm11 =	veq.f32 v29, v20;
	v6 =	vmul.f32 $1.442695020e+00, v24;
	v0 =	vadd.f32 v0, v4;
	v4 =	vpop (erf)  }
0x17a: {  	(erf) = vpow2.f32 v5;
	v3 =	vadd.f32 v4, v3;
	v4 =	vsel vm10, $0x41C80000, v2  }
0x17b: {  	v26 =	vld [tilespmem:$0x1F940];
	v5 =	vpop (erf);
	v0 =	vadd.f32 v0, v4;
	(erf) = vpow2.f32 v6;
	v6 =	vmul.f32 $1.442695020e+00, v7  }
0x17c: {  	vm12 =	veq.f32 v30, v20;
	v4 =	vsel vm11, $0x41D00000, v2;
	v3 =	vadd.f32 v5, v3  }
0x17d: {  	v5 =	vpop (erf);
	v0 =	vadd.f32 v0, v4;
	(erf) = vpow2.f32 v6;
	v6 =	vmul.f32 $1.442695020e+00, v25  }
0x17e: {  	v27 =	vld [tilespmem:$0x1F950];
	v4 =	vsel vm12, $0x41D80000, v2;
	v3 =	vadd.f32 v5, v3  }
0x17f: {  	v28 =	vld [tilespmem:$0x1F960];
	vm13 =	veq.f32 v31, v20;
	v5 =	vpop (erf);
	v0 =	vadd.f32 v0, v4;
	(erf) = vpow2.f32 v6  }
0x180: {  	v4 =	vsel vm13, $0x41E00000, v2;
	v6 =	vmul.f32 $1.442695020e+00, v26;
	v3 =	vadd.f32 v5, v3  }
0x181: {  	v29 =	vld [tilespmem:$0x1F970];
	vm14 =	veq.f32 v32, v20;
	vm15 =	veq.f32 v33, v20;
	v5 =	vpop (erf);
	v0 =	vadd.f32 v0, v4  }
0x182: {  	(erf) = vpow2.f32 v6;
	v4 =	vsel vm14, $0x41E80000, v2;
	v3 =	vadd.f32 v5, v3  }
0x183: {  	v30 =	vld [tilespmem:$0x1F980];
	v6 =	vmul.f32 $1.442695020e+00, v27;
	v5 =	vpop (erf);
	v0 =	vadd.f32 v0, v4;
	v4 =	vsel vm15, $0x41F00000, v2  }
0x184: {  	v3 =	vadd.f32 v5, v3;
	v5 =	vmul.f32 $1.442695020e+00, v28  }
0x185: {  	v31 =	vld [tilespmem:$0x1F990];
	vm4 =	veq.f32 v34, v20;
	(erf) = vpow2.f32 v6  }
0x186: {  	vm5 =	veq.f32 v35, v20;
	v6 =	vmul.f32 $1.442695020e+00, v29;
	v0 =	vadd.f32 v0, v4;
	v4 =	vpop (erf)  }
0x187: {  	(erf) = vpow2.f32 v5;
	v3 =	vadd.f32 v4, v3;
	v4 =	vsel vm4, $0x41F80000, v2  }
0x188: {  	v32 =	vld [tilespmem:$0x1F9A0];
	v5 =	vpop (erf);
	v0 =	vadd.f32 v0, v4;
	(erf) = vpow2.f32 v6;
	v6 =	vmul.f32 $1.442695020e+00, v30  }
0x189: {  	vm6 =	veq.f32 v36, v20;
	v4 =	vsel vm5, $0x42000000, v2;
	v3 =	vadd.f32 v5, v3  }
0x18a: {  	v5 =	vpop (erf);
	v0 =	vadd.f32 v0, v4;
	(erf) = vpow2.f32 v6;
	v6 =	vmul.f32 $1.442695020e+00, v31  }
0x18b: {  	v1 =	vld [tilespmem:$0x1F9B0];
	v4 =	vsel vm6, $0x42040000, v2;
	v3 =	vadd.f32 v5, v3  }
0x18c: {  	v33 =	vld [tilespmem:$0x1F9C0];
	vm7 =	veq.f32 v37, v20;
	v5 =	vpop (erf);
	v0 =	vadd.f32 v0, v4;
	(erf) = vpow2.f32 v6  }
0x18d: {  	v4 =	vsel vm7, $0x42080000, v2;
	v6 =	vmul.f32 $1.442695020e+00, v32;
	v3 =	vadd.f32 v5, v3  }
0x18e: {  	vm8 =	veq.f32 v38, v20;
	vm9 =	veq.f32 v39, v20;
	v5 =	vpop (erf);
	v0 =	vadd.f32 v0, v4  }
0x18f: {  	(erf) = vpow2.f32 v6;
	v4 =	vsel vm8, $0x420C0000, v2;
	v3 =	vadd.f32 v5, v3  }
0x190: {  	v6 =	vmul.f32 $1.442695020e+00, v1;
	v5 =	vpop (erf);
	v0 =	vadd.f32 v0, v4;
	v4 =	vsel vm9, $0x42100000, v2  }
0x191: {  	v3 =	vadd.f32 v5, v3;
	v5 =	vmul.f32 $1.442695020e+00, v33  }
0x192: {  	vm10 =	veq.f32 v40, v20;
	(erf) = vpow2.f32 v6  }
0x193: {  	vm11 =	veq.f32 v41, v20;
	v6 =	vmul.f32 $1.442695020e+00, v48;
	v0 =	vadd.f32 v0, v4;
	v4 =	vpop (erf)  }
0x194: {  	(erf) = vpow2.f32 v5;
	v3 =	vadd.f32 v4, v3;
	v4 =	vsel vm10, $0x42140000, v2  }
0x195: {  	v5 =	vpop (erf);
	v0 =	vadd.f32 v0, v4;
	(erf) = vpow2.f32 v6;
	v6 =	vmul.f32 $1.442695020e+00, v53  }
0x196: {  	vm12 =	veq.f32 v42, v20;
	v4 =	vsel vm11, $0x42180000, v2;
	v3 =	vadd.f32 v5, v3  }
0x197: {  	vm13 =	veq.f32 v24, v20;
	v5 =	vpop (erf);
	v0 =	vadd.f32 v0, v4;
	(erf) = vpow2.f32 v6  }
0x198: {  	v4 =	vsel vm12, $0x421C0000, v2;
	v6 =	vmul.f32 $1.442695020e+00, v51;
	v3 =	vadd.f32 v5, v3  }
0x199: {  	vm14 =	veq.f32 v7, v20;
	v7 =	vld [tilespmem:$0x1F9D0];
	v5 =	vpop (erf);
	v0 =	vadd.f32 v0, v4;
	v4 =	vsel vm13, $0x42200000, v2  }
0x19a: {  	(erf) = vpow2.f32 v6;
	v6 =	vmul.f32 $1.442695020e+00, v50;
	v3 =	vadd.f32 v5, v3  }
0x19b: {  	vm15 =	veq.f32 v25, v20;
	v5 =	vpop (erf);
	v0 =	vadd.f32 v0, v4  }
0x19c: {  	v4 =	vsel vm14, $0x42240000, v2;
	(erf) = vpow2.f32 v6;
	v3 =	vadd.f32 v5, v3  }
0x19d: {  	v6 =	vmul.f32 $1.442695020e+00, v47;
	v5 =	vpop (erf);
	v0 =	vadd.f32 v0, v4;
	v4 =	vsel vm15, $0x42280000, v2  }
0x19e: {  	v3 =	vadd.f32 v5, v3;
	v5 =	vmul.f32 $1.442695020e+00, v7  }
0x19f: {  	vm4 =	veq.f32 v26, v20;
	(erf) = vpow2.f32 v6  }
0x1a0: {  	vm5 =	veq.f32 v27, v20;
	v0 =	vadd.f32 v0, v4;
	v4 =	vpop (erf);
	(erf) = vpow2.f32 v5  }
0x1a1: {  	v6 =	vmul.f32 $1.442695020e+00, v46;
	v3 =	vadd.f32 v4, v3;
	v4 =	vsel vm4, $0x422C0000, v2  }
0x1a2: {  	v34 =	vld [tilespmem:$0x1F9E0];
	vm6 =	veq.f32 v28, v20;
	v5 =	vpop (erf);
	v0 =	vadd.f32 v0, v4;
	v4 =	vsel vm5, $0x42300000, v2  }
0x1a3: {  	v3 =	vadd.f32 v5, v3;
	v5 =	vpop (erf);
	(erf) = vpow2.f32 v6;
	v6 =	vmul.f32 $1.442695020e+00, v49  }
0x1a4: {  	vm7 =	veq.f32 v29, v20;
	v0 =	vadd.f32 v0, v4;
	v4 =	vsel vm6, $0x42340000, v2  }
0x1a5: {  	v35 =	vld [tilespmem:$0x1F9F0];
	v3 =	vadd.f32 v5, v3;
	v5 =	vpop (erf);
	(erf) = vpow2.f32 v6;
	v6 =	vmul.f32 $1.442695020e+00, v43  }
0x1a6: {  	v36 =	vld [tilespmem:$0x1FA00];
	v0 =	vadd.f32 v0, v4;
	v4 =	vsel vm7, $0x42380000, v2  }
0x1a7: {  	v3 =	vadd.f32 v5, v3;
	(erf) = vpow2.f32 v6;
	v6 =	vmul.f32 $1.442695020e+00, v34  }
0x1a8: {  	vm8 =	veq.f32 v30, v20;
	vm9 =	veq.f32 v31, v20;
	v5 =	vpop (erf);
	v0 =	vadd.f32 v0, v4  }
0x1a9: {  	v37 =	vld [tilespmem:$0x1FA10];
	v4 =	vsel vm8, $0x423C0000, v2;
	v3 =	vadd.f32 v5, v3;
	v5 =	vpop (erf);
	(erf) = vpow2.f32 v6  }
0x1aa: {  	v6 =	vmul.f32 $1.442695020e+00, v35;
	v0 =	vadd.f32 v0, v4;
	v4 =	vsel vm9, $0x42400000, v2  }
0x1ab: {  	v38 =	vld [tilespmem:$0x1FA20];
	v3 =	vadd.f32 v5, v3;
	v5 =	vmul.f32 $1.442695020e+00, v36  }
0x1ac: {  	vm10 =	veq.f32 v32, v20;
	(erf) = vpow2.f32 v6  }
0x1ad: {  	v39 =	vld [tilespmem:$0x1FA30];
	vm11 =	veq.f32 v1, v20;
	v0 =	vadd.f32 v0, v4;
	v4 =	vpop (erf);
	(erf) = vpow2.f32 v5  }
0x1ae: {  	v6 =	vmul.f32 $1.442695020e+00, v37;
	v3 =	vadd.f32 v4, v3;
	v4 =	vsel vm10, $0x42440000, v2  }
0x1af: {  	v62 =	vld [tilespmem:$0x1FA40];
	vm12 =	veq.f32 v33, v20;
	v5 =	vpop (erf);
	v0 =	vadd.f32 v0, v4;
	v4 =	vsel vm11, $0x42480000, v2  }
0x1b0: {  	(erf) = vpow2.f32 v6;
	v6 =	vmul.f32 $1.442695020e+00, v38;
	v3 =	vadd.f32 v5, v3  }
0x1b1: {  	vm13 =	veq.f32 v48, v20;
	v5 =	vpop (erf);
	v0 =	vadd.f32 v0, v4;
	v4 =	vsel vm12, $0x424C0000, v2  }
0x1b2: {  	v63 =	vld [tilespmem:$0x1FA50];
	(erf) = vpow2.f32 v6;
	v6 =	vmul.f32 $1.442695020e+00, v39;
	v3 =	vadd.f32 v5, v3  }
0x1b3: {  	v16 =	vld [tilespmem:$0x1FA60];
	v5 =	vpop (erf);
	v0 =	vadd.f32 v0, v4;
	v4 =	vsel vm13, $0x42500000, v2  }
0x1b4: {  	(erf) = vpow2.f32 v6;
	v6 =	vmul.f32 $1.442695020e+00, v62;
	v3 =	vadd.f32 v5, v3  }
0x1b5: {  	vm14 =	veq.f32 v53, v20;
	vm15 =	veq.f32 v51, v20;
	v5 =	vpop (erf);
	v0 =	vadd.f32 v0, v4  }
0x1b6: {  	v4 =	vsel vm14, $0x42540000, v2;
	v3 =	vadd.f32 v5, v3;
	v5 =	vpop (erf);
	(erf) = vpow2.f32 v6  }
0x1b7: {  	v17 =	vld [tilespmem:$0x1FA70];
	v6 =	vmul.f32 $1.442695020e+00, v63;
	v0 =	vadd.f32 v0, v4;
	v4 =	vsel vm15, $0x42580000, v2  }
0x1b8: {  	v3 =	vadd.f32 v5, v3;
	v5 =	vmul.f32 $1.442695020e+00, v16  }
0x1b9: {  	v18 =	vld [tilespmem:$0x1FA80];
	(erf) = vpow2.f32 v6  }
0x1ba: {  	v19 =	vld [tilespmem:$0x1FA90];
	vm4 =	veq.f32 v50, v20;
	v0 =	vadd.f32 v0, v4;
	v4 =	vpop (erf);
	(erf) = vpow2.f32 v5  }
0x1bb: {  	vm5 =	veq.f32 v47, v20;
	v3 =	vadd.f32 v4, v3;
	v4 =	vsel vm4, $0x425C0000, v2  }
0x1bc: {  	v21 =	vld [tilespmem:$0x1FAA0];
	vm6 =	veq.f32 v7, v20;
	v6 =	vmul.f32 $1.442695020e+00, v17;
	v5 =	vpop (erf);
	v0 =	vadd.f32 v0, v4  }
0x1bd: {  	vm7 =	veq.f32 v46, v20;
	v4 =	vsel vm5, $0x42600000, v2;
	v3 =	vadd.f32 v5, v3  }
0x1be: {  	(erf) = vpow2.f32 v6;
	v6 =	vmul.f32 $1.442695020e+00, v18;
	v5 =	vpop (erf);
	v0 =	vadd.f32 v0, v4  }
0x1bf: {  	v22 =	vld [tilespmem:$0x1FAB0];
	v1 =	vadd.f32 v5, v3;
	v3 =	vsel vm6, $0x42640000, v2;
	v5 =	vmul.f32 $1.442695020e+00, v19  }
0x1c0: {  	v7 =	vld [tilespmem:$0x1FAC0];
	v4 =	vpop (erf);
	(erf) = vpow2.f32 v6;
	v0 =	vadd.f32 v0, v3;
	v3 =	vsel vm7, $0x42680000, v2  }
0x1c1: {  	v1 =	vadd.f32 v4, v1;
	(erf) = vpow2.f32 v5;
	v5 =	vmul.f32 $1.442695020e+00, v21  }
0x1c2: {  	vm8 =	veq.f32 v49, v20;
	vm9 =	veq.f32 v43, v20;
	v4 =	vpop (erf);
	v0 =	vadd.f32 v0, v3  }
0x1c3: {  	v23 =	vld [tilespmem:$0x1FAD0];
	v3 =	vsel vm8, $0x426C0000, v2;
	v1 =	vadd.f32 v4, v1;
	v4 =	vpop (erf);
	(erf) = vpow2.f32 v5  }
0x1c4: {  	v5 =	vmul.f32 $1.442695020e+00, v22;
	v0 =	vadd.f32 v0, v3;
	v3 =	vsel vm9, $0x42700000, v2  }
0x1c5: {  	v24 =	vld [tilespmem:$0x1FAE0];
	v1 =	vadd.f32 v4, v1;
	v4 =	vmul.f32 $1.442695020e+00, v7  }
0x1c6: {  	vm10 =	veq.f32 v34, v20;
	(erf) = vpow2.f32 v5  }
0x1c7: {  	v25 =	vld [tilespmem:$0x1FAF0];
	vm11 =	veq.f32 v35, v20;
	v0 =	vadd.f32 v0, v3;
	v3 =	vpop (erf);
	(erf) = vpow2.f32 v4  }
0x1c8: {  	v5 =	vmul.f32 $1.442695020e+00, v23;
	v1 =	vadd.f32 v3, v1;
	v3 =	vsel vm10, $0x42740000, v2  }
0x1c9: {  	v26 =	vld [tilespmem:$0x1FB00];
	vm12 =	veq.f32 v36, v20;
	v4 =	vpop (erf);
	v0 =	vadd.f32 v0, v3;
	v3 =	vsel vm11, $0x42780000, v2  }
0x1ca: {  	(erf) = vpow2.f32 v5;
	v5 =	vmul.f32 $1.442695020e+00, v24;
	v1 =	vadd.f32 v4, v1  }
0x1cb: {  	vm13 =	veq.f32 v37, v20;
	v4 =	vpop (erf);
	v0 =	vadd.f32 v0, v3;
	v3 =	vsel vm12, $0x427C0000, v2  }
0x1cc: {  	v1 =	vadd.f32 v4, v1;
	v4 =	vpop (erf);
	(erf) = vpow2.f32 v5;
	v5 =	vmul.f32 $1.442695020e+00, v25  }
0x1cd: {  	v28 =	vld [tilespmem:$0x1FB10];
	v0 =	vadd.f32 v0, v3;
	v3 =	vsel vm13, $0x42800000, v2  }
0x1ce: {  	v1 =	vadd.f32 v4, v1;
	(erf) = vpow2.f32 v5;
	v5 =	vmul.f32 $1.442695020e+00, v26  }
0x1cf: {  	vm14 =	veq.f32 v38, v20;
	vm15 =	veq.f32 v39, v20;
	v4 =	vpop (erf);
	v0 =	vadd.f32 v0, v3  }
0x1d0: {  	v29 =	vld [tilespmem:$0x1FB20];
	v3 =	vsel vm14, $0x42820000, v2;
	v1 =	vadd.f32 v4, v1;
	v4 =	vpop (erf);
	(erf) = vpow2.f32 v5  }
0x1d1: {  	v5 =	vmul.f32 $1.442695020e+00, v9;
	v0 =	vadd.f32 v0, v3;
	v3 =	vsel vm15, $0x42840000, v2  }
0x1d2: {  	v30 =	vld [tilespmem:$0x1FB30];
	v1 =	vadd.f32 v4, v1;
	v4 =	vmul.f32 $1.442695020e+00, v28  }
0x1d3: {  	vm4 =	veq.f32 v62, v20;
	(erf) = vpow2.f32 v5  }
0x1d4: {  	v31 =	vld [tilespmem:$0x1FB40];
	vm5 =	veq.f32 v63, v20;
	v0 =	vadd.f32 v0, v3;
	v3 =	vpop (erf);
	(erf) = vpow2.f32 v4  }
0x1d5: {  	v5 =	vmul.f32 $1.442695020e+00, v29;
	v1 =	vadd.f32 v3, v1;
	v3 =	vsel vm4, $0x42860000, v2  }
0x1d6: {  	v32 =	vld [tilespmem:$0x1FB50];
	vm6 =	veq.f32 v16, v20;
	v4 =	vpop (erf);
	v0 =	vadd.f32 v0, v3;
	v3 =	vsel vm5, $0x42880000, v2  }
0x1d7: {  	(erf) = vpow2.f32 v5;
	v5 =	vmul.f32 $1.442695020e+00, v30;
	v1 =	vadd.f32 v4, v1  }
0x1d8: {  	vm7 =	veq.f32 v17, v20;
	v4 =	vpop (erf);
	v0 =	vadd.f32 v0, v3;
	v3 =	vsel vm6, $0x428A0000, v2  }
0x1d9: {  	v33 =	vld [tilespmem:$0x1FB60];
	v1 =	vadd.f32 v4, v1;
	v4 =	vpop (erf);
	(erf) = vpow2.f32 v5;
	v5 =	vmul.f32 $1.442695020e+00, v31  }
0x1da: {  	v34 =	vld [tilespmem:$0x1FB70];
	v0 =	vadd.f32 v0, v3;
	v3 =	vsel vm7, $0x428C0000, v2  }
0x1db: {  	v1 =	vadd.f32 v4, v1;
	(erf) = vpow2.f32 v5;
	v5 =	vmul.f32 $1.442695020e+00, v32  }
0x1dc: {  	vm8 =	veq.f32 v18, v20;
	vm9 =	veq.f32 v19, v20;
	v4 =	vpop (erf);
	v0 =	vadd.f32 v0, v3  }
0x1dd: {  	v35 =	vld [tilespmem:$0x1FB80];
	v3 =	vsel vm8, $0x428E0000, v2;
	v1 =	vadd.f32 v4, v1;
	v4 =	vpop (erf);
	(erf) = vpow2.f32 v5  }
0x1de: {  	v5 =	vmul.f32 $1.442695020e+00, v33;
	v0 =	vadd.f32 v0, v3;
	v3 =	vsel vm9, $0x42900000, v2  }
0x1df: {  	v36 =	vld [tilespmem:$0x1FB90];
	v1 =	vadd.f32 v4, v1;
	v4 =	vmul.f32 $1.442695020e+00, v34  }
0x1e0: {  	vm10 =	veq.f32 v21, v20;
	vm11 =	veq.f32 v22, v20;
	(erf) = vpow2.f32 v5  }
0x1e1: {  	vm12 =	veq.f32 v7, v20;
	v7 =	vld [tilespmem:$0x1FBA0];
	v0 =	vadd.f32 v0, v3;
	v3 =	vpop (erf);
	(erf) = vpow2.f32 v4  }
0x1e2: {  	v5 =	vmul.f32 $1.442695020e+00, v35;
	v1 =	vadd.f32 v3, v1;
	v3 =	vsel vm10, $0x42920000, v2  }
0x1e3: {  	v37 =	vld [tilespmem:$0x1FBB0];
	v4 =	vpop (erf);
	v0 =	vadd.f32 v0, v3;
	v3 =	vsel vm11, $0x42940000, v2  }
0x1e4: {  	(erf) = vpow2.f32 v5;
	v5 =	vmul.f32 $1.442695020e+00, v36;
	v1 =	vadd.f32 v4, v1  }
0x1e5: {  	vm13 =	veq.f32 v23, v20;
	v4 =	vpop (erf);
	v0 =	vadd.f32 v0, v3;
	v3 =	vsel vm12, $0x42960000, v2  }
0x1e6: {  	v38 =	vld [tilespmem:$0x1FBC0];
	v1 =	vadd.f32 v4, v1;
	v4 =	vpop (erf);
	(erf) = vpow2.f32 v5;
	v5 =	vmul.f32 $1.442695020e+00, v7  }
0x1e7: {  	v39 =	vld [tilespmem:$0x1FBD0];
	v0 =	vadd.f32 v0, v3;
	v3 =	vsel vm13, $0x42980000, v2  }
0x1e8: {  	v1 =	vadd.f32 v4, v1;
	(erf) = vpow2.f32 v5;
	v5 =	vmul.f32 $1.442695020e+00, v37  }
0x1e9: {  	vm14 =	veq.f32 v24, v20;
	vm15 =	veq.f32 v25, v20;
	v4 =	vpop (erf);
	v0 =	vadd.f32 v0, v3  }
0x1ea: {  	v3 =	vsel vm14, $0x429A0000, v2;
	v1 =	vadd.f32 v4, v1;
	v4 =	vpop (erf);
	(erf) = vpow2.f32 v5  }
0x1eb: {  	v5 =	vmul.f32 $1.442695020e+00, v38;
	v0 =	vadd.f32 v0, v3;
	v3 =	vsel vm15, $0x429C0000, v2  }
0x1ec: {  	v40 =	vld [tilespmem:$0x1FBE0];
	v1 =	vadd.f32 v4, v1;
	v4 =	vmul.f32 $1.442695020e+00, v39  }
0x1ed: {  	v27 =	vmov v9;
	vm4 =	veq.f32 v26, v20;
	(erf) = vpow2.f32 v5  }
0x1ee: {  	v41 =	vld [tilespmem:$0x1FBF0];
	vm5 =	veq.f32 v27, v20;
	v0 =	vadd.f32 v0, v3;
	v3 =	vpop (erf);
	(erf) = vpow2.f32 v4  }
0x1ef: {  	v5 =	vmul.f32 $1.442695020e+00, v61;
	v1 =	vadd.f32 v3, v1;
	v3 =	vsel vm4, $0x429E0000, v2  }
0x1f0: {  	v42 =	vld [tilespmem:$0x1FC00];
	vm6 =	veq.f32 v28, v20;
	v4 =	vpop (erf);
	v0 =	vadd.f32 v0, v3;
	v3 =	vsel vm5, $0x42A00000, v2  }
0x1f1: {  	(erf) = vpow2.f32 v5;
	v5 =	vmul.f32 $1.442695020e+00, v40;
	v1 =	vadd.f32 v4, v1  }
0x1f2: {  	vm7 =	veq.f32 v29, v20;
	v4 =	vpop (erf);
	v0 =	vadd.f32 v0, v3;
	v3 =	vsel vm6, $0x42A20000, v2  }
0x1f3: {  	v52 =	vld [tilespmem:$0x1FC10];
	v1 =	vadd.f32 v4, v1;
	v4 =	vpop (erf);
	(erf) = vpow2.f32 v5;
	v5 =	vmul.f32 $1.442695020e+00, v41  }
0x1f4: {  	v0 =	vadd.f32 v0, v3;
	v3 =	vsel vm7, $0x42A40000, v2  }
0x1f5: {  	v62 =	vld [tilespmem:$0x1FC20];
	v1 =	vadd.f32 v4, v1;
	(erf) = vpow2.f32 v5;
	v5 =	vmul.f32 $1.442695020e+00, v42  }
0x1f6: {  	vm8 =	veq.f32 v30, v20;
	vm9 =	veq.f32 v31, v20;
	v4 =	vpop (erf);
	v0 =	vadd.f32 v0, v3  }
0x1f7: {  	v3 =	vsel vm8, $0x42A60000, v2;
	v1 =	vadd.f32 v4, v1;
	v4 =	vpop (erf);
	(erf) = vpow2.f32 v5  }
0x1f8: {  	v5 =	vmul.f32 $1.442695020e+00, v52;
	v0 =	vadd.f32 v0, v3;
	v3 =	vsel vm9, $0x42A80000, v2;
	_ =	sdelay $0x1  }
0x1f9: {  	v1 =	vadd.f32 v4, v1;
	(erf) = vpow2.f32 v5;
	v4 =	vmul.f32 $1.442695020e+00, v62  }
0x1fa: {  	v0 =	vadd.f32 v0, v3;
	v3 =	vpop (erf)  }
0x1fb: {  	vm10 =	veq.f32 v32, v20;
	(erf) = vpow2.f32 v4;
	v1 =	vadd.f32 v3, v1  }
0x1fc: {  	v4 =	vsel vm10, $0x42AA0000, v2;
	v3 =	vpop (erf)  }
0x1fd: {  	vm11 =	veq.f32 v33, v20;
	v0 =	vadd.f32 v0, v4;
	v1 =	vadd.f32 v3, v1  }
0x1fe: {  	vm12 =	veq.f32 v34, v20;
	v4 =	vsel vm11, $0x42AC0000, v2;
	v3 =	vpop (erf)  }
0x1ff: {  	v0 =	vadd.f32 v0, v4;
	v4 =	vsel vm12, $0x42AE0000, v2;
	v1 =	vadd.f32 v3, v1  }
0x200: {  	v3 =	vpop (erf)  }
0x201: {  	vm13 =	veq.f32 v35, v20;
	v0 =	vadd.f32 v0, v4;
	v1 =	vadd.f32 v3, v1  }
0x202: {  	v3 =	vsel vm13, $0x42B00000, v2;
	v4 =	vpop (erf)  }
0x203: {  	vm14 =	veq.f32 v36, v20;
	v0 =	vadd.f32 v0, v3;
	v1 =	vadd.f32 v4, v1  }
0x204: {  	v5 =	vmul.f32 $1.442695020e+00, v20;
	v3 =	vsel vm14, $0x42B20000, v2;
	v4 =	vpop (erf)  }
0x205: {  	vm15 =	veq.f32 v7, v20;
	v0 =	vadd.f32 v0, v3;
	v1 =	vadd.f32 v4, v1  }
0x206: {  	(erf) = vpow2.f32 v5;
	v3 =	vsel vm15, $0x42B40000, v2  }
0x207: {  	vm4 =	veq.f32 v37, v20;
	v0 =	vadd.f32 v0, v3;
	(erf) = vrcp.f32 v1  }
0x208: {  	v1 =	vsel vm4, $0x42B60000, v2  }
0x209: {  	vm5 =	veq.f32 v38, v20;
	v0 =	vadd.f32 v0, v1  }
0x20a: {  	v1 =	vsel vm5, $0x42B80000, v2  }
0x20b: {  	vm6 =	veq.f32 v39, v20;
	v0 =	vadd.f32 v0, v1  }
0x20c: {  	v1 =	vsel vm6, $0x42BA0000, v2  }
0x20d: {  	vm7 =	veq.f32 v61, v20;
	v0 =	vadd.f32 v0, v1  }
0x20e: {  	v1 =	vsel vm7, $0x42BC0000, v2  }
0x20f: {  	vm8 =	veq.f32 v40, v20;
	v3 =	vpop (erf);
	v0 =	vadd.f32 v0, v1  }
0x210: {  	v1 =	vsel vm8, $0x42BE0000, v2;
	v4 =	vpop (erf)  }
0x211: {  	vm9 =	veq.f32 v41, v20;
	v0 =	vadd.f32 v0, v1;
	v1 =	vmul.f32 v4, v3  }
0x212: {  	v3 =	vsel vm9, $0x42C00000, v2  }
0x213: {  	vm10 =	veq.f32 v42, v20;
	v0 =	vadd.f32 v0, v3;
	v3 =	vmul.f32 $1.500000000e+01, v1  }
0x214: {  	v63 =	vimm.s32 $0x0;
	v5 =	vld [tilespmem:s15+$0x0];
	v4 =	vsel vm10, $0x42C20000, v2  }
0x215: {  	vm11 =	veq.f32 v52, v20;
	v0 =	vadd.f32 v0, v4;
	v4 =	vtrunc.f32 v3  }
0x216: {  	vm12 =	vgt.f32 v3, v4;
	v3 =	vsel vm11, $0x42C40000, v2;
	v4 =	vcvt.f32.s32 v4  }
0x217: {  	vm13 =	veq.f32 v62, v20;
	v0 =	vadd.f32 v0, v3;
	v3 =	vsel vm12, $0x1, v63  }
0x218: {  	v3 =	vadd.s32 v3, v4;
	v4 =	vsel vm13, $0x42C60000, v2  }
0x219: {  	v0 =	vadd.f32 v0, v4;
	v4 =	vcvt.s32.f32 v5;
	v3 =	vadd.s32 $0xFFFFFFFF, v3  }
0x21a: {  	vm14 =	vgt.s32 v3, $0x0  }
0x21b: {  	vm15 =	veq.f32 v0, v4;
	v0 =	vnsel vm14, $0x0, v3  }
0x21c: {  	v48 =	vld [tilespmem:$0x1FFB0];
	v0 =	vmin.u32 v0, $0xE;
	v3 =	vsel vm15, $0xF, v63  }
0x21d: {  	v53 =	vld [tilespmem:$0x1FFF0];
	v0 =	vadd.s32 v0, v3  }
0x21e: {  	v51 =	vld [tilespmem:$0x1FFE0];
	v3 =	vlaneseq.u32;
	v0 =	vshll.u32 v0, $0x4  }
0x21f: {  	v50 =	vld [tilespmem:$0x1FFD0];
	v0 =	vor.u32 v3, v0  }
0x220: {  	v47 =	vld [tilespmem:$0x1FFA0]  }
0x221: {  	p0 =	sne.s32 s14, $0x180;
	v46 =	vld [tilespmem:$0x1FF90]  }
.Ltmp0:
0x222: {  	v49 =	vld [tilespmem:$0x1FFC0];
	(pc) =	sbr.rel @p0 .LBB2_3-.Ltmp0, $4  }
0x223: {  	v4 =	vld [tilespmem:$0x1FDC0];
	v3 =	vimm.f32 $1.000000000e+00  }
0x224: {  	[tilespmem:v0+s10+$0x0] =	vst.idx.add.f32.msk $0xffff, v3  }
0x225: {  	[tilespmem:v0+s11+$0x0] =	vst.idx.add.f32.msk $0xffff, v1  }
0x226: {  	s14 =	sadd.s32 $0x10, s14;
	s15 =	sadd.s32 $0x10, s15;
	v1 =	vld [tilespmem:$0x1FDB0]  }
0x227: {  	s13 =	sadd.s32 $0x1, s13  }
0x228: {  	p0 =	sne.s32 s13, $0x19  }
.Ltmp1:
0x229: {  	_ = 	snop;
	(pc) =	sbr.rel @p0 .LBB2_2-.Ltmp1, $1  }
0x22a: {  	_ =	sdelay $0x3  }
0x22b: {  	[hbm4b:s6+s3] =	stream.linear.scatter [tilespmem:s10], [sflag:$0x1], $0x200, $0x38;
	[tilespmem:$0xA280] =	vst v63  }
0x22c: {  	s12 =	sadd.s32 $0x1, s12;
	_ =	swait.ge [sflag:s9], $0x200  }
0x22d: {  	p0 =	sne.s32 s12, s8;
	[sflag:s9] =	ssyncset.done $0x0  }
.Ltmp2:
0x22e: {  	[sflag:s9] =	ssyncadd.s32 $0xFFFFFE00;
	(pc) =	sbr.rel @p0 .LBB2_1-.Ltmp2, $4  }
0x22f: {  	[hbm4b:s7+s3] =	stream.linear.scatter [tilespmem:s11], [sflag:$0x1], $0x200, $0x38;
	[tilespmem:$0xA280] =	vst v63  }
0x230: {  	_ =	swait.ge [sflag:s9], $0x200  }
0x231: {  	[sflag:s9] =	ssyncset.done $0x0  }
0x232: {  	[sflag:s9] =	ssyncadd.s32 $0xFFFFFE00  }
0x233: {  	_ =	sfence.sel $0x180000  }
0x234: {  	[bflag:$0x0] =	sbarrier.arrive $0xFFFF  }
0x235: {  	p0 =	sne.s32 s2, $0x0;
	_ =	strace $0x90000047  }
0x236: {  	s0 =	sadd.s32 @!p0 $0x100000, s0;
	[bflag:$0x2] =	sbarrier.arrive $0xFFFF  }
0x237: {  	[sflag:s0] =	ssyncadd.tile.s32 @!p0 $0x1;
	_ =	shalt  }
.Lfunc_end2:
_tile_overlayer_lowered:
.L_overlay_start_2:
0x238: {  	(tag) =	ssettag $0x2  }
0x239: {  	s0 =	rddreg [dreg:$0x0];
	s2 =	stileid.u32  }
0x23a: {  	s1 =	rddreg [dreg:$0x1];
	p0 =	sne.s32 s2, $0x0  }
0x23b: {  	s3 =	rddreg [dreg:$0x2];
	[bflag:$0x3] =	sbarrier.arrive $0xFFFF;
	s2 =	simm.s32 @!p0 $0x1C01  }
0x23c: {  	[timem:s3], [sflag:s2] =	dma.local @!p0 [hbm:s0], s1  }
0x23d: {  	s0 =	simm.s32 @!p0 $0x1  }
0x23e: {  	_ =	swait.ge @!p0 [sflag:s0], s1  }
0x23f: {  	s1 =	ssub.s32 @!p0 $0x0, s1;
	[sflag:s0] =	ssyncset.done @!p0 $0x0  }
0x240: {  	[sflag:s0] =	ssyncadd.s32 @!p0 s1  }
0x241: {  	[bflag:$0x3] =	sbarrier.arrive $0xFFFF  }
0x242: {  	_ =	shalt  }

</sc_bundles>
